<compile_context>
chip_gen: v7x
topology: tpu7x:2x2x1
jax: 0.10.2.dev20260603
libtpu: 0.0.44.dev20260713+nightly
codegen_flags: <defaults>
</compile_context>

<pallas_src>
import functools

import jax
import jax.numpy as jnp
from jax import lax
from jax.experimental import pallas as pl
from jax.experimental.pallas import tpu as pltpu
from jax.experimental.pallas import tpu_sc as plsc

_B = 4096
_T = 32
_D = 64
_P = 7
_NSETS = 6 * _P
_NW = 32
_K = 128
_N_ENTITY = 100000

_H = 8
_BH = _B // _H
_BTH = _BH * _T
_N_ROWS_H = _NSETS * _BTH
_SPW = _BTH // _NW
_NCH = _SPW // _K

_BB = 128
_NB_H = _BH // _BB
_BBT = _BB * _T


@functools.cache
def _make_sc_gather():
    @functools.partial(
        pl.kernel,
        mesh=plsc.VectorSubcoreMesh(core_axis_name="c", subcore_axis_name="s"),
        out_type=[
            jax.ShapeDtypeStruct((_N_ROWS_H, _D), jnp.float32),
            jax.ShapeDtypeStruct((_BH, _D), jnp.float32),
        ],
        scratch_types=[
            pltpu.VMEM((_SPW,), jnp.int32),
            pltpu.VMEM((_K, _D), jnp.float32),
            pltpu.VMEM((_K, _D), jnp.float32),
            pltpu.SemaphoreType.DMA,
            pltpu.SemaphoreType.DMA,
        ],
        compiler_params=pltpu.CompilerParams(use_tc_tiling_on_sc=False),
    )
    def _sc_gather(idx_all, tab, out_main, out_items,
                   idx_v, rows0, rows1, sem0, sem1):
        wid = lax.axis_index("s") * 2 + lax.axis_index("c")
        rows = (rows0, rows1)
        sems = (sem0, sem1)

        def per_set(s, carry):
            base = s * _BTH + wid * _SPW
            pltpu.sync_copy(idx_all.at[pl.ds(base, _SPW)], idx_v)
            cps = [None, None]
            cps[0] = pltpu.async_copy(
                tab.at[idx_v.at[pl.ds(0, _K)]], rows[0], sems[0])
            for c in range(_NCH):
                b = c % 2
                if c + 1 < _NCH:
                    b2 = (c + 1) % 2
                    cps[b2] = pltpu.async_copy(
                        tab.at[idx_v.at[pl.ds((c + 1) * _K, _K)]],
                        rows[b2], sems[b2])
                cps[b].wait()
                pltpu.sync_copy(rows[b], out_main.at[pl.ds(base + c * _K, _K)])
            return carry

        lax.fori_loop(0, _NSETS, per_set, 0)
        ipw = _BH // _NW
        ib = wid * ipw
        pltpu.sync_copy(idx_all.at[pl.ds(_N_ROWS_H + ib, ipw)],
                        idx_v.at[pl.ds(0, ipw)])
        cp = pltpu.async_copy(
            tab.at[idx_v.at[pl.ds(0, ipw)]], rows0.at[pl.ds(0, ipw)], sem0)
        cp.wait()
        pltpu.sync_copy(rows0.at[pl.ds(0, ipw)], out_items.at[pl.ds(ib, ipw)])

    return _sc_gather


def _tc_body(g_hbm, items_ref, w1_ref, w2_ref, out_ref, buf, sems, acc_u, acc_v):
    n = pl.program_id(0)
    p = lax.rem(n, _P)
    w1h = w1_ref[:_D, :]
    w1p = w1_ref[_D:, :]
    w2 = w2_ref[0, :]

    def issue(m, slot):
        i = lax.div(m, _P)
        pp = lax.rem(m, _P)
        for j in range(6):
            off = (pp * 6 + j) * _BTH + i * _BBT
            pltpu.make_async_copy(
                g_hbm.at[pl.ds(off, _BBT), :], buf.at[slot, j],
                sems.at[slot, j]).start()

    @pl.when(n == 0)
    def _():
        issue(0, 0)

    slot = lax.rem(n, 2)

    @pl.when(n + 1 < _NB_H * _P)
    def _():
        issue(n + 1, 1 - slot)

    for j in range(6):
        pltpu.make_async_copy(
            g_hbm.at[pl.ds(0, _BBT), :], buf.at[slot, j],
            sems.at[slot, j]).wait()

    e00 = buf[slot, 0]
    e01 = buf[slot, 1]
    r10 = buf[slot, 2]
    r11 = buf[slot, 3]
    t0 = buf[slot, 4]
    t1 = buf[slot, 5]

    def att_out(h, pp, t):
        s1 = jax.nn.sigmoid(
            jnp.dot(h, w1h, preferred_element_type=jnp.float32)
            + jnp.dot(pp, w1p, preferred_element_type=jnp.float32))
        a = jax.nn.sigmoid(
            jnp.sum(s1.reshape(_BB, _T, _D) * w2[None, None, :], axis=-1))
        ea = jnp.exp(a)
        att = ea / jnp.sum(ea, axis=-1, keepdims=True)
        return jnp.sum(t.reshape(_BB, _T, _D) * att[:, :, None], axis=1)

    out0 = att_out(e00, r10, t0)
    out1 = att_out(e00 + e01, r10 * r11, t1)
    mean0 = jnp.sum(e00.reshape(_BB, _T, _D), axis=1) * (1.0 / _T)
    base = mean0 + out0 + out1

    @pl.when(p == 0)
    def _():
        acc_u[...] = jnp.zeros_like(acc_u)
        acc_v[...] = jnp.zeros_like(acc_v)

    u_w = jnp.where(p < 4, 1.0, 0.0)
    v_w = jnp.where(p < 4, 0.0, jnp.where(p == 4, 2.0, 1.0))
    item_w = jnp.where(p == 4, 2.0, 0.0)
    acc_u[...] += u_w * base
    acc_v[...] += v_w * base + item_w * items_ref[...]

    @pl.when(p == _P - 1)
    def _():
        out_ref[...] = jax.nn.sigmoid(
            jnp.sum(acc_u[...] * acc_v[...], axis=-1))


def _tc_compute(g_main, g_items, W1, W2row):
    return pl.pallas_call(
        _tc_body,
        grid=(_NB_H * _P,),
        in_specs=[
            pl.BlockSpec(memory_space=pl.ANY),
            pl.BlockSpec((_BB, _D), lambda n: (n // _P, 0)),
            pl.BlockSpec((2 * _D, _D), lambda n: (0, 0)),
            pl.BlockSpec((1, _D), lambda n: (0, 0)),
        ],
        out_specs=pl.BlockSpec((_BB,), lambda n: (n // _P,)),
        out_shape=jax.ShapeDtypeStruct((_BH,), jnp.float32),
        scratch_shapes=[
            pltpu.VMEM((2, 6, _BBT, _D), jnp.float32),
            pltpu.SemaphoreType.DMA((2, 6)),
            pltpu.VMEM((_BB, _D), jnp.float32),
            pltpu.VMEM((_BB, _D), jnp.float32),
        ],
    )(g_main, g_items, W1, W2row)


def kernel(items, kg_init_triple_set, ddi_potential_triple_set,
           kg_potential_triple_set, ddi_origin_triple_set,
           kg_init_triple_set1, ddi_potential_triple_set1,
           kg_potential_triple_set1, ddi_origin_triple_set1,
           embeddings_0, embeddings_1, entity_emb, relation_emb,
           W_att1, W_att2):
    procs = [kg_init_triple_set, kg_potential_triple_set,
             kg_init_triple_set1, kg_potential_triple_set1,
             ddi_potential_triple_set, ddi_potential_triple_set1,
             ddi_origin_triple_set1]
    off = jnp.array([0, _N_ENTITY, 0], jnp.int32).reshape(3, 1, 1, 1)
    tab = jnp.concatenate([entity_emb, relation_emb])
    W2row = W_att2.reshape(1, _D)
    sc = _make_sc_gather()
    outs = []
    for h in range(_H):
        sl = slice(h * _BH, (h + 1) * _BH)
        idx_h = jnp.concatenate(
            [(ts[:, :, sl, :] + off).reshape(-1) for ts in procs]
            + [items[sl]])
        g_main, g_items = sc(idx_h, tab)
        outs.append(_tc_compute(g_main, g_items, W_att1, W2row))
    return jnp.concatenate(outs)

# --- scband reference (transcript-rebuilt; emitter-appended) ---
"""Pipeline reference for scband-fgkan-87531433493094 (READ-ONLY COPY).

The authoritative reference and input builder live on the scoring server;
editing this copy changes nothing except your own understanding.
"""

import jax, jax.numpy as jnp
import numpy as np

N_ENTITY = 100000
N_REL = 100000
DIM = 64
B = 4096
T = 32
N_LAYER = 2


def setup_inputs(seed: int = 0) -> dict:
    key = jax.random.key(seed)
    ks = jax.random.split(key, 20)
    inp = {}
    inp['items'] = jax.random.randint(ks[0], (B,), 0, N_ENTITY, dtype=jnp.int32)
    names = ['kg_init_triple_set', 'ddi_potential_triple_set', 'kg_potential_triple_set',
             'ddi_origin_triple_set', 'kg_init_triple_set1', 'ddi_potential_triple_set1',
             'kg_potential_triple_set1', 'ddi_origin_triple_set1']
    for j, nm in enumerate(names):
        inp[nm] = jax.random.randint(ks[1 + j], (3, N_LAYER, B, T), 0, N_ENTITY, dtype=jnp.int32)
    inp['embeddings_0'] = jax.random.normal(ks[10], (B, DIM), dtype=jnp.float32)
    inp['embeddings_1'] = jax.random.normal(ks[11], (B, DIM), dtype=jnp.float32)
    # learned parameters
    inp['entity_emb'] = jax.random.normal(ks[12], (N_ENTITY, DIM), dtype=jnp.float32) * 0.1
    inp['relation_emb'] = jax.random.normal(ks[13], (N_REL, DIM), dtype=jnp.float32) * 0.1
    inp['W_att1'] = jax.random.normal(ks[14], (2 * DIM, DIM), dtype=jnp.float32) * (1.0 / np.sqrt(2 * DIM))
    inp['W_att2'] = jax.random.normal(ks[15], (DIM, 1), dtype=jnp.float32) * (1.0 / np.sqrt(DIM))
    return inp


def _knowledge_attention(h_set_emb, path_emb, t_emb, W1, W2):
    x = jnp.concatenate([h_set_emb, path_emb], axis=-1)          # [B,T,2d]
    a = jax.nn.sigmoid(jnp.matmul(jax.nn.sigmoid(jnp.matmul(x, W1)), W2))  # [B,T,1]
    att = jax.nn.softmax(a[..., 0], axis=-1)                      # [B,T]
    return jnp.sum(att[..., None] * t_emb, axis=1)                # [B,d]


def _process(ts, init_emb, entity_emb, relation_emb, W1, W2):
    embs = [init_emb]
    for i in range(N_LAYER):
        h = jnp.take(entity_emb, ts[0, 0], axis=0)
        p = jnp.take(relation_emb, ts[1, 0], axis=0)
        for k in range(1, i + 1):
            h = h + jnp.take(entity_emb, ts[0, i], axis=0)
            p = p * jnp.take(relation_emb, ts[1, i], axis=0)
        t = jnp.take(entity_emb, ts[2, i], axis=0)
        embs.append(_knowledge_attention(h, p, t, W1, W2))
    return embs


def reference(items, kg_init_triple_set, ddi_potential_triple_set, kg_potential_triple_set,
              ddi_origin_triple_set, kg_init_triple_set1, ddi_potential_triple_set1,
              kg_potential_triple_set1, ddi_origin_triple_set1, embeddings_0, embeddings_1,
              entity_emb, relation_emb, W_att1, W_att2):
    def mean_init(ts):
        return jnp.take(entity_emb, ts[0, 0], axis=0).mean(axis=1)

    kg_embeddings = _process(kg_init_triple_set, mean_init(kg_init_triple_set), entity_emb, relation_emb, W_att1, W_att2)
    ddi_embeddings = _process(ddi_potential_triple_set, jnp.take(entity_emb, items, axis=0), entity_emb, relation_emb, W_att1, W_att2)
    kg_potential_embeddings = _process(kg_potential_triple_set, mean_init(kg_potential_triple_set), entity_emb, relation_emb, W_att1, W_att2)
    _ = _process(ddi_origin_triple_set, mean_init(ddi_origin_triple_set), entity_emb, relation_emb, W_att1, W_att2)
    kg_embeddings1 = _process(kg_init_triple_set1, mean_init(kg_init_triple_set1), entity_emb, relation_emb, W_att1, W_att2)
    ddi_embeddings1 = _process(ddi_potential_triple_set1, mean_init(ddi_potential_triple_set1), entity_emb, relation_emb, W_att1, W_att2)
    kg_potential_embeddings1 = _process(kg_potential_triple_set1, mean_init(kg_potential_triple_set1), entity_emb, relation_emb, W_att1, W_att2)
    ddi_origin_embeddings1 = _process(ddi_origin_triple_set1, mean_init(ddi_origin_triple_set1), entity_emb, relation_emb, W_att1, W_att2)

    # agg == 'sum': append extra potential-head mean; ddi_origin list aliases ddi list (as in torch code)
    ddi_embeddings.append(jnp.take(entity_emb, ddi_potential_triple_set[0, 0], axis=0).mean(axis=1))
    ddi_origin_embeddings = ddi_embeddings

    def agg(lst):
        out = lst[0]
        for e in lst[1:]:
            out = out + e
        return out

    u = agg(kg_embeddings) + agg(kg_potential_embeddings) + agg(kg_embeddings1) + agg(kg_potential_embeddings1)
    v = agg(ddi_embeddings) + agg(ddi_origin_embeddings) + agg(ddi_embeddings1) + agg(ddi_origin_embeddings1)
    scores = jax.nn.sigmoid(jnp.sum(u * v, axis=-1))
    return scores

if __name__ == "__main__":
    import jax
    _d = setup_inputs()
    print(jax.jit(kernel)(*tuple(_d.values())))

</pallas_src>

<mosaic_0001>
#map = affine_map<(d0, d1) -> (0)>
#map1 = affine_map<(d0, d1) -> (0, 0)>
module attributes {stable_mosaic.version = 14 : i64} {
  func.func @_sc_gather(%arg0: i32, %arg1: i32, %arg2: memref<688640xi32, #tpu.memory_space<hbm>>, %arg3: memref<200000x64xf32, #tpu.memory_space<hbm>>, %arg4: memref<688128x64xf32, #tpu.memory_space<hbm>>, %arg5: memref<512x64xf32, #tpu.memory_space<hbm>>, %arg6: memref<512xi32, #tpu.memory_space<vmem>>, %arg7: memref<128x64xf32, #tpu.memory_space<vmem>>, %arg8: memref<128x64xf32, #tpu.memory_space<vmem>>, %arg9: memref<!tpu.dma_semaphore, #tpu.memory_space<semaphore_mem>>, %arg10: memref<!tpu.dma_semaphore, #tpu.memory_space<semaphore_mem>>) attributes {dimension_semantics = [#tpu.dimension_semantics<core_parallel>, #tpu.dimension_semantics<subcore_parallel>], iteration_bounds = array<i64: 2, 16>, scalar_prefetch = 0 : i64, scratch_operands = 5 : i64, tpu.core_type = #tpu.core_type<sc_vector_subcore>, window_params = [{transform_indices = #map}, {transform_indices = #map1}, {transform_indices = #map1}, {transform_indices = #map1}]} {
    %mul3A = arith.constant 2 : i32
    %mul3A_0 = arith.muli %arg1, %mul3A : i32
    %add3A = arith.addi %mul3A_0, %arg0 : i32
    %scan3A = arith.constant 0 : i32
    %scan3A_1 = arith.constant 0 : i32
    %scan3A_2 = arith.constant 42 : i32
    %scan3A_3 = arith.addi %scan3A_1, %scan3A_2 : i32
    %scan3A_4 = arith.constant 1 : i32
    scf.for %scan3A_24 = %scan3A_1 to %scan3A_3 step %scan3A_4  : i32 {
      %mul3A_25 = arith.constant 16384 : i32
      %mul3A_26 = arith.muli %scan3A_24, %mul3A_25 : i32
      %mul3A_27 = arith.constant 512 : i32
      %mul3A_28 = arith.muli %add3A, %mul3A_27 : i32
      %add3A_29 = arith.addi %mul3A_26, %mul3A_28 : i32
      "tpu.region"() ({
        %run_scoped3A = tpu.sem_alloc : memref<!tpu.dma_semaphore, #tpu.memory_space<semaphore_mem>>
        %dma_start3A_78 = tpu.memref_slice %arg2[%add3A_29] : memref<688640xi32, #tpu.memory_space<hbm>> -> memref<512xi32, #tpu.memory_space<hbm>>
        %dma_start3A_79 = tpu.memref_slice %arg2[%add3A_29] : memref<688640xi32, #tpu.memory_space<hbm>> -> memref<512xi32, #tpu.memory_space<hbm>>
        tpu.enqueue_dma source(%dma_start3A_79 : memref<512xi32, #tpu.memory_space<hbm>>) target(%arg6 : memref<512xi32, #tpu.memory_space<vmem>>) target_semaphore(%run_scoped3A : memref<!tpu.dma_semaphore, #tpu.memory_space<semaphore_mem>>)
        %dma_wait3A_80 = tpu.memref_slice %arg2[%add3A_29] : memref<688640xi32, #tpu.memory_space<hbm>> -> memref<512xi32, #tpu.memory_space<hbm>>
        %dma_wait3A_81 = tpu.memref_slice %arg2[%add3A_29] : memref<688640xi32, #tpu.memory_space<hbm>> -> memref<512xi32, #tpu.memory_space<hbm>>
        tpu.wait_dma2 semaphore(%run_scoped3A : memref<!tpu.dma_semaphore, #tpu.memory_space<semaphore_mem>>) src(%dma_wait3A_81 : memref<512xi32, #tpu.memory_space<hbm>>) dst(%arg6 : memref<512xi32, #tpu.memory_space<vmem>>)
        tpu.yield
      }) : () -> ()
      %dma_start3A_30 = arith.constant 0 : i32
      %dma_start3A_31 = tpu.memref_slice %arg6[%dma_start3A_30] : memref<512xi32, #tpu.memory_space<vmem>> -> memref<128xi32, #tpu.memory_space<vmem>>
      %dma_start3A_32 = arith.constant 0 : i32
      %dma_start3A_33 = arith.constant 0 : i32
      %dma_start3A_34 = tpu.memref_slice %arg3[%dma_start3A_32, %dma_start3A_33] : memref<200000x64xf32, #tpu.memory_space<hbm>> -> memref<200000x64xf32, #tpu.memory_space<hbm>>
      tpu.enqueue_indirect_dma source(%dma_start3A_34 : memref<200000x64xf32, #tpu.memory_space<hbm>>) target(%arg7 : memref<128x64xf32, #tpu.memory_space<vmem>>) offsets(%dma_start3A_31 : memref<128xi32, #tpu.memory_space<vmem>>) semaphore(%arg9 : memref<!tpu.dma_semaphore, #tpu.memory_space<semaphore_mem>>)
      %dma_start3A_35 = arith.constant 128 : i32
      %dma_start3A_36 = tpu.memref_slice %arg6[%dma_start3A_35] : memref<512xi32, #tpu.memory_space<vmem>> -> memref<128xi32, #tpu.memory_space<vmem>>
      %dma_start3A_37 = arith.constant 0 : i32
      %dma_start3A_38 = arith.constant 0 : i32
      %dma_start3A_39 = tpu.memref_slice %arg3[%dma_start3A_37, %dma_start3A_38] : memref<200000x64xf32, #tpu.memory_space<hbm>> -> memref<200000x64xf32, #tpu.memory_space<hbm>>
      tpu.enqueue_indirect_dma source(%dma_start3A_39 : memref<200000x64xf32, #tpu.memory_space<hbm>>) target(%arg8 : memref<128x64xf32, #tpu.memory_space<vmem>>) offsets(%dma_start3A_36 : memref<128xi32, #tpu.memory_space<vmem>>) semaphore(%arg10 : memref<!tpu.dma_semaphore, #tpu.memory_space<semaphore_mem>>)
      %dma_wait3A_40 = arith.constant 0 : i32
      %dma_wait3A_41 = tpu.memref_slice %arg6[%dma_wait3A_40] : memref<512xi32, #tpu.memory_space<vmem>> -> memref<128xi32, #tpu.memory_space<vmem>>
      %dma_wait3A_42 = arith.constant 0 : i32
      %dma_wait3A_43 = arith.constant 0 : i32
      %dma_wait3A_44 = tpu.memref_slice %arg3[%dma_wait3A_42, %dma_wait3A_43] : memref<200000x64xf32, #tpu.memory_space<hbm>> -> memref<200000x64xf32, #tpu.memory_space<hbm>>
      tpu.wait_indirect_dma semaphore(%arg9 : memref<!tpu.dma_semaphore, #tpu.memory_space<semaphore_mem>>) src(%dma_wait3A_44 : memref<200000x64xf32, #tpu.memory_space<hbm>>) dst(%arg7 : memref<128x64xf32, #tpu.memory_space<vmem>>)
      %add3A_45 = arith.constant 0 : i32
      %add3A_46 = arith.addi %add3A_29, %add3A_45 : i32
      "tpu.region"() ({
        %run_scoped3A = tpu.sem_alloc : memref<!tpu.dma_semaphore, #tpu.memory_space<semaphore_mem>>
        %dma_start3A_78 = arith.constant 0 : i32
        %dma_start3A_79 = tpu.memref_slice %arg4[%add3A_46, %dma_start3A_78] : memref<688128x64xf32, #tpu.memory_space<hbm>> -> memref<128x64xf32, #tpu.memory_space<hbm>>
        %dma_start3A_80 = arith.constant 0 : i32
        %dma_start3A_81 = tpu.memref_slice %arg4[%add3A_46, %dma_start3A_80] : memref<688128x64xf32, #tpu.memory_space<hbm>> -> memref<128x64xf32, #tpu.memory_space<hbm>>
        tpu.enqueue_dma source(%arg7 : memref<128x64xf32, #tpu.memory_space<vmem>>) target(%dma_start3A_81 : memref<128x64xf32, #tpu.memory_space<hbm>>) target_semaphore(%run_scoped3A : memref<!tpu.dma_semaphore, #tpu.memory_space<semaphore_mem>>)
        %dma_wait3A_82 = arith.constant 0 : i32
        %dma_wait3A_83 = tpu.memref_slice %arg4[%add3A_46, %dma_wait3A_82] : memref<688128x64xf32, #tpu.memory_space<hbm>> -> memref<128x64xf32, #tpu.memory_space<hbm>>
        %dma_wait3A_84 = arith.constant 0 : i32
        %dma_wait3A_85 = tpu.memref_slice %arg4[%add3A_46, %dma_wait3A_84] : memref<688128x64xf32, #tpu.memory_space<hbm>> -> memref<128x64xf32, #tpu.memory_space<hbm>>
        tpu.wait_dma2 semaphore(%run_scoped3A : memref<!tpu.dma_semaphore, #tpu.memory_space<semaphore_mem>>) src(%arg7 : memref<128x64xf32, #tpu.memory_space<vmem>>) dst(%dma_wait3A_85 : memref<128x64xf32, #tpu.memory_space<hbm>>)
        tpu.yield
      }) : () -> ()
      %dma_start3A_47 = arith.constant 256 : i32
      %dma_start3A_48 = tpu.memref_slice %arg6[%dma_start3A_47] : memref<512xi32, #tpu.memory_space<vmem>> -> memref<128xi32, #tpu.memory_space<vmem>>
      %dma_start3A_49 = arith.constant 0 : i32
      %dma_start3A_50 = arith.constant 0 : i32
      %dma_start3A_51 = tpu.memref_slice %arg3[%dma_start3A_49, %dma_start3A_50] : memref<200000x64xf32, #tpu.memory_space<hbm>> -> memref<200000x64xf32, #tpu.memory_space<hbm>>
      tpu.enqueue_indirect_dma source(%dma_start3A_51 : memref<200000x64xf32, #tpu.memory_space<hbm>>) target(%arg7 : memref<128x64xf32, #tpu.memory_space<vmem>>) offsets(%dma_start3A_48 : memref<128xi32, #tpu.memory_space<vmem>>) semaphore(%arg9 : memref<!tpu.dma_semaphore, #tpu.memory_space<semaphore_mem>>)
      %dma_wait3A_52 = arith.constant 128 : i32
      %dma_wait3A_53 = tpu.memref_slice %arg6[%dma_wait3A_52] : memref<512xi32, #tpu.memory_space<vmem>> -> memref<128xi32, #tpu.memory_space<vmem>>
      %dma_wait3A_54 = arith.constant 0 : i32
      %dma_wait3A_55 = arith.constant 0 : i32
      %dma_wait3A_56 = tpu.memref_slice %arg3[%dma_wait3A_54, %dma_wait3A_55] : memref<200000x64xf32, #tpu.memory_space<hbm>> -> memref<200000x64xf32, #tpu.memory_space<hbm>>
      tpu.wait_indirect_dma semaphore(%arg10 : memref<!tpu.dma_semaphore, #tpu.memory_space<semaphore_mem>>) src(%dma_wait3A_56 : memref<200000x64xf32, #tpu.memory_space<hbm>>) dst(%arg8 : memref<128x64xf32, #tpu.memory_space<vmem>>)
      %add3A_57 = arith.constant 128 : i32
      %add3A_58 = arith.addi %add3A_29, %add3A_57 : i32
      "tpu.region"() ({
        %run_scoped3A = tpu.sem_alloc : memref<!tpu.dma_semaphore, #tpu.memory_space<semaphore_mem>>
        %dma_start3A_78 = arith.constant 0 : i32
        %dma_start3A_79 = tpu.memref_slice %arg4[%add3A_58, %dma_start3A_78] : memref<688128x64xf32, #tpu.memory_space<hbm>> -> memref<128x64xf32, #tpu.memory_space<hbm>>
        %dma_start3A_80 = arith.constant 0 : i32
        %dma_start3A_81 = tpu.memref_slice %arg4[%add3A_58, %dma_start3A_80] : memref<688128x64xf32, #tpu.memory_space<hbm>> -> memref<128x64xf32, #tpu.memory_space<hbm>>
        tpu.enqueue_dma source(%arg8 : memref<128x64xf32, #tpu.memory_space<vmem>>) target(%dma_start3A_81 : memref<128x64xf32, #tpu.memory_space<hbm>>) target_semaphore(%run_scoped3A : memref<!tpu.dma_semaphore, #tpu.memory_space<semaphore_mem>>)
        %dma_wait3A_82 = arith.constant 0 : i32
        %dma_wait3A_83 = tpu.memref_slice %arg4[%add3A_58, %dma_wait3A_82] : memref<688128x64xf32, #tpu.memory_space<hbm>> -> memref<128x64xf32, #tpu.memory_space<hbm>>
        %dma_wait3A_84 = arith.constant 0 : i32
        %dma_wait3A_85 = tpu.memref_slice %arg4[%add3A_58, %dma_wait3A_84] : memref<688128x64xf32, #tpu.memory_space<hbm>> -> memref<128x64xf32, #tpu.memory_space<hbm>>
        tpu.wait_dma2 semaphore(%run_scoped3A : memref<!tpu.dma_semaphore, #tpu.memory_space<semaphore_mem>>) src(%arg8 : memref<128x64xf32, #tpu.memory_space<vmem>>) dst(%dma_wait3A_85 : memref<128x64xf32, #tpu.memory_space<hbm>>)
        tpu.yield
      }) : () -> ()
      %dma_start3A_59 = arith.constant 384 : i32
      %dma_start3A_60 = tpu.memref_slice %arg6[%dma_start3A_59] : memref<512xi32, #tpu.memory_space<vmem>> -> memref<128xi32, #tpu.memory_space<vmem>>
      %dma_start3A_61 = arith.constant 0 : i32
      %dma_start3A_62 = arith.constant 0 : i32
      %dma_start3A_63 = tpu.memref_slice %arg3[%dma_start3A_61, %dma_start3A_62] : memref<200000x64xf32, #tpu.memory_space<hbm>> -> memref<200000x64xf32, #tpu.memory_space<hbm>>
      tpu.enqueue_indirect_dma source(%dma_start3A_63 : memref<200000x64xf32, #tpu.memory_space<hbm>>) target(%arg8 : memref<128x64xf32, #tpu.memory_space<vmem>>) offsets(%dma_start3A_60 : memref<128xi32, #tpu.memory_space<vmem>>) semaphore(%arg10 : memref<!tpu.dma_semaphore, #tpu.memory_space<semaphore_mem>>)
      %dma_wait3A_64 = arith.constant 256 : i32
      %dma_wait3A_65 = tpu.memref_slice %arg6[%dma_wait3A_64] : memref<512xi32, #tpu.memory_space<vmem>> -> memref<128xi32, #tpu.memory_space<vmem>>
      %dma_wait3A_66 = arith.constant 0 : i32
      %dma_wait3A_67 = arith.constant 0 : i32
      %dma_wait3A_68 = tpu.memref_slice %arg3[%dma_wait3A_66, %dma_wait3A_67] : memref<200000x64xf32, #tpu.memory_space<hbm>> -> memref<200000x64xf32, #tpu.memory_space<hbm>>
      tpu.wait_indirect_dma semaphore(%arg9 : memref<!tpu.dma_semaphore, #tpu.memory_space<semaphore_mem>>) src(%dma_wait3A_68 : memref<200000x64xf32, #tpu.memory_space<hbm>>) dst(%arg7 : memref<128x64xf32, #tpu.memory_space<vmem>>)
      %add3A_69 = arith.constant 256 : i32
      %add3A_70 = arith.addi %add3A_29, %add3A_69 : i32
      "tpu.region"() ({
        %run_scoped3A = tpu.sem_alloc : memref<!tpu.dma_semaphore, #tpu.memory_space<semaphore_mem>>
        %dma_start3A_78 = arith.constant 0 : i32
        %dma_start3A_79 = tpu.memref_slice %arg4[%add3A_70, %dma_start3A_78] : memref<688128x64xf32, #tpu.memory_space<hbm>> -> memref<128x64xf32, #tpu.memory_space<hbm>>
        %dma_start3A_80 = arith.constant 0 : i32
        %dma_start3A_81 = tpu.memref_slice %arg4[%add3A_70, %dma_start3A_80] : memref<688128x64xf32, #tpu.memory_space<hbm>> -> memref<128x64xf32, #tpu.memory_space<hbm>>
        tpu.enqueue_dma source(%arg7 : memref<128x64xf32, #tpu.memory_space<vmem>>) target(%dma_start3A_81 : memref<128x64xf32, #tpu.memory_space<hbm>>) target_semaphore(%run_scoped3A : memref<!tpu.dma_semaphore, #tpu.memory_space<semaphore_mem>>)
        %dma_wait3A_82 = arith.constant 0 : i32
        %dma_wait3A_83 = tpu.memref_slice %arg4[%add3A_70, %dma_wait3A_82] : memref<688128x64xf32, #tpu.memory_space<hbm>> -> memref<128x64xf32, #tpu.memory_space<hbm>>
        %dma_wait3A_84 = arith.constant 0 : i32
        %dma_wait3A_85 = tpu.memref_slice %arg4[%add3A_70, %dma_wait3A_84] : memref<688128x64xf32, #tpu.memory_space<hbm>> -> memref<128x64xf32, #tpu.memory_space<hbm>>
        tpu.wait_dma2 semaphore(%run_scoped3A : memref<!tpu.dma_semaphore, #tpu.memory_space<semaphore_mem>>) src(%arg7 : memref<128x64xf32, #tpu.memory_space<vmem>>) dst(%dma_wait3A_85 : memref<128x64xf32, #tpu.memory_space<hbm>>)
        tpu.yield
      }) : () -> ()
      %dma_wait3A_71 = arith.constant 384 : i32
      %dma_wait3A_72 = tpu.memref_slice %arg6[%dma_wait3A_71] : memref<512xi32, #tpu.memory_space<vmem>> -> memref<128xi32, #tpu.memory_space<vmem>>
      %dma_wait3A_73 = arith.constant 0 : i32
      %dma_wait3A_74 = arith.constant 0 : i32
      %dma_wait3A_75 = tpu.memref_slice %arg3[%dma_wait3A_73, %dma_wait3A_74] : memref<200000x64xf32, #tpu.memory_space<hbm>> -> memref<200000x64xf32, #tpu.memory_space<hbm>>
      tpu.wait_indirect_dma semaphore(%arg10 : memref<!tpu.dma_semaphore, #tpu.memory_space<semaphore_mem>>) src(%dma_wait3A_75 : memref<200000x64xf32, #tpu.memory_space<hbm>>) dst(%arg8 : memref<128x64xf32, #tpu.memory_space<vmem>>)
      %add3A_76 = arith.constant 384 : i32
      %add3A_77 = arith.addi %add3A_29, %add3A_76 : i32
      "tpu.region"() ({
        %run_scoped3A = tpu.sem_alloc : memref<!tpu.dma_semaphore, #tpu.memory_space<semaphore_mem>>
        %dma_start3A_78 = arith.constant 0 : i32
        %dma_start3A_79 = tpu.memref_slice %arg4[%add3A_77, %dma_start3A_78] : memref<688128x64xf32, #tpu.memory_space<hbm>> -> memref<128x64xf32, #tpu.memory_space<hbm>>
        %dma_start3A_80 = arith.constant 0 : i32
        %dma_start3A_81 = tpu.memref_slice %arg4[%add3A_77, %dma_start3A_80] : memref<688128x64xf32, #tpu.memory_space<hbm>> -> memref<128x64xf32, #tpu.memory_space<hbm>>
        tpu.enqueue_dma source(%arg8 : memref<128x64xf32, #tpu.memory_space<vmem>>) target(%dma_start3A_81 : memref<128x64xf32, #tpu.memory_space<hbm>>) target_semaphore(%run_scoped3A : memref<!tpu.dma_semaphore, #tpu.memory_space<semaphore_mem>>)
        %dma_wait3A_82 = arith.constant 0 : i32
        %dma_wait3A_83 = tpu.memref_slice %arg4[%add3A_77, %dma_wait3A_82] : memref<688128x64xf32, #tpu.memory_space<hbm>> -> memref<128x64xf32, #tpu.memory_space<hbm>>
        %dma_wait3A_84 = arith.constant 0 : i32
        %dma_wait3A_85 = tpu.memref_slice %arg4[%add3A_77, %dma_wait3A_84] : memref<688128x64xf32, #tpu.memory_space<hbm>> -> memref<128x64xf32, #tpu.memory_space<hbm>>
        tpu.wait_dma2 semaphore(%run_scoped3A : memref<!tpu.dma_semaphore, #tpu.memory_space<semaphore_mem>>) src(%arg8 : memref<128x64xf32, #tpu.memory_space<vmem>>) dst(%dma_wait3A_85 : memref<128x64xf32, #tpu.memory_space<hbm>>)
        tpu.yield
      }) : () -> ()
    }
    %scan3A_5 = arith.constant 42 : i32
    %mul3A_6 = arith.constant 16 : i32
    %mul3A_7 = arith.muli %add3A, %mul3A_6 : i32
    %add3A_8 = arith.constant 688128 : i32
    %add3A_9 = arith.addi %add3A_8, %mul3A_7 : i32
    "tpu.region"() ({
      %run_scoped3A = tpu.sem_alloc : memref<!tpu.dma_semaphore, #tpu.memory_space<semaphore_mem>>
      %dma_start3A_24 = arith.constant 0 : i32
      %dma_start3A_25 = tpu.memref_slice %arg6[%dma_start3A_24] : memref<512xi32, #tpu.memory_space<vmem>> -> memref<16xi32, #tpu.memory_space<vmem>>
      %dma_start3A_26 = tpu.memref_slice %arg2[%add3A_9] : memref<688640xi32, #tpu.memory_space<hbm>> -> memref<16xi32, #tpu.memory_space<hbm>>
      %dma_start3A_27 = arith.constant 0 : i32
      %dma_start3A_28 = tpu.memref_slice %arg6[%dma_start3A_27] : memref<512xi32, #tpu.memory_space<vmem>> -> memref<16xi32, #tpu.memory_space<vmem>>
      %dma_start3A_29 = tpu.memref_slice %arg2[%add3A_9] : memref<688640xi32, #tpu.memory_space<hbm>> -> memref<16xi32, #tpu.memory_space<hbm>>
      tpu.enqueue_dma source(%dma_start3A_29 : memref<16xi32, #tpu.memory_space<hbm>>) target(%dma_start3A_28 : memref<16xi32, #tpu.memory_space<vmem>>) target_semaphore(%run_scoped3A : memref<!tpu.dma_semaphore, #tpu.memory_space<semaphore_mem>>)
      %dma_wait3A_30 = arith.constant 0 : i32
      %dma_wait3A_31 = tpu.memref_slice %arg6[%dma_wait3A_30] : memref<512xi32, #tpu.memory_space<vmem>> -> memref<16xi32, #tpu.memory_space<vmem>>
      %dma_wait3A_32 = tpu.memref_slice %arg2[%add3A_9] : memref<688640xi32, #tpu.memory_space<hbm>> -> memref<16xi32, #tpu.memory_space<hbm>>
      %dma_wait3A_33 = arith.constant 0 : i32
      %dma_wait3A_34 = tpu.memref_slice %arg6[%dma_wait3A_33] : memref<512xi32, #tpu.memory_space<vmem>> -> memref<16xi32, #tpu.memory_space<vmem>>
      %dma_wait3A_35 = tpu.memref_slice %arg2[%add3A_9] : memref<688640xi32, #tpu.memory_space<hbm>> -> memref<16xi32, #tpu.memory_space<hbm>>
      tpu.wait_dma2 semaphore(%run_scoped3A : memref<!tpu.dma_semaphore, #tpu.memory_space<semaphore_mem>>) src(%dma_wait3A_35 : memref<16xi32, #tpu.memory_space<hbm>>) dst(%dma_wait3A_34 : memref<16xi32, #tpu.memory_space<vmem>>)
      tpu.yield
    }) : () -> ()
    %dma_start3A = arith.constant 0 : i32
    %dma_start3A_10 = arith.constant 0 : i32
    %dma_start3A_11 = tpu.memref_slice %arg7[%dma_start3A, %dma_start3A_10] : memref<128x64xf32, #tpu.memory_space<vmem>> -> memref<16x64xf32, #tpu.memory_space<vmem>>
    %dma_start3A_12 = arith.constant 0 : i32
    %dma_start3A_13 = tpu.memref_slice %arg6[%dma_start3A_12] : memref<512xi32, #tpu.memory_space<vmem>> -> memref<16xi32, #tpu.memory_space<vmem>>
    %dma_start3A_14 = arith.constant 0 : i32
    %dma_start3A_15 = arith.constant 0 : i32
    %dma_start3A_16 = tpu.memref_slice %arg3[%dma_start3A_14, %dma_start3A_15] : memref<200000x64xf32, #tpu.memory_space<hbm>> -> memref<200000x64xf32, #tpu.memory_space<hbm>>
    tpu.enqueue_indirect_dma source(%dma_start3A_16 : memref<200000x64xf32, #tpu.memory_space<hbm>>) target(%dma_start3A_11 : memref<16x64xf32, #tpu.memory_space<vmem>>) offsets(%dma_start3A_13 : memref<16xi32, #tpu.memory_space<vmem>>) semaphore(%arg9 : memref<!tpu.dma_semaphore, #tpu.memory_space<semaphore_mem>>)
    %dma_wait3A = arith.constant 0 : i32
    %dma_wait3A_17 = arith.constant 0 : i32
    %dma_wait3A_18 = tpu.memref_slice %arg7[%dma_wait3A, %dma_wait3A_17] : memref<128x64xf32, #tpu.memory_space<vmem>> -> memref<16x64xf32, #tpu.memory_space<vmem>>
    %dma_wait3A_19 = arith.constant 0 : i32
    %dma_wait3A_20 = tpu.memref_slice %arg6[%dma_wait3A_19] : memref<512xi32, #tpu.memory_space<vmem>> -> memref<16xi32, #tpu.memory_space<vmem>>
    %dma_wait3A_21 = arith.constant 0 : i32
    %dma_wait3A_22 = arith.constant 0 : i32
    %dma_wait3A_23 = tpu.memref_slice %arg3[%dma_wait3A_21, %dma_wait3A_22] : memref<200000x64xf32, #tpu.memory_space<hbm>> -> memref<200000x64xf32, #tpu.memory_space<hbm>>
    tpu.wait_indirect_dma semaphore(%arg9 : memref<!tpu.dma_semaphore, #tpu.memory_space<semaphore_mem>>) src(%dma_wait3A_23 : memref<200000x64xf32, #tpu.memory_space<hbm>>) dst(%dma_wait3A_18 : memref<16x64xf32, #tpu.memory_space<vmem>>)
    "tpu.region"() ({
      %run_scoped3A = tpu.sem_alloc : memref<!tpu.dma_semaphore, #tpu.memory_space<semaphore_mem>>
      %dma_start3A_24 = arith.constant 0 : i32
      %dma_start3A_25 = arith.constant 0 : i32
      %dma_start3A_26 = tpu.memref_slice %arg7[%dma_start3A_24, %dma_start3A_25] : memref<128x64xf32, #tpu.memory_space<vmem>> -> memref<16x64xf32, #tpu.memory_space<vmem>>
      %dma_start3A_27 = arith.constant 0 : i32
      %dma_start3A_28 = tpu.memref_slice %arg5[%mul3A_7, %dma_start3A_27] : memref<512x64xf32, #tpu.memory_space<hbm>> -> memref<16x64xf32, #tpu.memory_space<hbm>>
      %dma_start3A_29 = arith.constant 0 : i32
      %dma_start3A_30 = tpu.memref_slice %arg5[%mul3A_7, %dma_start3A_29] : memref<512x64xf32, #tpu.memory_space<hbm>> -> memref<16x64xf32, #tpu.memory_space<hbm>>
      %dma_start3A_31 = arith.constant 0 : i32
      %dma_start3A_32 = arith.constant 0 : i32
      %dma_start3A_33 = tpu.memref_slice %arg7[%dma_start3A_31, %dma_start3A_32] : memref<128x64xf32, #tpu.memory_space<vmem>> -> memref<16x64xf32, #tpu.memory_space<vmem>>
      tpu.enqueue_dma source(%dma_start3A_33 : memref<16x64xf32, #tpu.memory_space<vmem>>) target(%dma_start3A_30 : memref<16x64xf32, #tpu.memory_space<hbm>>) target_semaphore(%run_scoped3A : memref<!tpu.dma_semaphore, #tpu.memory_space<semaphore_mem>>)
      %dma_wait3A_34 = arith.constant 0 : i32
      %dma_wait3A_35 = arith.constant 0 : i32
      %dma_wait3A_36 = tpu.memref_slice %arg7[%dma_wait3A_34, %dma_wait3A_35] : memref<128x64xf32, #tpu.memory_space<vmem>> -> memref<16x64xf32, #tpu.memory_space<vmem>>
      %dma_wait3A_37 = arith.constant 0 : i32
      %dma_wait3A_38 = tpu.memref_slice %arg5[%mul3A_7, %dma_wait3A_37] : memref<512x64xf32, #tpu.memory_space<hbm>> -> memref<16x64xf32, #tpu.memory_space<hbm>>
      %dma_wait3A_39 = arith.constant 0 : i32
      %dma_wait3A_40 = tpu.memref_slice %arg5[%mul3A_7, %dma_wait3A_39] : memref<512x64xf32, #tpu.memory_space<hbm>> -> memref<16x64xf32, #tpu.memory_space<hbm>>
      %dma_wait3A_41 = arith.constant 0 : i32
      %dma_wait3A_42 = arith.constant 0 : i32
      %dma_wait3A_43 = tpu.memref_slice %arg7[%dma_wait3A_41, %dma_wait3A_42] : memref<128x64xf32, #tpu.memory_space<vmem>> -> memref<16x64xf32, #tpu.memory_space<vmem>>
      tpu.wait_dma2 semaphore(%run_scoped3A : memref<!tpu.dma_semaphore, #tpu.memory_space<semaphore_mem>>) src(%dma_wait3A_43 : memref<16x64xf32, #tpu.memory_space<vmem>>) dst(%dma_wait3A_40 : memref<16x64xf32, #tpu.memory_space<hbm>>)
      tpu.yield
    }) : () -> ()
    return
  }
}

#map = affine_map<(d0, d1) -> (0)>
#map1 = affine_map<(d0, d1) -> (0, 0)>
module attributes {stable_mosaic.version = 14 : i64} {
  func.func @_sc_gather(%arg0: i32, %arg1: i32, %arg2: memref<688640xi32, #tpu.memory_space<hbm>>, %arg3: memref<200000x64xf32, #tpu.memory_space<hbm>>, %arg4: memref<688128x64xf32, #tpu.memory_space<hbm>>, %arg5: memref<512x64xf32, #tpu.memory_space<hbm>>, %arg6: memref<512xi32, #tpu.memory_space<vmem>>, %arg7: memref<128x64xf32, #tpu.memory_space<vmem>>, %arg8: memref<128x64xf32, #tpu.memory_space<vmem>>, %arg9: memref<!tpu.dma_semaphore, #tpu.memory_space<semaphore_mem>>, %arg10: memref<!tpu.dma_semaphore, #tpu.memory_space<semaphore_mem>>) attributes {dimension_semantics = [#tpu.dimension_semantics<core_parallel>, #tpu.dimension_semantics<subcore_parallel>], iteration_bounds = array<i64: 2, 16>, scalar_prefetch = 0 : i64, scratch_operands = 5 : i64, tpu.core_type = #tpu.core_type<sc_vector_subcore>, window_params = [{transform_indices = #map}, {transform_indices = #map1}, {transform_indices = #map1}, {transform_indices = #map1}]} {
    %mul3A = arith.constant 2 : i32
    %mul3A_0 = arith.muli %arg1, %mul3A : i32
    %add3A = arith.addi %mul3A_0, %arg0 : i32
    %scan3A = arith.constant 0 : i32
    %scan3A_1 = arith.constant 0 : i32
    %scan3A_2 = arith.constant 42 : i32
    %scan3A_3 = arith.addi %scan3A_1, %scan3A_2 : i32
    %scan3A_4 = arith.constant 1 : i32
    scf.for %scan3A_24 = %scan3A_1 to %scan3A_3 step %scan3A_4  : i32 {
      %mul3A_25 = arith.constant 16384 : i32
      %mul3A_26 = arith.muli %scan3A_24, %mul3A_25 : i32
      %mul3A_27 = arith.constant 512 : i32
      %mul3A_28 = arith.muli %add3A, %mul3A_27 : i32
      %add3A_29 = arith.addi %mul3A_26, %mul3A_28 : i32
      "tpu.region"() ({
        %run_scoped3A = tpu.sem_alloc : memref<!tpu.dma_semaphore, #tpu.memory_space<semaphore_mem>>
        %dma_start3A_78 = tpu.memref_slice %arg2[%add3A_29] : memref<688640xi32, #tpu.memory_space<hbm>> -> memref<512xi32, #tpu.memory_space<hbm>>
        %dma_start3A_79 = tpu.memref_slice %arg2[%add3A_29] : memref<688640xi32, #tpu.memory_space<hbm>> -> memref<512xi32, #tpu.memory_space<hbm>>
        tpu.enqueue_dma source(%dma_start3A_79 : memref<512xi32, #tpu.memory_space<hbm>>) target(%arg6 : memref<512xi32, #tpu.memory_space<vmem>>) target_semaphore(%run_scoped3A : memref<!tpu.dma_semaphore, #tpu.memory_space<semaphore_mem>>)
        %dma_wait3A_80 = tpu.memref_slice %arg2[%add3A_29] : memref<688640xi32, #tpu.memory_space<hbm>> -> memref<512xi32, #tpu.memory_space<hbm>>
        %dma_wait3A_81 = tpu.memref_slice %arg2[%add3A_29] : memref<688640xi32, #tpu.memory_space<hbm>> -> memref<512xi32, #tpu.memory_space<hbm>>
        tpu.wait_dma2 semaphore(%run_scoped3A : memref<!tpu.dma_semaphore, #tpu.memory_space<semaphore_mem>>) src(%dma_wait3A_81 : memref<512xi32, #tpu.memory_space<hbm>>) dst(%arg6 : memref<512xi32, #tpu.memory_space<vmem>>)
        tpu.yield
      }) : () -> ()
      %dma_start3A_30 = arith.constant 0 : i32
      %dma_start3A_31 = tpu.memref_slice %arg6[%dma_start3A_30] : memref<512xi32, #tpu.memory_space<vmem>> -> memref<128xi32, #tpu.memory_space<vmem>>
      %dma_start3A_32 = arith.constant 0 : i32
      %dma_start3A_33 = arith.constant 0 : i32
      %dma_start3A_34 = tpu.memref_slice %arg3[%dma_start3A_32, %dma_start3A_33] : memref<200000x64xf32, #tpu.memory_space<hbm>> -> memref<200000x64xf32, #tpu.memory_space<hbm>>
      tpu.enqueue_indirect_dma source(%dma_start3A_34 : memref<200000x64xf32, #tpu.memory_space<hbm>>) target(%arg7 : memref<128x64xf32, #tpu.memory_space<vmem>>) offsets(%dma_start3A_31 : memref<128xi32, #tpu.memory_space<vmem>>) semaphore(%arg9 : memref<!tpu.dma_semaphore, #tpu.memory_space<semaphore_mem>>)
      %dma_start3A_35 = arith.constant 128 : i32
      %dma_start3A_36 = tpu.memref_slice %arg6[%dma_start3A_35] : memref<512xi32, #tpu.memory_space<vmem>> -> memref<128xi32, #tpu.memory_space<vmem>>
      %dma_start3A_37 = arith.constant 0 : i32
      %dma_start3A_38 = arith.constant 0 : i32
      %dma_start3A_39 = tpu.memref_slice %arg3[%dma_start3A_37, %dma_start3A_38] : memref<200000x64xf32, #tpu.memory_space<hbm>> -> memref<200000x64xf32, #tpu.memory_space<hbm>>
      tpu.enqueue_indirect_dma source(%dma_start3A_39 : memref<200000x64xf32, #tpu.memory_space<hbm>>) target(%arg8 : memref<128x64xf32, #tpu.memory_space<vmem>>) offsets(%dma_start3A_36 : memref<128xi32, #tpu.memory_space<vmem>>) semaphore(%arg10 : memref<!tpu.dma_semaphore, #tpu.memory_space<semaphore_mem>>)
      %dma_wait3A_40 = arith.constant 0 : i32
      %dma_wait3A_41 = tpu.memref_slice %arg6[%dma_wait3A_40] : memref<512xi32, #tpu.memory_space<vmem>> -> memref<128xi32, #tpu.memory_space<vmem>>
      %dma_wait3A_42 = arith.constant 0 : i32
      %dma_wait3A_43 = arith.constant 0 : i32
      %dma_wait3A_44 = tpu.memref_slice %arg3[%dma_wait3A_42, %dma_wait3A_43] : memref<200000x64xf32, #tpu.memory_space<hbm>> -> memref<200000x64xf32, #tpu.memory_space<hbm>>
      tpu.wait_indirect_dma semaphore(%arg9 : memref<!tpu.dma_semaphore, #tpu.memory_space<semaphore_mem>>) src(%dma_wait3A_44 : memref<200000x64xf32, #tpu.memory_space<hbm>>) dst(%arg7 : memref<128x64xf32, #tpu.memory_space<vmem>>)
      %add3A_45 = arith.constant 0 : i32
      %add3A_46 = arith.addi %add3A_29, %add3A_45 : i32
      "tpu.region"() ({
        %run_scoped3A = tpu.sem_alloc : memref<!tpu.dma_semaphore, #tpu.memory_space<semaphore_mem>>
        %dma_start3A_78 = arith.constant 0 : i32
        %dma_start3A_79 = tpu.memref_slice %arg4[%add3A_46, %dma_start3A_78] : memref<688128x64xf32, #tpu.memory_space<hbm>> -> memref<128x64xf32, #tpu.memory_space<hbm>>
        %dma_start3A_80 = arith.constant 0 : i32
        %dma_start3A_81 = tpu.memref_slice %arg4[%add3A_46, %dma_start3A_80] : memref<688128x64xf32, #tpu.memory_space<hbm>> -> memref<128x64xf32, #tpu.memory_space<hbm>>
        tpu.enqueue_dma source(%arg7 : memref<128x64xf32, #tpu.memory_space<vmem>>) target(%dma_start3A_81 : memref<128x64xf32, #tpu.memory_space<hbm>>) target_semaphore(%run_scoped3A : memref<!tpu.dma_semaphore, #tpu.memory_space<semaphore_mem>>)
        %dma_wait3A_82 = arith.constant 0 : i32
        %dma_wait3A_83 = tpu.memref_slice %arg4[%add3A_46, %dma_wait3A_82] : memref<688128x64xf32, #tpu.memory_space<hbm>> -> memref<128x64xf32, #tpu.memory_space<hbm>>
        %dma_wait3A_84 = arith.constant 0 : i32
        %dma_wait3A_85 = tpu.memref_slice %arg4[%add3A_46, %dma_wait3A_84] : memref<688128x64xf32, #tpu.memory_space<hbm>> -> memref<128x64xf32, #tpu.memory_space<hbm>>
        tpu.wait_dma2 semaphore(%run_scoped3A : memref<!tpu.dma_semaphore, #tpu.memory_space<semaphore_mem>>) src(%arg7 : memref<128x64xf32, #tpu.memory_space<vmem>>) dst(%dma_wait3A_85 : memref<128x64xf32, #tpu.memory_space<hbm>>)
        tpu.yield
      }) : () -> ()
      %dma_start3A_47 = arith.constant 256 : i32
      %dma_start3A_48 = tpu.memref_slice %arg6[%dma_start3A_47] : memref<512xi32, #tpu.memory_space<vmem>> -> memref<128xi32, #tpu.memory_space<vmem>>
      %dma_start3A_49 = arith.constant 0 : i32
      %dma_start3A_50 = arith.constant 0 : i32
      %dma_start3A_51 = tpu.memref_slice %arg3[%dma_start3A_49, %dma_start3A_50] : memref<200000x64xf32, #tpu.memory_space<hbm>> -> memref<200000x64xf32, #tpu.memory_space<hbm>>
      tpu.enqueue_indirect_dma source(%dma_start3A_51 : memref<200000x64xf32, #tpu.memory_space<hbm>>) target(%arg7 : memref<128x64xf32, #tpu.memory_space<vmem>>) offsets(%dma_start3A_48 : memref<128xi32, #tpu.memory_space<vmem>>) semaphore(%arg9 : memref<!tpu.dma_semaphore, #tpu.memory_space<semaphore_mem>>)
      %dma_wait3A_52 = arith.constant 128 : i32
      %dma_wait3A_53 = tpu.memref_slice %arg6[%dma_wait3A_52] : memref<512xi32, #tpu.memory_space<vmem>> -> memref<128xi32, #tpu.memory_space<vmem>>
      %dma_wait3A_54 = arith.constant 0 : i32
      %dma_wait3A_55 = arith.constant 0 : i32
      %dma_wait3A_56 = tpu.memref_slice %arg3[%dma_wait3A_54, %dma_wait3A_55] : memref<200000x64xf32, #tpu.memory_space<hbm>> -> memref<200000x64xf32, #tpu.memory_space<hbm>>
      tpu.wait_indirect_dma semaphore(%arg10 : memref<!tpu.dma_semaphore, #tpu.memory_space<semaphore_mem>>) src(%dma_wait3A_56 : memref<200000x64xf32, #tpu.memory_space<hbm>>) dst(%arg8 : memref<128x64xf32, #tpu.memory_space<vmem>>)
      %add3A_57 = arith.constant 128 : i32
      %add3A_58 = arith.addi %add3A_29, %add3A_57 : i32
      "tpu.region"() ({
        %run_scoped3A = tpu.sem_alloc : memref<!tpu.dma_semaphore, #tpu.memory_space<semaphore_mem>>
        %dma_start3A_78 = arith.constant 0 : i32
        %dma_start3A_79 = tpu.memref_slice %arg4[%add3A_58, %dma_start3A_78] : memref<688128x64xf32, #tpu.memory_space<hbm>> -> memref<128x64xf32, #tpu.memory_space<hbm>>
        %dma_start3A_80 = arith.constant 0 : i32
        %dma_start3A_81 = tpu.memref_slice %arg4[%add3A_58, %dma_start3A_80] : memref<688128x64xf32, #tpu.memory_space<hbm>> -> memref<128x64xf32, #tpu.memory_space<hbm>>
        tpu.enqueue_dma source(%arg8 : memref<128x64xf32, #tpu.memory_space<vmem>>) target(%dma_start3A_81 : memref<128x64xf32, #tpu.memory_space<hbm>>) target_semaphore(%run_scoped3A : memref<!tpu.dma_semaphore, #tpu.memory_space<semaphore_mem>>)
        %dma_wait3A_82 = arith.constant 0 : i32
        %dma_wait3A_83 = tpu.memref_slice %arg4[%add3A_58, %dma_wait3A_82] : memref<688128x64xf32, #tpu.memory_space<hbm>> -> memref<128x64xf32, #tpu.memory_space<hbm>>
        %dma_wait3A_84 = arith.constant 0 : i32
        %dma_wait3A_85 = tpu.memref_slice %arg4[%add3A_58, %dma_wait3A_84] : memref<688128x64xf32, #tpu.memory_space<hbm>> -> memref<128x64xf32, #tpu.memory_space<hbm>>
        tpu.wait_dma2 semaphore(%run_scoped3A : memref<!tpu.dma_semaphore, #tpu.memory_space<semaphore_mem>>) src(%arg8 : memref<128x64xf32, #tpu.memory_space<vmem>>) dst(%dma_wait3A_85 : memref<128x64xf32, #tpu.memory_space<hbm>>)
        tpu.yield
      }) : () -> ()
      %dma_start3A_59 = arith.constant 384 : i32
      %dma_start3A_60 = tpu.memref_slice %arg6[%dma_start3A_59] : memref<512xi32, #tpu.memory_space<vmem>> -> memref<128xi32, #tpu.memory_space<vmem>>
      %dma_start3A_61 = arith.constant 0 : i32
      %dma_start3A_62 = arith.constant 0 : i32
      %dma_start3A_63 = tpu.memref_slice %arg3[%dma_start3A_61, %dma_start3A_62] : memref<200000x64xf32, #tpu.memory_space<hbm>> -> memref<200000x64xf32, #tpu.memory_space<hbm>>
      tpu.enqueue_indirect_dma source(%dma_start3A_63 : memref<200000x64xf32, #tpu.memory_space<hbm>>) target(%arg8 : memref<128x64xf32, #tpu.memory_space<vmem>>) offsets(%dma_start3A_60 : memref<128xi32, #tpu.memory_space<vmem>>) semaphore(%arg10 : memref<!tpu.dma_semaphore, #tpu.memory_space<semaphore_mem>>)
      %dma_wait3A_64 = arith.constant 256 : i32
      %dma_wait3A_65 = tpu.memref_slice %arg6[%dma_wait3A_64] : memref<512xi32, #tpu.memory_space<vmem>> -> memref<128xi32, #tpu.memory_space<vmem>>
      %dma_wait3A_66 = arith.constant 0 : i32
      %dma_wait3A_67 = arith.constant 0 : i32
      %dma_wait3A_68 = tpu.memref_slice %arg3[%dma_wait3A_66, %dma_wait3A_67] : memref<200000x64xf32, #tpu.memory_space<hbm>> -> memref<200000x64xf32, #tpu.memory_space<hbm>>
      tpu.wait_indirect_dma semaphore(%arg9 : memref<!tpu.dma_semaphore, #tpu.memory_space<semaphore_mem>>) src(%dma_wait3A_68 : memref<200000x64xf32, #tpu.memory_space<hbm>>) dst(%arg7 : memref<128x64xf32, #tpu.memory_space<vmem>>)
      %add3A_69 = arith.constant 256 : i32
      %add3A_70 = arith.addi %add3A_29, %add3A_69 : i32
      "tpu.region"() ({
        %run_scoped3A = tpu.sem_alloc : memref<!tpu.dma_semaphore, #tpu.memory_space<semaphore_mem>>
        %dma_start3A_78 = arith.constant 0 : i32
        %dma_start3A_79 = tpu.memref_slice %arg4[%add3A_70, %dma_start3A_78] : memref<688128x64xf32, #tpu.memory_space<hbm>> -> memref<128x64xf32, #tpu.memory_space<hbm>>
        %dma_start3A_80 = arith.constant 0 : i32
        %dma_start3A_81 = tpu.memref_slice %arg4[%add3A_70, %dma_start3A_80] : memref<688128x64xf32, #tpu.memory_space<hbm>> -> memref<128x64xf32, #tpu.memory_space<hbm>>
        tpu.enqueue_dma source(%arg7 : memref<128x64xf32, #tpu.memory_space<vmem>>) target(%dma_start3A_81 : memref<128x64xf32, #tpu.memory_space<hbm>>) target_semaphore(%run_scoped3A : memref<!tpu.dma_semaphore, #tpu.memory_space<semaphore_mem>>)
        %dma_wait3A_82 = arith.constant 0 : i32
        %dma_wait3A_83 = tpu.memref_slice %arg4[%add3A_70, %dma_wait3A_82] : memref<688128x64xf32, #tpu.memory_space<hbm>> -> memref<128x64xf32, #tpu.memory_space<hbm>>
        %dma_wait3A_84 = arith.constant 0 : i32
        %dma_wait3A_85 = tpu.memref_slice %arg4[%add3A_70, %dma_wait3A_84] : memref<688128x64xf32, #tpu.memory_space<hbm>> -> memref<128x64xf32, #tpu.memory_space<hbm>>
        tpu.wait_dma2 semaphore(%run_scoped3A : memref<!tpu.dma_semaphore, #tpu.memory_space<semaphore_mem>>) src(%arg7 : memref<128x64xf32, #tpu.memory_space<vmem>>) dst(%dma_wait3A_85 : memref<128x64xf32, #tpu.memory_space<hbm>>)
        tpu.yield
      }) : () -> ()
      %dma_wait3A_71 = arith.constant 384 : i32
      %dma_wait3A_72 = tpu.memref_slice %arg6[%dma_wait3A_71] : memref<512xi32, #tpu.memory_space<vmem>> -> memref<128xi32, #tpu.memory_space<vmem>>
      %dma_wait3A_73 = arith.constant 0 : i32
      %dma_wait3A_74 = arith.constant 0 : i32
      %dma_wait3A_75 = tpu.memref_slice %arg3[%dma_wait3A_73, %dma_wait3A_74] : memref<200000x64xf32, #tpu.memory_space<hbm>> -> memref<200000x64xf32, #tpu.memory_space<hbm>>
      tpu.wait_indirect_dma semaphore(%arg10 : memref<!tpu.dma_semaphore, #tpu.memory_space<semaphore_mem>>) src(%dma_wait3A_75 : memref<200000x64xf32, #tpu.memory_space<hbm>>) dst(%arg8 : memref<128x64xf32, #tpu.memory_space<vmem>>)
      %add3A_76 = arith.constant 384 : i32
      %add3A_77 = arith.addi %add3A_29, %add3A_76 : i32
      "tpu.region"() ({
        %run_scoped3A = tpu.sem_alloc : memref<!tpu.dma_semaphore, #tpu.memory_space<semaphore_mem>>
        %dma_start3A_78 = arith.constant 0 : i32
        %dma_start3A_79 = tpu.memref_slice %arg4[%add3A_77, %dma_start3A_78] : memref<688128x64xf32, #tpu.memory_space<hbm>> -> memref<128x64xf32, #tpu.memory_space<hbm>>
        %dma_start3A_80 = arith.constant 0 : i32
        %dma_start3A_81 = tpu.memref_slice %arg4[%add3A_77, %dma_start3A_80] : memref<688128x64xf32, #tpu.memory_space<hbm>> -> memref<128x64xf32, #tpu.memory_space<hbm>>
        tpu.enqueue_dma source(%arg8 : memref<128x64xf32, #tpu.memory_space<vmem>>) target(%dma_start3A_81 : memref<128x64xf32, #tpu.memory_space<hbm>>) target_semaphore(%run_scoped3A : memref<!tpu.dma_semaphore, #tpu.memory_space<semaphore_mem>>)
        %dma_wait3A_82 = arith.constant 0 : i32
        %dma_wait3A_83 = tpu.memref_slice %arg4[%add3A_77, %dma_wait3A_82] : memref<688128x64xf32, #tpu.memory_space<hbm>> -> memref<128x64xf32, #tpu.memory_space<hbm>>
        %dma_wait3A_84 = arith.constant 0 : i32
        %dma_wait3A_85 = tpu.memref_slice %arg4[%add3A_77, %dma_wait3A_84] : memref<688128x64xf32, #tpu.memory_space<hbm>> -> memref<128x64xf32, #tpu.memory_space<hbm>>
        tpu.wait_dma2 semaphore(%run_scoped3A : memref<!tpu.dma_semaphore, #tpu.memory_space<semaphore_mem>>) src(%arg8 : memref<128x64xf32, #tpu.memory_space<vmem>>) dst(%dma_wait3A_85 : memref<128x64xf32, #tpu.memory_space<hbm>>)
        tpu.yield
      }) : () -> ()
    }
    %scan3A_5 = arith.constant 42 : i32
    %mul3A_6 = arith.constant 16 : i32
    %mul3A_7 = arith.muli %add3A, %mul3A_6 : i32
    %add3A_8 = arith.constant 688128 : i32
    %add3A_9 = arith.addi %add3A_8, %mul3A_7 : i32
    "tpu.region"() ({
      %run_scoped3A = tpu.sem_alloc : memref<!tpu.dma_semaphore, #tpu.memory_space<semaphore_mem>>
      %dma_start3A_24 = arith.constant 0 : i32
      %dma_start3A_25 = tpu.memref_slice %arg6[%dma_start3A_24] : memref<512xi32, #tpu.memory_space<vmem>> -> memref<16xi32, #tpu.memory_space<vmem>>
      %dma_start3A_26 = tpu.memref_slice %arg2[%add3A_9] : memref<688640xi32, #tpu.memory_space<hbm>> -> memref<16xi32, #tpu.memory_space<hbm>>
      %dma_start3A_27 = arith.constant 0 : i32
      %dma_start3A_28 = tpu.memref_slice %arg6[%dma_start3A_27] : memref<512xi32, #tpu.memory_space<vmem>> -> memref<16xi32, #tpu.memory_space<vmem>>
      %dma_start3A_29 = tpu.memref_slice %arg2[%add3A_9] : memref<688640xi32, #tpu.memory_space<hbm>> -> memref<16xi32, #tpu.memory_space<hbm>>
      tpu.enqueue_dma source(%dma_start3A_29 : memref<16xi32, #tpu.memory_space<hbm>>) target(%dma_start3A_28 : memref<16xi32, #tpu.memory_space<vmem>>) target_semaphore(%run_scoped3A : memref<!tpu.dma_semaphore, #tpu.memory_space<semaphore_mem>>)
      %dma_wait3A_30 = arith.constant 0 : i32
      %dma_wait3A_31 = tpu.memref_slice %arg6[%dma_wait3A_30] : memref<512xi32, #tpu.memory_space<vmem>> -> memref<16xi32, #tpu.memory_space<vmem>>
      %dma_wait3A_32 = tpu.memref_slice %arg2[%add3A_9] : memref<688640xi32, #tpu.memory_space<hbm>> -> memref<16xi32, #tpu.memory_space<hbm>>
      %dma_wait3A_33 = arith.constant 0 : i32
      %dma_wait3A_34 = tpu.memref_slice %arg6[%dma_wait3A_33] : memref<512xi32, #tpu.memory_space<vmem>> -> memref<16xi32, #tpu.memory_space<vmem>>
      %dma_wait3A_35 = tpu.memref_slice %arg2[%add3A_9] : memref<688640xi32, #tpu.memory_space<hbm>> -> memref<16xi32, #tpu.memory_space<hbm>>
      tpu.wait_dma2 semaphore(%run_scoped3A : memref<!tpu.dma_semaphore, #tpu.memory_space<semaphore_mem>>) src(%dma_wait3A_35 : memref<16xi32, #tpu.memory_space<hbm>>) dst(%dma_wait3A_34 : memref<16xi32, #tpu.memory_space<vmem>>)
      tpu.yield
    }) : () -> ()
    %dma_start3A = arith.constant 0 : i32
    %dma_start3A_10 = arith.constant 0 : i32
    %dma_start3A_11 = tpu.memref_slice %arg7[%dma_start3A, %dma_start3A_10] : memref<128x64xf32, #tpu.memory_space<vmem>> -> memref<16x64xf32, #tpu.memory_space<vmem>>
    %dma_start3A_12 = arith.constant 0 : i32
    %dma_start3A_13 = tpu.memref_slice %arg6[%dma_start3A_12] : memref<512xi32, #tpu.memory_space<vmem>> -> memref<16xi32, #tpu.memory_space<vmem>>
    %dma_start3A_14 = arith.constant 0 : i32
    %dma_start3A_15 = arith.constant 0 : i32
    %dma_start3A_16 = tpu.memref_slice %arg3[%dma_start3A_14, %dma_start3A_15] : memref<200000x64xf32, #tpu.memory_space<hbm>> -> memref<200000x64xf32, #tpu.memory_space<hbm>>
    tpu.enqueue_indirect_dma source(%dma_start3A_16 : memref<200000x64xf32, #tpu.memory_space<hbm>>) target(%dma_start3A_11 : memref<16x64xf32, #tpu.memory_space<vmem>>) offsets(%dma_start3A_13 : memref<16xi32, #tpu.memory_space<vmem>>) semaphore(%arg9 : memref<!tpu.dma_semaphore, #tpu.memory_space<semaphore_mem>>)
    %dma_wait3A = arith.constant 0 : i32
    %dma_wait3A_17 = arith.constant 0 : i32
    %dma_wait3A_18 = tpu.memref_slice %arg7[%dma_wait3A, %dma_wait3A_17] : memref<128x64xf32, #tpu.memory_space<vmem>> -> memref<16x64xf32, #tpu.memory_space<vmem>>
    %dma_wait3A_19 = arith.constant 0 : i32
    %dma_wait3A_20 = tpu.memref_slice %arg6[%dma_wait3A_19] : memref<512xi32, #tpu.memory_space<vmem>> -> memref<16xi32, #tpu.memory_space<vmem>>
    %dma_wait3A_21 = arith.constant 0 : i32
    %dma_wait3A_22 = arith.constant 0 : i32
    %dma_wait3A_23 = tpu.memref_slice %arg3[%dma_wait3A_21, %dma_wait3A_22] : memref<200000x64xf32, #tpu.memory_space<hbm>> -> memref<200000x64xf32, #tpu.memory_space<hbm>>
    tpu.wait_indirect_dma semaphore(%arg9 : memref<!tpu.dma_semaphore, #tpu.memory_space<semaphore_mem>>) src(%dma_wait3A_23 : memref<200000x64xf32, #tpu.memory_space<hbm>>) dst(%dma_wait3A_18 : memref<16x64xf32, #tpu.memory_space<vmem>>)
    "tpu.region"() ({
      %run_scoped3A = tpu.sem_alloc : memref<!tpu.dma_semaphore, #tpu.memory_space<semaphore_mem>>
      %dma_start3A_24 = arith.constant 0 : i32
      %dma_start3A_25 = arith.constant 0 : i32
      %dma_start3A_26 = tpu.memref_slice %arg7[%dma_start3A_24, %dma_start3A_25] : memref<128x64xf32, #tpu.memory_space<vmem>> -> memref<16x64xf32, #tpu.memory_space<vmem>>
      %dma_start3A_27 = arith.constant 0 : i32
      %dma_start3A_28 = tpu.memref_slice %arg5[%mul3A_7, %dma_start3A_27] : memref<512x64xf32, #tpu.memory_space<hbm>> -> memref<16x64xf32, #tpu.memory_space<hbm>>
      %dma_start3A_29 = arith.constant 0 : i32
      %dma_start3A_30 = tpu.memref_slice %arg5[%mul3A_7, %dma_start3A_29] : memref<512x64xf32, #tpu.memory_space<hbm>> -> memref<16x64xf32, #tpu.memory_space<hbm>>
      %dma_start3A_31 = arith.constant 0 : i32
      %dma_start3A_32 = arith.constant 0 : i32
      %dma_start3A_33 = tpu.memref_slice %arg7[%dma_start3A_31, %dma_start3A_32] : memref<128x64xf32, #tpu.memory_space<vmem>> -> memref<16x64xf32, #tpu.memory_space<vmem>>
      tpu.enqueue_dma source(%dma_start3A_33 : memref<16x64xf32, #tpu.memory_space<vmem>>) target(%dma_start3A_30 : memref<16x64xf32, #tpu.memory_space<hbm>>) target_semaphore(%run_scoped3A : memref<!tpu.dma_semaphore, #tpu.memory_space<semaphore_mem>>)
      %dma_wait3A_34 = arith.constant 0 : i32
      %dma_wait3A_35 = arith.constant 0 : i32
      %dma_wait3A_36 = tpu.memref_slice %arg7[%dma_wait3A_34, %dma_wait3A_35] : memref<128x64xf32, #tpu.memory_space<vmem>> -> memref<16x64xf32, #tpu.memory_space<vmem>>
      %dma_wait3A_37 = arith.constant 0 : i32
      %dma_wait3A_38 = tpu.memref_slice %arg5[%mul3A_7, %dma_wait3A_37] : memref<512x64xf32, #tpu.memory_space<hbm>> -> memref<16x64xf32, #tpu.memory_space<hbm>>
      %dma_wait3A_39 = arith.constant 0 : i32
      %dma_wait3A_40 = tpu.memref_slice %arg5[%mul3A_7, %dma_wait3A_39] : memref<512x64xf32, #tpu.memory_space<hbm>> -> memref<16x64xf32, #tpu.memory_space<hbm>>
      %dma_wait3A_41 = arith.constant 0 : i32
      %dma_wait3A_42 = arith.constant 0 : i32
      %dma_wait3A_43 = tpu.memref_slice %arg7[%dma_wait3A_41, %dma_wait3A_42] : memref<128x64xf32, #tpu.memory_space<vmem>> -> memref<16x64xf32, #tpu.memory_space<vmem>>
      tpu.wait_dma2 semaphore(%run_scoped3A : memref<!tpu.dma_semaphore, #tpu.memory_space<semaphore_mem>>) src(%dma_wait3A_43 : memref<16x64xf32, #tpu.memory_space<vmem>>) dst(%dma_wait3A_40 : memref<16x64xf32, #tpu.memory_space<hbm>>)
      tpu.yield
    }) : () -> ()
    return
  }
}

#map = affine_map<(d0, d1) -> (0)>
#map1 = affine_map<(d0, d1) -> (0, 0)>
module attributes {stable_mosaic.version = 14 : i64} {
  func.func @_sc_gather(%arg0: i32, %arg1: i32, %arg2: memref<688640xi32, #tpu.memory_space<hbm>>, %arg3: memref<200000x64xf32, #tpu.memory_space<hbm>>, %arg4: memref<688128x64xf32, #tpu.memory_space<hbm>>, %arg5: memref<512x64xf32, #tpu.memory_space<hbm>>, %arg6: memref<512xi32, #tpu.memory_space<vmem>>, %arg7: memref<128x64xf32, #tpu.memory_space<vmem>>, %arg8: memref<128x64xf32, #tpu.memory_space<vmem>>, %arg9: memref<!tpu.dma_semaphore, #tpu.memory_space<semaphore_mem>>, %arg10: memref<!tpu.dma_semaphore, #tpu.memory_space<semaphore_mem>>) attributes {dimension_semantics = [#tpu.dimension_semantics<core_parallel>, #tpu.dimension_semantics<subcore_parallel>], iteration_bounds = array<i64: 2, 16>, scalar_prefetch = 0 : i64, scratch_operands = 5 : i64, tpu.core_type = #tpu.core_type<sc_vector_subcore>, window_params = [{transform_indices = #map}, {transform_indices = #map1}, {transform_indices = #map1}, {transform_indices = #map1}]} {
    %mul3A = arith.constant 2 : i32
    %mul3A_0 = arith.muli %arg1, %mul3A : i32
    %add3A = arith.addi %mul3A_0, %arg0 : i32
    %scan3A = arith.constant 0 : i32
    %scan3A_1 = arith.constant 0 : i32
    %scan3A_2 = arith.constant 42 : i32
    %scan3A_3 = arith.addi %scan3A_1, %scan3A_2 : i32
    %scan3A_4 = arith.constant 1 : i32
    scf.for %scan3A_24 = %scan3A_1 to %scan3A_3 step %scan3A_4  : i32 {
      %mul3A_25 = arith.constant 16384 : i32
      %mul3A_26 = arith.muli %scan3A_24, %mul3A_25 : i32
      %mul3A_27 = arith.constant 512 : i32
      %mul3A_28 = arith.muli %add3A, %mul3A_27 : i32
      %add3A_29 = arith.addi %mul3A_26, %mul3A_28 : i32
      "tpu.region"() ({
        %run_scoped3A = tpu.sem_alloc : memref<!tpu.dma_semaphore, #tpu.memory_space<semaphore_mem>>
        %dma_start3A_78 = tpu.memref_slice %arg2[%add3A_29] : memref<688640xi32, #tpu.memory_space<hbm>> -> memref<512xi32, #tpu.memory_space<hbm>>
        %dma_start3A_79 = tpu.memref_slice %arg2[%add3A_29] : memref<688640xi32, #tpu.memory_space<hbm>> -> memref<512xi32, #tpu.memory_space<hbm>>
        tpu.enqueue_dma source(%dma_start3A_79 : memref<512xi32, #tpu.memory_space<hbm>>) target(%arg6 : memref<512xi32, #tpu.memory_space<vmem>>) target_semaphore(%run_scoped3A : memref<!tpu.dma_semaphore, #tpu.memory_space<semaphore_mem>>)
        %dma_wait3A_80 = tpu.memref_slice %arg2[%add3A_29] : memref<688640xi32, #tpu.memory_space<hbm>> -> memref<512xi32, #tpu.memory_space<hbm>>
        %dma_wait3A_81 = tpu.memref_slice %arg2[%add3A_29] : memref<688640xi32, #tpu.memory_space<hbm>> -> memref<512xi32, #tpu.memory_space<hbm>>
        tpu.wait_dma2 semaphore(%run_scoped3A : memref<!tpu.dma_semaphore, #tpu.memory_space<semaphore_mem>>) src(%dma_wait3A_81 : memref<512xi32, #tpu.memory_space<hbm>>) dst(%arg6 : memref<512xi32, #tpu.memory_space<vmem>>)
        tpu.yield
      }) : () -> ()
      %dma_start3A_30 = arith.constant 0 : i32
      %dma_start3A_31 = tpu.memref_slice %arg6[%dma_start3A_30] : memref<512xi32, #tpu.memory_space<vmem>> -> memref<128xi32, #tpu.memory_space<vmem>>
      %dma_start3A_32 = arith.constant 0 : i32
      %dma_start3A_33 = arith.constant 0 : i32
      %dma_start3A_34 = tpu.memref_slice %arg3[%dma_start3A_32, %dma_start3A_33] : memref<200000x64xf32, #tpu.memory_space<hbm>> -> memref<200000x64xf32, #tpu.memory_space<hbm>>
      tpu.enqueue_indirect_dma source(%dma_start3A_34 : memref<200000x64xf32, #tpu.memory_space<hbm>>) target(%arg7 : memref<128x64xf32, #tpu.memory_space<vmem>>) offsets(%dma_start3A_31 : memref<128xi32, #tpu.memory_space<vmem>>) semaphore(%arg9 : memref<!tpu.dma_semaphore, #tpu.memory_space<semaphore_mem>>)
      %dma_start3A_35 = arith.constant 128 : i32
      %dma_start3A_36 = tpu.memref_slice %arg6[%dma_start3A_35] : memref<512xi32, #tpu.memory_space<vmem>> -> memref<128xi32, #tpu.memory_space<vmem>>
      %dma_start3A_37 = arith.constant 0 : i32
      %dma_start3A_38 = arith.constant 0 : i32
      %dma_start3A_39 = tpu.memref_slice %arg3[%dma_start3A_37, %dma_start3A_38] : memref<200000x64xf32, #tpu.memory_space<hbm>> -> memref<200000x64xf32, #tpu.memory_space<hbm>>
      tpu.enqueue_indirect_dma source(%dma_start3A_39 : memref<200000x64xf32, #tpu.memory_space<hbm>>) target(%arg8 : memref<128x64xf32, #tpu.memory_space<vmem>>) offsets(%dma_start3A_36 : memref<128xi32, #tpu.memory_space<vmem>>) semaphore(%arg10 : memref<!tpu.dma_semaphore, #tpu.memory_space<semaphore_mem>>)
      %dma_wait3A_40 = arith.constant 0 : i32
      %dma_wait3A_41 = tpu.memref_slice %arg6[%dma_wait3A_40] : memref<512xi32, #tpu.memory_space<vmem>> -> memref<128xi32, #tpu.memory_space<vmem>>
      %dma_wait3A_42 = arith.constant 0 : i32
      %dma_wait3A_43 = arith.constant 0 : i32
      %dma_wait3A_44 = tpu.memref_slice %arg3[%dma_wait3A_42, %dma_wait3A_43] : memref<200000x64xf32, #tpu.memory_space<hbm>> -> memref<200000x64xf32, #tpu.memory_space<hbm>>
      tpu.wait_indirect_dma semaphore(%arg9 : memref<!tpu.dma_semaphore, #tpu.memory_space<semaphore_mem>>) src(%dma_wait3A_44 : memref<200000x64xf32, #tpu.memory_space<hbm>>) dst(%arg7 : memref<128x64xf32, #tpu.memory_space<vmem>>)
      %add3A_45 = arith.constant 0 : i32
      %add3A_46 = arith.addi %add3A_29, %add3A_45 : i32
      "tpu.region"() ({
        %run_scoped3A = tpu.sem_alloc : memref<!tpu.dma_semaphore, #tpu.memory_space<semaphore_mem>>
        %dma_start3A_78 = arith.constant 0 : i32
        %dma_start3A_79 = tpu.memref_slice %arg4[%add3A_46, %dma_start3A_78] : memref<688128x64xf32, #tpu.memory_space<hbm>> -> memref<128x64xf32, #tpu.memory_space<hbm>>
        %dma_start3A_80 = arith.constant 0 : i32
        %dma_start3A_81 = tpu.memref_slice %arg4[%add3A_46, %dma_start3A_80] : memref<688128x64xf32, #tpu.memory_space<hbm>> -> memref<128x64xf32, #tpu.memory_space<hbm>>
        tpu.enqueue_dma source(%arg7 : memref<128x64xf32, #tpu.memory_space<vmem>>) target(%dma_start3A_81 : memref<128x64xf32, #tpu.memory_space<hbm>>) target_semaphore(%run_scoped3A : memref<!tpu.dma_semaphore, #tpu.memory_space<semaphore_mem>>)
        %dma_wait3A_82 = arith.constant 0 : i32
        %dma_wait3A_83 = tpu.memref_slice %arg4[%add3A_46, %dma_wait3A_82] : memref<688128x64xf32, #tpu.memory_space<hbm>> -> memref<128x64xf32, #tpu.memory_space<hbm>>
        %dma_wait3A_84 = arith.constant 0 : i32
        %dma_wait3A_85 = tpu.memref_slice %arg4[%add3A_46, %dma_wait3A_84] : memref<688128x64xf32, #tpu.memory_space<hbm>> -> memref<128x64xf32, #tpu.memory_space<hbm>>
        tpu.wait_dma2 semaphore(%run_scoped3A : memref<!tpu.dma_semaphore, #tpu.memory_space<semaphore_mem>>) src(%arg7 : memref<128x64xf32, #tpu.memory_space<vmem>>) dst(%dma_wait3A_85 : memref<128x64xf32, #tpu.memory_space<hbm>>)
        tpu.yield
      }) : () -> ()
      %dma_start3A_47 = arith.constant 256 : i32
      %dma_start3A_48 = tpu.memref_slice %arg6[%dma_start3A_47] : memref<512xi32, #tpu.memory_space<vmem>> -> memref<128xi32, #tpu.memory_space<vmem>>
      %dma_start3A_49 = arith.constant 0 : i32
      %dma_start3A_50 = arith.constant 0 : i32
      %dma_start3A_51 = tpu.memref_slice %arg3[%dma_start3A_49, %dma_start3A_50] : memref<200000x64xf32, #tpu.memory_space<hbm>> -> memref<200000x64xf32, #tpu.memory_space<hbm>>
      tpu.enqueue_indirect_dma source(%dma_start3A_51 : memref<200000x64xf32, #tpu.memory_space<hbm>>) target(%arg7 : memref<128x64xf32, #tpu.memory_space<vmem>>) offsets(%dma_start3A_48 : memref<128xi32, #tpu.memory_space<vmem>>) semaphore(%arg9 : memref<!tpu.dma_semaphore, #tpu.memory_space<semaphore_mem>>)
      %dma_wait3A_52 = arith.constant 128 : i32
      %dma_wait3A_53 = tpu.memref_slice %arg6[%dma_wait3A_52] : memref<512xi32, #tpu.memory_space<vmem>> -> memref<128xi32, #tpu.memory_space<vmem>>
      %dma_wait3A_54 = arith.constant 0 : i32
      %dma_wait3A_55 = arith.constant 0 : i32
      %dma_wait3A_56 = tpu.memref_slice %arg3[%dma_wait3A_54, %dma_wait3A_55] : memref<200000x64xf32, #tpu.memory_space<hbm>> -> memref<200000x64xf32, #tpu.memory_space<hbm>>
      tpu.wait_indirect_dma semaphore(%arg10 : memref<!tpu.dma_semaphore, #tpu.memory_space<semaphore_mem>>) src(%dma_wait3A_56 : memref<200000x64xf32, #tpu.memory_space<hbm>>) dst(%arg8 : memref<128x64xf32, #tpu.memory_space<vmem>>)
      %add3A_57 = arith.constant 128 : i32
      %add3A_58 = arith.addi %add3A_29, %add3A_57 : i32
      "tpu.region"() ({
        %run_scoped3A = tpu.sem_alloc : memref<!tpu.dma_semaphore, #tpu.memory_space<semaphore_mem>>
        %dma_start3A_78 = arith.constant 0 : i32
        %dma_start3A_79 = tpu.memref_slice %arg4[%add3A_58, %dma_start3A_78] : memref<688128x64xf32, #tpu.memory_space<hbm>> -> memref<128x64xf32, #tpu.memory_space<hbm>>
        %dma_start3A_80 = arith.constant 0 : i32
        %dma_start3A_81 = tpu.memref_slice %arg4[%add3A_58, %dma_start3A_80] : memref<688128x64xf32, #tpu.memory_space<hbm>> -> memref<128x64xf32, #tpu.memory_space<hbm>>
        tpu.enqueue_dma source(%arg8 : memref<128x64xf32, #tpu.memory_space<vmem>>) target(%dma_start3A_81 : memref<128x64xf32, #tpu.memory_space<hbm>>) target_semaphore(%run_scoped3A : memref<!tpu.dma_semaphore, #tpu.memory_space<semaphore_mem>>)
        %dma_wait3A_82 = arith.constant 0 : i32
        %dma_wait3A_83 = tpu.memref_slice %arg4[%add3A_58, %dma_wait3A_82] : memref<688128x64xf32, #tpu.memory_space<hbm>> -> memref<128x64xf32, #tpu.memory_space<hbm>>
        %dma_wait3A_84 = arith.constant 0 : i32
        %dma_wait3A_85 = tpu.memref_slice %arg4[%add3A_58, %dma_wait3A_84] : memref<688128x64xf32, #tpu.memory_space<hbm>> -> memref<128x64xf32, #tpu.memory_space<hbm>>
        tpu.wait_dma2 semaphore(%run_scoped3A : memref<!tpu.dma_semaphore, #tpu.memory_space<semaphore_mem>>) src(%arg8 : memref<128x64xf32, #tpu.memory_space<vmem>>) dst(%dma_wait3A_85 : memref<128x64xf32, #tpu.memory_space<hbm>>)
        tpu.yield
      }) : () -> ()
      %dma_start3A_59 = arith.constant 384 : i32
      %dma_start3A_60 = tpu.memref_slice %arg6[%dma_start3A_59] : memref<512xi32, #tpu.memory_space<vmem>> -> memref<128xi32, #tpu.memory_space<vmem>>
      %dma_start3A_61 = arith.constant 0 : i32
      %dma_start3A_62 = arith.constant 0 : i32
      %dma_start3A_63 = tpu.memref_slice %arg3[%dma_start3A_61, %dma_start3A_62] : memref<200000x64xf32, #tpu.memory_space<hbm>> -> memref<200000x64xf32, #tpu.memory_space<hbm>>
      tpu.enqueue_indirect_dma source(%dma_start3A_63 : memref<200000x64xf32, #tpu.memory_space<hbm>>) target(%arg8 : memref<128x64xf32, #tpu.memory_space<vmem>>) offsets(%dma_start3A_60 : memref<128xi32, #tpu.memory_space<vmem>>) semaphore(%arg10 : memref<!tpu.dma_semaphore, #tpu.memory_space<semaphore_mem>>)
      %dma_wait3A_64 = arith.constant 256 : i32
      %dma_wait3A_65 = tpu.memref_slice %arg6[%dma_wait3A_64] : memref<512xi32, #tpu.memory_space<vmem>> -> memref<128xi32, #tpu.memory_space<vmem>>
      %dma_wait3A_66 = arith.constant 0 : i32
      %dma_wait3A_67 = arith.constant 0 : i32
      %dma_wait3A_68 = tpu.memref_slice %arg3[%dma_wait3A_66, %dma_wait3A_67] : memref<200000x64xf32, #tpu.memory_space<hbm>> -> memref<200000x64xf32, #tpu.memory_space<hbm>>
      tpu.wait_indirect_dma semaphore(%arg9 : memref<!tpu.dma_semaphore, #tpu.memory_space<semaphore_mem>>) src(%dma_wait3A_68 : memref<200000x64xf32, #tpu.memory_space<hbm>>) dst(%arg7 : memref<128x64xf32, #tpu.memory_space<vmem>>)
      %add3A_69 = arith.constant 256 : i32
      %add3A_70 = arith.addi %add3A_29, %add3A_69 : i32
      "tpu.region"() ({
        %run_scoped3A = tpu.sem_alloc : memref<!tpu.dma_semaphore, #tpu.memory_space<semaphore_mem>>
        %dma_start3A_78 = arith.constant 0 : i32
        %dma_start3A_79 = tpu.memref_slice %arg4[%add3A_70, %dma_start3A_78] : memref<688128x64xf32, #tpu.memory_space<hbm>> -> memref<128x64xf32, #tpu.memory_space<hbm>>
        %dma_start3A_80 = arith.constant 0 : i32
        %dma_start3A_81 = tpu.memref_slice %arg4[%add3A_70, %dma_start3A_80] : memref<688128x64xf32, #tpu.memory_space<hbm>> -> memref<128x64xf32, #tpu.memory_space<hbm>>
        tpu.enqueue_dma source(%arg7 : memref<128x64xf32, #tpu.memory_space<vmem>>) target(%dma_start3A_81 : memref<128x64xf32, #tpu.memory_space<hbm>>) target_semaphore(%run_scoped3A : memref<!tpu.dma_semaphore, #tpu.memory_space<semaphore_mem>>)
        %dma_wait3A_82 = arith.constant 0 : i32
        %dma_wait3A_83 = tpu.memref_slice %arg4[%add3A_70, %dma_wait3A_82] : memref<688128x64xf32, #tpu.memory_space<hbm>> -> memref<128x64xf32, #tpu.memory_space<hbm>>
        %dma_wait3A_84 = arith.constant 0 : i32
        %dma_wait3A_85 = tpu.memref_slice %arg4[%add3A_70, %dma_wait3A_84] : memref<688128x64xf32, #tpu.memory_space<hbm>> -> memref<128x64xf32, #tpu.memory_space<hbm>>
        tpu.wait_dma2 semaphore(%run_scoped3A : memref<!tpu.dma_semaphore, #tpu.memory_space<semaphore_mem>>) src(%arg7 : memref<128x64xf32, #tpu.memory_space<vmem>>) dst(%dma_wait3A_85 : memref<128x64xf32, #tpu.memory_space<hbm>>)
        tpu.yield
      }) : () -> ()
      %dma_wait3A_71 = arith.constant 384 : i32
      %dma_wait3A_72 = tpu.memref_slice %arg6[%dma_wait3A_71] : memref<512xi32, #tpu.memory_space<vmem>> -> memref<128xi32, #tpu.memory_space<vmem>>
      %dma_wait3A_73 = arith.constant 0 : i32
      %dma_wait3A_74 = arith.constant 0 : i32
      %dma_wait3A_75 = tpu.memref_slice %arg3[%dma_wait3A_73, %dma_wait3A_74] : memref<200000x64xf32, #tpu.memory_space<hbm>> -> memref<200000x64xf32, #tpu.memory_space<hbm>>
      tpu.wait_indirect_dma semaphore(%arg10 : memref<!tpu.dma_semaphore, #tpu.memory_space<semaphore_mem>>) src(%dma_wait3A_75 : memref<200000x64xf32, #tpu.memory_space<hbm>>) dst(%arg8 : memref<128x64xf32, #tpu.memory_space<vmem>>)
      %add3A_76 = arith.constant 384 : i32
      %add3A_77 = arith.addi %add3A_29, %add3A_76 : i32
      "tpu.region"() ({
        %run_scoped3A = tpu.sem_alloc : memref<!tpu.dma_semaphore, #tpu.memory_space<semaphore_mem>>
        %dma_start3A_78 = arith.constant 0 : i32
        %dma_start3A_79 = tpu.memref_slice %arg4[%add3A_77, %dma_start3A_78] : memref<688128x64xf32, #tpu.memory_space<hbm>> -> memref<128x64xf32, #tpu.memory_space<hbm>>
        %dma_start3A_80 = arith.constant 0 : i32
        %dma_start3A_81 = tpu.memref_slice %arg4[%add3A_77, %dma_start3A_80] : memref<688128x64xf32, #tpu.memory_space<hbm>> -> memref<128x64xf32, #tpu.memory_space<hbm>>
        tpu.enqueue_dma source(%arg8 : memref<128x64xf32, #tpu.memory_space<vmem>>) target(%dma_start3A_81 : memref<128x64xf32, #tpu.memory_space<hbm>>) target_semaphore(%run_scoped3A : memref<!tpu.dma_semaphore, #tpu.memory_space<semaphore_mem>>)
        %dma_wait3A_82 = arith.constant 0 : i32
        %dma_wait3A_83 = tpu.memref_slice %arg4[%add3A_77, %dma_wait3A_82] : memref<688128x64xf32, #tpu.memory_space<hbm>> -> memref<128x64xf32, #tpu.memory_space<hbm>>
        %dma_wait3A_84 = arith.constant 0 : i32
        %dma_wait3A_85 = tpu.memref_slice %arg4[%add3A_77, %dma_wait3A_84] : memref<688128x64xf32, #tpu.memory_space<hbm>> -> memref<128x64xf32, #tpu.memory_space<hbm>>
        tpu.wait_dma2 semaphore(%run_scoped3A : memref<!tpu.dma_semaphore, #tpu.memory_space<semaphore_mem>>) src(%arg8 : memref<128x64xf32, #tpu.memory_space<vmem>>) dst(%dma_wait3A_85 : memref<128x64xf32, #tpu.memory_space<hbm>>)
        tpu.yield
      }) : () -> ()
    }
    %scan3A_5 = arith.constant 42 : i32
    %mul3A_6 = arith.constant 16 : i32
    %mul3A_7 = arith.muli %add3A, %mul3A_6 : i32
    %add3A_8 = arith.constant 688128 : i32
    %add3A_9 = arith.addi %add3A_8, %mul3A_7 : i32
    "tpu.region"() ({
      %run_scoped3A = tpu.sem_alloc : memref<!tpu.dma_semaphore, #tpu.memory_space<semaphore_mem>>
      %dma_start3A_24 = arith.constant 0 : i32
      %dma_start3A_25 = tpu.memref_slice %arg6[%dma_start3A_24] : memref<512xi32, #tpu.memory_space<vmem>> -> memref<16xi32, #tpu.memory_space<vmem>>
      %dma_start3A_26 = tpu.memref_slice %arg2[%add3A_9] : memref<688640xi32, #tpu.memory_space<hbm>> -> memref<16xi32, #tpu.memory_space<hbm>>
      %dma_start3A_27 = arith.constant 0 : i32
      %dma_start3A_28 = tpu.memref_slice %arg6[%dma_start3A_27] : memref<512xi32, #tpu.memory_space<vmem>> -> memref<16xi32, #tpu.memory_space<vmem>>
      %dma_start3A_29 = tpu.memref_slice %arg2[%add3A_9] : memref<688640xi32, #tpu.memory_space<hbm>> -> memref<16xi32, #tpu.memory_space<hbm>>
      tpu.enqueue_dma source(%dma_start3A_29 : memref<16xi32, #tpu.memory_space<hbm>>) target(%dma_start3A_28 : memref<16xi32, #tpu.memory_space<vmem>>) target_semaphore(%run_scoped3A : memref<!tpu.dma_semaphore, #tpu.memory_space<semaphore_mem>>)
      %dma_wait3A_30 = arith.constant 0 : i32
      %dma_wait3A_31 = tpu.memref_slice %arg6[%dma_wait3A_30] : memref<512xi32, #tpu.memory_space<vmem>> -> memref<16xi32, #tpu.memory_space<vmem>>
      %dma_wait3A_32 = tpu.memref_slice %arg2[%add3A_9] : memref<688640xi32, #tpu.memory_space<hbm>> -> memref<16xi32, #tpu.memory_space<hbm>>
      %dma_wait3A_33 = arith.constant 0 : i32
      %dma_wait3A_34 = tpu.memref_slice %arg6[%dma_wait3A_33] : memref<512xi32, #tpu.memory_space<vmem>> -> memref<16xi32, #tpu.memory_space<vmem>>
      %dma_wait3A_35 = tpu.memref_slice %arg2[%add3A_9] : memref<688640xi32, #tpu.memory_space<hbm>> -> memref<16xi32, #tpu.memory_space<hbm>>
      tpu.wait_dma2 semaphore(%run_scoped3A : memref<!tpu.dma_semaphore, #tpu.memory_space<semaphore_mem>>) src(%dma_wait3A_35 : memref<16xi32, #tpu.memory_space<hbm>>) dst(%dma_wait3A_34 : memref<16xi32, #tpu.memory_space<vmem>>)
      tpu.yield
    }) : () -> ()
    %dma_start3A = arith.constant 0 : i32
    %dma_start3A_10 = arith.constant 0 : i32
    %dma_start3A_11 = tpu.memref_slice %arg7[%dma_start3A, %dma_start3A_10] : memref<128x64xf32, #tpu.memory_space<vmem>> -> memref<16x64xf32, #tpu.memory_space<vmem>>
    %dma_start3A_12 = arith.constant 0 : i32
    %dma_start3A_13 = tpu.memref_slice %arg6[%dma_start3A_12] : memref<512xi32, #tpu.memory_space<vmem>> -> memref<16xi32, #tpu.memory_space<vmem>>
    %dma_start3A_14 = arith.constant 0 : i32
    %dma_start3A_15 = arith.constant 0 : i32
    %dma_start3A_16 = tpu.memref_slice %arg3[%dma_start3A_14, %dma_start3A_15] : memref<200000x64xf32, #tpu.memory_space<hbm>> -> memref<200000x64xf32, #tpu.memory_space<hbm>>
    tpu.enqueue_indirect_dma source(%dma_start3A_16 : memref<200000x64xf32, #tpu.memory_space<hbm>>) target(%dma_start3A_11 : memref<16x64xf32, #tpu.memory_space<vmem>>) offsets(%dma_start3A_13 : memref<16xi32, #tpu.memory_space<vmem>>) semaphore(%arg9 : memref<!tpu.dma_semaphore, #tpu.memory_space<semaphore_mem>>)
    %dma_wait3A = arith.constant 0 : i32
    %dma_wait3A_17 = arith.constant 0 : i32
    %dma_wait3A_18 = tpu.memref_slice %arg7[%dma_wait3A, %dma_wait3A_17] : memref<128x64xf32, #tpu.memory_space<vmem>> -> memref<16x64xf32, #tpu.memory_space<vmem>>
    %dma_wait3A_19 = arith.constant 0 : i32
    %dma_wait3A_20 = tpu.memref_slice %arg6[%dma_wait3A_19] : memref<512xi32, #tpu.memory_space<vmem>> -> memref<16xi32, #tpu.memory_space<vmem>>
    %dma_wait3A_21 = arith.constant 0 : i32
    %dma_wait3A_22 = arith.constant 0 : i32
    %dma_wait3A_23 = tpu.memref_slice %arg3[%dma_wait3A_21, %dma_wait3A_22] : memref<200000x64xf32, #tpu.memory_space<hbm>> -> memref<200000x64xf32, #tpu.memory_space<hbm>>
    tpu.wait_indirect_dma semaphore(%arg9 : memref<!tpu.dma_semaphore, #tpu.memory_space<semaphore_mem>>) src(%dma_wait3A_23 : memref<200000x64xf32, #tpu.memory_space<hbm>>) dst(%dma_wait3A_18 : memref<16x64xf32, #tpu.memory_space<vmem>>)
    "tpu.region"() ({
      %run_scoped3A = tpu.sem_alloc : memref<!tpu.dma_semaphore, #tpu.memory_space<semaphore_mem>>
      %dma_start3A_24 = arith.constant 0 : i32
      %dma_start3A_25 = arith.constant 0 : i32
      %dma_start3A_26 = tpu.memref_slice %arg7[%dma_start3A_24, %dma_start3A_25] : memref<128x64xf32, #tpu.memory_space<vmem>> -> memref<16x64xf32, #tpu.memory_space<vmem>>
      %dma_start3A_27 = arith.constant 0 : i32
      %dma_start3A_28 = tpu.memref_slice %arg5[%mul3A_7, %dma_start3A_27] : memref<512x64xf32, #tpu.memory_space<hbm>> -> memref<16x64xf32, #tpu.memory_space<hbm>>
      %dma_start3A_29 = arith.constant 0 : i32
      %dma_start3A_30 = tpu.memref_slice %arg5[%mul3A_7, %dma_start3A_29] : memref<512x64xf32, #tpu.memory_space<hbm>> -> memref<16x64xf32, #tpu.memory_space<hbm>>
      %dma_start3A_31 = arith.constant 0 : i32
      %dma_start3A_32 = arith.constant 0 : i32
      %dma_start3A_33 = tpu.memref_slice %arg7[%dma_start3A_31, %dma_start3A_32] : memref<128x64xf32, #tpu.memory_space<vmem>> -> memref<16x64xf32, #tpu.memory_space<vmem>>
      tpu.enqueue_dma source(%dma_start3A_33 : memref<16x64xf32, #tpu.memory_space<vmem>>) target(%dma_start3A_30 : memref<16x64xf32, #tpu.memory_space<hbm>>) target_semaphore(%run_scoped3A : memref<!tpu.dma_semaphore, #tpu.memory_space<semaphore_mem>>)
      %dma_wait3A_34 = arith.constant 0 : i32
      %dma_wait3A_35 = arith.constant 0 : i32
      %dma_wait3A_36 = tpu.memref_slice %arg7[%dma_wait3A_34, %dma_wait3A_35] : memref<128x64xf32, #tpu.memory_space<vmem>> -> memref<16x64xf32, #tpu.memory_space<vmem>>
      %dma_wait3A_37 = arith.constant 0 : i32
      %dma_wait3A_38 = tpu.memref_slice %arg5[%mul3A_7, %dma_wait3A_37] : memref<512x64xf32, #tpu.memory_space<hbm>> -> memref<16x64xf32, #tpu.memory_space<hbm>>
      %dma_wait3A_39 = arith.constant 0 : i32
      %dma_wait3A_40 = tpu.memref_slice %arg5[%mul3A_7, %dma_wait3A_39] : memref<512x64xf32, #tpu.memory_space<hbm>> -> memref<16x64xf32, #tpu.memory_space<hbm>>
      %dma_wait3A_41 = arith.constant 0 : i32
      %dma_wait3A_42 = arith.constant 0 : i32
      %dma_wait3A_43 = tpu.memref_slice %arg7[%dma_wait3A_41, %dma_wait3A_42] : memref<128x64xf32, #tpu.memory_space<vmem>> -> memref<16x64xf32, #tpu.memory_space<vmem>>
      tpu.wait_dma2 semaphore(%run_scoped3A : memref<!tpu.dma_semaphore, #tpu.memory_space<semaphore_mem>>) src(%dma_wait3A_43 : memref<16x64xf32, #tpu.memory_space<vmem>>) dst(%dma_wait3A_40 : memref<16x64xf32, #tpu.memory_space<hbm>>)
      tpu.yield
    }) : () -> ()
    return
  }
}

#map = affine_map<(d0, d1) -> (0)>
#map1 = affine_map<(d0, d1) -> (0, 0)>
module attributes {stable_mosaic.version = 14 : i64} {
  func.func @_sc_gather(%arg0: i32, %arg1: i32, %arg2: memref<688640xi32, #tpu.memory_space<hbm>>, %arg3: memref<200000x64xf32, #tpu.memory_space<hbm>>, %arg4: memref<688128x64xf32, #tpu.memory_space<hbm>>, %arg5: memref<512x64xf32, #tpu.memory_space<hbm>>, %arg6: memref<512xi32, #tpu.memory_space<vmem>>, %arg7: memref<128x64xf32, #tpu.memory_space<vmem>>, %arg8: memref<128x64xf32, #tpu.memory_space<vmem>>, %arg9: memref<!tpu.dma_semaphore, #tpu.memory_space<semaphore_mem>>, %arg10: memref<!tpu.dma_semaphore, #tpu.memory_space<semaphore_mem>>) attributes {dimension_semantics = [#tpu.dimension_semantics<core_parallel>, #tpu.dimension_semantics<subcore_parallel>], iteration_bounds = array<i64: 2, 16>, scalar_prefetch = 0 : i64, scratch_operands = 5 : i64, tpu.core_type = #tpu.core_type<sc_vector_subcore>, window_params = [{transform_indices = #map}, {transform_indices = #map1}, {transform_indices = #map1}, {transform_indices = #map1}]} {
    %mul3A = arith.constant 2 : i32
    %mul3A_0 = arith.muli %arg1, %mul3A : i32
    %add3A = arith.addi %mul3A_0, %arg0 : i32
    %scan3A = arith.constant 0 : i32
    %scan3A_1 = arith.constant 0 : i32
    %scan3A_2 = arith.constant 42 : i32
    %scan3A_3 = arith.addi %scan3A_1, %scan3A_2 : i32
    %scan3A_4 = arith.constant 1 : i32
    scf.for %scan3A_24 = %scan3A_1 to %scan3A_3 step %scan3A_4  : i32 {
      %mul3A_25 = arith.constant 16384 : i32
      %mul3A_26 = arith.muli %scan3A_24, %mul3A_25 : i32
      %mul3A_27 = arith.constant 512 : i32
      %mul3A_28 = arith.muli %add3A, %mul3A_27 : i32
      %add3A_29 = arith.addi %mul3A_26, %mul3A_28 : i32
      "tpu.region"() ({
        %run_scoped3A = tpu.sem_alloc : memref<!tpu.dma_semaphore, #tpu.memory_space<semaphore_mem>>
        %dma_start3A_78 = tpu.memref_slice %arg2[%add3A_29] : memref<688640xi32, #tpu.memory_space<hbm>> -> memref<512xi32, #tpu.memory_space<hbm>>
        %dma_start3A_79 = tpu.memref_slice %arg2[%add3A_29] : memref<688640xi32, #tpu.memory_space<hbm>> -> memref<512xi32, #tpu.memory_space<hbm>>
        tpu.enqueue_dma source(%dma_start3A_79 : memref<512xi32, #tpu.memory_space<hbm>>) target(%arg6 : memref<512xi32, #tpu.memory_space<vmem>>) target_semaphore(%run_scoped3A : memref<!tpu.dma_semaphore, #tpu.memory_space<semaphore_mem>>)
        %dma_wait3A_80 = tpu.memref_slice %arg2[%add3A_29] : memref<688640xi32, #tpu.memory_space<hbm>> -> memref<512xi32, #tpu.memory_space<hbm>>
        %dma_wait3A_81 = tpu.memref_slice %arg2[%add3A_29] : memref<688640xi32, #tpu.memory_space<hbm>> -> memref<512xi32, #tpu.memory_space<hbm>>
        tpu.wait_dma2 semaphore(%run_scoped3A : memref<!tpu.dma_semaphore, #tpu.memory_space<semaphore_mem>>) src(%dma_wait3A_81 : memref<512xi32, #tpu.memory_space<hbm>>) dst(%arg6 : memref<512xi32, #tpu.memory_space<vmem>>)
        tpu.yield
      }) : () -> ()
      %dma_start3A_30 = arith.constant 0 : i32
      %dma_start3A_31 = tpu.memref_slice %arg6[%dma_start3A_30] : memref<512xi32, #tpu.memory_space<vmem>> -> memref<128xi32, #tpu.memory_space<vmem>>
      %dma_start3A_32 = arith.constant 0 : i32
      %dma_start3A_33 = arith.constant 0 : i32
      %dma_start3A_34 = tpu.memref_slice %arg3[%dma_start3A_32, %dma_start3A_33] : memref<200000x64xf32, #tpu.memory_space<hbm>> -> memref<200000x64xf32, #tpu.memory_space<hbm>>
      tpu.enqueue_indirect_dma source(%dma_start3A_34 : memref<200000x64xf32, #tpu.memory_space<hbm>>) target(%arg7 : memref<128x64xf32, #tpu.memory_space<vmem>>) offsets(%dma_start3A_31 : memref<128xi32, #tpu.memory_space<vmem>>) semaphore(%arg9 : memref<!tpu.dma_semaphore, #tpu.memory_space<semaphore_mem>>)
      %dma_start3A_35 = arith.constant 128 : i32
      %dma_start3A_36 = tpu.memref_slice %arg6[%dma_start3A_35] : memref<512xi32, #tpu.memory_space<vmem>> -> memref<128xi32, #tpu.memory_space<vmem>>
      %dma_start3A_37 = arith.constant 0 : i32
      %dma_start3A_38 = arith.constant 0 : i32
      %dma_start3A_39 = tpu.memref_slice %arg3[%dma_start3A_37, %dma_start3A_38] : memref<200000x64xf32, #tpu.memory_space<hbm>> -> memref<200000x64xf32, #tpu.memory_space<hbm>>
      tpu.enqueue_indirect_dma source(%dma_start3A_39 : memref<200000x64xf32, #tpu.memory_space<hbm>>) target(%arg8 : memref<128x64xf32, #tpu.memory_space<vmem>>) offsets(%dma_start3A_36 : memref<128xi32, #tpu.memory_space<vmem>>) semaphore(%arg10 : memref<!tpu.dma_semaphore, #tpu.memory_space<semaphore_mem>>)
      %dma_wait3A_40 = arith.constant 0 : i32
      %dma_wait3A_41 = tpu.memref_slice %arg6[%dma_wait3A_40] : memref<512xi32, #tpu.memory_space<vmem>> -> memref<128xi32, #tpu.memory_space<vmem>>
      %dma_wait3A_42 = arith.constant 0 : i32
      %dma_wait3A_43 = arith.constant 0 : i32
      %dma_wait3A_44 = tpu.memref_slice %arg3[%dma_wait3A_42, %dma_wait3A_43] : memref<200000x64xf32, #tpu.memory_space<hbm>> -> memref<200000x64xf32, #tpu.memory_space<hbm>>
      tpu.wait_indirect_dma semaphore(%arg9 : memref<!tpu.dma_semaphore, #tpu.memory_space<semaphore_mem>>) src(%dma_wait3A_44 : memref<200000x64xf32, #tpu.memory_space<hbm>>) dst(%arg7 : memref<128x64xf32, #tpu.memory_space<vmem>>)
      %add3A_45 = arith.constant 0 : i32
      %add3A_46 = arith.addi %add3A_29, %add3A_45 : i32
      "tpu.region"() ({
        %run_scoped3A = tpu.sem_alloc : memref<!tpu.dma_semaphore, #tpu.memory_space<semaphore_mem>>
        %dma_start3A_78 = arith.constant 0 : i32
        %dma_start3A_79 = tpu.memref_slice %arg4[%add3A_46, %dma_start3A_78] : memref<688128x64xf32, #tpu.memory_space<hbm>> -> memref<128x64xf32, #tpu.memory_space<hbm>>
        %dma_start3A_80 = arith.constant 0 : i32
        %dma_start3A_81 = tpu.memref_slice %arg4[%add3A_46, %dma_start3A_80] : memref<688128x64xf32, #tpu.memory_space<hbm>> -> memref<128x64xf32, #tpu.memory_space<hbm>>
        tpu.enqueue_dma source(%arg7 : memref<128x64xf32, #tpu.memory_space<vmem>>) target(%dma_start3A_81 : memref<128x64xf32, #tpu.memory_space<hbm>>) target_semaphore(%run_scoped3A : memref<!tpu.dma_semaphore, #tpu.memory_space<semaphore_mem>>)
        %dma_wait3A_82 = arith.constant 0 : i32
        %dma_wait3A_83 = tpu.memref_slice %arg4[%add3A_46, %dma_wait3A_82] : memref<688128x64xf32, #tpu.memory_space<hbm>> -> memref<128x64xf32, #tpu.memory_space<hbm>>
        %dma_wait3A_84 = arith.constant 0 : i32
        %dma_wait3A_85 = tpu.memref_slice %arg4[%add3A_46, %dma_wait3A_84] : memref<688128x64xf32, #tpu.memory_space<hbm>> -> memref<128x64xf32, #tpu.memory_space<hbm>>
        tpu.wait_dma2 semaphore(%run_scoped3A : memref<!tpu.dma_semaphore, #tpu.memory_space<semaphore_mem>>) src(%arg7 : memref<128x64xf32, #tpu.memory_space<vmem>>) dst(%dma_wait3A_85 : memref<128x64xf32, #tpu.memory_space<hbm>>)
        tpu.yield
      }) : () -> ()
      %dma_start3A_47 = arith.constant 256 : i32
      %dma_start3A_48 = tpu.memref_slice %arg6[%dma_start3A_47] : memref<512xi32, #tpu.memory_space<vmem>> -> memref<128xi32, #tpu.memory_space<vmem>>
      %dma_start3A_49 = arith.constant 0 : i32
      %dma_start3A_50 = arith.constant 0 : i32
      %dma_start3A_51 = tpu.memref_slice %arg3[%dma_start3A_49, %dma_start3A_50] : memref<200000x64xf32, #tpu.memory_space<hbm>> -> memref<200000x64xf32, #tpu.memory_space<hbm>>
      tpu.enqueue_indirect_dma source(%dma_start3A_51 : memref<200000x64xf32, #tpu.memory_space<hbm>>) target(%arg7 : memref<128x64xf32, #tpu.memory_space<vmem>>) offsets(%dma_start3A_48 : memref<128xi32, #tpu.memory_space<vmem>>) semaphore(%arg9 : memref<!tpu.dma_semaphore, #tpu.memory_space<semaphore_mem>>)
      %dma_wait3A_52 = arith.constant 128 : i32
      %dma_wait3A_53 = tpu.memref_slice %arg6[%dma_wait3A_52] : memref<512xi32, #tpu.memory_space<vmem>> -> memref<128xi32, #tpu.memory_space<vmem>>
      %dma_wait3A_54 = arith.constant 0 : i32
      %dma_wait3A_55 = arith.constant 0 : i32
      %dma_wait3A_56 = tpu.memref_slice %arg3[%dma_wait3A_54, %dma_wait3A_55] : memref<200000x64xf32, #tpu.memory_space<hbm>> -> memref<200000x64xf32, #tpu.memory_space<hbm>>
      tpu.wait_indirect_dma semaphore(%arg10 : memref<!tpu.dma_semaphore, #tpu.memory_space<semaphore_mem>>) src(%dma_wait3A_56 : memref<200000x64xf32, #tpu.memory_space<hbm>>) dst(%arg8 : memref<128x64xf32, #tpu.memory_space<vmem>>)
      %add3A_57 = arith.constant 128 : i32
      %add3A_58 = arith.addi %add3A_29, %add3A_57 : i32
      "tpu.region"() ({
        %run_scoped3A = tpu.sem_alloc : memref<!tpu.dma_semaphore, #tpu.memory_space<semaphore_mem>>
        %dma_start3A_78 = arith.constant 0 : i32
        %dma_start3A_79 = tpu.memref_slice %arg4[%add3A_58, %dma_start3A_78] : memref<688128x64xf32, #tpu.memory_space<hbm>> -> memref<128x64xf32, #tpu.memory_space<hbm>>
        %dma_start3A_80 = arith.constant 0 : i32
        %dma_start3A_81 = tpu.memref_slice %arg4[%add3A_58, %dma_start3A_80] : memref<688128x64xf32, #tpu.memory_space<hbm>> -> memref<128x64xf32, #tpu.memory_space<hbm>>
        tpu.enqueue_dma source(%arg8 : memref<128x64xf32, #tpu.memory_space<vmem>>) target(%dma_start3A_81 : memref<128x64xf32, #tpu.memory_space<hbm>>) target_semaphore(%run_scoped3A : memref<!tpu.dma_semaphore, #tpu.memory_space<semaphore_mem>>)
        %dma_wait3A_82 = arith.constant 0 : i32
        %dma_wait3A_83 = tpu.memref_slice %arg4[%add3A_58, %dma_wait3A_82] : memref<688128x64xf32, #tpu.memory_space<hbm>> -> memref<128x64xf32, #tpu.memory_space<hbm>>
        %dma_wait3A_84 = arith.constant 0 : i32
        %dma_wait3A_85 = tpu.memref_slice %arg4[%add3A_58, %dma_wait3A_84] : memref<688128x64xf32, #tpu.memory_space<hbm>> -> memref<128x64xf32, #tpu.memory_space<hbm>>
        tpu.wait_dma2 semaphore(%run_scoped3A : memref<!tpu.dma_semaphore, #tpu.memory_space<semaphore_mem>>) src(%arg8 : memref<128x64xf32, #tpu.memory_space<vmem>>) dst(%dma_wait3A_85 : memref<128x64xf32, #tpu.memory_space<hbm>>)
        tpu.yield
      }) : () -> ()
      %dma_start3A_59 = arith.constant 384 : i32
      %dma_start3A_60 = tpu.memref_slice %arg6[%dma_start3A_59] : memref<512xi32, #tpu.memory_space<vmem>> -> memref<128xi32, #tpu.memory_space<vmem>>
      %dma_start3A_61 = arith.constant 0 : i32
      %dma_start3A_62 = arith.constant 0 : i32
      %dma_start3A_63 = tpu.memref_slice %arg3[%dma_start3A_61, %dma_start3A_62] : memref<200000x64xf32, #tpu.memory_space<hbm>> -> memref<200000x64xf32, #tpu.memory_space<hbm>>
      tpu.enqueue_indirect_dma source(%dma_start3A_63 : memref<200000x64xf32, #tpu.memory_space<hbm>>) target(%arg8 : memref<128x64xf32, #tpu.memory_space<vmem>>) offsets(%dma_start3A_60 : memref<128xi32, #tpu.memory_space<vmem>>) semaphore(%arg10 : memref<!tpu.dma_semaphore, #tpu.memory_space<semaphore_mem>>)
      %dma_wait3A_64 = arith.constant 256 : i32
      %dma_wait3A_65 = tpu.memref_slice %arg6[%dma_wait3A_64] : memref<512xi32, #tpu.memory_space<vmem>> -> memref<128xi32, #tpu.memory_space<vmem>>
      %dma_wait3A_66 = arith.constant 0 : i32
      %dma_wait3A_67 = arith.constant 0 : i32
      %dma_wait3A_68 = tpu.memref_slice %arg3[%dma_wait3A_66, %dma_wait3A_67] : memref<200000x64xf32, #tpu.memory_space<hbm>> -> memref<200000x64xf32, #tpu.memory_space<hbm>>
      tpu.wait_indirect_dma semaphore(%arg9 : memref<!tpu.dma_semaphore, #tpu.memory_space<semaphore_mem>>) src(%dma_wait3A_68 : memref<200000x64xf32, #tpu.memory_space<hbm>>) dst(%arg7 : memref<128x64xf32, #tpu.memory_space<vmem>>)
      %add3A_69 = arith.constant 256 : i32
      %add3A_70 = arith.addi %add3A_29, %add3A_69 : i32
      "tpu.region"() ({
        %run_scoped3A = tpu.sem_alloc : memref<!tpu.dma_semaphore, #tpu.memory_space<semaphore_mem>>
        %dma_start3A_78 = arith.constant 0 : i32
        %dma_start3A_79 = tpu.memref_slice %arg4[%add3A_70, %dma_start3A_78] : memref<688128x64xf32, #tpu.memory_space<hbm>> -> memref<128x64xf32, #tpu.memory_space<hbm>>
        %dma_start3A_80 = arith.constant 0 : i32
        %dma_start3A_81 = tpu.memref_slice %arg4[%add3A_70, %dma_start3A_80] : memref<688128x64xf32, #tpu.memory_space<hbm>> -> memref<128x64xf32, #tpu.memory_space<hbm>>
        tpu.enqueue_dma source(%arg7 : memref<128x64xf32, #tpu.memory_space<vmem>>) target(%dma_start3A_81 : memref<128x64xf32, #tpu.memory_space<hbm>>) target_semaphore(%run_scoped3A : memref<!tpu.dma_semaphore, #tpu.memory_space<semaphore_mem>>)
        %dma_wait3A_82 = arith.constant 0 : i32
        %dma_wait3A_83 = tpu.memref_slice %arg4[%add3A_70, %dma_wait3A_82] : memref<688128x64xf32, #tpu.memory_space<hbm>> -> memref<128x64xf32, #tpu.memory_space<hbm>>
        %dma_wait3A_84 = arith.constant 0 : i32
        %dma_wait3A_85 = tpu.memref_slice %arg4[%add3A_70, %dma_wait3A_84] : memref<688128x64xf32, #tpu.memory_space<hbm>> -> memref<128x64xf32, #tpu.memory_space<hbm>>
        tpu.wait_dma2 semaphore(%run_scoped3A : memref<!tpu.dma_semaphore, #tpu.memory_space<semaphore_mem>>) src(%arg7 : memref<128x64xf32, #tpu.memory_space<vmem>>) dst(%dma_wait3A_85 : memref<128x64xf32, #tpu.memory_space<hbm>>)
        tpu.yield
      }) : () -> ()
      %dma_wait3A_71 = arith.constant 384 : i32
      %dma_wait3A_72 = tpu.memref_slice %arg6[%dma_wait3A_71] : memref<512xi32, #tpu.memory_space<vmem>> -> memref<128xi32, #tpu.memory_space<vmem>>
      %dma_wait3A_73 = arith.constant 0 : i32
      %dma_wait3A_74 = arith.constant 0 : i32
      %dma_wait3A_75 = tpu.memref_slice %arg3[%dma_wait3A_73, %dma_wait3A_74] : memref<200000x64xf32, #tpu.memory_space<hbm>> -> memref<200000x64xf32, #tpu.memory_space<hbm>>
      tpu.wait_indirect_dma semaphore(%arg10 : memref<!tpu.dma_semaphore, #tpu.memory_space<semaphore_mem>>) src(%dma_wait3A_75 : memref<200000x64xf32, #tpu.memory_space<hbm>>) dst(%arg8 : memref<128x64xf32, #tpu.memory_space<vmem>>)
      %add3A_76 = arith.constant 384 : i32
      %add3A_77 = arith.addi %add3A_29, %add3A_76 : i32
      "tpu.region"() ({
        %run_scoped3A = tpu.sem_alloc : memref<!tpu.dma_semaphore, #tpu.memory_space<semaphore_mem>>
        %dma_start3A_78 = arith.constant 0 : i32
        %dma_start3A_79 = tpu.memref_slice %arg4[%add3A_77, %dma_start3A_78] : memref<688128x64xf32, #tpu.memory_space<hbm>> -> memref<128x64xf32, #tpu.memory_space<hbm>>
        %dma_start3A_80 = arith.constant 0 : i32
        %dma_start3A_81 = tpu.memref_slice %arg4[%add3A_77, %dma_start3A_80] : memref<688128x64xf32, #tpu.memory_space<hbm>> -> memref<128x64xf32, #tpu.memory_space<hbm>>
        tpu.enqueue_dma source(%arg8 : memref<128x64xf32, #tpu.memory_space<vmem>>) target(%dma_start3A_81 : memref<128x64xf32, #tpu.memory_space<hbm>>) target_semaphore(%run_scoped3A : memref<!tpu.dma_semaphore, #tpu.memory_space<semaphore_mem>>)
        %dma_wait3A_82 = arith.constant 0 : i32
        %dma_wait3A_83 = tpu.memref_slice %arg4[%add3A_77, %dma_wait3A_82] : memref<688128x64xf32, #tpu.memory_space<hbm>> -> memref<128x64xf32, #tpu.memory_space<hbm>>
        %dma_wait3A_84 = arith.constant 0 : i32
        %dma_wait3A_85 = tpu.memref_slice %arg4[%add3A_77, %dma_wait3A_84] : memref<688128x64xf32, #tpu.memory_space<hbm>> -> memref<128x64xf32, #tpu.memory_space<hbm>>
        tpu.wait_dma2 semaphore(%run_scoped3A : memref<!tpu.dma_semaphore, #tpu.memory_space<semaphore_mem>>) src(%arg8 : memref<128x64xf32, #tpu.memory_space<vmem>>) dst(%dma_wait3A_85 : memref<128x64xf32, #tpu.memory_space<hbm>>)
        tpu.yield
      }) : () -> ()
    }
    %scan3A_5 = arith.constant 42 : i32
    %mul3A_6 = arith.constant 16 : i32
    %mul3A_7 = arith.muli %add3A, %mul3A_6 : i32
    %add3A_8 = arith.constant 688128 : i32
    %add3A_9 = arith.addi %add3A_8, %mul3A_7 : i32
    "tpu.region"() ({
      %run_scoped3A = tpu.sem_alloc : memref<!tpu.dma_semaphore, #tpu.memory_space<semaphore_mem>>
      %dma_start3A_24 = arith.constant 0 : i32
      %dma_start3A_25 = tpu.memref_slice %arg6[%dma_start3A_24] : memref<512xi32, #tpu.memory_space<vmem>> -> memref<16xi32, #tpu.memory_space<vmem>>
      %dma_start3A_26 = tpu.memref_slice %arg2[%add3A_9] : memref<688640xi32, #tpu.memory_space<hbm>> -> memref<16xi32, #tpu.memory_space<hbm>>
      %dma_start3A_27 = arith.constant 0 : i32
      %dma_start3A_28 = tpu.memref_slice %arg6[%dma_start3A_27] : memref<512xi32, #tpu.memory_space<vmem>> -> memref<16xi32, #tpu.memory_space<vmem>>
      %dma_start3A_29 = tpu.memref_slice %arg2[%add3A_9] : memref<688640xi32, #tpu.memory_space<hbm>> -> memref<16xi32, #tpu.memory_space<hbm>>
      tpu.enqueue_dma source(%dma_start3A_29 : memref<16xi32, #tpu.memory_space<hbm>>) target(%dma_start3A_28 : memref<16xi32, #tpu.memory_space<vmem>>) target_semaphore(%run_scoped3A : memref<!tpu.dma_semaphore, #tpu.memory_space<semaphore_mem>>)
      %dma_wait3A_30 = arith.constant 0 : i32
      %dma_wait3A_31 = tpu.memref_slice %arg6[%dma_wait3A_30] : memref<512xi32, #tpu.memory_space<vmem>> -> memref<16xi32, #tpu.memory_space<vmem>>
      %dma_wait3A_32 = tpu.memref_slice %arg2[%add3A_9] : memref<688640xi32, #tpu.memory_space<hbm>> -> memref<16xi32, #tpu.memory_space<hbm>>
      %dma_wait3A_33 = arith.constant 0 : i32
      %dma_wait3A_34 = tpu.memref_slice %arg6[%dma_wait3A_33] : memref<512xi32, #tpu.memory_space<vmem>> -> memref<16xi32, #tpu.memory_space<vmem>>
      %dma_wait3A_35 = tpu.memref_slice %arg2[%add3A_9] : memref<688640xi32, #tpu.memory_space<hbm>> -> memref<16xi32, #tpu.memory_space<hbm>>
      tpu.wait_dma2 semaphore(%run_scoped3A : memref<!tpu.dma_semaphore, #tpu.memory_space<semaphore_mem>>) src(%dma_wait3A_35 : memref<16xi32, #tpu.memory_space<hbm>>) dst(%dma_wait3A_34 : memref<16xi32, #tpu.memory_space<vmem>>)
      tpu.yield
    }) : () -> ()
    %dma_start3A = arith.constant 0 : i32
    %dma_start3A_10 = arith.constant 0 : i32
    %dma_start3A_11 = tpu.memref_slice %arg7[%dma_start3A, %dma_start3A_10] : memref<128x64xf32, #tpu.memory_space<vmem>> -> memref<16x64xf32, #tpu.memory_space<vmem>>
    %dma_start3A_12 = arith.constant 0 : i32
    %dma_start3A_13 = tpu.memref_slice %arg6[%dma_start3A_12] : memref<512xi32, #tpu.memory_space<vmem>> -> memref<16xi32, #tpu.memory_space<vmem>>
    %dma_start3A_14 = arith.constant 0 : i32
    %dma_start3A_15 = arith.constant 0 : i32
    %dma_start3A_16 = tpu.memref_slice %arg3[%dma_start3A_14, %dma_start3A_15] : memref<200000x64xf32, #tpu.memory_space<hbm>> -> memref<200000x64xf32, #tpu.memory_space<hbm>>
    tpu.enqueue_indirect_dma source(%dma_start3A_16 : memref<200000x64xf32, #tpu.memory_space<hbm>>) target(%dma_start3A_11 : memref<16x64xf32, #tpu.memory_space<vmem>>) offsets(%dma_start3A_13 : memref<16xi32, #tpu.memory_space<vmem>>) semaphore(%arg9 : memref<!tpu.dma_semaphore, #tpu.memory_space<semaphore_mem>>)
    %dma_wait3A = arith.constant 0 : i32
    %dma_wait3A_17 = arith.constant 0 : i32
    %dma_wait3A_18 = tpu.memref_slice %arg7[%dma_wait3A, %dma_wait3A_17] : memref<128x64xf32, #tpu.memory_space<vmem>> -> memref<16x64xf32, #tpu.memory_space<vmem>>
    %dma_wait3A_19 = arith.constant 0 : i32
    %dma_wait3A_20 = tpu.memref_slice %arg6[%dma_wait3A_19] : memref<512xi32, #tpu.memory_space<vmem>> -> memref<16xi32, #tpu.memory_space<vmem>>
    %dma_wait3A_21 = arith.constant 0 : i32
    %dma_wait3A_22 = arith.constant 0 : i32
    %dma_wait3A_23 = tpu.memref_slice %arg3[%dma_wait3A_21, %dma_wait3A_22] : memref<200000x64xf32, #tpu.memory_space<hbm>> -> memref<200000x64xf32, #tpu.memory_space<hbm>>
    tpu.wait_indirect_dma semaphore(%arg9 : memref<!tpu.dma_semaphore, #tpu.memory_space<semaphore_mem>>) src(%dma_wait3A_23 : memref<200000x64xf32, #tpu.memory_space<hbm>>) dst(%dma_wait3A_18 : memref<16x64xf32, #tpu.memory_space<vmem>>)
    "tpu.region"() ({
      %run_scoped3A = tpu.sem_alloc : memref<!tpu.dma_semaphore, #tpu.memory_space<semaphore_mem>>
      %dma_start3A_24 = arith.constant 0 : i32
      %dma_start3A_25 = arith.constant 0 : i32
      %dma_start3A_26 = tpu.memref_slice %arg7[%dma_start3A_24, %dma_start3A_25] : memref<128x64xf32, #tpu.memory_space<vmem>> -> memref<16x64xf32, #tpu.memory_space<vmem>>
      %dma_start3A_27 = arith.constant 0 : i32
      %dma_start3A_28 = tpu.memref_slice %arg5[%mul3A_7, %dma_start3A_27] : memref<512x64xf32, #tpu.memory_space<hbm>> -> memref<16x64xf32, #tpu.memory_space<hbm>>
      %dma_start3A_29 = arith.constant 0 : i32
      %dma_start3A_30 = tpu.memref_slice %arg5[%mul3A_7, %dma_start3A_29] : memref<512x64xf32, #tpu.memory_space<hbm>> -> memref<16x64xf32, #tpu.memory_space<hbm>>
      %dma_start3A_31 = arith.constant 0 : i32
      %dma_start3A_32 = arith.constant 0 : i32
      %dma_start3A_33 = tpu.memref_slice %arg7[%dma_start3A_31, %dma_start3A_32] : memref<128x64xf32, #tpu.memory_space<vmem>> -> memref<16x64xf32, #tpu.memory_space<vmem>>
      tpu.enqueue_dma source(%dma_start3A_33 : memref<16x64xf32, #tpu.memory_space<vmem>>) target(%dma_start3A_30 : memref<16x64xf32, #tpu.memory_space<hbm>>) target_semaphore(%run_scoped3A : memref<!tpu.dma_semaphore, #tpu.memory_space<semaphore_mem>>)
      %dma_wait3A_34 = arith.constant 0 : i32
      %dma_wait3A_35 = arith.constant 0 : i32
      %dma_wait3A_36 = tpu.memref_slice %arg7[%dma_wait3A_34, %dma_wait3A_35] : memref<128x64xf32, #tpu.memory_space<vmem>> -> memref<16x64xf32, #tpu.memory_space<vmem>>
      %dma_wait3A_37 = arith.constant 0 : i32
      %dma_wait3A_38 = tpu.memref_slice %arg5[%mul3A_7, %dma_wait3A_37] : memref<512x64xf32, #tpu.memory_space<hbm>> -> memref<16x64xf32, #tpu.memory_space<hbm>>
      %dma_wait3A_39 = arith.constant 0 : i32
      %dma_wait3A_40 = tpu.memref_slice %arg5[%mul3A_7, %dma_wait3A_39] : memref<512x64xf32, #tpu.memory_space<hbm>> -> memref<16x64xf32, #tpu.memory_space<hbm>>
      %dma_wait3A_41 = arith.constant 0 : i32
      %dma_wait3A_42 = arith.constant 0 : i32
      %dma_wait3A_43 = tpu.memref_slice %arg7[%dma_wait3A_41, %dma_wait3A_42] : memref<128x64xf32, #tpu.memory_space<vmem>> -> memref<16x64xf32, #tpu.memory_space<vmem>>
      tpu.wait_dma2 semaphore(%run_scoped3A : memref<!tpu.dma_semaphore, #tpu.memory_space<semaphore_mem>>) src(%dma_wait3A_43 : memref<16x64xf32, #tpu.memory_space<vmem>>) dst(%dma_wait3A_40 : memref<16x64xf32, #tpu.memory_space<hbm>>)
      tpu.yield
    }) : () -> ()
    return
  }
}

#map = affine_map<(d0, d1) -> (0)>
#map1 = affine_map<(d0, d1) -> (0, 0)>
module attributes {stable_mosaic.version = 14 : i64} {
  func.func @_sc_gather(%arg0: i32, %arg1: i32, %arg2: memref<688640xi32, #tpu.memory_space<hbm>>, %arg3: memref<200000x64xf32, #tpu.memory_space<hbm>>, %arg4: memref<688128x64xf32, #tpu.memory_space<hbm>>, %arg5: memref<512x64xf32, #tpu.memory_space<hbm>>, %arg6: memref<512xi32, #tpu.memory_space<vmem>>, %arg7: memref<128x64xf32, #tpu.memory_space<vmem>>, %arg8: memref<128x64xf32, #tpu.memory_space<vmem>>, %arg9: memref<!tpu.dma_semaphore, #tpu.memory_space<semaphore_mem>>, %arg10: memref<!tpu.dma_semaphore, #tpu.memory_space<semaphore_mem>>) attributes {dimension_semantics = [#tpu.dimension_semantics<core_parallel>, #tpu.dimension_semantics<subcore_parallel>], iteration_bounds = array<i64: 2, 16>, scalar_prefetch = 0 : i64, scratch_operands = 5 : i64, tpu.core_type = #tpu.core_type<sc_vector_subcore>, window_params = [{transform_indices = #map}, {transform_indices = #map1}, {transform_indices = #map1}, {transform_indices = #map1}]} {
    %mul3A = arith.constant 2 : i32
    %mul3A_0 = arith.muli %arg1, %mul3A : i32
    %add3A = arith.addi %mul3A_0, %arg0 : i32
    %scan3A = arith.constant 0 : i32
    %scan3A_1 = arith.constant 0 : i32
    %scan3A_2 = arith.constant 42 : i32
    %scan3A_3 = arith.addi %scan3A_1, %scan3A_2 : i32
    %scan3A_4 = arith.constant 1 : i32
    scf.for %scan3A_24 = %scan3A_1 to %scan3A_3 step %scan3A_4  : i32 {
      %mul3A_25 = arith.constant 16384 : i32
      %mul3A_26 = arith.muli %scan3A_24, %mul3A_25 : i32
      %mul3A_27 = arith.constant 512 : i32
      %mul3A_28 = arith.muli %add3A, %mul3A_27 : i32
      %add3A_29 = arith.addi %mul3A_26, %mul3A_28 : i32
      "tpu.region"() ({
        %run_scoped3A = tpu.sem_alloc : memref<!tpu.dma_semaphore, #tpu.memory_space<semaphore_mem>>
        %dma_start3A_78 = tpu.memref_slice %arg2[%add3A_29] : memref<688640xi32, #tpu.memory_space<hbm>> -> memref<512xi32, #tpu.memory_space<hbm>>
        %dma_start3A_79 = tpu.memref_slice %arg2[%add3A_29] : memref<688640xi32, #tpu.memory_space<hbm>> -> memref<512xi32, #tpu.memory_space<hbm>>
        tpu.enqueue_dma source(%dma_start3A_79 : memref<512xi32, #tpu.memory_space<hbm>>) target(%arg6 : memref<512xi32, #tpu.memory_space<vmem>>) target_semaphore(%run_scoped3A : memref<!tpu.dma_semaphore, #tpu.memory_space<semaphore_mem>>)
        %dma_wait3A_80 = tpu.memref_slice %arg2[%add3A_29] : memref<688640xi32, #tpu.memory_space<hbm>> -> memref<512xi32, #tpu.memory_space<hbm>>
        %dma_wait3A_81 = tpu.memref_slice %arg2[%add3A_29] : memref<688640xi32, #tpu.memory_space<hbm>> -> memref<512xi32, #tpu.memory_space<hbm>>
        tpu.wait_dma2 semaphore(%run_scoped3A : memref<!tpu.dma_semaphore, #tpu.memory_space<semaphore_mem>>) src(%dma_wait3A_81 : memref<512xi32, #tpu.memory_space<hbm>>) dst(%arg6 : memref<512xi32, #tpu.memory_space<vmem>>)
        tpu.yield
      }) : () -> ()
      %dma_start3A_30 = arith.constant 0 : i32
      %dma_start3A_31 = tpu.memref_slice %arg6[%dma_start3A_30] : memref<512xi32, #tpu.memory_space<vmem>> -> memref<128xi32, #tpu.memory_space<vmem>>
      %dma_start3A_32 = arith.constant 0 : i32
      %dma_start3A_33 = arith.constant 0 : i32
      %dma_start3A_34 = tpu.memref_slice %arg3[%dma_start3A_32, %dma_start3A_33] : memref<200000x64xf32, #tpu.memory_space<hbm>> -> memref<200000x64xf32, #tpu.memory_space<hbm>>
      tpu.enqueue_indirect_dma source(%dma_start3A_34 : memref<200000x64xf32, #tpu.memory_space<hbm>>) target(%arg7 : memref<128x64xf32, #tpu.memory_space<vmem>>) offsets(%dma_start3A_31 : memref<128xi32, #tpu.memory_space<vmem>>) semaphore(%arg9 : memref<!tpu.dma_semaphore, #tpu.memory_space<semaphore_mem>>)
      %dma_start3A_35 = arith.constant 128 : i32
      %dma_start3A_36 = tpu.memref_slice %arg6[%dma_start3A_35] : memref<512xi32, #tpu.memory_space<vmem>> -> memref<128xi32, #tpu.memory_space<vmem>>
      %dma_start3A_37 = arith.constant 0 : i32
      %dma_start3A_38 = arith.constant 0 : i32
      %dma_start3A_39 = tpu.memref_slice %arg3[%dma_start3A_37, %dma_start3A_38] : memref<200000x64xf32, #tpu.memory_space<hbm>> -> memref<200000x64xf32, #tpu.memory_space<hbm>>
      tpu.enqueue_indirect_dma source(%dma_start3A_39 : memref<200000x64xf32, #tpu.memory_space<hbm>>) target(%arg8 : memref<128x64xf32, #tpu.memory_space<vmem>>) offsets(%dma_start3A_36 : memref<128xi32, #tpu.memory_space<vmem>>) semaphore(%arg10 : memref<!tpu.dma_semaphore, #tpu.memory_space<semaphore_mem>>)
      %dma_wait3A_40 = arith.constant 0 : i32
      %dma_wait3A_41 = tpu.memref_slice %arg6[%dma_wait3A_40] : memref<512xi32, #tpu.memory_space<vmem>> -> memref<128xi32, #tpu.memory_space<vmem>>
      %dma_wait3A_42 = arith.constant 0 : i32
      %dma_wait3A_43 = arith.constant 0 : i32
      %dma_wait3A_44 = tpu.memref_slice %arg3[%dma_wait3A_42, %dma_wait3A_43] : memref<200000x64xf32, #tpu.memory_space<hbm>> -> memref<200000x64xf32, #tpu.memory_space<hbm>>
      tpu.wait_indirect_dma semaphore(%arg9 : memref<!tpu.dma_semaphore, #tpu.memory_space<semaphore_mem>>) src(%dma_wait3A_44 : memref<200000x64xf32, #tpu.memory_space<hbm>>) dst(%arg7 : memref<128x64xf32, #tpu.memory_space<vmem>>)
      %add3A_45 = arith.constant 0 : i32
      %add3A_46 = arith.addi %add3A_29, %add3A_45 : i32
      "tpu.region"() ({
        %run_scoped3A = tpu.sem_alloc : memref<!tpu.dma_semaphore, #tpu.memory_space<semaphore_mem>>
        %dma_start3A_78 = arith.constant 0 : i32
        %dma_start3A_79 = tpu.memref_slice %arg4[%add3A_46, %dma_start3A_78] : memref<688128x64xf32, #tpu.memory_space<hbm>> -> memref<128x64xf32, #tpu.memory_space<hbm>>
        %dma_start3A_80 = arith.constant 0 : i32
        %dma_start3A_81 = tpu.memref_slice %arg4[%add3A_46, %dma_start3A_80] : memref<688128x64xf32, #tpu.memory_space<hbm>> -> memref<128x64xf32, #tpu.memory_space<hbm>>
        tpu.enqueue_dma source(%arg7 : memref<128x64xf32, #tpu.memory_space<vmem>>) target(%dma_start3A_81 : memref<128x64xf32, #tpu.memory_space<hbm>>) target_semaphore(%run_scoped3A : memref<!tpu.dma_semaphore, #tpu.memory_space<semaphore_mem>>)
        %dma_wait3A_82 = arith.constant 0 : i32
        %dma_wait3A_83 = tpu.memref_slice %arg4[%add3A_46, %dma_wait3A_82] : memref<688128x64xf32, #tpu.memory_space<hbm>> -> memref<128x64xf32, #tpu.memory_space<hbm>>
        %dma_wait3A_84 = arith.constant 0 : i32
        %dma_wait3A_85 = tpu.memref_slice %arg4[%add3A_46, %dma_wait3A_84] : memref<688128x64xf32, #tpu.memory_space<hbm>> -> memref<128x64xf32, #tpu.memory_space<hbm>>
        tpu.wait_dma2 semaphore(%run_scoped3A : memref<!tpu.dma_semaphore, #tpu.memory_space<semaphore_mem>>) src(%arg7 : memref<128x64xf32, #tpu.memory_space<vmem>>) dst(%dma_wait3A_85 : memref<128x64xf32, #tpu.memory_space<hbm>>)
        tpu.yield
      }) : () -> ()
      %dma_start3A_47 = arith.constant 256 : i32
      %dma_start3A_48 = tpu.memref_slice %arg6[%dma_start3A_47] : memref<512xi32, #tpu.memory_space<vmem>> -> memref<128xi32, #tpu.memory_space<vmem>>
      %dma_start3A_49 = arith.constant 0 : i32
      %dma_start3A_50 = arith.constant 0 : i32
      %dma_start3A_51 = tpu.memref_slice %arg3[%dma_start3A_49, %dma_start3A_50] : memref<200000x64xf32, #tpu.memory_space<hbm>> -> memref<200000x64xf32, #tpu.memory_space<hbm>>
      tpu.enqueue_indirect_dma source(%dma_start3A_51 : memref<200000x64xf32, #tpu.memory_space<hbm>>) target(%arg7 : memref<128x64xf32, #tpu.memory_space<vmem>>) offsets(%dma_start3A_48 : memref<128xi32, #tpu.memory_space<vmem>>) semaphore(%arg9 : memref<!tpu.dma_semaphore, #tpu.memory_space<semaphore_mem>>)
      %dma_wait3A_52 = arith.constant 128 : i32
      %dma_wait3A_53 = tpu.memref_slice %arg6[%dma_wait3A_52] : memref<512xi32, #tpu.memory_space<vmem>> -> memref<128xi32, #tpu.memory_space<vmem>>
      %dma_wait3A_54 = arith.constant 0 : i32
      %dma_wait3A_55 = arith.constant 0 : i32
      %dma_wait3A_56 = tpu.memref_slice %arg3[%dma_wait3A_54, %dma_wait3A_55] : memref<200000x64xf32, #tpu.memory_space<hbm>> -> memref<200000x64xf32, #tpu.memory_space<hbm>>
      tpu.wait_indirect_dma semaphore(%arg10 : memref<!tpu.dma_semaphore, #tpu.memory_space<semaphore_mem>>) src(%dma_wait3A_56 : memref<200000x64xf32, #tpu.memory_space<hbm>>) dst(%arg8 : memref<128x64xf32, #tpu.memory_space<vmem>>)
      %add3A_57 = arith.constant 128 : i32
      %add3A_58 = arith.addi %add3A_29, %add3A_57 : i32
      "tpu.region"() ({
        %run_scoped3A = tpu.sem_alloc : memref<!tpu.dma_semaphore, #tpu.memory_space<semaphore_mem>>
        %dma_start3A_78 = arith.constant 0 : i32
        %dma_start3A_79 = tpu.memref_slice %arg4[%add3A_58, %dma_start3A_78] : memref<688128x64xf32, #tpu.memory_space<hbm>> -> memref<128x64xf32, #tpu.memory_space<hbm>>
        %dma_start3A_80 = arith.constant 0 : i32
        %dma_start3A_81 = tpu.memref_slice %arg4[%add3A_58, %dma_start3A_80] : memref<688128x64xf32, #tpu.memory_space<hbm>> -> memref<128x64xf32, #tpu.memory_space<hbm>>
        tpu.enqueue_dma source(%arg8 : memref<128x64xf32, #tpu.memory_space<vmem>>) target(%dma_start3A_81 : memref<128x64xf32, #tpu.memory_space<hbm>>) target_semaphore(%run_scoped3A : memref<!tpu.dma_semaphore, #tpu.memory_space<semaphore_mem>>)
        %dma_wait3A_82 = arith.constant 0 : i32
        %dma_wait3A_83 = tpu.memref_slice %arg4[%add3A_58, %dma_wait3A_82] : memref<688128x64xf32, #tpu.memory_space<hbm>> -> memref<128x64xf32, #tpu.memory_space<hbm>>
        %dma_wait3A_84 = arith.constant 0 : i32
        %dma_wait3A_85 = tpu.memref_slice %arg4[%add3A_58, %dma_wait3A_84] : memref<688128x64xf32, #tpu.memory_space<hbm>> -> memref<128x64xf32, #tpu.memory_space<hbm>>
        tpu.wait_dma2 semaphore(%run_scoped3A : memref<!tpu.dma_semaphore, #tpu.memory_space<semaphore_mem>>) src(%arg8 : memref<128x64xf32, #tpu.memory_space<vmem>>) dst(%dma_wait3A_85 : memref<128x64xf32, #tpu.memory_space<hbm>>)
        tpu.yield
      }) : () -> ()
      %dma_start3A_59 = arith.constant 384 : i32
      %dma_start3A_60 = tpu.memref_slice %arg6[%dma_start3A_59] : memref<512xi32, #tpu.memory_space<vmem>> -> memref<128xi32, #tpu.memory_space<vmem>>
      %dma_start3A_61 = arith.constant 0 : i32
      %dma_start3A_62 = arith.constant 0 : i32
      %dma_start3A_63 = tpu.memref_slice %arg3[%dma_start3A_61, %dma_start3A_62] : memref<200000x64xf32, #tpu.memory_space<hbm>> -> memref<200000x64xf32, #tpu.memory_space<hbm>>
      tpu.enqueue_indirect_dma source(%dma_start3A_63 : memref<200000x64xf32, #tpu.memory_space<hbm>>) target(%arg8 : memref<128x64xf32, #tpu.memory_space<vmem>>) offsets(%dma_start3A_60 : memref<128xi32, #tpu.memory_space<vmem>>) semaphore(%arg10 : memref<!tpu.dma_semaphore, #tpu.memory_space<semaphore_mem>>)
      %dma_wait3A_64 = arith.constant 256 : i32
      %dma_wait3A_65 = tpu.memref_slice %arg6[%dma_wait3A_64] : memref<512xi32, #tpu.memory_space<vmem>> -> memref<128xi32, #tpu.memory_space<vmem>>
      %dma_wait3A_66 = arith.constant 0 : i32
      %dma_wait3A_67 = arith.constant 0 : i32
      %dma_wait3A_68 = tpu.memref_slice %arg3[%dma_wait3A_66, %dma_wait3A_67] : memref<200000x64xf32, #tpu.memory_space<hbm>> -> memref<200000x64xf32, #tpu.memory_space<hbm>>
      tpu.wait_indirect_dma semaphore(%arg9 : memref<!tpu.dma_semaphore, #tpu.memory_space<semaphore_mem>>) src(%dma_wait3A_68 : memref<200000x64xf32, #tpu.memory_space<hbm>>) dst(%arg7 : memref<128x64xf32, #tpu.memory_space<vmem>>)
      %add3A_69 = arith.constant 256 : i32
      %add3A_70 = arith.addi %add3A_29, %add3A_69 : i32
      "tpu.region"() ({
        %run_scoped3A = tpu.sem_alloc : memref<!tpu.dma_semaphore, #tpu.memory_space<semaphore_mem>>
        %dma_start3A_78 = arith.constant 0 : i32
        %dma_start3A_79 = tpu.memref_slice %arg4[%add3A_70, %dma_start3A_78] : memref<688128x64xf32, #tpu.memory_space<hbm>> -> memref<128x64xf32, #tpu.memory_space<hbm>>
        %dma_start3A_80 = arith.constant 0 : i32
        %dma_start3A_81 = tpu.memref_slice %arg4[%add3A_70, %dma_start3A_80] : memref<688128x64xf32, #tpu.memory_space<hbm>> -> memref<128x64xf32, #tpu.memory_space<hbm>>
        tpu.enqueue_dma source(%arg7 : memref<128x64xf32, #tpu.memory_space<vmem>>) target(%dma_start3A_81 : memref<128x64xf32, #tpu.memory_space<hbm>>) target_semaphore(%run_scoped3A : memref<!tpu.dma_semaphore, #tpu.memory_space<semaphore_mem>>)
        %dma_wait3A_82 = arith.constant 0 : i32
        %dma_wait3A_83 = tpu.memref_slice %arg4[%add3A_70, %dma_wait3A_82] : memref<688128x64xf32, #tpu.memory_space<hbm>> -> memref<128x64xf32, #tpu.memory_space<hbm>>
        %dma_wait3A_84 = arith.constant 0 : i32
        %dma_wait3A_85 = tpu.memref_slice %arg4[%add3A_70, %dma_wait3A_84] : memref<688128x64xf32, #tpu.memory_space<hbm>> -> memref<128x64xf32, #tpu.memory_space<hbm>>
        tpu.wait_dma2 semaphore(%run_scoped3A : memref<!tpu.dma_semaphore, #tpu.memory_space<semaphore_mem>>) src(%arg7 : memref<128x64xf32, #tpu.memory_space<vmem>>) dst(%dma_wait3A_85 : memref<128x64xf32, #tpu.memory_space<hbm>>)
        tpu.yield
      }) : () -> ()
      %dma_wait3A_71 = arith.constant 384 : i32
      %dma_wait3A_72 = tpu.memref_slice %arg6[%dma_wait3A_71] : memref<512xi32, #tpu.memory_space<vmem>> -> memref<128xi32, #tpu.memory_space<vmem>>
      %dma_wait3A_73 = arith.constant 0 : i32
      %dma_wait3A_74 = arith.constant 0 : i32
      %dma_wait3A_75 = tpu.memref_slice %arg3[%dma_wait3A_73, %dma_wait3A_74] : memref<200000x64xf32, #tpu.memory_space<hbm>> -> memref<200000x64xf32, #tpu.memory_space<hbm>>
      tpu.wait_indirect_dma semaphore(%arg10 : memref<!tpu.dma_semaphore, #tpu.memory_space<semaphore_mem>>) src(%dma_wait3A_75 : memref<200000x64xf32, #tpu.memory_space<hbm>>) dst(%arg8 : memref<128x64xf32, #tpu.memory_space<vmem>>)
      %add3A_76 = arith.constant 384 : i32
      %add3A_77 = arith.addi %add3A_29, %add3A_76 : i32
      "tpu.region"() ({
        %run_scoped3A = tpu.sem_alloc : memref<!tpu.dma_semaphore, #tpu.memory_space<semaphore_mem>>
        %dma_start3A_78 = arith.constant 0 : i32
        %dma_start3A_79 = tpu.memref_slice %arg4[%add3A_77, %dma_start3A_78] : memref<688128x64xf32, #tpu.memory_space<hbm>> -> memref<128x64xf32, #tpu.memory_space<hbm>>
        %dma_start3A_80 = arith.constant 0 : i32
        %dma_start3A_81 = tpu.memref_slice %arg4[%add3A_77, %dma_start3A_80] : memref<688128x64xf32, #tpu.memory_space<hbm>> -> memref<128x64xf32, #tpu.memory_space<hbm>>
        tpu.enqueue_dma source(%arg8 : memref<128x64xf32, #tpu.memory_space<vmem>>) target(%dma_start3A_81 : memref<128x64xf32, #tpu.memory_space<hbm>>) target_semaphore(%run_scoped3A : memref<!tpu.dma_semaphore, #tpu.memory_space<semaphore_mem>>)
        %dma_wait3A_82 = arith.constant 0 : i32
        %dma_wait3A_83 = tpu.memref_slice %arg4[%add3A_77, %dma_wait3A_82] : memref<688128x64xf32, #tpu.memory_space<hbm>> -> memref<128x64xf32, #tpu.memory_space<hbm>>
        %dma_wait3A_84 = arith.constant 0 : i32
        %dma_wait3A_85 = tpu.memref_slice %arg4[%add3A_77, %dma_wait3A_84] : memref<688128x64xf32, #tpu.memory_space<hbm>> -> memref<128x64xf32, #tpu.memory_space<hbm>>
        tpu.wait_dma2 semaphore(%run_scoped3A : memref<!tpu.dma_semaphore, #tpu.memory_space<semaphore_mem>>) src(%arg8 : memref<128x64xf32, #tpu.memory_space<vmem>>) dst(%dma_wait3A_85 : memref<128x64xf32, #tpu.memory_space<hbm>>)
        tpu.yield
      }) : () -> ()
    }
    %scan3A_5 = arith.constant 42 : i32
    %mul3A_6 = arith.constant 16 : i32
    %mul3A_7 = arith.muli %add3A, %mul3A_6 : i32
    %add3A_8 = arith.constant 688128 : i32
    %add3A_9 = arith.addi %add3A_8, %mul3A_7 : i32
    "tpu.region"() ({
      %run_scoped3A = tpu.sem_alloc : memref<!tpu.dma_semaphore, #tpu.memory_space<semaphore_mem>>
      %dma_start3A_24 = arith.constant 0 : i32
      %dma_start3A_25 = tpu.memref_slice %arg6[%dma_start3A_24] : memref<512xi32, #tpu.memory_space<vmem>> -> memref<16xi32, #tpu.memory_space<vmem>>
      %dma_start3A_26 = tpu.memref_slice %arg2[%add3A_9] : memref<688640xi32, #tpu.memory_space<hbm>> -> memref<16xi32, #tpu.memory_space<hbm>>
      %dma_start3A_27 = arith.constant 0 : i32
      %dma_start3A_28 = tpu.memref_slice %arg6[%dma_start3A_27] : memref<512xi32, #tpu.memory_space<vmem>> -> memref<16xi32, #tpu.memory_space<vmem>>
      %dma_start3A_29 = tpu.memref_slice %arg2[%add3A_9] : memref<688640xi32, #tpu.memory_space<hbm>> -> memref<16xi32, #tpu.memory_space<hbm>>
      tpu.enqueue_dma source(%dma_start3A_29 : memref<16xi32, #tpu.memory_space<hbm>>) target(%dma_start3A_28 : memref<16xi32, #tpu.memory_space<vmem>>) target_semaphore(%run_scoped3A : memref<!tpu.dma_semaphore, #tpu.memory_space<semaphore_mem>>)
      %dma_wait3A_30 = arith.constant 0 : i32
      %dma_wait3A_31 = tpu.memref_slice %arg6[%dma_wait3A_30] : memref<512xi32, #tpu.memory_space<vmem>> -> memref<16xi32, #tpu.memory_space<vmem>>
      %dma_wait3A_32 = tpu.memref_slice %arg2[%add3A_9] : memref<688640xi32, #tpu.memory_space<hbm>> -> memref<16xi32, #tpu.memory_space<hbm>>
      %dma_wait3A_33 = arith.constant 0 : i32
      %dma_wait3A_34 = tpu.memref_slice %arg6[%dma_wait3A_33] : memref<512xi32, #tpu.memory_space<vmem>> -> memref<16xi32, #tpu.memory_space<vmem>>
      %dma_wait3A_35 = tpu.memref_slice %arg2[%add3A_9] : memref<688640xi32, #tpu.memory_space<hbm>> -> memref<16xi32, #tpu.memory_space<hbm>>
      tpu.wait_dma2 semaphore(%run_scoped3A : memref<!tpu.dma_semaphore, #tpu.memory_space<semaphore_mem>>) src(%dma_wait3A_35 : memref<16xi32, #tpu.memory_space<hbm>>) dst(%dma_wait3A_34 : memref<16xi32, #tpu.memory_space<vmem>>)
      tpu.yield
    }) : () -> ()
    %dma_start3A = arith.constant 0 : i32
    %dma_start3A_10 = arith.constant 0 : i32
    %dma_start3A_11 = tpu.memref_slice %arg7[%dma_start3A, %dma_start3A_10] : memref<128x64xf32, #tpu.memory_space<vmem>> -> memref<16x64xf32, #tpu.memory_space<vmem>>
    %dma_start3A_12 = arith.constant 0 : i32
    %dma_start3A_13 = tpu.memref_slice %arg6[%dma_start3A_12] : memref<512xi32, #tpu.memory_space<vmem>> -> memref<16xi32, #tpu.memory_space<vmem>>
    %dma_start3A_14 = arith.constant 0 : i32
    %dma_start3A_15 = arith.constant 0 : i32
    %dma_start3A_16 = tpu.memref_slice %arg3[%dma_start3A_14, %dma_start3A_15] : memref<200000x64xf32, #tpu.memory_space<hbm>> -> memref<200000x64xf32, #tpu.memory_space<hbm>>
    tpu.enqueue_indirect_dma source(%dma_start3A_16 : memref<200000x64xf32, #tpu.memory_space<hbm>>) target(%dma_start3A_11 : memref<16x64xf32, #tpu.memory_space<vmem>>) offsets(%dma_start3A_13 : memref<16xi32, #tpu.memory_space<vmem>>) semaphore(%arg9 : memref<!tpu.dma_semaphore, #tpu.memory_space<semaphore_mem>>)
    %dma_wait3A = arith.constant 0 : i32
    %dma_wait3A_17 = arith.constant 0 : i32
    %dma_wait3A_18 = tpu.memref_slice %arg7[%dma_wait3A, %dma_wait3A_17] : memref<128x64xf32, #tpu.memory_space<vmem>> -> memref<16x64xf32, #tpu.memory_space<vmem>>
    %dma_wait3A_19 = arith.constant 0 : i32
    %dma_wait3A_20 = tpu.memref_slice %arg6[%dma_wait3A_19] : memref<512xi32, #tpu.memory_space<vmem>> -> memref<16xi32, #tpu.memory_space<vmem>>
    %dma_wait3A_21 = arith.constant 0 : i32
    %dma_wait3A_22 = arith.constant 0 : i32
    %dma_wait3A_23 = tpu.memref_slice %arg3[%dma_wait3A_21, %dma_wait3A_22] : memref<200000x64xf32, #tpu.memory_space<hbm>> -> memref<200000x64xf32, #tpu.memory_space<hbm>>
    tpu.wait_indirect_dma semaphore(%arg9 : memref<!tpu.dma_semaphore, #tpu.memory_space<semaphore_mem>>) src(%dma_wait3A_23 : memref<200000x64xf32, #tpu.memory_space<hbm>>) dst(%dma_wait3A_18 : memref<16x64xf32, #tpu.memory_space<vmem>>)
    "tpu.region"() ({
      %run_scoped3A = tpu.sem_alloc : memref<!tpu.dma_semaphore, #tpu.memory_space<semaphore_mem>>
      %dma_start3A_24 = arith.constant 0 : i32
      %dma_start3A_25 = arith.constant 0 : i32
      %dma_start3A_26 = tpu.memref_slice %arg7[%dma_start3A_24, %dma_start3A_25] : memref<128x64xf32, #tpu.memory_space<vmem>> -> memref<16x64xf32, #tpu.memory_space<vmem>>
      %dma_start3A_27 = arith.constant 0 : i32
      %dma_start3A_28 = tpu.memref_slice %arg5[%mul3A_7, %dma_start3A_27] : memref<512x64xf32, #tpu.memory_space<hbm>> -> memref<16x64xf32, #tpu.memory_space<hbm>>
      %dma_start3A_29 = arith.constant 0 : i32
      %dma_start3A_30 = tpu.memref_slice %arg5[%mul3A_7, %dma_start3A_29] : memref<512x64xf32, #tpu.memory_space<hbm>> -> memref<16x64xf32, #tpu.memory_space<hbm>>
      %dma_start3A_31 = arith.constant 0 : i32
      %dma_start3A_32 = arith.constant 0 : i32
      %dma_start3A_33 = tpu.memref_slice %arg7[%dma_start3A_31, %dma_start3A_32] : memref<128x64xf32, #tpu.memory_space<vmem>> -> memref<16x64xf32, #tpu.memory_space<vmem>>
      tpu.enqueue_dma source(%dma_start3A_33 : memref<16x64xf32, #tpu.memory_space<vmem>>) target(%dma_start3A_30 : memref<16x64xf32, #tpu.memory_space<hbm>>) target_semaphore(%run_scoped3A : memref<!tpu.dma_semaphore, #tpu.memory_space<semaphore_mem>>)
      %dma_wait3A_34 = arith.constant 0 : i32
      %dma_wait3A_35 = arith.constant 0 : i32
      %dma_wait3A_36 = tpu.memref_slice %arg7[%dma_wait3A_34, %dma_wait3A_35] : memref<128x64xf32, #tpu.memory_space<vmem>> -> memref<16x64xf32, #tpu.memory_space<vmem>>
      %dma_wait3A_37 = arith.constant 0 : i32
      %dma_wait3A_38 = tpu.memref_slice %arg5[%mul3A_7, %dma_wait3A_37] : memref<512x64xf32, #tpu.memory_space<hbm>> -> memref<16x64xf32, #tpu.memory_space<hbm>>
      %dma_wait3A_39 = arith.constant 0 : i32
      %dma_wait3A_40 = tpu.memref_slice %arg5[%mul3A_7, %dma_wait3A_39] : memref<512x64xf32, #tpu.memory_space<hbm>> -> memref<16x64xf32, #tpu.memory_space<hbm>>
      %dma_wait3A_41 = arith.constant 0 : i32
      %dma_wait3A_42 = arith.constant 0 : i32
      %dma_wait3A_43 = tpu.memref_slice %arg7[%dma_wait3A_41, %dma_wait3A_42] : memref<128x64xf32, #tpu.memory_space<vmem>> -> memref<16x64xf32, #tpu.memory_space<vmem>>
      tpu.wait_dma2 semaphore(%run_scoped3A : memref<!tpu.dma_semaphore, #tpu.memory_space<semaphore_mem>>) src(%dma_wait3A_43 : memref<16x64xf32, #tpu.memory_space<vmem>>) dst(%dma_wait3A_40 : memref<16x64xf32, #tpu.memory_space<hbm>>)
      tpu.yield
    }) : () -> ()
    return
  }
}

#map = affine_map<(d0, d1) -> (0)>
#map1 = affine_map<(d0, d1) -> (0, 0)>
module attributes {stable_mosaic.version = 14 : i64} {
  func.func @_sc_gather(%arg0: i32, %arg1: i32, %arg2: memref<688640xi32, #tpu.memory_space<hbm>>, %arg3: memref<200000x64xf32, #tpu.memory_space<hbm>>, %arg4: memref<688128x64xf32, #tpu.memory_space<hbm>>, %arg5: memref<512x64xf32, #tpu.memory_space<hbm>>, %arg6: memref<512xi32, #tpu.memory_space<vmem>>, %arg7: memref<128x64xf32, #tpu.memory_space<vmem>>, %arg8: memref<128x64xf32, #tpu.memory_space<vmem>>, %arg9: memref<!tpu.dma_semaphore, #tpu.memory_space<semaphore_mem>>, %arg10: memref<!tpu.dma_semaphore, #tpu.memory_space<semaphore_mem>>) attributes {dimension_semantics = [#tpu.dimension_semantics<core_parallel>, #tpu.dimension_semantics<subcore_parallel>], iteration_bounds = array<i64: 2, 16>, scalar_prefetch = 0 : i64, scratch_operands = 5 : i64, tpu.core_type = #tpu.core_type<sc_vector_subcore>, window_params = [{transform_indices = #map}, {transform_indices = #map1}, {transform_indices = #map1}, {transform_indices = #map1}]} {
    %mul3A = arith.constant 2 : i32
    %mul3A_0 = arith.muli %arg1, %mul3A : i32
    %add3A = arith.addi %mul3A_0, %arg0 : i32
    %scan3A = arith.constant 0 : i32
    %scan3A_1 = arith.constant 0 : i32
    %scan3A_2 = arith.constant 42 : i32
    %scan3A_3 = arith.addi %scan3A_1, %scan3A_2 : i32
    %scan3A_4 = arith.constant 1 : i32
    scf.for %scan3A_24 = %scan3A_1 to %scan3A_3 step %scan3A_4  : i32 {
      %mul3A_25 = arith.constant 16384 : i32
      %mul3A_26 = arith.muli %scan3A_24, %mul3A_25 : i32
      %mul3A_27 = arith.constant 512 : i32
      %mul3A_28 = arith.muli %add3A, %mul3A_27 : i32
      %add3A_29 = arith.addi %mul3A_26, %mul3A_28 : i32
      "tpu.region"() ({
        %run_scoped3A = tpu.sem_alloc : memref<!tpu.dma_semaphore, #tpu.memory_space<semaphore_mem>>
        %dma_start3A_78 = tpu.memref_slice %arg2[%add3A_29] : memref<688640xi32, #tpu.memory_space<hbm>> -> memref<512xi32, #tpu.memory_space<hbm>>
        %dma_start3A_79 = tpu.memref_slice %arg2[%add3A_29] : memref<688640xi32, #tpu.memory_space<hbm>> -> memref<512xi32, #tpu.memory_space<hbm>>
        tpu.enqueue_dma source(%dma_start3A_79 : memref<512xi32, #tpu.memory_space<hbm>>) target(%arg6 : memref<512xi32, #tpu.memory_space<vmem>>) target_semaphore(%run_scoped3A : memref<!tpu.dma_semaphore, #tpu.memory_space<semaphore_mem>>)
        %dma_wait3A_80 = tpu.memref_slice %arg2[%add3A_29] : memref<688640xi32, #tpu.memory_space<hbm>> -> memref<512xi32, #tpu.memory_space<hbm>>
        %dma_wait3A_81 = tpu.memref_slice %arg2[%add3A_29] : memref<688640xi32, #tpu.memory_space<hbm>> -> memref<512xi32, #tpu.memory_space<hbm>>
        tpu.wait_dma2 semaphore(%run_scoped3A : memref<!tpu.dma_semaphore, #tpu.memory_space<semaphore_mem>>) src(%dma_wait3A_81 : memref<512xi32, #tpu.memory_space<hbm>>) dst(%arg6 : memref<512xi32, #tpu.memory_space<vmem>>)
        tpu.yield
      }) : () -> ()
      %dma_start3A_30 = arith.constant 0 : i32
      %dma_start3A_31 = tpu.memref_slice %arg6[%dma_start3A_30] : memref<512xi32, #tpu.memory_space<vmem>> -> memref<128xi32, #tpu.memory_space<vmem>>
      %dma_start3A_32 = arith.constant 0 : i32
      %dma_start3A_33 = arith.constant 0 : i32
      %dma_start3A_34 = tpu.memref_slice %arg3[%dma_start3A_32, %dma_start3A_33] : memref<200000x64xf32, #tpu.memory_space<hbm>> -> memref<200000x64xf32, #tpu.memory_space<hbm>>
      tpu.enqueue_indirect_dma source(%dma_start3A_34 : memref<200000x64xf32, #tpu.memory_space<hbm>>) target(%arg7 : memref<128x64xf32, #tpu.memory_space<vmem>>) offsets(%dma_start3A_31 : memref<128xi32, #tpu.memory_space<vmem>>) semaphore(%arg9 : memref<!tpu.dma_semaphore, #tpu.memory_space<semaphore_mem>>)
      %dma_start3A_35 = arith.constant 128 : i32
      %dma_start3A_36 = tpu.memref_slice %arg6[%dma_start3A_35] : memref<512xi32, #tpu.memory_space<vmem>> -> memref<128xi32, #tpu.memory_space<vmem>>
      %dma_start3A_37 = arith.constant 0 : i32
      %dma_start3A_38 = arith.constant 0 : i32
      %dma_start3A_39 = tpu.memref_slice %arg3[%dma_start3A_37, %dma_start3A_38] : memref<200000x64xf32, #tpu.memory_space<hbm>> -> memref<200000x64xf32, #tpu.memory_space<hbm>>
      tpu.enqueue_indirect_dma source(%dma_start3A_39 : memref<200000x64xf32, #tpu.memory_space<hbm>>) target(%arg8 : memref<128x64xf32, #tpu.memory_space<vmem>>) offsets(%dma_start3A_36 : memref<128xi32, #tpu.memory_space<vmem>>) semaphore(%arg10 : memref<!tpu.dma_semaphore, #tpu.memory_space<semaphore_mem>>)
      %dma_wait3A_40 = arith.constant 0 : i32
      %dma_wait3A_41 = tpu.memref_slice %arg6[%dma_wait3A_40] : memref<512xi32, #tpu.memory_space<vmem>> -> memref<128xi32, #tpu.memory_space<vmem>>
      %dma_wait3A_42 = arith.constant 0 : i32
      %dma_wait3A_43 = arith.constant 0 : i32
      %dma_wait3A_44 = tpu.memref_slice %arg3[%dma_wait3A_42, %dma_wait3A_43] : memref<200000x64xf32, #tpu.memory_space<hbm>> -> memref<200000x64xf32, #tpu.memory_space<hbm>>
      tpu.wait_indirect_dma semaphore(%arg9 : memref<!tpu.dma_semaphore, #tpu.memory_space<semaphore_mem>>) src(%dma_wait3A_44 : memref<200000x64xf32, #tpu.memory_space<hbm>>) dst(%arg7 : memref<128x64xf32, #tpu.memory_space<vmem>>)
      %add3A_45 = arith.constant 0 : i32
      %add3A_46 = arith.addi %add3A_29, %add3A_45 : i32
      "tpu.region"() ({
        %run_scoped3A = tpu.sem_alloc : memref<!tpu.dma_semaphore, #tpu.memory_space<semaphore_mem>>
        %dma_start3A_78 = arith.constant 0 : i32
        %dma_start3A_79 = tpu.memref_slice %arg4[%add3A_46, %dma_start3A_78] : memref<688128x64xf32, #tpu.memory_space<hbm>> -> memref<128x64xf32, #tpu.memory_space<hbm>>
        %dma_start3A_80 = arith.constant 0 : i32
        %dma_start3A_81 = tpu.memref_slice %arg4[%add3A_46, %dma_start3A_80] : memref<688128x64xf32, #tpu.memory_space<hbm>> -> memref<128x64xf32, #tpu.memory_space<hbm>>
        tpu.enqueue_dma source(%arg7 : memref<128x64xf32, #tpu.memory_space<vmem>>) target(%dma_start3A_81 : memref<128x64xf32, #tpu.memory_space<hbm>>) target_semaphore(%run_scoped3A : memref<!tpu.dma_semaphore, #tpu.memory_space<semaphore_mem>>)
        %dma_wait3A_82 = arith.constant 0 : i32
        %dma_wait3A_83 = tpu.memref_slice %arg4[%add3A_46, %dma_wait3A_82] : memref<688128x64xf32, #tpu.memory_space<hbm>> -> memref<128x64xf32, #tpu.memory_space<hbm>>
        %dma_wait3A_84 = arith.constant 0 : i32
        %dma_wait3A_85 = tpu.memref_slice %arg4[%add3A_46, %dma_wait3A_84] : memref<688128x64xf32, #tpu.memory_space<hbm>> -> memref<128x64xf32, #tpu.memory_space<hbm>>
        tpu.wait_dma2 semaphore(%run_scoped3A : memref<!tpu.dma_semaphore, #tpu.memory_space<semaphore_mem>>) src(%arg7 : memref<128x64xf32, #tpu.memory_space<vmem>>) dst(%dma_wait3A_85 : memref<128x64xf32, #tpu.memory_space<hbm>>)
        tpu.yield
      }) : () -> ()
      %dma_start3A_47 = arith.constant 256 : i32
      %dma_start3A_48 = tpu.memref_slice %arg6[%dma_start3A_47] : memref<512xi32, #tpu.memory_space<vmem>> -> memref<128xi32, #tpu.memory_space<vmem>>
      %dma_start3A_49 = arith.constant 0 : i32
      %dma_start3A_50 = arith.constant 0 : i32
      %dma_start3A_51 = tpu.memref_slice %arg3[%dma_start3A_49, %dma_start3A_50] : memref<200000x64xf32, #tpu.memory_space<hbm>> -> memref<200000x64xf32, #tpu.memory_space<hbm>>
      tpu.enqueue_indirect_dma source(%dma_start3A_51 : memref<200000x64xf32, #tpu.memory_space<hbm>>) target(%arg7 : memref<128x64xf32, #tpu.memory_space<vmem>>) offsets(%dma_start3A_48 : memref<128xi32, #tpu.memory_space<vmem>>) semaphore(%arg9 : memref<!tpu.dma_semaphore, #tpu.memory_space<semaphore_mem>>)
      %dma_wait3A_52 = arith.constant 128 : i32
      %dma_wait3A_53 = tpu.memref_slice %arg6[%dma_wait3A_52] : memref<512xi32, #tpu.memory_space<vmem>> -> memref<128xi32, #tpu.memory_space<vmem>>
      %dma_wait3A_54 = arith.constant 0 : i32
      %dma_wait3A_55 = arith.constant 0 : i32
      %dma_wait3A_56 = tpu.memref_slice %arg3[%dma_wait3A_54, %dma_wait3A_55] : memref<200000x64xf32, #tpu.memory_space<hbm>> -> memref<200000x64xf32, #tpu.memory_space<hbm>>
      tpu.wait_indirect_dma semaphore(%arg10 : memref<!tpu.dma_semaphore, #tpu.memory_space<semaphore_mem>>) src(%dma_wait3A_56 : memref<200000x64xf32, #tpu.memory_space<hbm>>) dst(%arg8 : memref<128x64xf32, #tpu.memory_space<vmem>>)
      %add3A_57 = arith.constant 128 : i32
      %add3A_58 = arith.addi %add3A_29, %add3A_57 : i32
      "tpu.region"() ({
        %run_scoped3A = tpu.sem_alloc : memref<!tpu.dma_semaphore, #tpu.memory_space<semaphore_mem>>
        %dma_start3A_78 = arith.constant 0 : i32
        %dma_start3A_79 = tpu.memref_slice %arg4[%add3A_58, %dma_start3A_78] : memref<688128x64xf32, #tpu.memory_space<hbm>> -> memref<128x64xf32, #tpu.memory_space<hbm>>
        %dma_start3A_80 = arith.constant 0 : i32
        %dma_start3A_81 = tpu.memref_slice %arg4[%add3A_58, %dma_start3A_80] : memref<688128x64xf32, #tpu.memory_space<hbm>> -> memref<128x64xf32, #tpu.memory_space<hbm>>
        tpu.enqueue_dma source(%arg8 : memref<128x64xf32, #tpu.memory_space<vmem>>) target(%dma_start3A_81 : memref<128x64xf32, #tpu.memory_space<hbm>>) target_semaphore(%run_scoped3A : memref<!tpu.dma_semaphore, #tpu.memory_space<semaphore_mem>>)
        %dma_wait3A_82 = arith.constant 0 : i32
        %dma_wait3A_83 = tpu.memref_slice %arg4[%add3A_58, %dma_wait3A_82] : memref<688128x64xf32, #tpu.memory_space<hbm>> -> memref<128x64xf32, #tpu.memory_space<hbm>>
        %dma_wait3A_84 = arith.constant 0 : i32
        %dma_wait3A_85 = tpu.memref_slice %arg4[%add3A_58, %dma_wait3A_84] : memref<688128x64xf32, #tpu.memory_space<hbm>> -> memref<128x64xf32, #tpu.memory_space<hbm>>
        tpu.wait_dma2 semaphore(%run_scoped3A : memref<!tpu.dma_semaphore, #tpu.memory_space<semaphore_mem>>) src(%arg8 : memref<128x64xf32, #tpu.memory_space<vmem>>) dst(%dma_wait3A_85 : memref<128x64xf32, #tpu.memory_space<hbm>>)
        tpu.yield
      }) : () -> ()
      %dma_start3A_59 = arith.constant 384 : i32
      %dma_start3A_60 = tpu.memref_slice %arg6[%dma_start3A_59] : memref<512xi32, #tpu.memory_space<vmem>> -> memref<128xi32, #tpu.memory_space<vmem>>
      %dma_start3A_61 = arith.constant 0 : i32
      %dma_start3A_62 = arith.constant 0 : i32
      %dma_start3A_63 = tpu.memref_slice %arg3[%dma_start3A_61, %dma_start3A_62] : memref<200000x64xf32, #tpu.memory_space<hbm>> -> memref<200000x64xf32, #tpu.memory_space<hbm>>
      tpu.enqueue_indirect_dma source(%dma_start3A_63 : memref<200000x64xf32, #tpu.memory_space<hbm>>) target(%arg8 : memref<128x64xf32, #tpu.memory_space<vmem>>) offsets(%dma_start3A_60 : memref<128xi32, #tpu.memory_space<vmem>>) semaphore(%arg10 : memref<!tpu.dma_semaphore, #tpu.memory_space<semaphore_mem>>)
      %dma_wait3A_64 = arith.constant 256 : i32
      %dma_wait3A_65 = tpu.memref_slice %arg6[%dma_wait3A_64] : memref<512xi32, #tpu.memory_space<vmem>> -> memref<128xi32, #tpu.memory_space<vmem>>
      %dma_wait3A_66 = arith.constant 0 : i32
      %dma_wait3A_67 = arith.constant 0 : i32
      %dma_wait3A_68 = tpu.memref_slice %arg3[%dma_wait3A_66, %dma_wait3A_67] : memref<200000x64xf32, #tpu.memory_space<hbm>> -> memref<200000x64xf32, #tpu.memory_space<hbm>>
      tpu.wait_indirect_dma semaphore(%arg9 : memref<!tpu.dma_semaphore, #tpu.memory_space<semaphore_mem>>) src(%dma_wait3A_68 : memref<200000x64xf32, #tpu.memory_space<hbm>>) dst(%arg7 : memref<128x64xf32, #tpu.memory_space<vmem>>)
      %add3A_69 = arith.constant 256 : i32
      %add3A_70 = arith.addi %add3A_29, %add3A_69 : i32
      "tpu.region"() ({
        %run_scoped3A = tpu.sem_alloc : memref<!tpu.dma_semaphore, #tpu.memory_space<semaphore_mem>>
        %dma_start3A_78 = arith.constant 0 : i32
        %dma_start3A_79 = tpu.memref_slice %arg4[%add3A_70, %dma_start3A_78] : memref<688128x64xf32, #tpu.memory_space<hbm>> -> memref<128x64xf32, #tpu.memory_space<hbm>>
        %dma_start3A_80 = arith.constant 0 : i32
        %dma_start3A_81 = tpu.memref_slice %arg4[%add3A_70, %dma_start3A_80] : memref<688128x64xf32, #tpu.memory_space<hbm>> -> memref<128x64xf32, #tpu.memory_space<hbm>>
        tpu.enqueue_dma source(%arg7 : memref<128x64xf32, #tpu.memory_space<vmem>>) target(%dma_start3A_81 : memref<128x64xf32, #tpu.memory_space<hbm>>) target_semaphore(%run_scoped3A : memref<!tpu.dma_semaphore, #tpu.memory_space<semaphore_mem>>)
        %dma_wait3A_82 = arith.constant 0 : i32
        %dma_wait3A_83 = tpu.memref_slice %arg4[%add3A_70, %dma_wait3A_82] : memref<688128x64xf32, #tpu.memory_space<hbm>> -> memref<128x64xf32, #tpu.memory_space<hbm>>
        %dma_wait3A_84 = arith.constant 0 : i32
        %dma_wait3A_85 = tpu.memref_slice %arg4[%add3A_70, %dma_wait3A_84] : memref<688128x64xf32, #tpu.memory_space<hbm>> -> memref<128x64xf32, #tpu.memory_space<hbm>>
        tpu.wait_dma2 semaphore(%run_scoped3A : memref<!tpu.dma_semaphore, #tpu.memory_space<semaphore_mem>>) src(%arg7 : memref<128x64xf32, #tpu.memory_space<vmem>>) dst(%dma_wait3A_85 : memref<128x64xf32, #tpu.memory_space<hbm>>)
        tpu.yield
      }) : () -> ()
      %dma_wait3A_71 = arith.constant 384 : i32
      %dma_wait3A_72 = tpu.memref_slice %arg6[%dma_wait3A_71] : memref<512xi32, #tpu.memory_space<vmem>> -> memref<128xi32, #tpu.memory_space<vmem>>
      %dma_wait3A_73 = arith.constant 0 : i32
      %dma_wait3A_74 = arith.constant 0 : i32
      %dma_wait3A_75 = tpu.memref_slice %arg3[%dma_wait3A_73, %dma_wait3A_74] : memref<200000x64xf32, #tpu.memory_space<hbm>> -> memref<200000x64xf32, #tpu.memory_space<hbm>>
      tpu.wait_indirect_dma semaphore(%arg10 : memref<!tpu.dma_semaphore, #tpu.memory_space<semaphore_mem>>) src(%dma_wait3A_75 : memref<200000x64xf32, #tpu.memory_space<hbm>>) dst(%arg8 : memref<128x64xf32, #tpu.memory_space<vmem>>)
      %add3A_76 = arith.constant 384 : i32
      %add3A_77 = arith.addi %add3A_29, %add3A_76 : i32
      "tpu.region"() ({
        %run_scoped3A = tpu.sem_alloc : memref<!tpu.dma_semaphore, #tpu.memory_space<semaphore_mem>>
        %dma_start3A_78 = arith.constant 0 : i32
        %dma_start3A_79 = tpu.memref_slice %arg4[%add3A_77, %dma_start3A_78] : memref<688128x64xf32, #tpu.memory_space<hbm>> -> memref<128x64xf32, #tpu.memory_space<hbm>>
        %dma_start3A_80 = arith.constant 0 : i32
        %dma_start3A_81 = tpu.memref_slice %arg4[%add3A_77, %dma_start3A_80] : memref<688128x64xf32, #tpu.memory_space<hbm>> -> memref<128x64xf32, #tpu.memory_space<hbm>>
        tpu.enqueue_dma source(%arg8 : memref<128x64xf32, #tpu.memory_space<vmem>>) target(%dma_start3A_81 : memref<128x64xf32, #tpu.memory_space<hbm>>) target_semaphore(%run_scoped3A : memref<!tpu.dma_semaphore, #tpu.memory_space<semaphore_mem>>)
        %dma_wait3A_82 = arith.constant 0 : i32
        %dma_wait3A_83 = tpu.memref_slice %arg4[%add3A_77, %dma_wait3A_82] : memref<688128x64xf32, #tpu.memory_space<hbm>> -> memref<128x64xf32, #tpu.memory_space<hbm>>
        %dma_wait3A_84 = arith.constant 0 : i32
        %dma_wait3A_85 = tpu.memref_slice %arg4[%add3A_77, %dma_wait3A_84] : memref<688128x64xf32, #tpu.memory_space<hbm>> -> memref<128x64xf32, #tpu.memory_space<hbm>>
        tpu.wait_dma2 semaphore(%run_scoped3A : memref<!tpu.dma_semaphore, #tpu.memory_space<semaphore_mem>>) src(%arg8 : memref<128x64xf32, #tpu.memory_space<vmem>>) dst(%dma_wait3A_85 : memref<128x64xf32, #tpu.memory_space<hbm>>)
        tpu.yield
      }) : () -> ()
    }
    %scan3A_5 = arith.constant 42 : i32
    %mul3A_6 = arith.constant 16 : i32
    %mul3A_7 = arith.muli %add3A, %mul3A_6 : i32
    %add3A_8 = arith.constant 688128 : i32
    %add3A_9 = arith.addi %add3A_8, %mul3A_7 : i32
    "tpu.region"() ({
      %run_scoped3A = tpu.sem_alloc : memref<!tpu.dma_semaphore, #tpu.memory_space<semaphore_mem>>
      %dma_start3A_24 = arith.constant 0 : i32
      %dma_start3A_25 = tpu.memref_slice %arg6[%dma_start3A_24] : memref<512xi32, #tpu.memory_space<vmem>> -> memref<16xi32, #tpu.memory_space<vmem>>
      %dma_start3A_26 = tpu.memref_slice %arg2[%add3A_9] : memref<688640xi32, #tpu.memory_space<hbm>> -> memref<16xi32, #tpu.memory_space<hbm>>
      %dma_start3A_27 = arith.constant 0 : i32
      %dma_start3A_28 = tpu.memref_slice %arg6[%dma_start3A_27] : memref<512xi32, #tpu.memory_space<vmem>> -> memref<16xi32, #tpu.memory_space<vmem>>
      %dma_start3A_29 = tpu.memref_slice %arg2[%add3A_9] : memref<688640xi32, #tpu.memory_space<hbm>> -> memref<16xi32, #tpu.memory_space<hbm>>
      tpu.enqueue_dma source(%dma_start3A_29 : memref<16xi32, #tpu.memory_space<hbm>>) target(%dma_start3A_28 : memref<16xi32, #tpu.memory_space<vmem>>) target_semaphore(%run_scoped3A : memref<!tpu.dma_semaphore, #tpu.memory_space<semaphore_mem>>)
      %dma_wait3A_30 = arith.constant 0 : i32
      %dma_wait3A_31 = tpu.memref_slice %arg6[%dma_wait3A_30] : memref<512xi32, #tpu.memory_space<vmem>> -> memref<16xi32, #tpu.memory_space<vmem>>
      %dma_wait3A_32 = tpu.memref_slice %arg2[%add3A_9] : memref<688640xi32, #tpu.memory_space<hbm>> -> memref<16xi32, #tpu.memory_space<hbm>>
      %dma_wait3A_33 = arith.constant 0 : i32
      %dma_wait3A_34 = tpu.memref_slice %arg6[%dma_wait3A_33] : memref<512xi32, #tpu.memory_space<vmem>> -> memref<16xi32, #tpu.memory_space<vmem>>
      %dma_wait3A_35 = tpu.memref_slice %arg2[%add3A_9] : memref<688640xi32, #tpu.memory_space<hbm>> -> memref<16xi32, #tpu.memory_space<hbm>>
      tpu.wait_dma2 semaphore(%run_scoped3A : memref<!tpu.dma_semaphore, #tpu.memory_space<semaphore_mem>>) src(%dma_wait3A_35 : memref<16xi32, #tpu.memory_space<hbm>>) dst(%dma_wait3A_34 : memref<16xi32, #tpu.memory_space<vmem>>)
      tpu.yield
    }) : () -> ()
    %dma_start3A = arith.constant 0 : i32
    %dma_start3A_10 = arith.constant 0 : i32
    %dma_start3A_11 = tpu.memref_slice %arg7[%dma_start3A, %dma_start3A_10] : memref<128x64xf32, #tpu.memory_space<vmem>> -> memref<16x64xf32, #tpu.memory_space<vmem>>
    %dma_start3A_12 = arith.constant 0 : i32
    %dma_start3A_13 = tpu.memref_slice %arg6[%dma_start3A_12] : memref<512xi32, #tpu.memory_space<vmem>> -> memref<16xi32, #tpu.memory_space<vmem>>
    %dma_start3A_14 = arith.constant 0 : i32
    %dma_start3A_15 = arith.constant 0 : i32
    %dma_start3A_16 = tpu.memref_slice %arg3[%dma_start3A_14, %dma_start3A_15] : memref<200000x64xf32, #tpu.memory_space<hbm>> -> memref<200000x64xf32, #tpu.memory_space<hbm>>
    tpu.enqueue_indirect_dma source(%dma_start3A_16 : memref<200000x64xf32, #tpu.memory_space<hbm>>) target(%dma_start3A_11 : memref<16x64xf32, #tpu.memory_space<vmem>>) offsets(%dma_start3A_13 : memref<16xi32, #tpu.memory_space<vmem>>) semaphore(%arg9 : memref<!tpu.dma_semaphore, #tpu.memory_space<semaphore_mem>>)
    %dma_wait3A = arith.constant 0 : i32
    %dma_wait3A_17 = arith.constant 0 : i32
    %dma_wait3A_18 = tpu.memref_slice %arg7[%dma_wait3A, %dma_wait3A_17] : memref<128x64xf32, #tpu.memory_space<vmem>> -> memref<16x64xf32, #tpu.memory_space<vmem>>
    %dma_wait3A_19 = arith.constant 0 : i32
    %dma_wait3A_20 = tpu.memref_slice %arg6[%dma_wait3A_19] : memref<512xi32, #tpu.memory_space<vmem>> -> memref<16xi32, #tpu.memory_space<vmem>>
    %dma_wait3A_21 = arith.constant 0 : i32
    %dma_wait3A_22 = arith.constant 0 : i32
    %dma_wait3A_23 = tpu.memref_slice %arg3[%dma_wait3A_21, %dma_wait3A_22] : memref<200000x64xf32, #tpu.memory_space<hbm>> -> memref<200000x64xf32, #tpu.memory_space<hbm>>
    tpu.wait_indirect_dma semaphore(%arg9 : memref<!tpu.dma_semaphore, #tpu.memory_space<semaphore_mem>>) src(%dma_wait3A_23 : memref<200000x64xf32, #tpu.memory_space<hbm>>) dst(%dma_wait3A_18 : memref<16x64xf32, #tpu.memory_space<vmem>>)
    "tpu.region"() ({
      %run_scoped3A = tpu.sem_alloc : memref<!tpu.dma_semaphore, #tpu.memory_space<semaphore_mem>>
      %dma_start3A_24 = arith.constant 0 : i32
      %dma_start3A_25 = arith.constant 0 : i32
      %dma_start3A_26 = tpu.memref_slice %arg7[%dma_start3A_24, %dma_start3A_25] : memref<128x64xf32, #tpu.memory_space<vmem>> -> memref<16x64xf32, #tpu.memory_space<vmem>>
      %dma_start3A_27 = arith.constant 0 : i32
      %dma_start3A_28 = tpu.memref_slice %arg5[%mul3A_7, %dma_start3A_27] : memref<512x64xf32, #tpu.memory_space<hbm>> -> memref<16x64xf32, #tpu.memory_space<hbm>>
      %dma_start3A_29 = arith.constant 0 : i32
      %dma_start3A_30 = tpu.memref_slice %arg5[%mul3A_7, %dma_start3A_29] : memref<512x64xf32, #tpu.memory_space<hbm>> -> memref<16x64xf32, #tpu.memory_space<hbm>>
      %dma_start3A_31 = arith.constant 0 : i32
      %dma_start3A_32 = arith.constant 0 : i32
      %dma_start3A_33 = tpu.memref_slice %arg7[%dma_start3A_31, %dma_start3A_32] : memref<128x64xf32, #tpu.memory_space<vmem>> -> memref<16x64xf32, #tpu.memory_space<vmem>>
      tpu.enqueue_dma source(%dma_start3A_33 : memref<16x64xf32, #tpu.memory_space<vmem>>) target(%dma_start3A_30 : memref<16x64xf32, #tpu.memory_space<hbm>>) target_semaphore(%run_scoped3A : memref<!tpu.dma_semaphore, #tpu.memory_space<semaphore_mem>>)
      %dma_wait3A_34 = arith.constant 0 : i32
      %dma_wait3A_35 = arith.constant 0 : i32
      %dma_wait3A_36 = tpu.memref_slice %arg7[%dma_wait3A_34, %dma_wait3A_35] : memref<128x64xf32, #tpu.memory_space<vmem>> -> memref<16x64xf32, #tpu.memory_space<vmem>>
      %dma_wait3A_37 = arith.constant 0 : i32
      %dma_wait3A_38 = tpu.memref_slice %arg5[%mul3A_7, %dma_wait3A_37] : memref<512x64xf32, #tpu.memory_space<hbm>> -> memref<16x64xf32, #tpu.memory_space<hbm>>
      %dma_wait3A_39 = arith.constant 0 : i32
      %dma_wait3A_40 = tpu.memref_slice %arg5[%mul3A_7, %dma_wait3A_39] : memref<512x64xf32, #tpu.memory_space<hbm>> -> memref<16x64xf32, #tpu.memory_space<hbm>>
      %dma_wait3A_41 = arith.constant 0 : i32
      %dma_wait3A_42 = arith.constant 0 : i32
      %dma_wait3A_43 = tpu.memref_slice %arg7[%dma_wait3A_41, %dma_wait3A_42] : memref<128x64xf32, #tpu.memory_space<vmem>> -> memref<16x64xf32, #tpu.memory_space<vmem>>
      tpu.wait_dma2 semaphore(%run_scoped3A : memref<!tpu.dma_semaphore, #tpu.memory_space<semaphore_mem>>) src(%dma_wait3A_43 : memref<16x64xf32, #tpu.memory_space<vmem>>) dst(%dma_wait3A_40 : memref<16x64xf32, #tpu.memory_space<hbm>>)
      tpu.yield
    }) : () -> ()
    return
  }
}

#map = affine_map<(d0, d1) -> (0)>
#map1 = affine_map<(d0, d1) -> (0, 0)>
module attributes {stable_mosaic.version = 14 : i64} {
  func.func @_sc_gather(%arg0: i32, %arg1: i32, %arg2: memref<688640xi32, #tpu.memory_space<hbm>>, %arg3: memref<200000x64xf32, #tpu.memory_space<hbm>>, %arg4: memref<688128x64xf32, #tpu.memory_space<hbm>>, %arg5: memref<512x64xf32, #tpu.memory_space<hbm>>, %arg6: memref<512xi32, #tpu.memory_space<vmem>>, %arg7: memref<128x64xf32, #tpu.memory_space<vmem>>, %arg8: memref<128x64xf32, #tpu.memory_space<vmem>>, %arg9: memref<!tpu.dma_semaphore, #tpu.memory_space<semaphore_mem>>, %arg10: memref<!tpu.dma_semaphore, #tpu.memory_space<semaphore_mem>>) attributes {dimension_semantics = [#tpu.dimension_semantics<core_parallel>, #tpu.dimension_semantics<subcore_parallel>], iteration_bounds = array<i64: 2, 16>, scalar_prefetch = 0 : i64, scratch_operands = 5 : i64, tpu.core_type = #tpu.core_type<sc_vector_subcore>, window_params = [{transform_indices = #map}, {transform_indices = #map1}, {transform_indices = #map1}, {transform_indices = #map1}]} {
    %mul3A = arith.constant 2 : i32
    %mul3A_0 = arith.muli %arg1, %mul3A : i32
    %add3A = arith.addi %mul3A_0, %arg0 : i32
    %scan3A = arith.constant 0 : i32
    %scan3A_1 = arith.constant 0 : i32
    %scan3A_2 = arith.constant 42 : i32
    %scan3A_3 = arith.addi %scan3A_1, %scan3A_2 : i32
    %scan3A_4 = arith.constant 1 : i32
    scf.for %scan3A_24 = %scan3A_1 to %scan3A_3 step %scan3A_4  : i32 {
      %mul3A_25 = arith.constant 16384 : i32
      %mul3A_26 = arith.muli %scan3A_24, %mul3A_25 : i32
      %mul3A_27 = arith.constant 512 : i32
      %mul3A_28 = arith.muli %add3A, %mul3A_27 : i32
      %add3A_29 = arith.addi %mul3A_26, %mul3A_28 : i32
      "tpu.region"() ({
        %run_scoped3A = tpu.sem_alloc : memref<!tpu.dma_semaphore, #tpu.memory_space<semaphore_mem>>
        %dma_start3A_78 = tpu.memref_slice %arg2[%add3A_29] : memref<688640xi32, #tpu.memory_space<hbm>> -> memref<512xi32, #tpu.memory_space<hbm>>
        %dma_start3A_79 = tpu.memref_slice %arg2[%add3A_29] : memref<688640xi32, #tpu.memory_space<hbm>> -> memref<512xi32, #tpu.memory_space<hbm>>
        tpu.enqueue_dma source(%dma_start3A_79 : memref<512xi32, #tpu.memory_space<hbm>>) target(%arg6 : memref<512xi32, #tpu.memory_space<vmem>>) target_semaphore(%run_scoped3A : memref<!tpu.dma_semaphore, #tpu.memory_space<semaphore_mem>>)
        %dma_wait3A_80 = tpu.memref_slice %arg2[%add3A_29] : memref<688640xi32, #tpu.memory_space<hbm>> -> memref<512xi32, #tpu.memory_space<hbm>>
        %dma_wait3A_81 = tpu.memref_slice %arg2[%add3A_29] : memref<688640xi32, #tpu.memory_space<hbm>> -> memref<512xi32, #tpu.memory_space<hbm>>
        tpu.wait_dma2 semaphore(%run_scoped3A : memref<!tpu.dma_semaphore, #tpu.memory_space<semaphore_mem>>) src(%dma_wait3A_81 : memref<512xi32, #tpu.memory_space<hbm>>) dst(%arg6 : memref<512xi32, #tpu.memory_space<vmem>>)
        tpu.yield
      }) : () -> ()
      %dma_start3A_30 = arith.constant 0 : i32
      %dma_start3A_31 = tpu.memref_slice %arg6[%dma_start3A_30] : memref<512xi32, #tpu.memory_space<vmem>> -> memref<128xi32, #tpu.memory_space<vmem>>
      %dma_start3A_32 = arith.constant 0 : i32
      %dma_start3A_33 = arith.constant 0 : i32
      %dma_start3A_34 = tpu.memref_slice %arg3[%dma_start3A_32, %dma_start3A_33] : memref<200000x64xf32, #tpu.memory_space<hbm>> -> memref<200000x64xf32, #tpu.memory_space<hbm>>
      tpu.enqueue_indirect_dma source(%dma_start3A_34 : memref<200000x64xf32, #tpu.memory_space<hbm>>) target(%arg7 : memref<128x64xf32, #tpu.memory_space<vmem>>) offsets(%dma_start3A_31 : memref<128xi32, #tpu.memory_space<vmem>>) semaphore(%arg9 : memref<!tpu.dma_semaphore, #tpu.memory_space<semaphore_mem>>)
      %dma_start3A_35 = arith.constant 128 : i32
      %dma_start3A_36 = tpu.memref_slice %arg6[%dma_start3A_35] : memref<512xi32, #tpu.memory_space<vmem>> -> memref<128xi32, #tpu.memory_space<vmem>>
      %dma_start3A_37 = arith.constant 0 : i32
      %dma_start3A_38 = arith.constant 0 : i32
      %dma_start3A_39 = tpu.memref_slice %arg3[%dma_start3A_37, %dma_start3A_38] : memref<200000x64xf32, #tpu.memory_space<hbm>> -> memref<200000x64xf32, #tpu.memory_space<hbm>>
      tpu.enqueue_indirect_dma source(%dma_start3A_39 : memref<200000x64xf32, #tpu.memory_space<hbm>>) target(%arg8 : memref<128x64xf32, #tpu.memory_space<vmem>>) offsets(%dma_start3A_36 : memref<128xi32, #tpu.memory_space<vmem>>) semaphore(%arg10 : memref<!tpu.dma_semaphore, #tpu.memory_space<semaphore_mem>>)
      %dma_wait3A_40 = arith.constant 0 : i32
      %dma_wait3A_41 = tpu.memref_slice %arg6[%dma_wait3A_40] : memref<512xi32, #tpu.memory_space<vmem>> -> memref<128xi32, #tpu.memory_space<vmem>>
      %dma_wait3A_42 = arith.constant 0 : i32
      %dma_wait3A_43 = arith.constant 0 : i32
      %dma_wait3A_44 = tpu.memref_slice %arg3[%dma_wait3A_42, %dma_wait3A_43] : memref<200000x64xf32, #tpu.memory_space<hbm>> -> memref<200000x64xf32, #tpu.memory_space<hbm>>
      tpu.wait_indirect_dma semaphore(%arg9 : memref<!tpu.dma_semaphore, #tpu.memory_space<semaphore_mem>>) src(%dma_wait3A_44 : memref<200000x64xf32, #tpu.memory_space<hbm>>) dst(%arg7 : memref<128x64xf32, #tpu.memory_space<vmem>>)
      %add3A_45 = arith.constant 0 : i32
      %add3A_46 = arith.addi %add3A_29, %add3A_45 : i32
      "tpu.region"() ({
        %run_scoped3A = tpu.sem_alloc : memref<!tpu.dma_semaphore, #tpu.memory_space<semaphore_mem>>
        %dma_start3A_78 = arith.constant 0 : i32
        %dma_start3A_79 = tpu.memref_slice %arg4[%add3A_46, %dma_start3A_78] : memref<688128x64xf32, #tpu.memory_space<hbm>> -> memref<128x64xf32, #tpu.memory_space<hbm>>
        %dma_start3A_80 = arith.constant 0 : i32
        %dma_start3A_81 = tpu.memref_slice %arg4[%add3A_46, %dma_start3A_80] : memref<688128x64xf32, #tpu.memory_space<hbm>> -> memref<128x64xf32, #tpu.memory_space<hbm>>
        tpu.enqueue_dma source(%arg7 : memref<128x64xf32, #tpu.memory_space<vmem>>) target(%dma_start3A_81 : memref<128x64xf32, #tpu.memory_space<hbm>>) target_semaphore(%run_scoped3A : memref<!tpu.dma_semaphore, #tpu.memory_space<semaphore_mem>>)
        %dma_wait3A_82 = arith.constant 0 : i32
        %dma_wait3A_83 = tpu.memref_slice %arg4[%add3A_46, %dma_wait3A_82] : memref<688128x64xf32, #tpu.memory_space<hbm>> -> memref<128x64xf32, #tpu.memory_space<hbm>>
        %dma_wait3A_84 = arith.constant 0 : i32
        %dma_wait3A_85 = tpu.memref_slice %arg4[%add3A_46, %dma_wait3A_84] : memref<688128x64xf32, #tpu.memory_space<hbm>> -> memref<128x64xf32, #tpu.memory_space<hbm>>
        tpu.wait_dma2 semaphore(%run_scoped3A : memref<!tpu.dma_semaphore, #tpu.memory_space<semaphore_mem>>) src(%arg7 : memref<128x64xf32, #tpu.memory_space<vmem>>) dst(%dma_wait3A_85 : memref<128x64xf32, #tpu.memory_space<hbm>>)
        tpu.yield
      }) : () -> ()
      %dma_start3A_47 = arith.constant 256 : i32
      %dma_start3A_48 = tpu.memref_slice %arg6[%dma_start3A_47] : memref<512xi32, #tpu.memory_space<vmem>> -> memref<128xi32, #tpu.memory_space<vmem>>
      %dma_start3A_49 = arith.constant 0 : i32
      %dma_start3A_50 = arith.constant 0 : i32
      %dma_start3A_51 = tpu.memref_slice %arg3[%dma_start3A_49, %dma_start3A_50] : memref<200000x64xf32, #tpu.memory_space<hbm>> -> memref<200000x64xf32, #tpu.memory_space<hbm>>
      tpu.enqueue_indirect_dma source(%dma_start3A_51 : memref<200000x64xf32, #tpu.memory_space<hbm>>) target(%arg7 : memref<128x64xf32, #tpu.memory_space<vmem>>) offsets(%dma_start3A_48 : memref<128xi32, #tpu.memory_space<vmem>>) semaphore(%arg9 : memref<!tpu.dma_semaphore, #tpu.memory_space<semaphore_mem>>)
      %dma_wait3A_52 = arith.constant 128 : i32
      %dma_wait3A_53 = tpu.memref_slice %arg6[%dma_wait3A_52] : memref<512xi32, #tpu.memory_space<vmem>> -> memref<128xi32, #tpu.memory_space<vmem>>
      %dma_wait3A_54 = arith.constant 0 : i32
      %dma_wait3A_55 = arith.constant 0 : i32
      %dma_wait3A_56 = tpu.memref_slice %arg3[%dma_wait3A_54, %dma_wait3A_55] : memref<200000x64xf32, #tpu.memory_space<hbm>> -> memref<200000x64xf32, #tpu.memory_space<hbm>>
      tpu.wait_indirect_dma semaphore(%arg10 : memref<!tpu.dma_semaphore, #tpu.memory_space<semaphore_mem>>) src(%dma_wait3A_56 : memref<200000x64xf32, #tpu.memory_space<hbm>>) dst(%arg8 : memref<128x64xf32, #tpu.memory_space<vmem>>)
      %add3A_57 = arith.constant 128 : i32
      %add3A_58 = arith.addi %add3A_29, %add3A_57 : i32
      "tpu.region"() ({
        %run_scoped3A = tpu.sem_alloc : memref<!tpu.dma_semaphore, #tpu.memory_space<semaphore_mem>>
        %dma_start3A_78 = arith.constant 0 : i32
        %dma_start3A_79 = tpu.memref_slice %arg4[%add3A_58, %dma_start3A_78] : memref<688128x64xf32, #tpu.memory_space<hbm>> -> memref<128x64xf32, #tpu.memory_space<hbm>>
        %dma_start3A_80 = arith.constant 0 : i32
        %dma_start3A_81 = tpu.memref_slice %arg4[%add3A_58, %dma_start3A_80] : memref<688128x64xf32, #tpu.memory_space<hbm>> -> memref<128x64xf32, #tpu.memory_space<hbm>>
        tpu.enqueue_dma source(%arg8 : memref<128x64xf32, #tpu.memory_space<vmem>>) target(%dma_start3A_81 : memref<128x64xf32, #tpu.memory_space<hbm>>) target_semaphore(%run_scoped3A : memref<!tpu.dma_semaphore, #tpu.memory_space<semaphore_mem>>)
        %dma_wait3A_82 = arith.constant 0 : i32
        %dma_wait3A_83 = tpu.memref_slice %arg4[%add3A_58, %dma_wait3A_82] : memref<688128x64xf32, #tpu.memory_space<hbm>> -> memref<128x64xf32, #tpu.memory_space<hbm>>
        %dma_wait3A_84 = arith.constant 0 : i32
        %dma_wait3A_85 = tpu.memref_slice %arg4[%add3A_58, %dma_wait3A_84] : memref<688128x64xf32, #tpu.memory_space<hbm>> -> memref<128x64xf32, #tpu.memory_space<hbm>>
        tpu.wait_dma2 semaphore(%run_scoped3A : memref<!tpu.dma_semaphore, #tpu.memory_space<semaphore_mem>>) src(%arg8 : memref<128x64xf32, #tpu.memory_space<vmem>>) dst(%dma_wait3A_85 : memref<128x64xf32, #tpu.memory_space<hbm>>)
        tpu.yield
      }) : () -> ()
      %dma_start3A_59 = arith.constant 384 : i32
      %dma_start3A_60 = tpu.memref_slice %arg6[%dma_start3A_59] : memref<512xi32, #tpu.memory_space<vmem>> -> memref<128xi32, #tpu.memory_space<vmem>>
      %dma_start3A_61 = arith.constant 0 : i32
      %dma_start3A_62 = arith.constant 0 : i32
      %dma_start3A_63 = tpu.memref_slice %arg3[%dma_start3A_61, %dma_start3A_62] : memref<200000x64xf32, #tpu.memory_space<hbm>> -> memref<200000x64xf32, #tpu.memory_space<hbm>>
      tpu.enqueue_indirect_dma source(%dma_start3A_63 : memref<200000x64xf32, #tpu.memory_space<hbm>>) target(%arg8 : memref<128x64xf32, #tpu.memory_space<vmem>>) offsets(%dma_start3A_60 : memref<128xi32, #tpu.memory_space<vmem>>) semaphore(%arg10 : memref<!tpu.dma_semaphore, #tpu.memory_space<semaphore_mem>>)
      %dma_wait3A_64 = arith.constant 256 : i32
      %dma_wait3A_65 = tpu.memref_slice %arg6[%dma_wait3A_64] : memref<512xi32, #tpu.memory_space<vmem>> -> memref<128xi32, #tpu.memory_space<vmem>>
      %dma_wait3A_66 = arith.constant 0 : i32
      %dma_wait3A_67 = arith.constant 0 : i32
      %dma_wait3A_68 = tpu.memref_slice %arg3[%dma_wait3A_66, %dma_wait3A_67] : memref<200000x64xf32, #tpu.memory_space<hbm>> -> memref<200000x64xf32, #tpu.memory_space<hbm>>
      tpu.wait_indirect_dma semaphore(%arg9 : memref<!tpu.dma_semaphore, #tpu.memory_space<semaphore_mem>>) src(%dma_wait3A_68 : memref<200000x64xf32, #tpu.memory_space<hbm>>) dst(%arg7 : memref<128x64xf32, #tpu.memory_space<vmem>>)
      %add3A_69 = arith.constant 256 : i32
      %add3A_70 = arith.addi %add3A_29, %add3A_69 : i32
      "tpu.region"() ({
        %run_scoped3A = tpu.sem_alloc : memref<!tpu.dma_semaphore, #tpu.memory_space<semaphore_mem>>
        %dma_start3A_78 = arith.constant 0 : i32
        %dma_start3A_79 = tpu.memref_slice %arg4[%add3A_70, %dma_start3A_78] : memref<688128x64xf32, #tpu.memory_space<hbm>> -> memref<128x64xf32, #tpu.memory_space<hbm>>
        %dma_start3A_80 = arith.constant 0 : i32
        %dma_start3A_81 = tpu.memref_slice %arg4[%add3A_70, %dma_start3A_80] : memref<688128x64xf32, #tpu.memory_space<hbm>> -> memref<128x64xf32, #tpu.memory_space<hbm>>
        tpu.enqueue_dma source(%arg7 : memref<128x64xf32, #tpu.memory_space<vmem>>) target(%dma_start3A_81 : memref<128x64xf32, #tpu.memory_space<hbm>>) target_semaphore(%run_scoped3A : memref<!tpu.dma_semaphore, #tpu.memory_space<semaphore_mem>>)
        %dma_wait3A_82 = arith.constant 0 : i32
        %dma_wait3A_83 = tpu.memref_slice %arg4[%add3A_70, %dma_wait3A_82] : memref<688128x64xf32, #tpu.memory_space<hbm>> -> memref<128x64xf32, #tpu.memory_space<hbm>>
        %dma_wait3A_84 = arith.constant 0 : i32
        %dma_wait3A_85 = tpu.memref_slice %arg4[%add3A_70, %dma_wait3A_84] : memref<688128x64xf32, #tpu.memory_space<hbm>> -> memref<128x64xf32, #tpu.memory_space<hbm>>
        tpu.wait_dma2 semaphore(%run_scoped3A : memref<!tpu.dma_semaphore, #tpu.memory_space<semaphore_mem>>) src(%arg7 : memref<128x64xf32, #tpu.memory_space<vmem>>) dst(%dma_wait3A_85 : memref<128x64xf32, #tpu.memory_space<hbm>>)
        tpu.yield
      }) : () -> ()
      %dma_wait3A_71 = arith.constant 384 : i32
      %dma_wait3A_72 = tpu.memref_slice %arg6[%dma_wait3A_71] : memref<512xi32, #tpu.memory_space<vmem>> -> memref<128xi32, #tpu.memory_space<vmem>>
      %dma_wait3A_73 = arith.constant 0 : i32
      %dma_wait3A_74 = arith.constant 0 : i32
      %dma_wait3A_75 = tpu.memref_slice %arg3[%dma_wait3A_73, %dma_wait3A_74] : memref<200000x64xf32, #tpu.memory_space<hbm>> -> memref<200000x64xf32, #tpu.memory_space<hbm>>
      tpu.wait_indirect_dma semaphore(%arg10 : memref<!tpu.dma_semaphore, #tpu.memory_space<semaphore_mem>>) src(%dma_wait3A_75 : memref<200000x64xf32, #tpu.memory_space<hbm>>) dst(%arg8 : memref<128x64xf32, #tpu.memory_space<vmem>>)
      %add3A_76 = arith.constant 384 : i32
      %add3A_77 = arith.addi %add3A_29, %add3A_76 : i32
      "tpu.region"() ({
        %run_scoped3A = tpu.sem_alloc : memref<!tpu.dma_semaphore, #tpu.memory_space<semaphore_mem>>
        %dma_start3A_78 = arith.constant 0 : i32
        %dma_start3A_79 = tpu.memref_slice %arg4[%add3A_77, %dma_start3A_78] : memref<688128x64xf32, #tpu.memory_space<hbm>> -> memref<128x64xf32, #tpu.memory_space<hbm>>
        %dma_start3A_80 = arith.constant 0 : i32
        %dma_start3A_81 = tpu.memref_slice %arg4[%add3A_77, %dma_start3A_80] : memref<688128x64xf32, #tpu.memory_space<hbm>> -> memref<128x64xf32, #tpu.memory_space<hbm>>
        tpu.enqueue_dma source(%arg8 : memref<128x64xf32, #tpu.memory_space<vmem>>) target(%dma_start3A_81 : memref<128x64xf32, #tpu.memory_space<hbm>>) target_semaphore(%run_scoped3A : memref<!tpu.dma_semaphore, #tpu.memory_space<semaphore_mem>>)
        %dma_wait3A_82 = arith.constant 0 : i32
        %dma_wait3A_83 = tpu.memref_slice %arg4[%add3A_77, %dma_wait3A_82] : memref<688128x64xf32, #tpu.memory_space<hbm>> -> memref<128x64xf32, #tpu.memory_space<hbm>>
        %dma_wait3A_84 = arith.constant 0 : i32
        %dma_wait3A_85 = tpu.memref_slice %arg4[%add3A_77, %dma_wait3A_84] : memref<688128x64xf32, #tpu.memory_space<hbm>> -> memref<128x64xf32, #tpu.memory_space<hbm>>
        tpu.wait_dma2 semaphore(%run_scoped3A : memref<!tpu.dma_semaphore, #tpu.memory_space<semaphore_mem>>) src(%arg8 : memref<128x64xf32, #tpu.memory_space<vmem>>) dst(%dma_wait3A_85 : memref<128x64xf32, #tpu.memory_space<hbm>>)
        tpu.yield
      }) : () -> ()
    }
    %scan3A_5 = arith.constant 42 : i32
    %mul3A_6 = arith.constant 16 : i32
    %mul3A_7 = arith.muli %add3A, %mul3A_6 : i32
    %add3A_8 = arith.constant 688128 : i32
    %add3A_9 = arith.addi %add3A_8, %mul3A_7 : i32
    "tpu.region"() ({
      %run_scoped3A = tpu.sem_alloc : memref<!tpu.dma_semaphore, #tpu.memory_space<semaphore_mem>>
      %dma_start3A_24 = arith.constant 0 : i32
      %dma_start3A_25 = tpu.memref_slice %arg6[%dma_start3A_24] : memref<512xi32, #tpu.memory_space<vmem>> -> memref<16xi32, #tpu.memory_space<vmem>>
      %dma_start3A_26 = tpu.memref_slice %arg2[%add3A_9] : memref<688640xi32, #tpu.memory_space<hbm>> -> memref<16xi32, #tpu.memory_space<hbm>>
      %dma_start3A_27 = arith.constant 0 : i32
      %dma_start3A_28 = tpu.memref_slice %arg6[%dma_start3A_27] : memref<512xi32, #tpu.memory_space<vmem>> -> memref<16xi32, #tpu.memory_space<vmem>>
      %dma_start3A_29 = tpu.memref_slice %arg2[%add3A_9] : memref<688640xi32, #tpu.memory_space<hbm>> -> memref<16xi32, #tpu.memory_space<hbm>>
      tpu.enqueue_dma source(%dma_start3A_29 : memref<16xi32, #tpu.memory_space<hbm>>) target(%dma_start3A_28 : memref<16xi32, #tpu.memory_space<vmem>>) target_semaphore(%run_scoped3A : memref<!tpu.dma_semaphore, #tpu.memory_space<semaphore_mem>>)
      %dma_wait3A_30 = arith.constant 0 : i32
      %dma_wait3A_31 = tpu.memref_slice %arg6[%dma_wait3A_30] : memref<512xi32, #tpu.memory_space<vmem>> -> memref<16xi32, #tpu.memory_space<vmem>>
      %dma_wait3A_32 = tpu.memref_slice %arg2[%add3A_9] : memref<688640xi32, #tpu.memory_space<hbm>> -> memref<16xi32, #tpu.memory_space<hbm>>
      %dma_wait3A_33 = arith.constant 0 : i32
      %dma_wait3A_34 = tpu.memref_slice %arg6[%dma_wait3A_33] : memref<512xi32, #tpu.memory_space<vmem>> -> memref<16xi32, #tpu.memory_space<vmem>>
      %dma_wait3A_35 = tpu.memref_slice %arg2[%add3A_9] : memref<688640xi32, #tpu.memory_space<hbm>> -> memref<16xi32, #tpu.memory_space<hbm>>
      tpu.wait_dma2 semaphore(%run_scoped3A : memref<!tpu.dma_semaphore, #tpu.memory_space<semaphore_mem>>) src(%dma_wait3A_35 : memref<16xi32, #tpu.memory_space<hbm>>) dst(%dma_wait3A_34 : memref<16xi32, #tpu.memory_space<vmem>>)
      tpu.yield
    }) : () -> ()
    %dma_start3A = arith.constant 0 : i32
    %dma_start3A_10 = arith.constant 0 : i32
    %dma_start3A_11 = tpu.memref_slice %arg7[%dma_start3A, %dma_start3A_10] : memref<128x64xf32, #tpu.memory_space<vmem>> -> memref<16x64xf32, #tpu.memory_space<vmem>>
    %dma_start3A_12 = arith.constant 0 : i32
    %dma_start3A_13 = tpu.memref_slice %arg6[%dma_start3A_12] : memref<512xi32, #tpu.memory_space<vmem>> -> memref<16xi32, #tpu.memory_space<vmem>>
    %dma_start3A_14 = arith.constant 0 : i32
    %dma_start3A_15 = arith.constant 0 : i32
    %dma_start3A_16 = tpu.memref_slice %arg3[%dma_start3A_14, %dma_start3A_15] : memref<200000x64xf32, #tpu.memory_space<hbm>> -> memref<200000x64xf32, #tpu.memory_space<hbm>>
    tpu.enqueue_indirect_dma source(%dma_start3A_16 : memref<200000x64xf32, #tpu.memory_space<hbm>>) target(%dma_start3A_11 : memref<16x64xf32, #tpu.memory_space<vmem>>) offsets(%dma_start3A_13 : memref<16xi32, #tpu.memory_space<vmem>>) semaphore(%arg9 : memref<!tpu.dma_semaphore, #tpu.memory_space<semaphore_mem>>)
    %dma_wait3A = arith.constant 0 : i32
    %dma_wait3A_17 = arith.constant 0 : i32
    %dma_wait3A_18 = tpu.memref_slice %arg7[%dma_wait3A, %dma_wait3A_17] : memref<128x64xf32, #tpu.memory_space<vmem>> -> memref<16x64xf32, #tpu.memory_space<vmem>>
    %dma_wait3A_19 = arith.constant 0 : i32
    %dma_wait3A_20 = tpu.memref_slice %arg6[%dma_wait3A_19] : memref<512xi32, #tpu.memory_space<vmem>> -> memref<16xi32, #tpu.memory_space<vmem>>
    %dma_wait3A_21 = arith.constant 0 : i32
    %dma_wait3A_22 = arith.constant 0 : i32
    %dma_wait3A_23 = tpu.memref_slice %arg3[%dma_wait3A_21, %dma_wait3A_22] : memref<200000x64xf32, #tpu.memory_space<hbm>> -> memref<200000x64xf32, #tpu.memory_space<hbm>>
    tpu.wait_indirect_dma semaphore(%arg9 : memref<!tpu.dma_semaphore, #tpu.memory_space<semaphore_mem>>) src(%dma_wait3A_23 : memref<200000x64xf32, #tpu.memory_space<hbm>>) dst(%dma_wait3A_18 : memref<16x64xf32, #tpu.memory_space<vmem>>)
    "tpu.region"() ({
      %run_scoped3A = tpu.sem_alloc : memref<!tpu.dma_semaphore, #tpu.memory_space<semaphore_mem>>
      %dma_start3A_24 = arith.constant 0 : i32
      %dma_start3A_25 = arith.constant 0 : i32
      %dma_start3A_26 = tpu.memref_slice %arg7[%dma_start3A_24, %dma_start3A_25] : memref<128x64xf32, #tpu.memory_space<vmem>> -> memref<16x64xf32, #tpu.memory_space<vmem>>
      %dma_start3A_27 = arith.constant 0 : i32
      %dma_start3A_28 = tpu.memref_slice %arg5[%mul3A_7, %dma_start3A_27] : memref<512x64xf32, #tpu.memory_space<hbm>> -> memref<16x64xf32, #tpu.memory_space<hbm>>
      %dma_start3A_29 = arith.constant 0 : i32
      %dma_start3A_30 = tpu.memref_slice %arg5[%mul3A_7, %dma_start3A_29] : memref<512x64xf32, #tpu.memory_space<hbm>> -> memref<16x64xf32, #tpu.memory_space<hbm>>
      %dma_start3A_31 = arith.constant 0 : i32
      %dma_start3A_32 = arith.constant 0 : i32
      %dma_start3A_33 = tpu.memref_slice %arg7[%dma_start3A_31, %dma_start3A_32] : memref<128x64xf32, #tpu.memory_space<vmem>> -> memref<16x64xf32, #tpu.memory_space<vmem>>
      tpu.enqueue_dma source(%dma_start3A_33 : memref<16x64xf32, #tpu.memory_space<vmem>>) target(%dma_start3A_30 : memref<16x64xf32, #tpu.memory_space<hbm>>) target_semaphore(%run_scoped3A : memref<!tpu.dma_semaphore, #tpu.memory_space<semaphore_mem>>)
      %dma_wait3A_34 = arith.constant 0 : i32
      %dma_wait3A_35 = arith.constant 0 : i32
      %dma_wait3A_36 = tpu.memref_slice %arg7[%dma_wait3A_34, %dma_wait3A_35] : memref<128x64xf32, #tpu.memory_space<vmem>> -> memref<16x64xf32, #tpu.memory_space<vmem>>
      %dma_wait3A_37 = arith.constant 0 : i32
      %dma_wait3A_38 = tpu.memref_slice %arg5[%mul3A_7, %dma_wait3A_37] : memref<512x64xf32, #tpu.memory_space<hbm>> -> memref<16x64xf32, #tpu.memory_space<hbm>>
      %dma_wait3A_39 = arith.constant 0 : i32
      %dma_wait3A_40 = tpu.memref_slice %arg5[%mul3A_7, %dma_wait3A_39] : memref<512x64xf32, #tpu.memory_space<hbm>> -> memref<16x64xf32, #tpu.memory_space<hbm>>
      %dma_wait3A_41 = arith.constant 0 : i32
      %dma_wait3A_42 = arith.constant 0 : i32
      %dma_wait3A_43 = tpu.memref_slice %arg7[%dma_wait3A_41, %dma_wait3A_42] : memref<128x64xf32, #tpu.memory_space<vmem>> -> memref<16x64xf32, #tpu.memory_space<vmem>>
      tpu.wait_dma2 semaphore(%run_scoped3A : memref<!tpu.dma_semaphore, #tpu.memory_space<semaphore_mem>>) src(%dma_wait3A_43 : memref<16x64xf32, #tpu.memory_space<vmem>>) dst(%dma_wait3A_40 : memref<16x64xf32, #tpu.memory_space<hbm>>)
      tpu.yield
    }) : () -> ()
    return
  }
}

#map = affine_map<(d0, d1) -> (0)>
#map1 = affine_map<(d0, d1) -> (0, 0)>
module attributes {stable_mosaic.version = 14 : i64} {
  func.func @_sc_gather(%arg0: i32, %arg1: i32, %arg2: memref<688640xi32, #tpu.memory_space<hbm>>, %arg3: memref<200000x64xf32, #tpu.memory_space<hbm>>, %arg4: memref<688128x64xf32, #tpu.memory_space<hbm>>, %arg5: memref<512x64xf32, #tpu.memory_space<hbm>>, %arg6: memref<512xi32, #tpu.memory_space<vmem>>, %arg7: memref<128x64xf32, #tpu.memory_space<vmem>>, %arg8: memref<128x64xf32, #tpu.memory_space<vmem>>, %arg9: memref<!tpu.dma_semaphore, #tpu.memory_space<semaphore_mem>>, %arg10: memref<!tpu.dma_semaphore, #tpu.memory_space<semaphore_mem>>) attributes {dimension_semantics = [#tpu.dimension_semantics<core_parallel>, #tpu.dimension_semantics<subcore_parallel>], iteration_bounds = array<i64: 2, 16>, scalar_prefetch = 0 : i64, scratch_operands = 5 : i64, tpu.core_type = #tpu.core_type<sc_vector_subcore>, window_params = [{transform_indices = #map}, {transform_indices = #map1}, {transform_indices = #map1}, {transform_indices = #map1}]} {
    %mul3A = arith.constant 2 : i32
    %mul3A_0 = arith.muli %arg1, %mul3A : i32
    %add3A = arith.addi %mul3A_0, %arg0 : i32
    %scan3A = arith.constant 0 : i32
    %scan3A_1 = arith.constant 0 : i32
    %scan3A_2 = arith.constant 42 : i32
    %scan3A_3 = arith.addi %scan3A_1, %scan3A_2 : i32
    %scan3A_4 = arith.constant 1 : i32
    scf.for %scan3A_24 = %scan3A_1 to %scan3A_3 step %scan3A_4  : i32 {
      %mul3A_25 = arith.constant 16384 : i32
      %mul3A_26 = arith.muli %scan3A_24, %mul3A_25 : i32
      %mul3A_27 = arith.constant 512 : i32
      %mul3A_28 = arith.muli %add3A, %mul3A_27 : i32
      %add3A_29 = arith.addi %mul3A_26, %mul3A_28 : i32
      "tpu.region"() ({
        %run_scoped3A = tpu.sem_alloc : memref<!tpu.dma_semaphore, #tpu.memory_space<semaphore_mem>>
        %dma_start3A_78 = tpu.memref_slice %arg2[%add3A_29] : memref<688640xi32, #tpu.memory_space<hbm>> -> memref<512xi32, #tpu.memory_space<hbm>>
        %dma_start3A_79 = tpu.memref_slice %arg2[%add3A_29] : memref<688640xi32, #tpu.memory_space<hbm>> -> memref<512xi32, #tpu.memory_space<hbm>>
        tpu.enqueue_dma source(%dma_start3A_79 : memref<512xi32, #tpu.memory_space<hbm>>) target(%arg6 : memref<512xi32, #tpu.memory_space<vmem>>) target_semaphore(%run_scoped3A : memref<!tpu.dma_semaphore, #tpu.memory_space<semaphore_mem>>)
        %dma_wait3A_80 = tpu.memref_slice %arg2[%add3A_29] : memref<688640xi32, #tpu.memory_space<hbm>> -> memref<512xi32, #tpu.memory_space<hbm>>
        %dma_wait3A_81 = tpu.memref_slice %arg2[%add3A_29] : memref<688640xi32, #tpu.memory_space<hbm>> -> memref<512xi32, #tpu.memory_space<hbm>>
        tpu.wait_dma2 semaphore(%run_scoped3A : memref<!tpu.dma_semaphore, #tpu.memory_space<semaphore_mem>>) src(%dma_wait3A_81 : memref<512xi32, #tpu.memory_space<hbm>>) dst(%arg6 : memref<512xi32, #tpu.memory_space<vmem>>)
        tpu.yield
      }) : () -> ()
      %dma_start3A_30 = arith.constant 0 : i32
      %dma_start3A_31 = tpu.memref_slice %arg6[%dma_start3A_30] : memref<512xi32, #tpu.memory_space<vmem>> -> memref<128xi32, #tpu.memory_space<vmem>>
      %dma_start3A_32 = arith.constant 0 : i32
      %dma_start3A_33 = arith.constant 0 : i32
      %dma_start3A_34 = tpu.memref_slice %arg3[%dma_start3A_32, %dma_start3A_33] : memref<200000x64xf32, #tpu.memory_space<hbm>> -> memref<200000x64xf32, #tpu.memory_space<hbm>>
      tpu.enqueue_indirect_dma source(%dma_start3A_34 : memref<200000x64xf32, #tpu.memory_space<hbm>>) target(%arg7 : memref<128x64xf32, #tpu.memory_space<vmem>>) offsets(%dma_start3A_31 : memref<128xi32, #tpu.memory_space<vmem>>) semaphore(%arg9 : memref<!tpu.dma_semaphore, #tpu.memory_space<semaphore_mem>>)
      %dma_start3A_35 = arith.constant 128 : i32
      %dma_start3A_36 = tpu.memref_slice %arg6[%dma_start3A_35] : memref<512xi32, #tpu.memory_space<vmem>> -> memref<128xi32, #tpu.memory_space<vmem>>
      %dma_start3A_37 = arith.constant 0 : i32
      %dma_start3A_38 = arith.constant 0 : i32
      %dma_start3A_39 = tpu.memref_slice %arg3[%dma_start3A_37, %dma_start3A_38] : memref<200000x64xf32, #tpu.memory_space<hbm>> -> memref<200000x64xf32, #tpu.memory_space<hbm>>
      tpu.enqueue_indirect_dma source(%dma_start3A_39 : memref<200000x64xf32, #tpu.memory_space<hbm>>) target(%arg8 : memref<128x64xf32, #tpu.memory_space<vmem>>) offsets(%dma_start3A_36 : memref<128xi32, #tpu.memory_space<vmem>>) semaphore(%arg10 : memref<!tpu.dma_semaphore, #tpu.memory_space<semaphore_mem>>)
      %dma_wait3A_40 = arith.constant 0 : i32
      %dma_wait3A_41 = tpu.memref_slice %arg6[%dma_wait3A_40] : memref<512xi32, #tpu.memory_space<vmem>> -> memref<128xi32, #tpu.memory_space<vmem>>
      %dma_wait3A_42 = arith.constant 0 : i32
      %dma_wait3A_43 = arith.constant 0 : i32
      %dma_wait3A_44 = tpu.memref_slice %arg3[%dma_wait3A_42, %dma_wait3A_43] : memref<200000x64xf32, #tpu.memory_space<hbm>> -> memref<200000x64xf32, #tpu.memory_space<hbm>>
      tpu.wait_indirect_dma semaphore(%arg9 : memref<!tpu.dma_semaphore, #tpu.memory_space<semaphore_mem>>) src(%dma_wait3A_44 : memref<200000x64xf32, #tpu.memory_space<hbm>>) dst(%arg7 : memref<128x64xf32, #tpu.memory_space<vmem>>)
      %add3A_45 = arith.constant 0 : i32
      %add3A_46 = arith.addi %add3A_29, %add3A_45 : i32
      "tpu.region"() ({
        %run_scoped3A = tpu.sem_alloc : memref<!tpu.dma_semaphore, #tpu.memory_space<semaphore_mem>>
        %dma_start3A_78 = arith.constant 0 : i32
        %dma_start3A_79 = tpu.memref_slice %arg4[%add3A_46, %dma_start3A_78] : memref<688128x64xf32, #tpu.memory_space<hbm>> -> memref<128x64xf32, #tpu.memory_space<hbm>>
        %dma_start3A_80 = arith.constant 0 : i32
        %dma_start3A_81 = tpu.memref_slice %arg4[%add3A_46, %dma_start3A_80] : memref<688128x64xf32, #tpu.memory_space<hbm>> -> memref<128x64xf32, #tpu.memory_space<hbm>>
        tpu.enqueue_dma source(%arg7 : memref<128x64xf32, #tpu.memory_space<vmem>>) target(%dma_start3A_81 : memref<128x64xf32, #tpu.memory_space<hbm>>) target_semaphore(%run_scoped3A : memref<!tpu.dma_semaphore, #tpu.memory_space<semaphore_mem>>)
        %dma_wait3A_82 = arith.constant 0 : i32
        %dma_wait3A_83 = tpu.memref_slice %arg4[%add3A_46, %dma_wait3A_82] : memref<688128x64xf32, #tpu.memory_space<hbm>> -> memref<128x64xf32, #tpu.memory_space<hbm>>
        %dma_wait3A_84 = arith.constant 0 : i32
        %dma_wait3A_85 = tpu.memref_slice %arg4[%add3A_46, %dma_wait3A_84] : memref<688128x64xf32, #tpu.memory_space<hbm>> -> memref<128x64xf32, #tpu.memory_space<hbm>>
        tpu.wait_dma2 semaphore(%run_scoped3A : memref<!tpu.dma_semaphore, #tpu.memory_space<semaphore_mem>>) src(%arg7 : memref<128x64xf32, #tpu.memory_space<vmem>>) dst(%dma_wait3A_85 : memref<128x64xf32, #tpu.memory_space<hbm>>)
        tpu.yield
      }) : () -> ()
      %dma_start3A_47 = arith.constant 256 : i32
      %dma_start3A_48 = tpu.memref_slice %arg6[%dma_start3A_47] : memref<512xi32, #tpu.memory_space<vmem>> -> memref<128xi32, #tpu.memory_space<vmem>>
      %dma_start3A_49 = arith.constant 0 : i32
      %dma_start3A_50 = arith.constant 0 : i32
      %dma_start3A_51 = tpu.memref_slice %arg3[%dma_start3A_49, %dma_start3A_50] : memref<200000x64xf32, #tpu.memory_space<hbm>> -> memref<200000x64xf32, #tpu.memory_space<hbm>>
      tpu.enqueue_indirect_dma source(%dma_start3A_51 : memref<200000x64xf32, #tpu.memory_space<hbm>>) target(%arg7 : memref<128x64xf32, #tpu.memory_space<vmem>>) offsets(%dma_start3A_48 : memref<128xi32, #tpu.memory_space<vmem>>) semaphore(%arg9 : memref<!tpu.dma_semaphore, #tpu.memory_space<semaphore_mem>>)
      %dma_wait3A_52 = arith.constant 128 : i32
      %dma_wait3A_53 = tpu.memref_slice %arg6[%dma_wait3A_52] : memref<512xi32, #tpu.memory_space<vmem>> -> memref<128xi32, #tpu.memory_space<vmem>>
      %dma_wait3A_54 = arith.constant 0 : i32
      %dma_wait3A_55 = arith.constant 0 : i32
      %dma_wait3A_56 = tpu.memref_slice %arg3[%dma_wait3A_54, %dma_wait3A_55] : memref<200000x64xf32, #tpu.memory_space<hbm>> -> memref<200000x64xf32, #tpu.memory_space<hbm>>
      tpu.wait_indirect_dma semaphore(%arg10 : memref<!tpu.dma_semaphore, #tpu.memory_space<semaphore_mem>>) src(%dma_wait3A_56 : memref<200000x64xf32, #tpu.memory_space<hbm>>) dst(%arg8 : memref<128x64xf32, #tpu.memory_space<vmem>>)
      %add3A_57 = arith.constant 128 : i32
      %add3A_58 = arith.addi %add3A_29, %add3A_57 : i32
      "tpu.region"() ({
        %run_scoped3A = tpu.sem_alloc : memref<!tpu.dma_semaphore, #tpu.memory_space<semaphore_mem>>
        %dma_start3A_78 = arith.constant 0 : i32
        %dma_start3A_79 = tpu.memref_slice %arg4[%add3A_58, %dma_start3A_78] : memref<688128x64xf32, #tpu.memory_space<hbm>> -> memref<128x64xf32, #tpu.memory_space<hbm>>
        %dma_start3A_80 = arith.constant 0 : i32
        %dma_start3A_81 = tpu.memref_slice %arg4[%add3A_58, %dma_start3A_80] : memref<688128x64xf32, #tpu.memory_space<hbm>> -> memref<128x64xf32, #tpu.memory_space<hbm>>
        tpu.enqueue_dma source(%arg8 : memref<128x64xf32, #tpu.memory_space<vmem>>) target(%dma_start3A_81 : memref<128x64xf32, #tpu.memory_space<hbm>>) target_semaphore(%run_scoped3A : memref<!tpu.dma_semaphore, #tpu.memory_space<semaphore_mem>>)
        %dma_wait3A_82 = arith.constant 0 : i32
        %dma_wait3A_83 = tpu.memref_slice %arg4[%add3A_58, %dma_wait3A_82] : memref<688128x64xf32, #tpu.memory_space<hbm>> -> memref<128x64xf32, #tpu.memory_space<hbm>>
        %dma_wait3A_84 = arith.constant 0 : i32
        %dma_wait3A_85 = tpu.memref_slice %arg4[%add3A_58, %dma_wait3A_84] : memref<688128x64xf32, #tpu.memory_space<hbm>> -> memref<128x64xf32, #tpu.memory_space<hbm>>
        tpu.wait_dma2 semaphore(%run_scoped3A : memref<!tpu.dma_semaphore, #tpu.memory_space<semaphore_mem>>) src(%arg8 : memref<128x64xf32, #tpu.memory_space<vmem>>) dst(%dma_wait3A_85 : memref<128x64xf32, #tpu.memory_space<hbm>>)
        tpu.yield
      }) : () -> ()
      %dma_start3A_59 = arith.constant 384 : i32
      %dma_start3A_60 = tpu.memref_slice %arg6[%dma_start3A_59] : memref<512xi32, #tpu.memory_space<vmem>> -> memref<128xi32, #tpu.memory_space<vmem>>
      %dma_start3A_61 = arith.constant 0 : i32
      %dma_start3A_62 = arith.constant 0 : i32
      %dma_start3A_63 = tpu.memref_slice %arg3[%dma_start3A_61, %dma_start3A_62] : memref<200000x64xf32, #tpu.memory_space<hbm>> -> memref<200000x64xf32, #tpu.memory_space<hbm>>
      tpu.enqueue_indirect_dma source(%dma_start3A_63 : memref<200000x64xf32, #tpu.memory_space<hbm>>) target(%arg8 : memref<128x64xf32, #tpu.memory_space<vmem>>) offsets(%dma_start3A_60 : memref<128xi32, #tpu.memory_space<vmem>>) semaphore(%arg10 : memref<!tpu.dma_semaphore, #tpu.memory_space<semaphore_mem>>)
      %dma_wait3A_64 = arith.constant 256 : i32
      %dma_wait3A_65 = tpu.memref_slice %arg6[%dma_wait3A_64] : memref<512xi32, #tpu.memory_space<vmem>> -> memref<128xi32, #tpu.memory_space<vmem>>
      %dma_wait3A_66 = arith.constant 0 : i32
      %dma_wait3A_67 = arith.constant 0 : i32
      %dma_wait3A_68 = tpu.memref_slice %arg3[%dma_wait3A_66, %dma_wait3A_67] : memref<200000x64xf32, #tpu.memory_space<hbm>> -> memref<200000x64xf32, #tpu.memory_space<hbm>>
      tpu.wait_indirect_dma semaphore(%arg9 : memref<!tpu.dma_semaphore, #tpu.memory_space<semaphore_mem>>) src(%dma_wait3A_68 : memref<200000x64xf32, #tpu.memory_space<hbm>>) dst(%arg7 : memref<128x64xf32, #tpu.memory_space<vmem>>)
      %add3A_69 = arith.constant 256 : i32
      %add3A_70 = arith.addi %add3A_29, %add3A_69 : i32
      "tpu.region"() ({
        %run_scoped3A = tpu.sem_alloc : memref<!tpu.dma_semaphore, #tpu.memory_space<semaphore_mem>>
        %dma_start3A_78 = arith.constant 0 : i32
        %dma_start3A_79 = tpu.memref_slice %arg4[%add3A_70, %dma_start3A_78] : memref<688128x64xf32, #tpu.memory_space<hbm>> -> memref<128x64xf32, #tpu.memory_space<hbm>>
        %dma_start3A_80 = arith.constant 0 : i32
        %dma_start3A_81 = tpu.memref_slice %arg4[%add3A_70, %dma_start3A_80] : memref<688128x64xf32, #tpu.memory_space<hbm>> -> memref<128x64xf32, #tpu.memory_space<hbm>>
        tpu.enqueue_dma source(%arg7 : memref<128x64xf32, #tpu.memory_space<vmem>>) target(%dma_start3A_81 : memref<128x64xf32, #tpu.memory_space<hbm>>) target_semaphore(%run_scoped3A : memref<!tpu.dma_semaphore, #tpu.memory_space<semaphore_mem>>)
        %dma_wait3A_82 = arith.constant 0 : i32
        %dma_wait3A_83 = tpu.memref_slice %arg4[%add3A_70, %dma_wait3A_82] : memref<688128x64xf32, #tpu.memory_space<hbm>> -> memref<128x64xf32, #tpu.memory_space<hbm>>
        %dma_wait3A_84 = arith.constant 0 : i32
        %dma_wait3A_85 = tpu.memref_slice %arg4[%add3A_70, %dma_wait3A_84] : memref<688128x64xf32, #tpu.memory_space<hbm>> -> memref<128x64xf32, #tpu.memory_space<hbm>>
        tpu.wait_dma2 semaphore(%run_scoped3A : memref<!tpu.dma_semaphore, #tpu.memory_space<semaphore_mem>>) src(%arg7 : memref<128x64xf32, #tpu.memory_space<vmem>>) dst(%dma_wait3A_85 : memref<128x64xf32, #tpu.memory_space<hbm>>)
        tpu.yield
      }) : () -> ()
      %dma_wait3A_71 = arith.constant 384 : i32
      %dma_wait3A_72 = tpu.memref_slice %arg6[%dma_wait3A_71] : memref<512xi32, #tpu.memory_space<vmem>> -> memref<128xi32, #tpu.memory_space<vmem>>
      %dma_wait3A_73 = arith.constant 0 : i32
      %dma_wait3A_74 = arith.constant 0 : i32
      %dma_wait3A_75 = tpu.memref_slice %arg3[%dma_wait3A_73, %dma_wait3A_74] : memref<200000x64xf32, #tpu.memory_space<hbm>> -> memref<200000x64xf32, #tpu.memory_space<hbm>>
      tpu.wait_indirect_dma semaphore(%arg10 : memref<!tpu.dma_semaphore, #tpu.memory_space<semaphore_mem>>) src(%dma_wait3A_75 : memref<200000x64xf32, #tpu.memory_space<hbm>>) dst(%arg8 : memref<128x64xf32, #tpu.memory_space<vmem>>)
      %add3A_76 = arith.constant 384 : i32
      %add3A_77 = arith.addi %add3A_29, %add3A_76 : i32
      "tpu.region"() ({
        %run_scoped3A = tpu.sem_alloc : memref<!tpu.dma_semaphore, #tpu.memory_space<semaphore_mem>>
        %dma_start3A_78 = arith.constant 0 : i32
        %dma_start3A_79 = tpu.memref_slice %arg4[%add3A_77, %dma_start3A_78] : memref<688128x64xf32, #tpu.memory_space<hbm>> -> memref<128x64xf32, #tpu.memory_space<hbm>>
        %dma_start3A_80 = arith.constant 0 : i32
        %dma_start3A_81 = tpu.memref_slice %arg4[%add3A_77, %dma_start3A_80] : memref<688128x64xf32, #tpu.memory_space<hbm>> -> memref<128x64xf32, #tpu.memory_space<hbm>>
        tpu.enqueue_dma source(%arg8 : memref<128x64xf32, #tpu.memory_space<vmem>>) target(%dma_start3A_81 : memref<128x64xf32, #tpu.memory_space<hbm>>) target_semaphore(%run_scoped3A : memref<!tpu.dma_semaphore, #tpu.memory_space<semaphore_mem>>)
        %dma_wait3A_82 = arith.constant 0 : i32
        %dma_wait3A_83 = tpu.memref_slice %arg4[%add3A_77, %dma_wait3A_82] : memref<688128x64xf32, #tpu.memory_space<hbm>> -> memref<128x64xf32, #tpu.memory_space<hbm>>
        %dma_wait3A_84 = arith.constant 0 : i32
        %dma_wait3A_85 = tpu.memref_slice %arg4[%add3A_77, %dma_wait3A_84] : memref<688128x64xf32, #tpu.memory_space<hbm>> -> memref<128x64xf32, #tpu.memory_space<hbm>>
        tpu.wait_dma2 semaphore(%run_scoped3A : memref<!tpu.dma_semaphore, #tpu.memory_space<semaphore_mem>>) src(%arg8 : memref<128x64xf32, #tpu.memory_space<vmem>>) dst(%dma_wait3A_85 : memref<128x64xf32, #tpu.memory_space<hbm>>)
        tpu.yield
      }) : () -> ()
    }
    %scan3A_5 = arith.constant 42 : i32
    %mul3A_6 = arith.constant 16 : i32
    %mul3A_7 = arith.muli %add3A, %mul3A_6 : i32
    %add3A_8 = arith.constant 688128 : i32
    %add3A_9 = arith.addi %add3A_8, %mul3A_7 : i32
    "tpu.region"() ({
      %run_scoped3A = tpu.sem_alloc : memref<!tpu.dma_semaphore, #tpu.memory_space<semaphore_mem>>
      %dma_start3A_24 = arith.constant 0 : i32
      %dma_start3A_25 = tpu.memref_slice %arg6[%dma_start3A_24] : memref<512xi32, #tpu.memory_space<vmem>> -> memref<16xi32, #tpu.memory_space<vmem>>
      %dma_start3A_26 = tpu.memref_slice %arg2[%add3A_9] : memref<688640xi32, #tpu.memory_space<hbm>> -> memref<16xi32, #tpu.memory_space<hbm>>
      %dma_start3A_27 = arith.constant 0 : i32
      %dma_start3A_28 = tpu.memref_slice %arg6[%dma_start3A_27] : memref<512xi32, #tpu.memory_space<vmem>> -> memref<16xi32, #tpu.memory_space<vmem>>
      %dma_start3A_29 = tpu.memref_slice %arg2[%add3A_9] : memref<688640xi32, #tpu.memory_space<hbm>> -> memref<16xi32, #tpu.memory_space<hbm>>
      tpu.enqueue_dma source(%dma_start3A_29 : memref<16xi32, #tpu.memory_space<hbm>>) target(%dma_start3A_28 : memref<16xi32, #tpu.memory_space<vmem>>) target_semaphore(%run_scoped3A : memref<!tpu.dma_semaphore, #tpu.memory_space<semaphore_mem>>)
      %dma_wait3A_30 = arith.constant 0 : i32
      %dma_wait3A_31 = tpu.memref_slice %arg6[%dma_wait3A_30] : memref<512xi32, #tpu.memory_space<vmem>> -> memref<16xi32, #tpu.memory_space<vmem>>
      %dma_wait3A_32 = tpu.memref_slice %arg2[%add3A_9] : memref<688640xi32, #tpu.memory_space<hbm>> -> memref<16xi32, #tpu.memory_space<hbm>>
      %dma_wait3A_33 = arith.constant 0 : i32
      %dma_wait3A_34 = tpu.memref_slice %arg6[%dma_wait3A_33] : memref<512xi32, #tpu.memory_space<vmem>> -> memref<16xi32, #tpu.memory_space<vmem>>
      %dma_wait3A_35 = tpu.memref_slice %arg2[%add3A_9] : memref<688640xi32, #tpu.memory_space<hbm>> -> memref<16xi32, #tpu.memory_space<hbm>>
      tpu.wait_dma2 semaphore(%run_scoped3A : memref<!tpu.dma_semaphore, #tpu.memory_space<semaphore_mem>>) src(%dma_wait3A_35 : memref<16xi32, #tpu.memory_space<hbm>>) dst(%dma_wait3A_34 : memref<16xi32, #tpu.memory_space<vmem>>)
      tpu.yield
    }) : () -> ()
    %dma_start3A = arith.constant 0 : i32
    %dma_start3A_10 = arith.constant 0 : i32
    %dma_start3A_11 = tpu.memref_slice %arg7[%dma_start3A, %dma_start3A_10] : memref<128x64xf32, #tpu.memory_space<vmem>> -> memref<16x64xf32, #tpu.memory_space<vmem>>
    %dma_start3A_12 = arith.constant 0 : i32
    %dma_start3A_13 = tpu.memref_slice %arg6[%dma_start3A_12] : memref<512xi32, #tpu.memory_space<vmem>> -> memref<16xi32, #tpu.memory_space<vmem>>
    %dma_start3A_14 = arith.constant 0 : i32
    %dma_start3A_15 = arith.constant 0 : i32
    %dma_start3A_16 = tpu.memref_slice %arg3[%dma_start3A_14, %dma_start3A_15] : memref<200000x64xf32, #tpu.memory_space<hbm>> -> memref<200000x64xf32, #tpu.memory_space<hbm>>
    tpu.enqueue_indirect_dma source(%dma_start3A_16 : memref<200000x64xf32, #tpu.memory_space<hbm>>) target(%dma_start3A_11 : memref<16x64xf32, #tpu.memory_space<vmem>>) offsets(%dma_start3A_13 : memref<16xi32, #tpu.memory_space<vmem>>) semaphore(%arg9 : memref<!tpu.dma_semaphore, #tpu.memory_space<semaphore_mem>>)
    %dma_wait3A = arith.constant 0 : i32
    %dma_wait3A_17 = arith.constant 0 : i32
    %dma_wait3A_18 = tpu.memref_slice %arg7[%dma_wait3A, %dma_wait3A_17] : memref<128x64xf32, #tpu.memory_space<vmem>> -> memref<16x64xf32, #tpu.memory_space<vmem>>
    %dma_wait3A_19 = arith.constant 0 : i32
    %dma_wait3A_20 = tpu.memref_slice %arg6[%dma_wait3A_19] : memref<512xi32, #tpu.memory_space<vmem>> -> memref<16xi32, #tpu.memory_space<vmem>>
    %dma_wait3A_21 = arith.constant 0 : i32
    %dma_wait3A_22 = arith.constant 0 : i32
    %dma_wait3A_23 = tpu.memref_slice %arg3[%dma_wait3A_21, %dma_wait3A_22] : memref<200000x64xf32, #tpu.memory_space<hbm>> -> memref<200000x64xf32, #tpu.memory_space<hbm>>
    tpu.wait_indirect_dma semaphore(%arg9 : memref<!tpu.dma_semaphore, #tpu.memory_space<semaphore_mem>>) src(%dma_wait3A_23 : memref<200000x64xf32, #tpu.memory_space<hbm>>) dst(%dma_wait3A_18 : memref<16x64xf32, #tpu.memory_space<vmem>>)
    "tpu.region"() ({
      %run_scoped3A = tpu.sem_alloc : memref<!tpu.dma_semaphore, #tpu.memory_space<semaphore_mem>>
      %dma_start3A_24 = arith.constant 0 : i32
      %dma_start3A_25 = arith.constant 0 : i32
      %dma_start3A_26 = tpu.memref_slice %arg7[%dma_start3A_24, %dma_start3A_25] : memref<128x64xf32, #tpu.memory_space<vmem>> -> memref<16x64xf32, #tpu.memory_space<vmem>>
      %dma_start3A_27 = arith.constant 0 : i32
      %dma_start3A_28 = tpu.memref_slice %arg5[%mul3A_7, %dma_start3A_27] : memref<512x64xf32, #tpu.memory_space<hbm>> -> memref<16x64xf32, #tpu.memory_space<hbm>>
      %dma_start3A_29 = arith.constant 0 : i32
      %dma_start3A_30 = tpu.memref_slice %arg5[%mul3A_7, %dma_start3A_29] : memref<512x64xf32, #tpu.memory_space<hbm>> -> memref<16x64xf32, #tpu.memory_space<hbm>>
      %dma_start3A_31 = arith.constant 0 : i32
      %dma_start3A_32 = arith.constant 0 : i32
      %dma_start3A_33 = tpu.memref_slice %arg7[%dma_start3A_31, %dma_start3A_32] : memref<128x64xf32, #tpu.memory_space<vmem>> -> memref<16x64xf32, #tpu.memory_space<vmem>>
      tpu.enqueue_dma source(%dma_start3A_33 : memref<16x64xf32, #tpu.memory_space<vmem>>) target(%dma_start3A_30 : memref<16x64xf32, #tpu.memory_space<hbm>>) target_semaphore(%run_scoped3A : memref<!tpu.dma_semaphore, #tpu.memory_space<semaphore_mem>>)
      %dma_wait3A_34 = arith.constant 0 : i32
      %dma_wait3A_35 = arith.constant 0 : i32
      %dma_wait3A_36 = tpu.memref_slice %arg7[%dma_wait3A_34, %dma_wait3A_35] : memref<128x64xf32, #tpu.memory_space<vmem>> -> memref<16x64xf32, #tpu.memory_space<vmem>>
      %dma_wait3A_37 = arith.constant 0 : i32
      %dma_wait3A_38 = tpu.memref_slice %arg5[%mul3A_7, %dma_wait3A_37] : memref<512x64xf32, #tpu.memory_space<hbm>> -> memref<16x64xf32, #tpu.memory_space<hbm>>
      %dma_wait3A_39 = arith.constant 0 : i32
      %dma_wait3A_40 = tpu.memref_slice %arg5[%mul3A_7, %dma_wait3A_39] : memref<512x64xf32, #tpu.memory_space<hbm>> -> memref<16x64xf32, #tpu.memory_space<hbm>>
      %dma_wait3A_41 = arith.constant 0 : i32
      %dma_wait3A_42 = arith.constant 0 : i32
      %dma_wait3A_43 = tpu.memref_slice %arg7[%dma_wait3A_41, %dma_wait3A_42] : memref<128x64xf32, #tpu.memory_space<vmem>> -> memref<16x64xf32, #tpu.memory_space<vmem>>
      tpu.wait_dma2 semaphore(%run_scoped3A : memref<!tpu.dma_semaphore, #tpu.memory_space<semaphore_mem>>) src(%dma_wait3A_43 : memref<16x64xf32, #tpu.memory_space<vmem>>) dst(%dma_wait3A_40 : memref<16x64xf32, #tpu.memory_space<hbm>>)
      tpu.yield
    }) : () -> ()
    return
  }
}

module attributes {stable_mosaic.version = 14 : i64} {
  func.func @_tc_body(%arg0: i32, %arg1: memref<688128x64xf32, #tpu.memory_space<any>>, %arg2: memref<128x64xf32, #tpu.memory_space<vmem>>, %arg3: memref<128x64xf32, #tpu.memory_space<vmem>>, %arg4: memref<1x64xf32, #tpu.memory_space<vmem>>, %arg5: memref<128xf32, #tpu.memory_space<vmem>>, %arg6: memref<2x6x4096x64xf32, #tpu.memory_space<vmem>>, %arg7: memref<2x6x!tpu.dma_semaphore, #tpu.memory_space<semaphore_mem>>, %arg8: memref<128x64xf32, #tpu.memory_space<vmem>>, %arg9: memref<128x64xf32, #tpu.memory_space<vmem>>) attributes {dimension_semantics = [#tpu.dimension_semantics<arbitrary>], iteration_bounds = array<i64: 28>, scalar_prefetch = 0 : i64, scratch_operands = 4 : i64, tpu.core_type = #tpu.core_type<tc>, window_params = [{}, {transform_indices = @transform_1, window_bounds = array<i64: 128, 64>}, {pipeline_mode = #tpu.pipeline_mode<synchronous>, transform_indices = @transform_2, window_bounds = array<i64: 128, 64>}, {pipeline_mode = #tpu.pipeline_mode<synchronous>, transform_indices = @transform_3, window_bounds = array<i64: 1, 64>}, {transform_indices = @transform_4, window_bounds = array<i64: 128>}]} {
    %rem3A = arith.constant 7 : i32
    %rem3A_0 = arith.remsi %arg0, %rem3A : i32
    %get3A = arith.constant 0 : index
    %get3A_1 = arith.constant 0 : index
    %get3A_2 = vector.load %arg3[%get3A, %get3A_1] : memref<128x64xf32, #tpu.memory_space<vmem>>, vector<64x64xf32>
    %get3A_3 = arith.constant 64 : index
    %get3A_4 = arith.constant 0 : index
    %get3A_5 = vector.load %arg3[%get3A_3, %get3A_4] : memref<128x64xf32, #tpu.memory_space<vmem>>, vector<64x64xf32>
    %get3A_6 = arith.constant 0 : index
    %get3A_7 = arith.constant 0 : index
    %get3A_8 = vector.load %arg4[%get3A_6, %get3A_7] : memref<1x64xf32, #tpu.memory_space<vmem>>, vector<1x64xf32>
    %get3A_9 = vector.shape_cast %get3A_8 : vector<1x64xf32> to vector<64xf32>
    %eq3A = arith.constant 0 : i32
    %eq3A_10 = arith.cmpi eq, %arg0, %eq3A : i32
    %convert_element_type3A = arith.extui %eq3A_10 : i1 to i32
    %cond3A = arith.constant 0 : i32
    %cond3A_11 = arith.cmpi ne, %convert_element_type3A, %cond3A : i32
    scf.if %cond3A_11 {
      %div3A_242 = arith.constant 0 : i32
      %div3A_243 = arith.constant 7 : i32
      %div3A_244 = arith.divsi %div3A_242, %div3A_243 : i32
      %rem3A_245 = arith.constant 0 : i32
      %rem3A_246 = arith.constant 7 : i32
      %rem3A_247 = arith.remsi %rem3A_245, %rem3A_246 : i32
      %mul3A_248 = arith.constant 6 : i32
      %mul3A_249 = arith.muli %rem3A_247, %mul3A_248 : i32
      %add3A_250 = arith.constant 0 : i32
      %add3A_251 = arith.addi %mul3A_249, %add3A_250 : i32
      %mul3A_252 = arith.constant 16384 : i32
      %mul3A_253 = arith.muli %add3A_251, %mul3A_252 : i32
      %mul3A_254 = arith.constant 4096 : i32
      %mul3A_255 = arith.muli %div3A_244, %mul3A_254 : i32
      %add3A_256 = arith.addi %mul3A_253, %mul3A_255 : i32
      %dma_start3A = arith.constant 0 : i32
      %dma_start3A_257 = arith.constant 0 : i32
      %dma_start3A_258 = arith.constant 0 : i32
      %dma_start3A_259 = arith.constant 0 : i32
      %dma_start3A_260 = tpu.memref_slice %arg7[%dma_start3A_258, %dma_start3A_259] : memref<2x6x!tpu.dma_semaphore, #tpu.memory_space<semaphore_mem>> -> memref<1x1x!tpu.dma_semaphore, #tpu.memory_space<semaphore_mem>>
      %dma_start3A_261 = tpu.memref_squeeze %dma_start3A_260 : memref<1x1x!tpu.dma_semaphore, #tpu.memory_space<semaphore_mem>> -> memref<!tpu.dma_semaphore, #tpu.memory_space<semaphore_mem>>
      %dma_start3A_262 = arith.constant 0 : i32
      %dma_start3A_263 = arith.constant 0 : i32
      %dma_start3A_264 = tpu.memref_slice %arg6[%dma_start3A, %dma_start3A_257, %dma_start3A_262, %dma_start3A_263] : memref<2x6x4096x64xf32, #tpu.memory_space<vmem>> -> memref<1x1x4096x64xf32, #tpu.memory_space<vmem>>
      %dma_start3A_265 = tpu.memref_squeeze %dma_start3A_264 : memref<1x1x4096x64xf32, #tpu.memory_space<vmem>> -> memref<4096x64xf32, #tpu.memory_space<vmem>>
      %dma_start3A_266 = arith.constant 0 : i32
      %dma_start3A_267 = tpu.memref_slice %arg1[%add3A_256, %dma_start3A_266] : memref<688128x64xf32, #tpu.memory_space<any>> -> memref<4096x64xf32, #tpu.memory_space<any>>
      tpu.enqueue_dma source(%dma_start3A_267 : memref<4096x64xf32, #tpu.memory_space<any>>) target(%dma_start3A_265 : memref<4096x64xf32, #tpu.memory_space<vmem>>) target_semaphore(%dma_start3A_261 : memref<!tpu.dma_semaphore, #tpu.memory_space<semaphore_mem>>)
      %mul3A_268 = arith.constant 6 : i32
      %mul3A_269 = arith.muli %rem3A_247, %mul3A_268 : i32
      %add3A_270 = arith.constant 1 : i32
      %add3A_271 = arith.addi %mul3A_269, %add3A_270 : i32
      %mul3A_272 = arith.constant 16384 : i32
      %mul3A_273 = arith.muli %add3A_271, %mul3A_272 : i32
      %mul3A_274 = arith.constant 4096 : i32
      %mul3A_275 = arith.muli %div3A_244, %mul3A_274 : i32
      %add3A_276 = arith.addi %mul3A_273, %mul3A_275 : i32
      %dma_start3A_277 = arith.constant 0 : i32
      %dma_start3A_278 = arith.constant 1 : i32
      %dma_start3A_279 = arith.constant 0 : i32
      %dma_start3A_280 = arith.constant 1 : i32
      %dma_start3A_281 = tpu.memref_slice %arg7[%dma_start3A_279, %dma_start3A_280] : memref<2x6x!tpu.dma_semaphore, #tpu.memory_space<semaphore_mem>> -> memref<1x1x!tpu.dma_semaphore, #tpu.memory_space<semaphore_mem>>
      %dma_start3A_282 = tpu.memref_squeeze %dma_start3A_281 : memref<1x1x!tpu.dma_semaphore, #tpu.memory_space<semaphore_mem>> -> memref<!tpu.dma_semaphore, #tpu.memory_space<semaphore_mem>>
      %dma_start3A_283 = arith.constant 0 : i32
      %dma_start3A_284 = arith.constant 0 : i32
      %dma_start3A_285 = tpu.memref_slice %arg6[%dma_start3A_277, %dma_start3A_278, %dma_start3A_283, %dma_start3A_284] : memref<2x6x4096x64xf32, #tpu.memory_space<vmem>> -> memref<1x1x4096x64xf32, #tpu.memory_space<vmem>>
      %dma_start3A_286 = tpu.memref_squeeze %dma_start3A_285 : memref<1x1x4096x64xf32, #tpu.memory_space<vmem>> -> memref<4096x64xf32, #tpu.memory_space<vmem>>
      %dma_start3A_287 = arith.constant 0 : i32
      %dma_start3A_288 = tpu.memref_slice %arg1[%add3A_276, %dma_start3A_287] : memref<688128x64xf32, #tpu.memory_space<any>> -> memref<4096x64xf32, #tpu.memory_space<any>>
      tpu.enqueue_dma source(%dma_start3A_288 : memref<4096x64xf32, #tpu.memory_space<any>>) target(%dma_start3A_286 : memref<4096x64xf32, #tpu.memory_space<vmem>>) target_semaphore(%dma_start3A_282 : memref<!tpu.dma_semaphore, #tpu.memory_space<semaphore_mem>>)
      %mul3A_289 = arith.constant 6 : i32
      %mul3A_290 = arith.muli %rem3A_247, %mul3A_289 : i32
      %add3A_291 = arith.constant 2 : i32
      %add3A_292 = arith.addi %mul3A_290, %add3A_291 : i32
      %mul3A_293 = arith.constant 16384 : i32
      %mul3A_294 = arith.muli %add3A_292, %mul3A_293 : i32
      %mul3A_295 = arith.constant 4096 : i32
      %mul3A_296 = arith.muli %div3A_244, %mul3A_295 : i32
      %add3A_297 = arith.addi %mul3A_294, %mul3A_296 : i32
      %dma_start3A_298 = arith.constant 0 : i32
      %dma_start3A_299 = arith.constant 2 : i32
      %dma_start3A_300 = arith.constant 0 : i32
      %dma_start3A_301 = arith.constant 2 : i32
      %dma_start3A_302 = tpu.memref_slice %arg7[%dma_start3A_300, %dma_start3A_301] : memref<2x6x!tpu.dma_semaphore, #tpu.memory_space<semaphore_mem>> -> memref<1x1x!tpu.dma_semaphore, #tpu.memory_space<semaphore_mem>>
      %dma_start3A_303 = tpu.memref_squeeze %dma_start3A_302 : memref<1x1x!tpu.dma_semaphore, #tpu.memory_space<semaphore_mem>> -> memref<!tpu.dma_semaphore, #tpu.memory_space<semaphore_mem>>
      %dma_start3A_304 = arith.constant 0 : i32
      %dma_start3A_305 = arith.constant 0 : i32
      %dma_start3A_306 = tpu.memref_slice %arg6[%dma_start3A_298, %dma_start3A_299, %dma_start3A_304, %dma_start3A_305] : memref<2x6x4096x64xf32, #tpu.memory_space<vmem>> -> memref<1x1x4096x64xf32, #tpu.memory_space<vmem>>
      %dma_start3A_307 = tpu.memref_squeeze %dma_start3A_306 : memref<1x1x4096x64xf32, #tpu.memory_space<vmem>> -> memref<4096x64xf32, #tpu.memory_space<vmem>>
      %dma_start3A_308 = arith.constant 0 : i32
      %dma_start3A_309 = tpu.memref_slice %arg1[%add3A_297, %dma_start3A_308] : memref<688128x64xf32, #tpu.memory_space<any>> -> memref<4096x64xf32, #tpu.memory_space<any>>
      tpu.enqueue_dma source(%dma_start3A_309 : memref<4096x64xf32, #tpu.memory_space<any>>) target(%dma_start3A_307 : memref<4096x64xf32, #tpu.memory_space<vmem>>) target_semaphore(%dma_start3A_303 : memref<!tpu.dma_semaphore, #tpu.memory_space<semaphore_mem>>)
      %mul3A_310 = arith.constant 6 : i32
      %mul3A_311 = arith.muli %rem3A_247, %mul3A_310 : i32
      %add3A_312 = arith.constant 3 : i32
      %add3A_313 = arith.addi %mul3A_311, %add3A_312 : i32
      %mul3A_314 = arith.constant 16384 : i32
      %mul3A_315 = arith.muli %add3A_313, %mul3A_314 : i32
      %mul3A_316 = arith.constant 4096 : i32
      %mul3A_317 = arith.muli %div3A_244, %mul3A_316 : i32
      %add3A_318 = arith.addi %mul3A_315, %mul3A_317 : i32
      %dma_start3A_319 = arith.constant 0 : i32
      %dma_start3A_320 = arith.constant 3 : i32
      %dma_start3A_321 = arith.constant 0 : i32
      %dma_start3A_322 = arith.constant 3 : i32
      %dma_start3A_323 = tpu.memref_slice %arg7[%dma_start3A_321, %dma_start3A_322] : memref<2x6x!tpu.dma_semaphore, #tpu.memory_space<semaphore_mem>> -> memref<1x1x!tpu.dma_semaphore, #tpu.memory_space<semaphore_mem>>
      %dma_start3A_324 = tpu.memref_squeeze %dma_start3A_323 : memref<1x1x!tpu.dma_semaphore, #tpu.memory_space<semaphore_mem>> -> memref<!tpu.dma_semaphore, #tpu.memory_space<semaphore_mem>>
      %dma_start3A_325 = arith.constant 0 : i32
      %dma_start3A_326 = arith.constant 0 : i32
      %dma_start3A_327 = tpu.memref_slice %arg6[%dma_start3A_319, %dma_start3A_320, %dma_start3A_325, %dma_start3A_326] : memref<2x6x4096x64xf32, #tpu.memory_space<vmem>> -> memref<1x1x4096x64xf32, #tpu.memory_space<vmem>>
      %dma_start3A_328 = tpu.memref_squeeze %dma_start3A_327 : memref<1x1x4096x64xf32, #tpu.memory_space<vmem>> -> memref<4096x64xf32, #tpu.memory_space<vmem>>
      %dma_start3A_329 = arith.constant 0 : i32
      %dma_start3A_330 = tpu.memref_slice %arg1[%add3A_318, %dma_start3A_329] : memref<688128x64xf32, #tpu.memory_space<any>> -> memref<4096x64xf32, #tpu.memory_space<any>>
      tpu.enqueue_dma source(%dma_start3A_330 : memref<4096x64xf32, #tpu.memory_space<any>>) target(%dma_start3A_328 : memref<4096x64xf32, #tpu.memory_space<vmem>>) target_semaphore(%dma_start3A_324 : memref<!tpu.dma_semaphore, #tpu.memory_space<semaphore_mem>>)
      %mul3A_331 = arith.constant 6 : i32
      %mul3A_332 = arith.muli %rem3A_247, %mul3A_331 : i32
      %add3A_333 = arith.constant 4 : i32
      %add3A_334 = arith.addi %mul3A_332, %add3A_333 : i32
      %mul3A_335 = arith.constant 16384 : i32
      %mul3A_336 = arith.muli %add3A_334, %mul3A_335 : i32
      %mul3A_337 = arith.constant 4096 : i32
      %mul3A_338 = arith.muli %div3A_244, %mul3A_337 : i32
      %add3A_339 = arith.addi %mul3A_336, %mul3A_338 : i32
      %dma_start3A_340 = arith.constant 0 : i32
      %dma_start3A_341 = arith.constant 4 : i32
      %dma_start3A_342 = arith.constant 0 : i32
      %dma_start3A_343 = arith.constant 4 : i32
      %dma_start3A_344 = tpu.memref_slice %arg7[%dma_start3A_342, %dma_start3A_343] : memref<2x6x!tpu.dma_semaphore, #tpu.memory_space<semaphore_mem>> -> memref<1x1x!tpu.dma_semaphore, #tpu.memory_space<semaphore_mem>>
      %dma_start3A_345 = tpu.memref_squeeze %dma_start3A_344 : memref<1x1x!tpu.dma_semaphore, #tpu.memory_space<semaphore_mem>> -> memref<!tpu.dma_semaphore, #tpu.memory_space<semaphore_mem>>
      %dma_start3A_346 = arith.constant 0 : i32
      %dma_start3A_347 = arith.constant 0 : i32
      %dma_start3A_348 = tpu.memref_slice %arg6[%dma_start3A_340, %dma_start3A_341, %dma_start3A_346, %dma_start3A_347] : memref<2x6x4096x64xf32, #tpu.memory_space<vmem>> -> memref<1x1x4096x64xf32, #tpu.memory_space<vmem>>
      %dma_start3A_349 = tpu.memref_squeeze %dma_start3A_348 : memref<1x1x4096x64xf32, #tpu.memory_space<vmem>> -> memref<4096x64xf32, #tpu.memory_space<vmem>>
      %dma_start3A_350 = arith.constant 0 : i32
      %dma_start3A_351 = tpu.memref_slice %arg1[%add3A_339, %dma_start3A_350] : memref<688128x64xf32, #tpu.memory_space<any>> -> memref<4096x64xf32, #tpu.memory_space<any>>
      tpu.enqueue_dma source(%dma_start3A_351 : memref<4096x64xf32, #tpu.memory_space<any>>) target(%dma_start3A_349 : memref<4096x64xf32, #tpu.memory_space<vmem>>) target_semaphore(%dma_start3A_345 : memref<!tpu.dma_semaphore, #tpu.memory_space<semaphore_mem>>)
      %mul3A_352 = arith.constant 6 : i32
      %mul3A_353 = arith.muli %rem3A_247, %mul3A_352 : i32
      %add3A_354 = arith.constant 5 : i32
      %add3A_355 = arith.addi %mul3A_353, %add3A_354 : i32
      %mul3A_356 = arith.constant 16384 : i32
      %mul3A_357 = arith.muli %add3A_355, %mul3A_356 : i32
      %mul3A_358 = arith.constant 4096 : i32
      %mul3A_359 = arith.muli %div3A_244, %mul3A_358 : i32
      %add3A_360 = arith.addi %mul3A_357, %mul3A_359 : i32
      %dma_start3A_361 = arith.constant 0 : i32
      %dma_start3A_362 = arith.constant 5 : i32
      %dma_start3A_363 = arith.constant 0 : i32
      %dma_start3A_364 = arith.constant 5 : i32
      %dma_start3A_365 = tpu.memref_slice %arg7[%dma_start3A_363, %dma_start3A_364] : memref<2x6x!tpu.dma_semaphore, #tpu.memory_space<semaphore_mem>> -> memref<1x1x!tpu.dma_semaphore, #tpu.memory_space<semaphore_mem>>
      %dma_start3A_366 = tpu.memref_squeeze %dma_start3A_365 : memref<1x1x!tpu.dma_semaphore, #tpu.memory_space<semaphore_mem>> -> memref<!tpu.dma_semaphore, #tpu.memory_space<semaphore_mem>>
      %dma_start3A_367 = arith.constant 0 : i32
      %dma_start3A_368 = arith.constant 0 : i32
      %dma_start3A_369 = tpu.memref_slice %arg6[%dma_start3A_361, %dma_start3A_362, %dma_start3A_367, %dma_start3A_368] : memref<2x6x4096x64xf32, #tpu.memory_space<vmem>> -> memref<1x1x4096x64xf32, #tpu.memory_space<vmem>>
      %dma_start3A_370 = tpu.memref_squeeze %dma_start3A_369 : memref<1x1x4096x64xf32, #tpu.memory_space<vmem>> -> memref<4096x64xf32, #tpu.memory_space<vmem>>
      %dma_start3A_371 = arith.constant 0 : i32
      %dma_start3A_372 = tpu.memref_slice %arg1[%add3A_360, %dma_start3A_371] : memref<688128x64xf32, #tpu.memory_space<any>> -> memref<4096x64xf32, #tpu.memory_space<any>>
      tpu.enqueue_dma source(%dma_start3A_372 : memref<4096x64xf32, #tpu.memory_space<any>>) target(%dma_start3A_370 : memref<4096x64xf32, #tpu.memory_space<vmem>>) target_semaphore(%dma_start3A_366 : memref<!tpu.dma_semaphore, #tpu.memory_space<semaphore_mem>>)
    } else {
    }
    %rem3A_12 = arith.constant 2 : i32
    %rem3A_13 = arith.remsi %arg0, %rem3A_12 : i32
    %add3A = arith.constant 1 : i32
    %add3A_14 = arith.addi %arg0, %add3A : i32
    %lt3A = arith.constant 28 : i32
    %lt3A_15 = arith.cmpi slt, %add3A_14, %lt3A : i32
    %convert_element_type3A_16 = arith.extui %lt3A_15 : i1 to i32
    %cond3A_17 = arith.constant 0 : i32
    %cond3A_18 = arith.cmpi ne, %convert_element_type3A_16, %cond3A_17 : i32
    scf.if %cond3A_18 {
      %add3A_242 = arith.constant 1 : i32
      %add3A_243 = arith.addi %arg0, %add3A_242 : i32
      %sub3A = arith.constant 1 : i32
      %sub3A_244 = arith.subi %sub3A, %rem3A_13 : i32
      %div3A_245 = arith.constant 7 : i32
      %div3A_246 = arith.divsi %add3A_243, %div3A_245 : i32
      %rem3A_247 = arith.constant 7 : i32
      %rem3A_248 = arith.remsi %add3A_243, %rem3A_247 : i32
      %mul3A_249 = arith.constant 6 : i32
      %mul3A_250 = arith.muli %rem3A_248, %mul3A_249 : i32
      %add3A_251 = arith.constant 0 : i32
      %add3A_252 = arith.addi %mul3A_250, %add3A_251 : i32
      %mul3A_253 = arith.constant 16384 : i32
      %mul3A_254 = arith.muli %add3A_252, %mul3A_253 : i32
      %mul3A_255 = arith.constant 4096 : i32
      %mul3A_256 = arith.muli %div3A_246, %mul3A_255 : i32
      %add3A_257 = arith.addi %mul3A_254, %mul3A_256 : i32
      %dma_start3A = arith.constant 0 : i32
      %dma_start3A_258 = arith.constant 0 : i32
      %dma_start3A_259 = tpu.memref_slice %arg7[%sub3A_244, %dma_start3A_258] : memref<2x6x!tpu.dma_semaphore, #tpu.memory_space<semaphore_mem>> -> memref<1x1x!tpu.dma_semaphore, #tpu.memory_space<semaphore_mem>>
      %dma_start3A_260 = tpu.memref_squeeze %dma_start3A_259 : memref<1x1x!tpu.dma_semaphore, #tpu.memory_space<semaphore_mem>> -> memref<!tpu.dma_semaphore, #tpu.memory_space<semaphore_mem>>
      %dma_start3A_261 = arith.constant 0 : i32
      %dma_start3A_262 = arith.constant 0 : i32
      %dma_start3A_263 = tpu.memref_slice %arg6[%sub3A_244, %dma_start3A, %dma_start3A_261, %dma_start3A_262] : memref<2x6x4096x64xf32, #tpu.memory_space<vmem>> -> memref<1x1x4096x64xf32, #tpu.memory_space<vmem>>
      %dma_start3A_264 = tpu.memref_squeeze %dma_start3A_263 : memref<1x1x4096x64xf32, #tpu.memory_space<vmem>> -> memref<4096x64xf32, #tpu.memory_space<vmem>>
      %dma_start3A_265 = arith.constant 0 : i32
      %dma_start3A_266 = tpu.memref_slice %arg1[%add3A_257, %dma_start3A_265] : memref<688128x64xf32, #tpu.memory_space<any>> -> memref<4096x64xf32, #tpu.memory_space<any>>
      tpu.enqueue_dma source(%dma_start3A_266 : memref<4096x64xf32, #tpu.memory_space<any>>) target(%dma_start3A_264 : memref<4096x64xf32, #tpu.memory_space<vmem>>) target_semaphore(%dma_start3A_260 : memref<!tpu.dma_semaphore, #tpu.memory_space<semaphore_mem>>)
      %mul3A_267 = arith.constant 6 : i32
      %mul3A_268 = arith.muli %rem3A_248, %mul3A_267 : i32
      %add3A_269 = arith.constant 1 : i32
      %add3A_270 = arith.addi %mul3A_268, %add3A_269 : i32
      %mul3A_271 = arith.constant 16384 : i32
      %mul3A_272 = arith.muli %add3A_270, %mul3A_271 : i32
      %mul3A_273 = arith.constant 4096 : i32
      %mul3A_274 = arith.muli %div3A_246, %mul3A_273 : i32
      %add3A_275 = arith.addi %mul3A_272, %mul3A_274 : i32
      %dma_start3A_276 = arith.constant 1 : i32
      %dma_start3A_277 = arith.constant 1 : i32
      %dma_start3A_278 = tpu.memref_slice %arg7[%sub3A_244, %dma_start3A_277] : memref<2x6x!tpu.dma_semaphore, #tpu.memory_space<semaphore_mem>> -> memref<1x1x!tpu.dma_semaphore, #tpu.memory_space<semaphore_mem>>
      %dma_start3A_279 = tpu.memref_squeeze %dma_start3A_278 : memref<1x1x!tpu.dma_semaphore, #tpu.memory_space<semaphore_mem>> -> memref<!tpu.dma_semaphore, #tpu.memory_space<semaphore_mem>>
      %dma_start3A_280 = arith.constant 0 : i32
      %dma_start3A_281 = arith.constant 0 : i32
      %dma_start3A_282 = tpu.memref_slice %arg6[%sub3A_244, %dma_start3A_276, %dma_start3A_280, %dma_start3A_281] : memref<2x6x4096x64xf32, #tpu.memory_space<vmem>> -> memref<1x1x4096x64xf32, #tpu.memory_space<vmem>>
      %dma_start3A_283 = tpu.memref_squeeze %dma_start3A_282 : memref<1x1x4096x64xf32, #tpu.memory_space<vmem>> -> memref<4096x64xf32, #tpu.memory_space<vmem>>
      %dma_start3A_284 = arith.constant 0 : i32
      %dma_start3A_285 = tpu.memref_slice %arg1[%add3A_275, %dma_start3A_284] : memref<688128x64xf32, #tpu.memory_space<any>> -> memref<4096x64xf32, #tpu.memory_space<any>>
      tpu.enqueue_dma source(%dma_start3A_285 : memref<4096x64xf32, #tpu.memory_space<any>>) target(%dma_start3A_283 : memref<4096x64xf32, #tpu.memory_space<vmem>>) target_semaphore(%dma_start3A_279 : memref<!tpu.dma_semaphore, #tpu.memory_space<semaphore_mem>>)
      %mul3A_286 = arith.constant 6 : i32
      %mul3A_287 = arith.muli %rem3A_248, %mul3A_286 : i32
      %add3A_288 = arith.constant 2 : i32
      %add3A_289 = arith.addi %mul3A_287, %add3A_288 : i32
      %mul3A_290 = arith.constant 16384 : i32
      %mul3A_291 = arith.muli %add3A_289, %mul3A_290 : i32
      %mul3A_292 = arith.constant 4096 : i32
      %mul3A_293 = arith.muli %div3A_246, %mul3A_292 : i32
      %add3A_294 = arith.addi %mul3A_291, %mul3A_293 : i32
      %dma_start3A_295 = arith.constant 2 : i32
      %dma_start3A_296 = arith.constant 2 : i32
      %dma_start3A_297 = tpu.memref_slice %arg7[%sub3A_244, %dma_start3A_296] : memref<2x6x!tpu.dma_semaphore, #tpu.memory_space<semaphore_mem>> -> memref<1x1x!tpu.dma_semaphore, #tpu.memory_space<semaphore_mem>>
      %dma_start3A_298 = tpu.memref_squeeze %dma_start3A_297 : memref<1x1x!tpu.dma_semaphore, #tpu.memory_space<semaphore_mem>> -> memref<!tpu.dma_semaphore, #tpu.memory_space<semaphore_mem>>
      %dma_start3A_299 = arith.constant 0 : i32
      %dma_start3A_300 = arith.constant 0 : i32
      %dma_start3A_301 = tpu.memref_slice %arg6[%sub3A_244, %dma_start3A_295, %dma_start3A_299, %dma_start3A_300] : memref<2x6x4096x64xf32, #tpu.memory_space<vmem>> -> memref<1x1x4096x64xf32, #tpu.memory_space<vmem>>
      %dma_start3A_302 = tpu.memref_squeeze %dma_start3A_301 : memref<1x1x4096x64xf32, #tpu.memory_space<vmem>> -> memref<4096x64xf32, #tpu.memory_space<vmem>>
      %dma_start3A_303 = arith.constant 0 : i32
      %dma_start3A_304 = tpu.memref_slice %arg1[%add3A_294, %dma_start3A_303] : memref<688128x64xf32, #tpu.memory_space<any>> -> memref<4096x64xf32, #tpu.memory_space<any>>
      tpu.enqueue_dma source(%dma_start3A_304 : memref<4096x64xf32, #tpu.memory_space<any>>) target(%dma_start3A_302 : memref<4096x64xf32, #tpu.memory_space<vmem>>) target_semaphore(%dma_start3A_298 : memref<!tpu.dma_semaphore, #tpu.memory_space<semaphore_mem>>)
      %mul3A_305 = arith.constant 6 : i32
      %mul3A_306 = arith.muli %rem3A_248, %mul3A_305 : i32
      %add3A_307 = arith.constant 3 : i32
      %add3A_308 = arith.addi %mul3A_306, %add3A_307 : i32
      %mul3A_309 = arith.constant 16384 : i32
      %mul3A_310 = arith.muli %add3A_308, %mul3A_309 : i32
      %mul3A_311 = arith.constant 4096 : i32
      %mul3A_312 = arith.muli %div3A_246, %mul3A_311 : i32
      %add3A_313 = arith.addi %mul3A_310, %mul3A_312 : i32
      %dma_start3A_314 = arith.constant 3 : i32
      %dma_start3A_315 = arith.constant 3 : i32
      %dma_start3A_316 = tpu.memref_slice %arg7[%sub3A_244, %dma_start3A_315] : memref<2x6x!tpu.dma_semaphore, #tpu.memory_space<semaphore_mem>> -> memref<1x1x!tpu.dma_semaphore, #tpu.memory_space<semaphore_mem>>
      %dma_start3A_317 = tpu.memref_squeeze %dma_start3A_316 : memref<1x1x!tpu.dma_semaphore, #tpu.memory_space<semaphore_mem>> -> memref<!tpu.dma_semaphore, #tpu.memory_space<semaphore_mem>>
      %dma_start3A_318 = arith.constant 0 : i32
      %dma_start3A_319 = arith.constant 0 : i32
      %dma_start3A_320 = tpu.memref_slice %arg6[%sub3A_244, %dma_start3A_314, %dma_start3A_318, %dma_start3A_319] : memref<2x6x4096x64xf32, #tpu.memory_space<vmem>> -> memref<1x1x4096x64xf32, #tpu.memory_space<vmem>>
      %dma_start3A_321 = tpu.memref_squeeze %dma_start3A_320 : memref<1x1x4096x64xf32, #tpu.memory_space<vmem>> -> memref<4096x64xf32, #tpu.memory_space<vmem>>
      %dma_start3A_322 = arith.constant 0 : i32
      %dma_start3A_323 = tpu.memref_slice %arg1[%add3A_313, %dma_start3A_322] : memref<688128x64xf32, #tpu.memory_space<any>> -> memref<4096x64xf32, #tpu.memory_space<any>>
      tpu.enqueue_dma source(%dma_start3A_323 : memref<4096x64xf32, #tpu.memory_space<any>>) target(%dma_start3A_321 : memref<4096x64xf32, #tpu.memory_space<vmem>>) target_semaphore(%dma_start3A_317 : memref<!tpu.dma_semaphore, #tpu.memory_space<semaphore_mem>>)
      %mul3A_324 = arith.constant 6 : i32
      %mul3A_325 = arith.muli %rem3A_248, %mul3A_324 : i32
      %add3A_326 = arith.constant 4 : i32
      %add3A_327 = arith.addi %mul3A_325, %add3A_326 : i32
      %mul3A_328 = arith.constant 16384 : i32
      %mul3A_329 = arith.muli %add3A_327, %mul3A_328 : i32
      %mul3A_330 = arith.constant 4096 : i32
      %mul3A_331 = arith.muli %div3A_246, %mul3A_330 : i32
      %add3A_332 = arith.addi %mul3A_329, %mul3A_331 : i32
      %dma_start3A_333 = arith.constant 4 : i32
      %dma_start3A_334 = arith.constant 4 : i32
      %dma_start3A_335 = tpu.memref_slice %arg7[%sub3A_244, %dma_start3A_334] : memref<2x6x!tpu.dma_semaphore, #tpu.memory_space<semaphore_mem>> -> memref<1x1x!tpu.dma_semaphore, #tpu.memory_space<semaphore_mem>>
      %dma_start3A_336 = tpu.memref_squeeze %dma_start3A_335 : memref<1x1x!tpu.dma_semaphore, #tpu.memory_space<semaphore_mem>> -> memref<!tpu.dma_semaphore, #tpu.memory_space<semaphore_mem>>
      %dma_start3A_337 = arith.constant 0 : i32
      %dma_start3A_338 = arith.constant 0 : i32
      %dma_start3A_339 = tpu.memref_slice %arg6[%sub3A_244, %dma_start3A_333, %dma_start3A_337, %dma_start3A_338] : memref<2x6x4096x64xf32, #tpu.memory_space<vmem>> -> memref<1x1x4096x64xf32, #tpu.memory_space<vmem>>
      %dma_start3A_340 = tpu.memref_squeeze %dma_start3A_339 : memref<1x1x4096x64xf32, #tpu.memory_space<vmem>> -> memref<4096x64xf32, #tpu.memory_space<vmem>>
      %dma_start3A_341 = arith.constant 0 : i32
      %dma_start3A_342 = tpu.memref_slice %arg1[%add3A_332, %dma_start3A_341] : memref<688128x64xf32, #tpu.memory_space<any>> -> memref<4096x64xf32, #tpu.memory_space<any>>
      tpu.enqueue_dma source(%dma_start3A_342 : memref<4096x64xf32, #tpu.memory_space<any>>) target(%dma_start3A_340 : memref<4096x64xf32, #tpu.memory_space<vmem>>) target_semaphore(%dma_start3A_336 : memref<!tpu.dma_semaphore, #tpu.memory_space<semaphore_mem>>)
      %mul3A_343 = arith.constant 6 : i32
      %mul3A_344 = arith.muli %rem3A_248, %mul3A_343 : i32
      %add3A_345 = arith.constant 5 : i32
      %add3A_346 = arith.addi %mul3A_344, %add3A_345 : i32
      %mul3A_347 = arith.constant 16384 : i32
      %mul3A_348 = arith.muli %add3A_346, %mul3A_347 : i32
      %mul3A_349 = arith.constant 4096 : i32
      %mul3A_350 = arith.muli %div3A_246, %mul3A_349 : i32
      %add3A_351 = arith.addi %mul3A_348, %mul3A_350 : i32
      %dma_start3A_352 = arith.constant 5 : i32
      %dma_start3A_353 = arith.constant 5 : i32
      %dma_start3A_354 = tpu.memref_slice %arg7[%sub3A_244, %dma_start3A_353] : memref<2x6x!tpu.dma_semaphore, #tpu.memory_space<semaphore_mem>> -> memref<1x1x!tpu.dma_semaphore, #tpu.memory_space<semaphore_mem>>
      %dma_start3A_355 = tpu.memref_squeeze %dma_start3A_354 : memref<1x1x!tpu.dma_semaphore, #tpu.memory_space<semaphore_mem>> -> memref<!tpu.dma_semaphore, #tpu.memory_space<semaphore_mem>>
      %dma_start3A_356 = arith.constant 0 : i32
      %dma_start3A_357 = arith.constant 0 : i32
      %dma_start3A_358 = tpu.memref_slice %arg6[%sub3A_244, %dma_start3A_352, %dma_start3A_356, %dma_start3A_357] : memref<2x6x4096x64xf32, #tpu.memory_space<vmem>> -> memref<1x1x4096x64xf32, #tpu.memory_space<vmem>>
      %dma_start3A_359 = tpu.memref_squeeze %dma_start3A_358 : memref<1x1x4096x64xf32, #tpu.memory_space<vmem>> -> memref<4096x64xf32, #tpu.memory_space<vmem>>
      %dma_start3A_360 = arith.constant 0 : i32
      %dma_start3A_361 = tpu.memref_slice %arg1[%add3A_351, %dma_start3A_360] : memref<688128x64xf32, #tpu.memory_space<any>> -> memref<4096x64xf32, #tpu.memory_space<any>>
      tpu.enqueue_dma source(%dma_start3A_361 : memref<4096x64xf32, #tpu.memory_space<any>>) target(%dma_start3A_359 : memref<4096x64xf32, #tpu.memory_space<vmem>>) target_semaphore(%dma_start3A_355 : memref<!tpu.dma_semaphore, #tpu.memory_space<semaphore_mem>>)
    } else {
    }
    %dma_wait3A = arith.constant 0 : i32
    %dma_wait3A_19 = arith.constant 0 : i32
    %dma_wait3A_20 = tpu.memref_slice %arg7[%rem3A_13, %dma_wait3A_19] : memref<2x6x!tpu.dma_semaphore, #tpu.memory_space<semaphore_mem>> -> memref<1x1x!tpu.dma_semaphore, #tpu.memory_space<semaphore_mem>>
    %dma_wait3A_21 = tpu.memref_squeeze %dma_wait3A_20 : memref<1x1x!tpu.dma_semaphore, #tpu.memory_space<semaphore_mem>> -> memref<!tpu.dma_semaphore, #tpu.memory_space<semaphore_mem>>
    %dma_wait3A_22 = arith.constant 0 : i32
    %dma_wait3A_23 = arith.constant 0 : i32
    %dma_wait3A_24 = tpu.memref_slice %arg6[%rem3A_13, %dma_wait3A, %dma_wait3A_22, %dma_wait3A_23] : memref<2x6x4096x64xf32, #tpu.memory_space<vmem>> -> memref<1x1x4096x64xf32, #tpu.memory_space<vmem>>
    %dma_wait3A_25 = tpu.memref_squeeze %dma_wait3A_24 : memref<1x1x4096x64xf32, #tpu.memory_space<vmem>> -> memref<4096x64xf32, #tpu.memory_space<vmem>>
    %dma_wait3A_26 = arith.constant 0 : i32
    %dma_wait3A_27 = arith.constant 0 : i32
    %dma_wait3A_28 = tpu.memref_slice %arg1[%dma_wait3A_26, %dma_wait3A_27] : memref<688128x64xf32, #tpu.memory_space<any>> -> memref<4096x64xf32, #tpu.memory_space<any>>
    tpu.wait_dma2 semaphore(%dma_wait3A_21 : memref<!tpu.dma_semaphore, #tpu.memory_space<semaphore_mem>>) src(%dma_wait3A_28 : memref<4096x64xf32, #tpu.memory_space<any>>) dst(%dma_wait3A_25 : memref<4096x64xf32, #tpu.memory_space<vmem>>)
    %dma_wait3A_29 = arith.constant 1 : i32
    %dma_wait3A_30 = arith.constant 1 : i32
    %dma_wait3A_31 = tpu.memref_slice %arg7[%rem3A_13, %dma_wait3A_30] : memref<2x6x!tpu.dma_semaphore, #tpu.memory_space<semaphore_mem>> -> memref<1x1x!tpu.dma_semaphore, #tpu.memory_space<semaphore_mem>>
    %dma_wait3A_32 = tpu.memref_squeeze %dma_wait3A_31 : memref<1x1x!tpu.dma_semaphore, #tpu.memory_space<semaphore_mem>> -> memref<!tpu.dma_semaphore, #tpu.memory_space<semaphore_mem>>
    %dma_wait3A_33 = arith.constant 0 : i32
    %dma_wait3A_34 = arith.constant 0 : i32
    %dma_wait3A_35 = tpu.memref_slice %arg6[%rem3A_13, %dma_wait3A_29, %dma_wait3A_33, %dma_wait3A_34] : memref<2x6x4096x64xf32, #tpu.memory_space<vmem>> -> memref<1x1x4096x64xf32, #tpu.memory_space<vmem>>
    %dma_wait3A_36 = tpu.memref_squeeze %dma_wait3A_35 : memref<1x1x4096x64xf32, #tpu.memory_space<vmem>> -> memref<4096x64xf32, #tpu.memory_space<vmem>>
    %dma_wait3A_37 = arith.constant 0 : i32
    %dma_wait3A_38 = arith.constant 0 : i32
    %dma_wait3A_39 = tpu.memref_slice %arg1[%dma_wait3A_37, %dma_wait3A_38] : memref<688128x64xf32, #tpu.memory_space<any>> -> memref<4096x64xf32, #tpu.memory_space<any>>
    tpu.wait_dma2 semaphore(%dma_wait3A_32 : memref<!tpu.dma_semaphore, #tpu.memory_space<semaphore_mem>>) src(%dma_wait3A_39 : memref<4096x64xf32, #tpu.memory_space<any>>) dst(%dma_wait3A_36 : memref<4096x64xf32, #tpu.memory_space<vmem>>)
    %dma_wait3A_40 = arith.constant 2 : i32
    %dma_wait3A_41 = arith.constant 2 : i32
    %dma_wait3A_42 = tpu.memref_slice %arg7[%rem3A_13, %dma_wait3A_41] : memref<2x6x!tpu.dma_semaphore, #tpu.memory_space<semaphore_mem>> -> memref<1x1x!tpu.dma_semaphore, #tpu.memory_space<semaphore_mem>>
    %dma_wait3A_43 = tpu.memref_squeeze %dma_wait3A_42 : memref<1x1x!tpu.dma_semaphore, #tpu.memory_space<semaphore_mem>> -> memref<!tpu.dma_semaphore, #tpu.memory_space<semaphore_mem>>
    %dma_wait3A_44 = arith.constant 0 : i32
    %dma_wait3A_45 = arith.constant 0 : i32
    %dma_wait3A_46 = tpu.memref_slice %arg6[%rem3A_13, %dma_wait3A_40, %dma_wait3A_44, %dma_wait3A_45] : memref<2x6x4096x64xf32, #tpu.memory_space<vmem>> -> memref<1x1x4096x64xf32, #tpu.memory_space<vmem>>
    %dma_wait3A_47 = tpu.memref_squeeze %dma_wait3A_46 : memref<1x1x4096x64xf32, #tpu.memory_space<vmem>> -> memref<4096x64xf32, #tpu.memory_space<vmem>>
    %dma_wait3A_48 = arith.constant 0 : i32
    %dma_wait3A_49 = arith.constant 0 : i32
    %dma_wait3A_50 = tpu.memref_slice %arg1[%dma_wait3A_48, %dma_wait3A_49] : memref<688128x64xf32, #tpu.memory_space<any>> -> memref<4096x64xf32, #tpu.memory_space<any>>
    tpu.wait_dma2 semaphore(%dma_wait3A_43 : memref<!tpu.dma_semaphore, #tpu.memory_space<semaphore_mem>>) src(%dma_wait3A_50 : memref<4096x64xf32, #tpu.memory_space<any>>) dst(%dma_wait3A_47 : memref<4096x64xf32, #tpu.memory_space<vmem>>)
    %dma_wait3A_51 = arith.constant 3 : i32
    %dma_wait3A_52 = arith.constant 3 : i32
    %dma_wait3A_53 = tpu.memref_slice %arg7[%rem3A_13, %dma_wait3A_52] : memref<2x6x!tpu.dma_semaphore, #tpu.memory_space<semaphore_mem>> -> memref<1x1x!tpu.dma_semaphore, #tpu.memory_space<semaphore_mem>>
    %dma_wait3A_54 = tpu.memref_squeeze %dma_wait3A_53 : memref<1x1x!tpu.dma_semaphore, #tpu.memory_space<semaphore_mem>> -> memref<!tpu.dma_semaphore, #tpu.memory_space<semaphore_mem>>
    %dma_wait3A_55 = arith.constant 0 : i32
    %dma_wait3A_56 = arith.constant 0 : i32
    %dma_wait3A_57 = tpu.memref_slice %arg6[%rem3A_13, %dma_wait3A_51, %dma_wait3A_55, %dma_wait3A_56] : memref<2x6x4096x64xf32, #tpu.memory_space<vmem>> -> memref<1x1x4096x64xf32, #tpu.memory_space<vmem>>
    %dma_wait3A_58 = tpu.memref_squeeze %dma_wait3A_57 : memref<1x1x4096x64xf32, #tpu.memory_space<vmem>> -> memref<4096x64xf32, #tpu.memory_space<vmem>>
    %dma_wait3A_59 = arith.constant 0 : i32
    %dma_wait3A_60 = arith.constant 0 : i32
    %dma_wait3A_61 = tpu.memref_slice %arg1[%dma_wait3A_59, %dma_wait3A_60] : memref<688128x64xf32, #tpu.memory_space<any>> -> memref<4096x64xf32, #tpu.memory_space<any>>
    tpu.wait_dma2 semaphore(%dma_wait3A_54 : memref<!tpu.dma_semaphore, #tpu.memory_space<semaphore_mem>>) src(%dma_wait3A_61 : memref<4096x64xf32, #tpu.memory_space<any>>) dst(%dma_wait3A_58 : memref<4096x64xf32, #tpu.memory_space<vmem>>)
    %dma_wait3A_62 = arith.constant 4 : i32
    %dma_wait3A_63 = arith.constant 4 : i32
    %dma_wait3A_64 = tpu.memref_slice %arg7[%rem3A_13, %dma_wait3A_63] : memref<2x6x!tpu.dma_semaphore, #tpu.memory_space<semaphore_mem>> -> memref<1x1x!tpu.dma_semaphore, #tpu.memory_space<semaphore_mem>>
    %dma_wait3A_65 = tpu.memref_squeeze %dma_wait3A_64 : memref<1x1x!tpu.dma_semaphore, #tpu.memory_space<semaphore_mem>> -> memref<!tpu.dma_semaphore, #tpu.memory_space<semaphore_mem>>
    %dma_wait3A_66 = arith.constant 0 : i32
    %dma_wait3A_67 = arith.constant 0 : i32
    %dma_wait3A_68 = tpu.memref_slice %arg6[%rem3A_13, %dma_wait3A_62, %dma_wait3A_66, %dma_wait3A_67] : memref<2x6x4096x64xf32, #tpu.memory_space<vmem>> -> memref<1x1x4096x64xf32, #tpu.memory_space<vmem>>
    %dma_wait3A_69 = tpu.memref_squeeze %dma_wait3A_68 : memref<1x1x4096x64xf32, #tpu.memory_space<vmem>> -> memref<4096x64xf32, #tpu.memory_space<vmem>>
    %dma_wait3A_70 = arith.constant 0 : i32
    %dma_wait3A_71 = arith.constant 0 : i32
    %dma_wait3A_72 = tpu.memref_slice %arg1[%dma_wait3A_70, %dma_wait3A_71] : memref<688128x64xf32, #tpu.memory_space<any>> -> memref<4096x64xf32, #tpu.memory_space<any>>
    tpu.wait_dma2 semaphore(%dma_wait3A_65 : memref<!tpu.dma_semaphore, #tpu.memory_space<semaphore_mem>>) src(%dma_wait3A_72 : memref<4096x64xf32, #tpu.memory_space<any>>) dst(%dma_wait3A_69 : memref<4096x64xf32, #tpu.memory_space<vmem>>)
    %dma_wait3A_73 = arith.constant 5 : i32
    %dma_wait3A_74 = arith.constant 5 : i32
    %dma_wait3A_75 = tpu.memref_slice %arg7[%rem3A_13, %dma_wait3A_74] : memref<2x6x!tpu.dma_semaphore, #tpu.memory_space<semaphore_mem>> -> memref<1x1x!tpu.dma_semaphore, #tpu.memory_space<semaphore_mem>>
    %dma_wait3A_76 = tpu.memref_squeeze %dma_wait3A_75 : memref<1x1x!tpu.dma_semaphore, #tpu.memory_space<semaphore_mem>> -> memref<!tpu.dma_semaphore, #tpu.memory_space<semaphore_mem>>
    %dma_wait3A_77 = arith.constant 0 : i32
    %dma_wait3A_78 = arith.constant 0 : i32
    %dma_wait3A_79 = tpu.memref_slice %arg6[%rem3A_13, %dma_wait3A_73, %dma_wait3A_77, %dma_wait3A_78] : memref<2x6x4096x64xf32, #tpu.memory_space<vmem>> -> memref<1x1x4096x64xf32, #tpu.memory_space<vmem>>
    %dma_wait3A_80 = tpu.memref_squeeze %dma_wait3A_79 : memref<1x1x4096x64xf32, #tpu.memory_space<vmem>> -> memref<4096x64xf32, #tpu.memory_space<vmem>>
    %dma_wait3A_81 = arith.constant 0 : i32
    %dma_wait3A_82 = arith.constant 0 : i32
    %dma_wait3A_83 = tpu.memref_slice %arg1[%dma_wait3A_81, %dma_wait3A_82] : memref<688128x64xf32, #tpu.memory_space<any>> -> memref<4096x64xf32, #tpu.memory_space<any>>
    tpu.wait_dma2 semaphore(%dma_wait3A_76 : memref<!tpu.dma_semaphore, #tpu.memory_space<semaphore_mem>>) src(%dma_wait3A_83 : memref<4096x64xf32, #tpu.memory_space<any>>) dst(%dma_wait3A_80 : memref<4096x64xf32, #tpu.memory_space<vmem>>)
    %get3A_84 = arith.index_cast %rem3A_13 : i32 to index
    %get3A_85 = arith.constant 0 : index
    %get3A_86 = arith.constant 0 : index
    %get3A_87 = arith.constant 0 : index
    %get3A_88 = vector.load %arg6[%get3A_84, %get3A_85, %get3A_86, %get3A_87] : memref<2x6x4096x64xf32, #tpu.memory_space<vmem>>, vector<1x1x4096x64xf32>
    %get3A_89 = vector.shape_cast %get3A_88 : vector<1x1x4096x64xf32> to vector<4096x64xf32>
    %get3A_90 = arith.index_cast %rem3A_13 : i32 to index
    %get3A_91 = arith.constant 1 : index
    %get3A_92 = arith.constant 0 : index
    %get3A_93 = arith.constant 0 : index
    %get3A_94 = vector.load %arg6[%get3A_90, %get3A_91, %get3A_92, %get3A_93] : memref<2x6x4096x64xf32, #tpu.memory_space<vmem>>, vector<1x1x4096x64xf32>
    %get3A_95 = vector.shape_cast %get3A_94 : vector<1x1x4096x64xf32> to vector<4096x64xf32>
    %get3A_96 = arith.index_cast %rem3A_13 : i32 to index
    %get3A_97 = arith.constant 2 : index
    %get3A_98 = arith.constant 0 : index
    %get3A_99 = arith.constant 0 : index
    %get3A_100 = vector.load %arg6[%get3A_96, %get3A_97, %get3A_98, %get3A_99] : memref<2x6x4096x64xf32, #tpu.memory_space<vmem>>, vector<1x1x4096x64xf32>
    %get3A_101 = vector.shape_cast %get3A_100 : vector<1x1x4096x64xf32> to vector<4096x64xf32>
    %get3A_102 = arith.index_cast %rem3A_13 : i32 to index
    %get3A_103 = arith.constant 3 : index
    %get3A_104 = arith.constant 0 : index
    %get3A_105 = arith.constant 0 : index
    %get3A_106 = vector.load %arg6[%get3A_102, %get3A_103, %get3A_104, %get3A_105] : memref<2x6x4096x64xf32, #tpu.memory_space<vmem>>, vector<1x1x4096x64xf32>
    %get3A_107 = vector.shape_cast %get3A_106 : vector<1x1x4096x64xf32> to vector<4096x64xf32>
    %get3A_108 = arith.index_cast %rem3A_13 : i32 to index
    %get3A_109 = arith.constant 4 : index
    %get3A_110 = arith.constant 0 : index
    %get3A_111 = arith.constant 0 : index
    %get3A_112 = vector.load %arg6[%get3A_108, %get3A_109, %get3A_110, %get3A_111] : memref<2x6x4096x64xf32, #tpu.memory_space<vmem>>, vector<1x1x4096x64xf32>
    %get3A_113 = vector.shape_cast %get3A_112 : vector<1x1x4096x64xf32> to vector<4096x64xf32>
    %get3A_114 = arith.index_cast %rem3A_13 : i32 to index
    %get3A_115 = arith.constant 5 : index
    %get3A_116 = arith.constant 0 : index
    %get3A_117 = arith.constant 0 : index
    %get3A_118 = vector.load %arg6[%get3A_114, %get3A_115, %get3A_116, %get3A_117] : memref<2x6x4096x64xf32, #tpu.memory_space<vmem>>, vector<1x1x4096x64xf32>
    %get3A_119 = vector.shape_cast %get3A_118 : vector<1x1x4096x64xf32> to vector<4096x64xf32>
    %dot_general3A = arith.constant dense<0.000000e+00> : vector<4096x64xf32>
    %dot_general3A_120 = tpu.matmul %get3A_89, %get3A_2, %dot_general3A {dimension_numbers = #tpu.dot_dimension_numbers<[1], [0], [0], [1], [0, 0, 1, 1], [], []>, transpose_lhs_hint = false} : vector<4096x64xf32>, vector<64x64xf32>, vector<4096x64xf32> -> vector<4096x64xf32>
    %dot_general3A_121 = arith.constant dense<0.000000e+00> : vector<4096x64xf32>
    %dot_general3A_122 = tpu.matmul %get3A_101, %get3A_5, %dot_general3A_121 {dimension_numbers = #tpu.dot_dimension_numbers<[1], [0], [0], [1], [0, 0, 1, 1], [], []>, transpose_lhs_hint = false} : vector<4096x64xf32>, vector<64x64xf32>, vector<4096x64xf32> -> vector<4096x64xf32>
    %add3A_123 = arith.addf %dot_general3A_120, %dot_general3A_122 : vector<4096x64xf32>
    %logistic3A = arith.negf %add3A_123 : vector<4096x64xf32>
    %logistic3A_124 = math.exp %logistic3A : vector<4096x64xf32>
    %logistic3A_125 = arith.constant 1.000000e+00 : f32
    %logistic3A_126 = vector.broadcast %logistic3A_125 : f32 to vector<4096x64xf32>
    %logistic3A_127 = arith.addf %logistic3A_126, %logistic3A_124 : vector<4096x64xf32>
    %logistic3A_128 = arith.divf %logistic3A_126, %logistic3A_127 : vector<4096x64xf32>
    %reshape3A = vector.shape_cast %logistic3A_128 : vector<4096x64xf32> to vector<128x32x64xf32>
    %broadcast_in_dim3A = vector.shape_cast %get3A_9 : vector<64xf32> to vector<1x1x64xf32>
    %mul3A = vector.broadcast %broadcast_in_dim3A : vector<1x1x64xf32> to vector<128x32x64xf32>
    %mul3A_129 = arith.mulf %reshape3A, %mul3A : vector<128x32x64xf32>
    %reduce_sum3A = arith.constant dense<0.000000e+00> : vector<128x32xf32>
    %reduce_sum3A_130 = vector.multi_reduction <add>, %mul3A_129, %reduce_sum3A [2] : vector<128x32x64xf32> to vector<128x32xf32>
    %logistic3A_131 = arith.negf %reduce_sum3A_130 : vector<128x32xf32>
    %logistic3A_132 = math.exp %logistic3A_131 : vector<128x32xf32>
    %logistic3A_133 = arith.constant 1.000000e+00 : f32
    %logistic3A_134 = vector.broadcast %logistic3A_133 : f32 to vector<128x32xf32>
    %logistic3A_135 = arith.addf %logistic3A_134, %logistic3A_132 : vector<128x32xf32>
    %logistic3A_136 = arith.divf %logistic3A_134, %logistic3A_135 : vector<128x32xf32>
    %exp3A = math.exp %logistic3A_136 : vector<128x32xf32>
    %reduce_sum3A_137 = arith.constant dense<0.000000e+00> : vector<128xf32>
    %reduce_sum3A_138 = vector.multi_reduction <add>, %exp3A, %reduce_sum3A_137 [1] : vector<128x32xf32> to vector<128xf32>
    %broadcast_in_dim3A_139 = vector.shape_cast %reduce_sum3A_138 : vector<128xf32> to vector<128x1xf32>
    %div3A = vector.broadcast %broadcast_in_dim3A_139 : vector<128x1xf32> to vector<128x32xf32>
    %div3A_140 = arith.divf %exp3A, %div3A : vector<128x32xf32>
    %reshape3A_141 = vector.shape_cast %get3A_113 : vector<4096x64xf32> to vector<128x32x64xf32>
    %broadcast_in_dim3A_142 = vector.shape_cast %div3A_140 : vector<128x32xf32> to vector<128x32x1xf32>
    %mul3A_143 = vector.broadcast %broadcast_in_dim3A_142 : vector<128x32x1xf32> to vector<128x32x64xf32>
    %mul3A_144 = arith.mulf %reshape3A_141, %mul3A_143 : vector<128x32x64xf32>
    %reduce_sum3A_145 = arith.constant dense<0.000000e+00> : vector<128x64xf32>
    %reduce_sum3A_146 = vector.multi_reduction <add>, %mul3A_144, %reduce_sum3A_145 [1] : vector<128x32x64xf32> to vector<128x64xf32>
    %add3A_147 = arith.addf %get3A_89, %get3A_95 : vector<4096x64xf32>
    %mul3A_148 = arith.mulf %get3A_101, %get3A_107 : vector<4096x64xf32>
    %dot_general3A_149 = arith.constant dense<0.000000e+00> : vector<4096x64xf32>
    %dot_general3A_150 = tpu.matmul %add3A_147, %get3A_2, %dot_general3A_149 {dimension_numbers = #tpu.dot_dimension_numbers<[1], [0], [0], [1], [0, 0, 1, 1], [], []>, transpose_lhs_hint = false} : vector<4096x64xf32>, vector<64x64xf32>, vector<4096x64xf32> -> vector<4096x64xf32>
    %dot_general3A_151 = arith.constant dense<0.000000e+00> : vector<4096x64xf32>
    %dot_general3A_152 = tpu.matmul %mul3A_148, %get3A_5, %dot_general3A_151 {dimension_numbers = #tpu.dot_dimension_numbers<[1], [0], [0], [1], [0, 0, 1, 1], [], []>, transpose_lhs_hint = false} : vector<4096x64xf32>, vector<64x64xf32>, vector<4096x64xf32> -> vector<4096x64xf32>
    %add3A_153 = arith.addf %dot_general3A_150, %dot_general3A_152 : vector<4096x64xf32>
    %logistic3A_154 = arith.negf %add3A_153 : vector<4096x64xf32>
    %logistic3A_155 = math.exp %logistic3A_154 : vector<4096x64xf32>
    %logistic3A_156 = arith.constant 1.000000e+00 : f32
    %logistic3A_157 = vector.broadcast %logistic3A_156 : f32 to vector<4096x64xf32>
    %logistic3A_158 = arith.addf %logistic3A_157, %logistic3A_155 : vector<4096x64xf32>
    %logistic3A_159 = arith.divf %logistic3A_157, %logistic3A_158 : vector<4096x64xf32>
    %reshape3A_160 = vector.shape_cast %logistic3A_159 : vector<4096x64xf32> to vector<128x32x64xf32>
    %broadcast_in_dim3A_161 = vector.shape_cast %get3A_9 : vector<64xf32> to vector<1x1x64xf32>
    %mul3A_162 = vector.broadcast %broadcast_in_dim3A_161 : vector<1x1x64xf32> to vector<128x32x64xf32>
    %mul3A_163 = arith.mulf %reshape3A_160, %mul3A_162 : vector<128x32x64xf32>
    %reduce_sum3A_164 = arith.constant dense<0.000000e+00> : vector<128x32xf32>
    %reduce_sum3A_165 = vector.multi_reduction <add>, %mul3A_163, %reduce_sum3A_164 [2] : vector<128x32x64xf32> to vector<128x32xf32>
    %logistic3A_166 = arith.negf %reduce_sum3A_165 : vector<128x32xf32>
    %logistic3A_167 = math.exp %logistic3A_166 : vector<128x32xf32>
    %logistic3A_168 = arith.constant 1.000000e+00 : f32
    %logistic3A_169 = vector.broadcast %logistic3A_168 : f32 to vector<128x32xf32>
    %logistic3A_170 = arith.addf %logistic3A_169, %logistic3A_167 : vector<128x32xf32>
    %logistic3A_171 = arith.divf %logistic3A_169, %logistic3A_170 : vector<128x32xf32>
    %exp3A_172 = math.exp %logistic3A_171 : vector<128x32xf32>
    %reduce_sum3A_173 = arith.constant dense<0.000000e+00> : vector<128xf32>
    %reduce_sum3A_174 = vector.multi_reduction <add>, %exp3A_172, %reduce_sum3A_173 [1] : vector<128x32xf32> to vector<128xf32>
    %broadcast_in_dim3A_175 = vector.shape_cast %reduce_sum3A_174 : vector<128xf32> to vector<128x1xf32>
    %div3A_176 = vector.broadcast %broadcast_in_dim3A_175 : vector<128x1xf32> to vector<128x32xf32>
    %div3A_177 = arith.divf %exp3A_172, %div3A_176 : vector<128x32xf32>
    %reshape3A_178 = vector.shape_cast %get3A_119 : vector<4096x64xf32> to vector<128x32x64xf32>
    %broadcast_in_dim3A_179 = vector.shape_cast %div3A_177 : vector<128x32xf32> to vector<128x32x1xf32>
    %mul3A_180 = vector.broadcast %broadcast_in_dim3A_179 : vector<128x32x1xf32> to vector<128x32x64xf32>
    %mul3A_181 = arith.mulf %reshape3A_178, %mul3A_180 : vector<128x32x64xf32>
    %reduce_sum3A_182 = arith.constant dense<0.000000e+00> : vector<128x64xf32>
    %reduce_sum3A_183 = vector.multi_reduction <add>, %mul3A_181, %reduce_sum3A_182 [1] : vector<128x32x64xf32> to vector<128x64xf32>
    %reshape3A_184 = vector.shape_cast %get3A_89 : vector<4096x64xf32> to vector<128x32x64xf32>
    %reduce_sum3A_185 = arith.constant dense<0.000000e+00> : vector<128x64xf32>
    %reduce_sum3A_186 = vector.multi_reduction <add>, %reshape3A_184, %reduce_sum3A_185 [1] : vector<128x32x64xf32> to vector<128x64xf32>
    %mul3A_187 = arith.constant 3.125000e-02 : f32
    %mul3A_188 = vector.broadcast %mul3A_187 : f32 to vector<128x64xf32>
    %mul3A_189 = arith.mulf %reduce_sum3A_186, %mul3A_188 : vector<128x64xf32>
    %add3A_190 = arith.addf %mul3A_189, %reduce_sum3A_146 : vector<128x64xf32>
    %add3A_191 = arith.addf %add3A_190, %reduce_sum3A_183 : vector<128x64xf32>
    %eq3A_192 = arith.constant 0 : i32
    %eq3A_193 = arith.cmpi eq, %rem3A_0, %eq3A_192 : i32
    %convert_element_type3A_194 = arith.extui %eq3A_193 : i1 to i32
    %cond3A_195 = arith.constant 0 : i32
    %cond3A_196 = arith.cmpi ne, %convert_element_type3A_194, %cond3A_195 : i32
    scf.if %cond3A_196 {
      %broadcast_in_dim3A_242 = arith.constant 0.000000e+00 : f32
      %broadcast_in_dim3A_243 = vector.broadcast %broadcast_in_dim3A_242 : f32 to vector<128x64xf32>
      %swap3A_244 = arith.constant 0 : index
      %swap3A_245 = arith.constant 0 : index
      %swap3A_246 = vector.load %arg8[%swap3A_244, %swap3A_245] : memref<128x64xf32, #tpu.memory_space<vmem>>, vector<128x64xf32>
      tpu.vector_store %arg8[%swap3A_244, %swap3A_245], %broadcast_in_dim3A_243 {strides = array<i32>} : memref<128x64xf32, #tpu.memory_space<vmem>>, vector<128x64xf32>,
      %broadcast_in_dim3A_247 = arith.constant 0.000000e+00 : f32
      %broadcast_in_dim3A_248 = vector.broadcast %broadcast_in_dim3A_247 : f32 to vector<128x64xf32>
      %swap3A_249 = arith.constant 0 : index
      %swap3A_250 = arith.constant 0 : index
      %swap3A_251 = vector.load %arg9[%swap3A_249, %swap3A_250] : memref<128x64xf32, #tpu.memory_space<vmem>>, vector<128x64xf32>
      tpu.vector_store %arg9[%swap3A_249, %swap3A_250], %broadcast_in_dim3A_248 {strides = array<i32>} : memref<128x64xf32, #tpu.memory_space<vmem>>, vector<128x64xf32>,
    } else {
    }
    %lt3A_197 = arith.constant 4 : i32
    %lt3A_198 = arith.cmpi slt, %rem3A_0, %lt3A_197 : i32
    %jit3A = arith.constant 1.000000e+00 : f32
    %jit3A_199 = arith.constant 0.000000e+00 : f32
    %select_n3A = arith.select %lt3A_198, %jit3A, %jit3A_199 : f32
    %lt3A_200 = arith.constant 4 : i32
    %lt3A_201 = arith.cmpi slt, %rem3A_0, %lt3A_200 : i32
    %eq3A_202 = arith.constant 4 : i32
    %eq3A_203 = arith.cmpi eq, %rem3A_0, %eq3A_202 : i32
    %jit3A_204 = arith.constant 2.000000e+00 : f32
    %jit3A_205 = arith.constant 1.000000e+00 : f32
    %select_n3A_206 = arith.select %eq3A_203, %jit3A_204, %jit3A_205 : f32
    %jit3A_207 = arith.constant 0.000000e+00 : f32
    %select_n3A_208 = arith.select %lt3A_201, %jit3A_207, %select_n3A_206 : f32
    %eq3A_209 = arith.constant 4 : i32
    %eq3A_210 = arith.cmpi eq, %rem3A_0, %eq3A_209 : i32
    %jit3A_211 = arith.constant 2.000000e+00 : f32
    %jit3A_212 = arith.constant 0.000000e+00 : f32
    %select_n3A_213 = arith.select %eq3A_210, %jit3A_211, %jit3A_212 : f32
    %get3A_214 = arith.constant 0 : index
    %get3A_215 = arith.constant 0 : index
    %get3A_216 = vector.load %arg8[%get3A_214, %get3A_215] : memref<128x64xf32, #tpu.memory_space<vmem>>, vector<128x64xf32>
    %mul3A_217 = vector.broadcast %select_n3A : f32 to vector<128x64xf32>
    %mul3A_218 = arith.mulf %mul3A_217, %add3A_191 : vector<128x64xf32>
    %add3A_219 = arith.addf %get3A_216, %mul3A_218 : vector<128x64xf32>
    %swap3A = arith.constant 0 : index
    %swap3A_220 = arith.constant 0 : index
    %swap3A_221 = vector.load %arg8[%swap3A, %swap3A_220] : memref<128x64xf32, #tpu.memory_space<vmem>>, vector<128x64xf32>
    tpu.vector_store %arg8[%swap3A, %swap3A_220], %add3A_219 {strides = array<i32>} : memref<128x64xf32, #tpu.memory_space<vmem>>, vector<128x64xf32>,
    %get3A_222 = arith.constant 0 : index
    %get3A_223 = arith.constant 0 : index
    %get3A_224 = vector.load %arg9[%get3A_222, %get3A_223] : memref<128x64xf32, #tpu.memory_space<vmem>>, vector<128x64xf32>
    %mul3A_225 = vector.broadcast %select_n3A_208 : f32 to vector<128x64xf32>
    %mul3A_226 = arith.mulf %mul3A_225, %add3A_191 : vector<128x64xf32>
    %get3A_227 = arith.constant 0 : index
    %get3A_228 = arith.constant 0 : index
    %get3A_229 = vector.load %arg2[%get3A_227, %get3A_228] : memref<128x64xf32, #tpu.memory_space<vmem>>, vector<128x64xf32>
    %mul3A_230 = vector.broadcast %select_n3A_213 : f32 to vector<128x64xf32>
    %mul3A_231 = arith.mulf %mul3A_230, %get3A_229 : vector<128x64xf32>
    %add3A_232 = arith.addf %mul3A_226, %mul3A_231 : vector<128x64xf32>
    %add3A_233 = arith.addf %get3A_224, %add3A_232 : vector<128x64xf32>
    %swap3A_234 = arith.constant 0 : index
    %swap3A_235 = arith.constant 0 : index
    %swap3A_236 = vector.load %arg9[%swap3A_234, %swap3A_235] : memref<128x64xf32, #tpu.memory_space<vmem>>, vector<128x64xf32>
    tpu.vector_store %arg9[%swap3A_234, %swap3A_235], %add3A_233 {strides = array<i32>} : memref<128x64xf32, #tpu.memory_space<vmem>>, vector<128x64xf32>,
    %eq3A_237 = arith.constant 6 : i32
    %eq3A_238 = arith.cmpi eq, %rem3A_0, %eq3A_237 : i32
    %convert_element_type3A_239 = arith.extui %eq3A_238 : i1 to i32
    %cond3A_240 = arith.constant 0 : i32
    %cond3A_241 = arith.cmpi ne, %convert_element_type3A_239, %cond3A_240 : i32
    scf.if %cond3A_241 {
      %get3A_242 = arith.constant 0 : index
      %get3A_243 = arith.constant 0 : index
      %get3A_244 = vector.load %arg8[%get3A_242, %get3A_243] : memref<128x64xf32, #tpu.memory_space<vmem>>, vector<128x64xf32>
      %get3A_245 = arith.constant 0 : index
      %get3A_246 = arith.constant 0 : index
      %get3A_247 = vector.load %arg9[%get3A_245, %get3A_246] : memref<128x64xf32, #tpu.memory_space<vmem>>, vector<128x64xf32>
      %mul3A_248 = arith.mulf %get3A_244, %get3A_247 : vector<128x64xf32>
      %reduce_sum3A_249 = arith.constant dense<0.000000e+00> : vector<128xf32>
      %reduce_sum3A_250 = vector.multi_reduction <add>, %mul3A_248, %reduce_sum3A_249 [1] : vector<128x64xf32> to vector<128xf32>
      %logistic3A_251 = arith.negf %reduce_sum3A_250 : vector<128xf32>
      %logistic3A_252 = math.exp %logistic3A_251 : vector<128xf32>
      %logistic3A_253 = arith.constant 1.000000e+00 : f32
      %logistic3A_254 = vector.broadcast %logistic3A_253 : f32 to vector<128xf32>
      %logistic3A_255 = arith.addf %logistic3A_254, %logistic3A_252 : vector<128xf32>
      %logistic3A_256 = arith.divf %logistic3A_254, %logistic3A_255 : vector<128xf32>
      %swap3A_257 = arith.constant 0 : index
      %swap3A_258 = vector.load %arg5[%swap3A_257] : memref<128xf32, #tpu.memory_space<vmem>>, vector<128xf32>
      tpu.vector_store %arg5[%swap3A_257], %logistic3A_256 {strides = array<i32>} : memref<128xf32, #tpu.memory_space<vmem>>, vector<128xf32>,
    } else {
    }
    return
  }
  func.func @transform_1(%arg0: i32) -> (i32, i32) {
    %jit3A = arith.constant 7 : i32
    %div3A = arith.divsi %arg0, %jit3A : i32
    %sign3A = arith.constant 0 : i32
    %sign3A_0 = arith.cmpi sgt, %arg0, %sign3A : i32
    %sign3A_1 = arith.extui %sign3A_0 : i1 to i32
    %sign3A_2 = arith.constant 0 : i32
    %sign3A_3 = arith.cmpi slt, %arg0, %sign3A_2 : i32
    %sign3A_4 = arith.extui %sign3A_3 : i1 to i32
    %sign3A_5 = arith.subi %sign3A_1, %sign3A_4 : i32
    %sign3A_6 = arith.constant 0 : i32
    %sign3A_7 = arith.cmpi sgt, %jit3A, %sign3A_6 : i32
    %sign3A_8 = arith.extui %sign3A_7 : i1 to i32
    %sign3A_9 = arith.constant 0 : i32
    %sign3A_10 = arith.cmpi slt, %jit3A, %sign3A_9 : i32
    %sign3A_11 = arith.extui %sign3A_10 : i1 to i32
    %sign3A_12 = arith.subi %sign3A_8, %sign3A_11 : i32
    %ne3A = arith.cmpi ne, %sign3A_5, %sign3A_12 : i32
    %rem3A = arith.remsi %arg0, %jit3A : i32
    %ne3A_13 = arith.constant 0 : i32
    %ne3A_14 = arith.cmpi ne, %rem3A, %ne3A_13 : i32
    %and3A = arith.andi %ne3A, %ne3A_14 : i1
    %sub3A = arith.constant 1 : i32
    %sub3A_15 = arith.subi %div3A, %sub3A : i32
    %select_n3A = arith.select %and3A, %sub3A_15, %div3A : i32
    %c0_i32 = arith.constant 0 : i32
    %c0_i32_16 = arith.constant 0 : i32
    return %select_n3A, %c0_i32 : i32, i32
  }
  func.func @transform_2(%arg0: i32) -> (i32, i32) {
    %c0_i32 = arith.constant 0 : i32
    %c0_i32_0 = arith.constant 0 : i32
    %c0_i32_1 = arith.constant 0 : i32
    return %c0_i32, %c0_i32_0 : i32, i32
  }
  func.func @transform_3(%arg0: i32) -> (i32, i32) {
    %c0_i32 = arith.constant 0 : i32
    %c0_i32_0 = arith.constant 0 : i32
    %c0_i32_1 = arith.constant 0 : i32
    return %c0_i32, %c0_i32_0 : i32, i32
  }
  func.func @transform_4(%arg0: i32) -> i32 {
    %jit3A = arith.constant 7 : i32
    %div3A = arith.divsi %arg0, %jit3A : i32
    %sign3A = arith.constant 0 : i32
    %sign3A_0 = arith.cmpi sgt, %arg0, %sign3A : i32
    %sign3A_1 = arith.extui %sign3A_0 : i1 to i32
    %sign3A_2 = arith.constant 0 : i32
    %sign3A_3 = arith.cmpi slt, %arg0, %sign3A_2 : i32
    %sign3A_4 = arith.extui %sign3A_3 : i1 to i32
    %sign3A_5 = arith.subi %sign3A_1, %sign3A_4 : i32
    %sign3A_6 = arith.constant 0 : i32
    %sign3A_7 = arith.cmpi sgt, %jit3A, %sign3A_6 : i32
    %sign3A_8 = arith.extui %sign3A_7 : i1 to i32
    %sign3A_9 = arith.constant 0 : i32
    %sign3A_10 = arith.cmpi slt, %jit3A, %sign3A_9 : i32
    %sign3A_11 = arith.extui %sign3A_10 : i1 to i32
    %sign3A_12 = arith.subi %sign3A_8, %sign3A_11 : i32
    %ne3A = arith.cmpi ne, %sign3A_5, %sign3A_12 : i32
    %rem3A = arith.remsi %arg0, %jit3A : i32
    %ne3A_13 = arith.constant 0 : i32
    %ne3A_14 = arith.cmpi ne, %rem3A, %ne3A_13 : i32
    %and3A = arith.andi %ne3A, %ne3A_14 : i1
    %sub3A = arith.constant 1 : i32
    %sub3A_15 = arith.subi %div3A, %sub3A : i32
    %select_n3A = arith.select %and3A, %sub3A_15, %div3A : i32
    %c0_i32 = arith.constant 0 : i32
    return %select_n3A : i32
  }
}

</mosaic_0001>

<sc_bundles>
// kernel: kernel.18.cloned.1.call-start
scs
__scs_entry_jumppad:
0x0: {  	(pc) =	sbr.rel $0x88, $3  }
0x1: {  	(tag) =	ssettag $0x0;
	lr =	simm.s32 $0x1  }
0x2: {  	[smem:$0x3F95] =	sst lr;
	_ =	strace $0xD0000000  }
0x3: {  	_ = 	snop  }
0x4: {  	_ = 	snop  }
0x5: {  	_ = 	snop  }
0x6: {  	_ = 	snop  }
0x7: {  	_ = 	snop  }
__scs_overlays_trampoline_lowered:
0x8: {  	[smem:$0x3FA4] =	sst s0  }
0x9: {  	[smem:$0x3FA5] =	sst s1  }
0xa: {  	[smem:$0x3FA6] =	sst s2  }
0xb: {  	[smem:$0x3FA7] =	sst s3  }
0xc: {  	[smem:$0x3FA8] =	sst s4  }
0xd: {  	[smem:$0x3FA9] =	sst s5  }
0xe: {  	[smem:$0x3FAA] =	sst s6  }
0xf: {  	[smem:$0x3FAB] =	sst s7  }
0x10: {  	[smem:$0x3FAC] =	sst s8  }
0x11: {  	[smem:$0x3FAD] =	sst s9;
	s0 =	simm.s32 @!p0 $0x0  }
0x12: {  	s1 =	sld [smem:$0x3F93];
	s0 =	simm.s32 @p0 $0x1  }
0x13: {  	[smem:$0x3FAE] =	sst s0;
	s0 =	simm.s32 @!p1 $0x0  }
0x14: {  	s2 =	sld [smem:$0x3F92];
	s0 =	simm.s32 @p1 $0x1  }
0x15: {  	[smem:$0x3FAF] =	sst s0;
	s0 =	simm.s32 @!p2 $0x0  }
0x16: {  	s3 =	sld [smem:$0x3FDB];
	s0 =	simm.s32 @p2 $0x1  }
0x17: {  	s4 =	simm.s32 $0x1BF5;
	[smem:$0x3FB1] =	sst s0  }
0x18: {  	s0 =	sld [smem:$0x3F94];
	_ =	swait.ge [sflag:s4], $0x0  }
0x19: {  	s7 =	sld [smem:$0x3F95]  }
0x1a: {  	s8 =	sadd.s32 $0xFFFFE003, lr  }
0x1b: {  	s9 =	sadd.s32 $0xFFFFFEF7, lr;
	s5 =	simm.s32 $0xFFFFFFFF;
	p2 =	slt.u32 s8, $0xFFFFF086  }
0x1c: {  	p1 =	slt.u32 s9, $0xF7A;
	s5 =	simm.s32 @!p2 $0x0  }
0x1d: {  	s5 =	simm.s32 @p1 $0x1;
	p0 =	seq.s32 s7, s2  }
0x1e: {  	s7 =	smul.u32 @!p0 $0xF7A, s2;
	p2 =	seq.s32 @!p0 s5, $0x0  }
0x1f: {  	s9 =	smul.u32 $0xF7A, s1;
	s8 =	simm.s32 @!p0 $0x1BF5;
	p2 =	por !p2, p0  }
0x20: {  	[sflag:s8] =	ssyncset.s32 @!p0 $0xFFFFF086;
	s6 =	sadd.s32 @!p0 s3, s7;
	s7 =	simm.s32 @!p0 $0x108  }
0x21: {  	s3 =	sadd.s32 s3, s9;
	s6 =	sadd.s32 @!p0 $0x88, s6;
	s7 =	simm.s32 @p2 $0x1082  }
0x22: {  	[simem:s7], [sflag:s8] =	dma.local @!p0 [hbm:s6], $0xF7A  }
0x23: {  	s9 =	sor.u32 $0xD0000000, s2;
	s6 =	simm.s32 $0x108;
	_ =	swait.ge @!p0 [sflag:s8], $0x0  }
0x24: {  	s3 =	sadd.s32 $0x88, s3;
	s6 =	simm.s32 @!p1 $0x1082;
	[sflag:s4] =	ssyncset.s32 $0xFFFFF086  }
0x25: {  	[simem:s6], [sflag:s4] =	dma.local [hbm:s3], $0xF7A  }
0x26: {  	[smem:$0x3F95] =	sst s1;
	(tag) =	ssettag s2;
	_ =	strace s9  }
0x27: {  	s1 =	sld [smem:$0x3FA5]  }
0x28: {  	s2 =	sld [smem:$0x3FA6]  }
0x29: {  	s4 =	sld [smem:$0x3FA8]  }
0x2a: {  	p0 =	seq.s32 s5, $0x0;
	s5 =	sld [smem:$0x3FA9]  }
0x2b: {  	s6 =	sld [smem:$0x3FAA]  }
0x2c: {  	s7 =	sld [smem:$0x3FAB]  }
0x2d: {  	s3 =	simm.s32 $0x108;
	s8 =	sld [smem:$0x3FAC]  }
0x2e: {  	s3 =	simm.s32 @!p0 $0x1082;
	s9 =	sld [smem:$0x3FAD]  }
0x2f: {  	lr =	sadd.s32 s0, s3;
	s0 =	sld [smem:$0x3FA4]  }
0x30: {  	s3 =	sld [smem:$0x3FA7]  }
0x31: {  	[smem:$0x3FB0] =	sst s10  }
0x32: {  	s10 =	sld [smem:$0x3FAE];
	_ =	sdelay $0x3  }
0x33: {  	p0 =	seq.s32 s10, $0x1;
	s10 =	sld [smem:$0x3FB0];
	_ =	sdelay $0x3  }
0x34: {  	[smem:$0x3FB0] =	sst s10  }
0x35: {  	s10 =	sld [smem:$0x3FAF];
	_ =	sdelay $0x3  }
0x36: {  	p1 =	seq.s32 s10, $0x1;
	s10 =	sld [smem:$0x3FB0];
	_ =	sdelay $0x3  }
0x37: {  	[smem:$0x3FB0] =	sst s10  }
0x38: {  	s10 =	sld [smem:$0x3FB1]  }
0x39: {  	_ = 	snop;
	(pc) =	sbr.ind lr, $3  }
0x3a: {  	_ = 	snop  }
0x3b: {  	_ = 	snop  }
0x3c: {  	p2 =	seq.s32 s10, $0x1;
	s10 =	sld [smem:$0x3FB0]  }
0x3d: {  	_ =	shalt  }
0x3e: {  	_ =	shalt  }
0x3f: {  	_ =	shalt  }
0x40: {  	_ =	shalt  }
0x41: {  	_ =	shalt  }
0x42: {  	_ =	shalt  }
0x43: {  	_ =	shalt  }
0x44: {  	_ =	shalt  }
0x45: {  	_ =	shalt  }
0x46: {  	_ =	shalt  }
0x47: {  	_ =	shalt  }
0x48: {  	_ =	shalt  }
0x49: {  	_ =	shalt  }
0x4a: {  	_ =	shalt  }
0x4b: {  	_ =	shalt  }
0x4c: {  	_ =	shalt  }
0x4d: {  	_ =	shalt  }
0x4e: {  	_ =	shalt  }
0x4f: {  	_ =	shalt  }
0x50: {  	_ =	shalt  }
0x51: {  	_ =	shalt  }
0x52: {  	_ =	shalt  }
0x53: {  	_ =	shalt  }
0x54: {  	_ =	shalt  }
0x55: {  	_ =	shalt  }
0x56: {  	_ =	shalt  }
0x57: {  	_ =	shalt  }
0x58: {  	_ =	shalt  }
0x59: {  	_ =	shalt  }
0x5a: {  	_ =	shalt  }
0x5b: {  	_ =	shalt  }
0x5c: {  	_ =	shalt  }
0x5d: {  	_ =	shalt  }
0x5e: {  	_ =	shalt  }
0x5f: {  	_ =	shalt  }
0x60: {  	_ =	shalt  }
0x61: {  	_ =	shalt  }
0x62: {  	_ =	shalt  }
0x63: {  	_ =	shalt  }
0x64: {  	_ =	shalt  }
0x65: {  	_ =	shalt  }
0x66: {  	_ =	shalt  }
0x67: {  	_ =	shalt  }
0x68: {  	_ =	shalt  }
0x69: {  	_ =	shalt  }
0x6a: {  	_ =	shalt  }
0x6b: {  	_ =	shalt  }
0x6c: {  	_ =	shalt  }
0x6d: {  	_ =	shalt  }
0x6e: {  	_ =	shalt  }
0x6f: {  	_ =	shalt  }
0x70: {  	_ =	shalt  }
0x71: {  	_ =	shalt  }
0x72: {  	_ =	shalt  }
0x73: {  	_ =	shalt  }
0x74: {  	_ =	shalt  }
0x75: {  	_ =	shalt  }
0x76: {  	_ =	shalt  }
0x77: {  	_ =	shalt  }
0x78: {  	_ =	shalt  }
0x79: {  	_ =	shalt  }
0x7a: {  	_ =	shalt  }
0x7b: {  	_ =	shalt  }
0x7c: {  	_ =	shalt  }
0x7d: {  	_ =	shalt  }
0x7e: {  	_ =	shalt  }
0x7f: {  	_ =	shalt  }
0x80: {  	_ =	shalt  }
0x81: {  	_ =	shalt  }
0x82: {  	_ =	shalt  }
0x83: {  	_ =	shalt  }
0x84: {  	_ =	shalt  }
0x85: {  	_ =	shalt  }
0x86: {  	_ =	shalt  }
0x87: {  	_ =	shalt  }
.Lfunc_end0:
.L_simem_size_0:
called_computation_lowered:
.L_overlay_start_0:
0x88: {  	s2 =	sld [smem:$0x3FD9]  }
0x89: {  	s3 =	sld [smem:$0x3FFE];
	_ =	sdelay $0x1  }
0x8a: {  	s1 =	srdreg.scid  }
0x8b: {  	s0 =	sand.u32 $0x1, s1  }
0x8c: {  	s17 =	sshll.u32 s0, $0xA;
	s2 =	sadd.s32 s3, s2  }
0x8d: {  	s2 =	sadd.s32 s2, s17  }
0x8e: {  	[smem:$0x3FBC] =	sst s2  }
0x8f: {  	_ = 	snop  }
0x90: {  	(tm) =	ssettm $0x1  }
0x91: {  	s18 =	sld [smem:$0x3FFB];
	_ =	sdelay $0x3  }
0x92: {  	_ =	strace s18  }
0x93: {  	s2 =	sld [smem:$0x3FFC];
	_ =	sdelay $0x3  }
0x94: {  	_ =	strace s2  }
0x95: {  	s2 =	sld [smem:$0x3FFD];
	_ =	sdelay $0x3  }
0x96: {  	_ =	strace s2  }
0x97: {  	_ =	strace $0x8FFFFFFF  }
0x98: {  	s19 =	sld [smem:$0x3FDB];
	_ =	sdelay $0x1  }
0x99: {  	s20 =	simm.s32 $_scs_section_size  }
0x9a: {  	s4 =	simm.s32 $_size__tile_overlayer_lowered;
	s5 =	simm.s32 $_tile_overlayer_lowered  }
0x9b: {  	s6 =	simm.s32 $0x1BFF;
	s21 =	sshll.u32 s5, $0x1;
	s3 =	sadd.s32 s20, s19  }
0x9c: {  	s22 =	simm.s32 $0x0;
	s4 =	sshll.u32 s4, $0x1;
	s5 =	sadd.s32 s21, s3  }
0x9d: {  	[timem:s22], [sflag:s6] =	dma.local [hbm:s5], s4  }
0x9e: {  	_ =	swait.ge [sflag:s6], s4  }
0x9f: {  	s4 =	ssub.s32 $0x0, s4;
	[sflag:s6] =	ssyncset.done $0x0  }
0xa0: {  	[sflag:s6] =	ssyncadd.s32 s4;
	_ =	sdelay $0x1  }
0xa1: {  	s23 =	simm.s32 $0x1B8B  }
0xa2: {  	_ =	swait.ge [sflag:s23], $0x1  }
0xa3: {  	[sflag:s23] =	ssyncset.done $0x0  }
0xa4: {  	[sflag:s23] =	ssyncadd.s32 $0xFFFFFFFF  }
0xa5: {  	s4 =	sld [smem:$0x0]  }
0xa6: {  	s5 =	sand.u32 $0xFFFFFFFE, s1  }
0xa7: {  	p0 =	sne.s32 s1, s5  }
0xa8: {  	s5 =	sshll.u32 @p0 s5, $0xE  }
0xa9: {  	s5 =	sadd.s32 @p0 $0x11B8D, s5;
	s6 =	sshll.u32 @p0 s4, $0x11  }
0xaa: {  	s5 =	sor.u32 @p0 s6, s5  }
0xab: {  	[sflag:s5] =	ssyncadd.remote.s32 @p0 $0x1;
	_ =	sdelay $0x1  }
0xac: {  	s5 =	simm.s32 @p0 $0x1B8D  }
0xad: {  	_ =	swait.eq @p0 [sflag:s5], $0x1  }
0xae: {  	[sflag:s5] =	ssyncadd.s32 @p0 $0xFFFFFFFF  }
0xaf: {  	s6 =	sshll.u32 @!p0 s1, $0xE  }
0xb0: {  	s6 =	sor.u32 @!p0 $0x4000, s6;
	s5 =	simm.s32 @!p0 $0x1B8D  }
0xb1: {  	s4 =	sshll.u32 @!p0 s4, $0x11;
	s6 =	sadd.s32 @!p0 $0x11B8D, s6;
	_ =	swait.eq @!p0 [sflag:s5], $0x1  }
0xb2: {  	s4 =	sor.u32 @!p0 s4, s6;
	[sflag:s5] =	ssyncadd.s32 @!p0 $0xFFFFFFFF  }
0xb3: {  	s25 =	simm.s32 $0x1B8E;
	s24 =	sld [smem:$0x3FFE];
	[sflag:s4] =	ssyncadd.remote.s32 @!p0 $0x1  }
0xb4: {  	s26 =	simm.s32 $execute0_lowered;
	[smem:$0x3FD2] =	sst s25  }
0xb5: {  	s5 =	sshll.u32 s26, $0x1;
	_ =	strace $0x8000004C;
	[dreg:$0x1] =	wrdreg $0xFFFFFFFF  }
0xb6: {  	s28 =	simm.s32 $_size_execute0_lowered;
	s3 =	sadd.s32 s3, s5;
	[dreg:$0x0] =	wrdreg $0x0  }
0xb7: {  	s5 =	sshll.u32 s28, $0x1;
	[dreg:$0x2] =	wrdreg s3  }
0xb8: {  	[dreg:$0x3] =	wrdreg s5  }
0xb9: {  	[dreg:$0x4] =	wrdreg $0xC0  }
0xba: {  	_ =	task [dreg:s22], $0x5FFFF  }
0xbb: {  	[dreg:$0x1] =	wrdreg $0xFFFFFFFF  }
0xbc: {  	[dreg:$0x0] =	wrdreg $0x60  }
0xbd: {  	[dreg:$0x2] =	wrdreg s24  }
0xbe: {  	[dreg:$0x3] =	wrdreg $0x9  }
0xbf: {  	_ =	task.clear_ibuf [dreg:s22], $0x4FFFF;
	_ =	strace $0x9000004C  }
0xc0: {  	s29 =	simm.s32 $0x9;
	_ =	strace $0x8000004E  }
0xc1: {  	_ =	swait.ge [sflag:s29], $0x1  }
0xc2: {  	[sflag:s29] =	ssyncadd.s32 $0xFFFFFFFF  }
0xc3: {  	_ =	strace $0x9000004E  }
0xc4: {  	_ =	sfence  }
0xc5: {  	s30 =	sld [smem:$0x0];
	_ =	sdelay $0x2  }
0xc6: {  	s31 =	sshll.u32 s1, $0xD;
	s1 =	sshrl.u32 s1, $0x2  }
0xc7: {  	s4 =	sand.u32 $0x4000, s31;
	s1 =	sadd.s32 s1, s30  }
0xc8: {  	s0 =	sor.u32 s4, s0;
	s1 =	sshll.u32 s1, $0x11  }
0xc9: {  	s0 =	sor.u32 s1, s0  }
0xca: {  	s0 =	sadd.s32 $0x8F2B, s0  }
0xcb: {  	[sflag:s0] =	ssyncadd.remote.s32 $0x1  }
0xcc: {  	_ =	sfence.sel $0xFFFF  }
0xcd: {  	[dreg:$0x0] =	wrdreg $0xFFFFFFFF;
	(pc) =	sbr.abs _section_cstart, $3  }
0xce: {  	[dreg:$0x1] =	wrdreg $0xFFFFFFFF  }
0xcf: {  	_ =	task.clear_ibuf [dreg:s22], $0x2FFFF;
	_ =	strace $0x9FFFFFFF  }
0xd0: {  	(tm) =	ssettm $0x7FFFFFFF  }
0xd1: {  	_ =	shalt  }
tec
execute0_lowered:
.L_overlay_start_1:
0x0: {  	(tag) =	ssettag $0x1  }
0x1: {  	s4 =	rddreg [dreg:$0x0]  }
0x2: {  	s0 =	rddreg [dreg:$0x1];
	s1 =	simm.s32 $0x0  }
0x3: {  	s2 =	stileid.u32;
	s5 =	srdreg.scid;
	s13 =	simm.s32 $0x1  }
0x4: {  	s14 =	simm.s32 $0x100;
	s15 =	simm.s32 $0x2;
	s16 =	simm.s32 $0x180  }
0x5: {  	s17 =	simm.s32 $0x10;
	s18 =	simm.s32 $0x0;
	[smem:$0x7FF] =	sst s1  }
0x6: {  	s7 =	sadd.s32 $0x10A00, s4;
	s3 =	sadd.s32 $0x149A00, s4;
	s6 =	sshll.u32 s2, $0xD  }
0x7: {  	s8 =	sand.u32 $0x1, s5;
	s26 =	sshll.u32 s2, $0x1;
	s30 =	sshll.u32 s2, $0xA  }
0x8: {  	_ =	strace $0x8000004D;
	s9 =	sadd.s32 s6, s4;
	s5 =	sor.u32 s8, s26  }
0x9: {  	s28 =	ssub.s32 $0x2, s8;
	s12 =	sshll.u32 s8, $0x9;
	s8 =	sshll.u32 s8, $0xC  }
0xa: {  	s10 =	sshll.u32 s5, $0x7;
	s11 =	sshrl.u32 s28, $0x1;
	s5 =	sshll.u32 s5, $0x1  }
0xb: {  	s31 =	sor.u32 s12, s30;
	s8 =	sadd.s32 s8, s9;
	s9 =	simm.s32 $0x3  }
0xc: {  	s12 =	simm.s32 $0x2200;
	s10 =	sadd.s32 s10, s4;
	s6 =	ssub.s32 s28, s11  }
0xd: {  	s29 =	sadd.s32 s5, s7;
	s8 =	sadd.s32 $0xD50400, s8;
	s11 =	simm.s32 $0x200  }
0xe: {  	s4 =	sadd.s32 $0x15000, s29;
	s5 =	sadd.s32 $0x27C00, s10;
	s10 =	sshrl.u32 s31, $0x3  }
0xf: {  	s6 =	smax.u32 s6, $0x1;
	s7 =	sadd.s32 s10, s7;
	s10 =	simm.s32 $0x80  }
.LBB2_1:
0x10: {  	[tilespmem:s1], [sflag:$0x3] =	stream.linear.gather [hbm4b:s7+s1], $0x200, $0x38;
	[tilespmem:$0x4200] =	vst v63  }
0x11: {  	_ =	swait.ge [sflag:s9], $0x200  }
0x12: {  	[sflag:s9] =	ssyncset.done $0x0  }
0x13: {  	[sflag:s9] =	ssyncadd.s32 $0xFFFFFE00  }
0x14: {  	[tilespmem:s11], [sflag:$0x1] =	stream.indirect.gather [hbm4b:s3+s10], $0x40, s1, s10, $0xb8;
	[tilespmem:$0x4200] =	vst v63  }
0x15: {  	_ = 	snop  }
0x16: {  	[tilespmem:s12], [sflag:$0x2] =	stream.indirect.gather [hbm4b:s3+s10], $0x40, s10, s10, $0xb8;
	[tilespmem:$0x4200] =	vst v63  }
0x17: {  	_ =	swait.ge [sflag:s13], $0x2000  }
0x18: {  	[sflag:s13] =	ssyncset.done $0x0  }
0x19: {  	s19 =	sadd.s32 $0x0, s8;
	[sflag:s13] =	ssyncadd.s32 $0xFFFFE000  }
0x1a: {  	[hbm4b:s19+s1] =	stream.linear.scatter [tilespmem:s11], [sflag:$0x3], $0x2000, $0x38;
	[tilespmem:$0x4200] =	vst v63  }
0x1b: {  	_ =	swait.ge [sflag:s9], $0x2000  }
0x1c: {  	[sflag:s9] =	ssyncset.done $0x0  }
0x1d: {  	[sflag:s9] =	ssyncadd.s32 $0xFFFFE000  }
0x1e: {  	[tilespmem:s11], [sflag:$0x1] =	stream.indirect.gather [hbm4b:s3+s10], $0x40, s14, s10, $0xb8;
	[tilespmem:$0x4200] =	vst v63  }
0x1f: {  	_ =	swait.ge [sflag:s15], $0x2000  }
0x20: {  	[sflag:s15] =	ssyncset.done $0x0  }
0x21: {  	s20 =	sadd.s32 $0x400, s19;
	[sflag:s15] =	ssyncadd.s32 $0xFFFFE000  }
0x22: {  	[hbm4b:s20+s1] =	stream.linear.scatter [tilespmem:s12], [sflag:$0x3], $0x2000, $0x38;
	[tilespmem:$0x4200] =	vst v63  }
0x23: {  	_ =	swait.ge [sflag:s9], $0x2000  }
0x24: {  	[sflag:s9] =	ssyncset.done $0x0  }
0x25: {  	[sflag:s9] =	ssyncadd.s32 $0xFFFFE000  }
0x26: {  	[tilespmem:s12], [sflag:$0x2] =	stream.indirect.gather [hbm4b:s3+s10], $0x40, s16, s10, $0xb8;
	[tilespmem:$0x4200] =	vst v63  }
0x27: {  	_ =	swait.ge [sflag:s13], $0x2000  }
0x28: {  	[sflag:s13] =	ssyncset.done $0x0  }
0x29: {  	s31 =	sadd.s32 $0x800, s19;
	[sflag:s13] =	ssyncadd.s32 $0xFFFFE000  }
0x2a: {  	[hbm4b:s31+s1] =	stream.linear.scatter [tilespmem:s11], [sflag:$0x3], $0x2000, $0x38;
	[tilespmem:$0x4200] =	vst v63  }
0x2b: {  	_ =	swait.ge [sflag:s9], $0x2000  }
0x2c: {  	[sflag:s9] =	ssyncset.done $0x0  }
0x2d: {  	[sflag:s9] =	ssyncadd.s32 $0xFFFFE000  }
0x2e: {  	_ =	swait.ge [sflag:s15], $0x2000  }
0x2f: {  	[sflag:s15] =	ssyncset.done $0x0  }
0x30: {  	s19 =	sadd.s32 $0xC00, s19;
	[sflag:s15] =	ssyncadd.s32 $0xFFFFE000  }
0x31: {  	[hbm4b:s19+s1] =	stream.linear.scatter [tilespmem:s12], [sflag:$0x3], $0x2000, $0x38;
	[tilespmem:$0x4200] =	vst v63  }
0x32: {  	_ =	swait.ge [sflag:s9], $0x2000  }
0x33: {  	s20 =	smov.u32 s7;
	s19 =	simm.s32 $0x20000;
	[sflag:s9] =	ssyncset.done $0x0  }
.LBB2_2:
0x34: {  	p0 =	sne.s32 s19, $0x520000;
	[sflag:s9] =	ssyncadd.s32 $0xFFFFE000;
	s20 =	sadd.s32 $0x800, s20  }
0x35: {  	[tilespmem:s1], [sflag:$0x3] =	stream.linear.gather [hbm4b:s20+s1], $0x200, $0x38;
	[tilespmem:$0x4200] =	vst v63  }
0x36: {  	s21 =	smov.u32 s19;
	s19 =	sadd.s32 $0x20000, s19;
	_ =	swait.ge [sflag:s9], $0x200  }
0x37: {  	[sflag:s9] =	ssyncset.done $0x0  }
0x38: {  	[sflag:s9] =	ssyncadd.s32 $0xFFFFFE00  }
0x39: {  	[tilespmem:s11], [sflag:$0x1] =	stream.indirect.gather [hbm4b:s3+s10], $0x40, s1, s10, $0xb8;
	[tilespmem:$0x4200] =	vst v63  }
0x3a: {  	_ = 	snop  }
0x3b: {  	[tilespmem:s12], [sflag:$0x2] =	stream.indirect.gather [hbm4b:s3+s10], $0x40, s10, s10, $0xb8;
	[tilespmem:$0x4200] =	vst v63  }
0x3c: {  	_ =	swait.ge [sflag:s13], $0x2000  }
0x3d: {  	[sflag:s13] =	ssyncset.done $0x0  }
0x3e: {  	s21 =	sadd.s32 s21, s8;
	[sflag:s13] =	ssyncadd.s32 $0xFFFFE000  }
0x3f: {  	[hbm4b:s21+s1] =	stream.linear.scatter [tilespmem:s11], [sflag:$0x3], $0x2000, $0x38;
	[tilespmem:$0x4200] =	vst v63  }
0x40: {  	_ =	swait.ge [sflag:s9], $0x2000  }
0x41: {  	[sflag:s9] =	ssyncset.done $0x0  }
0x42: {  	[sflag:s9] =	ssyncadd.s32 $0xFFFFE000  }
0x43: {  	[tilespmem:s11], [sflag:$0x1] =	stream.indirect.gather [hbm4b:s3+s10], $0x40, s14, s10, $0xb8;
	[tilespmem:$0x4200] =	vst v63  }
0x44: {  	_ =	swait.ge [sflag:s15], $0x2000  }
0x45: {  	[sflag:s15] =	ssyncset.done $0x0  }
0x46: {  	s22 =	sadd.s32 $0x400, s21;
	[sflag:s15] =	ssyncadd.s32 $0xFFFFE000  }
0x47: {  	[hbm4b:s22+s1] =	stream.linear.scatter [tilespmem:s12], [sflag:$0x3], $0x2000, $0x38;
	[tilespmem:$0x4200] =	vst v63  }
0x48: {  	_ =	swait.ge [sflag:s9], $0x2000  }
0x49: {  	[sflag:s9] =	ssyncset.done $0x0  }
0x4a: {  	[sflag:s9] =	ssyncadd.s32 $0xFFFFE000  }
0x4b: {  	[tilespmem:s12], [sflag:$0x2] =	stream.indirect.gather [hbm4b:s3+s10], $0x40, s16, s10, $0xb8;
	[tilespmem:$0x4200] =	vst v63  }
0x4c: {  	_ =	swait.ge [sflag:s13], $0x2000  }
0x4d: {  	[sflag:s13] =	ssyncset.done $0x0  }
0x4e: {  	s22 =	sadd.s32 $0x800, s21;
	[sflag:s13] =	ssyncadd.s32 $0xFFFFE000  }
0x4f: {  	[hbm4b:s22+s1] =	stream.linear.scatter [tilespmem:s11], [sflag:$0x3], $0x2000, $0x38;
	[tilespmem:$0x4200] =	vst v63  }
0x50: {  	_ =	swait.ge [sflag:s9], $0x2000  }
0x51: {  	[sflag:s9] =	ssyncset.done $0x0  }
0x52: {  	[sflag:s9] =	ssyncadd.s32 $0xFFFFE000  }
0x53: {  	_ =	swait.ge [sflag:s15], $0x2000  }
.Ltmp0:
0x54: {  	[sflag:s15] =	ssyncset.done $0x0;
	(pc) =	sbr.rel @p0 .LBB2_2-.Ltmp0, $4  }
0x55: {  	s21 =	sadd.s32 $0xC00, s21;
	[sflag:s15] =	ssyncadd.s32 $0xFFFFE000  }
0x56: {  	[hbm4b:s21+s1] =	stream.linear.scatter [tilespmem:s12], [sflag:$0x3], $0x2000, $0x38;
	[tilespmem:$0x4200] =	vst v63  }
0x57: {  	_ =	swait.ge [sflag:s9], $0x2000  }
0x58: {  	[sflag:s9] =	ssyncset.done $0x0  }
0x59: {  	[sflag:s9] =	ssyncadd.s32 $0xFFFFE000  }
0x5a: {  	[tilespmem:s1], [sflag:$0x3] =	stream.linear.gather [hbm4b:s4+s1], $0x10, $0x38;
	[tilespmem:$0x4200] =	vst v63  }
0x5b: {  	_ =	swait.ge [sflag:s9], $0x10  }
0x5c: {  	[sflag:s9] =	ssyncset.done $0x0  }
0x5d: {  	[sflag:s9] =	ssyncadd.s32 $0xFFFFFFF0  }
0x5e: {  	[tilespmem:s11], [sflag:$0x1] =	stream.indirect.gather [hbm4b:s3+s17], $0x40, s1, s17, $0xb8;
	[tilespmem:$0x4200] =	vst v63  }
0x5f: {  	s18 =	sadd.s32 $0x1, s18;
	_ =	swait.ge [sflag:s13], $0x400  }
0x60: {  	p0 =	sne.s32 s18, s6;
	[sflag:s13] =	ssyncset.done $0x0  }
.Ltmp1:
0x61: {  	[sflag:s13] =	ssyncadd.s32 $0xFFFFFC00;
	(pc) =	sbr.rel @p0 .LBB2_1-.Ltmp1, $4  }
0x62: {  	[hbm4b:s5+s1] =	stream.linear.scatter [tilespmem:s11], [sflag:$0x3], $0x400, $0x38;
	[tilespmem:$0x4200] =	vst v63  }
0x63: {  	_ =	swait.ge [sflag:s9], $0x400  }
0x64: {  	[sflag:s9] =	ssyncset.done $0x0  }
0x65: {  	[sflag:s9] =	ssyncadd.s32 $0xFFFFFC00  }
0x66: {  	_ =	sfence.sel $0x180000  }
0x67: {  	[bflag:$0x0] =	sbarrier.arrive $0xFFFF  }
0x68: {  	p0 =	sne.s32 s2, $0x0;
	_ =	strace $0x9000004D  }
0x69: {  	s0 =	sadd.s32 @!p0 $0x100000, s0;
	[bflag:$0x2] =	sbarrier.arrive $0xFFFF  }
0x6a: {  	[sflag:s0] =	ssyncadd.tile.s32 @!p0 $0x1;
	_ =	shalt  }
.Lfunc_end2:
_tile_overlayer_lowered:
.L_overlay_start_2:
0x6b: {  	(tag) =	ssettag $0x2  }
0x6c: {  	s0 =	rddreg [dreg:$0x0];
	s2 =	stileid.u32  }
0x6d: {  	s1 =	rddreg [dreg:$0x1];
	p0 =	sne.s32 s2, $0x0  }
0x6e: {  	s3 =	rddreg [dreg:$0x2];
	[bflag:$0x3] =	sbarrier.arrive $0xFFFF;
	s2 =	simm.s32 @!p0 $0x1C03  }
0x6f: {  	[timem:s3], [sflag:s2] =	dma.local @!p0 [hbm:s0], s1  }
0x70: {  	s0 =	simm.s32 @!p0 $0x3  }
0x71: {  	_ =	swait.ge @!p0 [sflag:s0], s1  }
0x72: {  	s1 =	ssub.s32 @!p0 $0x0, s1;
	[sflag:s0] =	ssyncset.done @!p0 $0x0  }
0x73: {  	[sflag:s0] =	ssyncadd.s32 @!p0 s1  }
0x74: {  	[bflag:$0x3] =	sbarrier.arrive $0xFFFF  }
0x75: {  	_ =	shalt  }

// kernel: kernel.21.cloned.1.call-start
scs
__scs_entry_jumppad:
0x0: {  	(pc) =	sbr.rel $0x88, $3  }
0x1: {  	(tag) =	ssettag $0x0;
	lr =	simm.s32 $0x1  }
0x2: {  	[smem:$0x3F95] =	sst lr;
	_ =	strace $0xD0000000  }
0x3: {  	_ = 	snop  }
0x4: {  	_ = 	snop  }
0x5: {  	_ = 	snop  }
0x6: {  	_ = 	snop  }
0x7: {  	_ = 	snop  }
__scs_overlays_trampoline_lowered:
0x8: {  	[smem:$0x3FA4] =	sst s0  }
0x9: {  	[smem:$0x3FA5] =	sst s1  }
0xa: {  	[smem:$0x3FA6] =	sst s2  }
0xb: {  	[smem:$0x3FA7] =	sst s3  }
0xc: {  	[smem:$0x3FA8] =	sst s4  }
0xd: {  	[smem:$0x3FA9] =	sst s5  }
0xe: {  	[smem:$0x3FAA] =	sst s6  }
0xf: {  	[smem:$0x3FAB] =	sst s7  }
0x10: {  	[smem:$0x3FAC] =	sst s8  }
0x11: {  	[smem:$0x3FAD] =	sst s9;
	s0 =	simm.s32 @!p0 $0x0  }
0x12: {  	s1 =	sld [smem:$0x3F93];
	s0 =	simm.s32 @p0 $0x1  }
0x13: {  	[smem:$0x3FAE] =	sst s0;
	s0 =	simm.s32 @!p1 $0x0  }
0x14: {  	s2 =	sld [smem:$0x3F92];
	s0 =	simm.s32 @p1 $0x1  }
0x15: {  	[smem:$0x3FAF] =	sst s0;
	s0 =	simm.s32 @!p2 $0x0  }
0x16: {  	s3 =	sld [smem:$0x3FDB];
	s0 =	simm.s32 @p2 $0x1  }
0x17: {  	s4 =	simm.s32 $0x1BF5;
	[smem:$0x3FB1] =	sst s0  }
0x18: {  	s0 =	sld [smem:$0x3F94];
	_ =	swait.ge [sflag:s4], $0x0  }
0x19: {  	s7 =	sld [smem:$0x3F95]  }
0x1a: {  	s8 =	sadd.s32 $0xFFFFE003, lr  }
0x1b: {  	s9 =	sadd.s32 $0xFFFFFEF7, lr;
	s5 =	simm.s32 $0xFFFFFFFF;
	p2 =	slt.u32 s8, $0xFFFFF086  }
0x1c: {  	p1 =	slt.u32 s9, $0xF7A;
	s5 =	simm.s32 @!p2 $0x0  }
0x1d: {  	s5 =	simm.s32 @p1 $0x1;
	p0 =	seq.s32 s7, s2  }
0x1e: {  	s7 =	smul.u32 @!p0 $0xF7A, s2;
	p2 =	seq.s32 @!p0 s5, $0x0  }
0x1f: {  	s9 =	smul.u32 $0xF7A, s1;
	s8 =	simm.s32 @!p0 $0x1BF5;
	p2 =	por !p2, p0  }
0x20: {  	[sflag:s8] =	ssyncset.s32 @!p0 $0xFFFFF086;
	s6 =	sadd.s32 @!p0 s3, s7;
	s7 =	simm.s32 @!p0 $0x108  }
0x21: {  	s3 =	sadd.s32 s3, s9;
	s6 =	sadd.s32 @!p0 $0x88, s6;
	s7 =	simm.s32 @p2 $0x1082  }
0x22: {  	[simem:s7], [sflag:s8] =	dma.local @!p0 [hbm:s6], $0xF7A  }
0x23: {  	s9 =	sor.u32 $0xD0000000, s2;
	s6 =	simm.s32 $0x108;
	_ =	swait.ge @!p0 [sflag:s8], $0x0  }
0x24: {  	s3 =	sadd.s32 $0x88, s3;
	s6 =	simm.s32 @!p1 $0x1082;
	[sflag:s4] =	ssyncset.s32 $0xFFFFF086  }
0x25: {  	[simem:s6], [sflag:s4] =	dma.local [hbm:s3], $0xF7A  }
0x26: {  	[smem:$0x3F95] =	sst s1;
	(tag) =	ssettag s2;
	_ =	strace s9  }
0x27: {  	s1 =	sld [smem:$0x3FA5]  }
0x28: {  	s2 =	sld [smem:$0x3FA6]  }
0x29: {  	s4 =	sld [smem:$0x3FA8]  }
0x2a: {  	p0 =	seq.s32 s5, $0x0;
	s5 =	sld [smem:$0x3FA9]  }
0x2b: {  	s6 =	sld [smem:$0x3FAA]  }
0x2c: {  	s7 =	sld [smem:$0x3FAB]  }
0x2d: {  	s3 =	simm.s32 $0x108;
	s8 =	sld [smem:$0x3FAC]  }
0x2e: {  	s3 =	simm.s32 @!p0 $0x1082;
	s9 =	sld [smem:$0x3FAD]  }
0x2f: {  	lr =	sadd.s32 s0, s3;
	s0 =	sld [smem:$0x3FA4]  }
0x30: {  	s3 =	sld [smem:$0x3FA7]  }
0x31: {  	[smem:$0x3FB0] =	sst s10  }
0x32: {  	s10 =	sld [smem:$0x3FAE];
	_ =	sdelay $0x3  }
0x33: {  	p0 =	seq.s32 s10, $0x1;
	s10 =	sld [smem:$0x3FB0];
	_ =	sdelay $0x3  }
0x34: {  	[smem:$0x3FB0] =	sst s10  }
0x35: {  	s10 =	sld [smem:$0x3FAF];
	_ =	sdelay $0x3  }
0x36: {  	p1 =	seq.s32 s10, $0x1;
	s10 =	sld [smem:$0x3FB0];
	_ =	sdelay $0x3  }
0x37: {  	[smem:$0x3FB0] =	sst s10  }
0x38: {  	s10 =	sld [smem:$0x3FB1]  }
0x39: {  	_ = 	snop;
	(pc) =	sbr.ind lr, $3  }
0x3a: {  	_ = 	snop  }
0x3b: {  	_ = 	snop  }
0x3c: {  	p2 =	seq.s32 s10, $0x1;
	s10 =	sld [smem:$0x3FB0]  }
0x3d: {  	_ =	shalt  }
0x3e: {  	_ =	shalt  }
0x3f: {  	_ =	shalt  }
0x40: {  	_ =	shalt  }
0x41: {  	_ =	shalt  }
0x42: {  	_ =	shalt  }
0x43: {  	_ =	shalt  }
0x44: {  	_ =	shalt  }
0x45: {  	_ =	shalt  }
0x46: {  	_ =	shalt  }
0x47: {  	_ =	shalt  }
0x48: {  	_ =	shalt  }
0x49: {  	_ =	shalt  }
0x4a: {  	_ =	shalt  }
0x4b: {  	_ =	shalt  }
0x4c: {  	_ =	shalt  }
0x4d: {  	_ =	shalt  }
0x4e: {  	_ =	shalt  }
0x4f: {  	_ =	shalt  }
0x50: {  	_ =	shalt  }
0x51: {  	_ =	shalt  }
0x52: {  	_ =	shalt  }
0x53: {  	_ =	shalt  }
0x54: {  	_ =	shalt  }
0x55: {  	_ =	shalt  }
0x56: {  	_ =	shalt  }
0x57: {  	_ =	shalt  }
0x58: {  	_ =	shalt  }
0x59: {  	_ =	shalt  }
0x5a: {  	_ =	shalt  }
0x5b: {  	_ =	shalt  }
0x5c: {  	_ =	shalt  }
0x5d: {  	_ =	shalt  }
0x5e: {  	_ =	shalt  }
0x5f: {  	_ =	shalt  }
0x60: {  	_ =	shalt  }
0x61: {  	_ =	shalt  }
0x62: {  	_ =	shalt  }
0x63: {  	_ =	shalt  }
0x64: {  	_ =	shalt  }
0x65: {  	_ =	shalt  }
0x66: {  	_ =	shalt  }
0x67: {  	_ =	shalt  }
0x68: {  	_ =	shalt  }
0x69: {  	_ =	shalt  }
0x6a: {  	_ =	shalt  }
0x6b: {  	_ =	shalt  }
0x6c: {  	_ =	shalt  }
0x6d: {  	_ =	shalt  }
0x6e: {  	_ =	shalt  }
0x6f: {  	_ =	shalt  }
0x70: {  	_ =	shalt  }
0x71: {  	_ =	shalt  }
0x72: {  	_ =	shalt  }
0x73: {  	_ =	shalt  }
0x74: {  	_ =	shalt  }
0x75: {  	_ =	shalt  }
0x76: {  	_ =	shalt  }
0x77: {  	_ =	shalt  }
0x78: {  	_ =	shalt  }
0x79: {  	_ =	shalt  }
0x7a: {  	_ =	shalt  }
0x7b: {  	_ =	shalt  }
0x7c: {  	_ =	shalt  }
0x7d: {  	_ =	shalt  }
0x7e: {  	_ =	shalt  }
0x7f: {  	_ =	shalt  }
0x80: {  	_ =	shalt  }
0x81: {  	_ =	shalt  }
0x82: {  	_ =	shalt  }
0x83: {  	_ =	shalt  }
0x84: {  	_ =	shalt  }
0x85: {  	_ =	shalt  }
0x86: {  	_ =	shalt  }
0x87: {  	_ =	shalt  }
.Lfunc_end0:
.L_simem_size_0:
called_computation.1_lowered:
.L_overlay_start_0:
0x88: {  	s2 =	sld [smem:$0x3FD9]  }
0x89: {  	s3 =	sld [smem:$0x3FFE];
	_ =	sdelay $0x1  }
0x8a: {  	s1 =	srdreg.scid  }
0x8b: {  	s0 =	sand.u32 $0x1, s1  }
0x8c: {  	s17 =	sshll.u32 s0, $0xA;
	s2 =	sadd.s32 s3, s2  }
0x8d: {  	s2 =	sadd.s32 s2, s17  }
0x8e: {  	[smem:$0x3FBC] =	sst s2  }
0x8f: {  	_ = 	snop  }
0x90: {  	(tm) =	ssettm $0x1  }
0x91: {  	s18 =	sld [smem:$0x3FFB];
	_ =	sdelay $0x3  }
0x92: {  	_ =	strace s18  }
0x93: {  	s2 =	sld [smem:$0x3FFC];
	_ =	sdelay $0x3  }
0x94: {  	_ =	strace s2  }
0x95: {  	s2 =	sld [smem:$0x3FFD];
	_ =	sdelay $0x3  }
0x96: {  	_ =	strace s2  }
0x97: {  	_ =	strace $0x8FFFFFFF  }
0x98: {  	s19 =	sld [smem:$0x3FDB];
	_ =	sdelay $0x1  }
0x99: {  	s20 =	simm.s32 $_scs_section_size  }
0x9a: {  	s4 =	simm.s32 $_size__tile_overlayer_lowered;
	s5 =	simm.s32 $_tile_overlayer_lowered  }
0x9b: {  	s6 =	simm.s32 $0x1BFF;
	s21 =	sshll.u32 s5, $0x1;
	s3 =	sadd.s32 s20, s19  }
0x9c: {  	s22 =	simm.s32 $0x0;
	s4 =	sshll.u32 s4, $0x1;
	s5 =	sadd.s32 s21, s3  }
0x9d: {  	[timem:s22], [sflag:s6] =	dma.local [hbm:s5], s4  }
0x9e: {  	_ =	swait.ge [sflag:s6], s4  }
0x9f: {  	s4 =	ssub.s32 $0x0, s4;
	[sflag:s6] =	ssyncset.done $0x0  }
0xa0: {  	[sflag:s6] =	ssyncadd.s32 s4;
	_ =	sdelay $0x1  }
0xa1: {  	s23 =	simm.s32 $0x1B8B  }
0xa2: {  	_ =	swait.ge [sflag:s23], $0x1  }
0xa3: {  	[sflag:s23] =	ssyncset.done $0x0  }
0xa4: {  	[sflag:s23] =	ssyncadd.s32 $0xFFFFFFFF  }
0xa5: {  	s4 =	sld [smem:$0x0]  }
0xa6: {  	s5 =	sand.u32 $0xFFFFFFFE, s1  }
0xa7: {  	p0 =	sne.s32 s1, s5  }
0xa8: {  	s5 =	sshll.u32 @p0 s5, $0xE  }
0xa9: {  	s5 =	sadd.s32 @p0 $0x11B8D, s5;
	s6 =	sshll.u32 @p0 s4, $0x11  }
0xaa: {  	s5 =	sor.u32 @p0 s6, s5  }
0xab: {  	[sflag:s5] =	ssyncadd.remote.s32 @p0 $0x1;
	_ =	sdelay $0x1  }
0xac: {  	s5 =	simm.s32 @p0 $0x1B8D  }
0xad: {  	_ =	swait.eq @p0 [sflag:s5], $0x1  }
0xae: {  	[sflag:s5] =	ssyncadd.s32 @p0 $0xFFFFFFFF  }
0xaf: {  	s6 =	sshll.u32 @!p0 s1, $0xE  }
0xb0: {  	s6 =	sor.u32 @!p0 $0x4000, s6;
	s5 =	simm.s32 @!p0 $0x1B8D  }
0xb1: {  	s4 =	sshll.u32 @!p0 s4, $0x11;
	s6 =	sadd.s32 @!p0 $0x11B8D, s6;
	_ =	swait.eq @!p0 [sflag:s5], $0x1  }
0xb2: {  	s4 =	sor.u32 @!p0 s4, s6;
	[sflag:s5] =	ssyncadd.s32 @!p0 $0xFFFFFFFF  }
0xb3: {  	s25 =	simm.s32 $0x1B8E;
	s24 =	sld [smem:$0x3FFE];
	[sflag:s4] =	ssyncadd.remote.s32 @!p0 $0x1  }
0xb4: {  	s26 =	simm.s32 $execute0_lowered;
	[smem:$0x3FD2] =	sst s25  }
0xb5: {  	s5 =	sshll.u32 s26, $0x1;
	_ =	strace $0x80000049;
	[dreg:$0x1] =	wrdreg $0xFFFFFFFF  }
0xb6: {  	s28 =	simm.s32 $_size_execute0_lowered;
	s3 =	sadd.s32 s3, s5;
	[dreg:$0x0] =	wrdreg $0x0  }
0xb7: {  	s5 =	sshll.u32 s28, $0x1;
	[dreg:$0x2] =	wrdreg s3  }
0xb8: {  	[dreg:$0x3] =	wrdreg s5  }
0xb9: {  	[dreg:$0x4] =	wrdreg $0xC0  }
0xba: {  	_ =	task [dreg:s22], $0x5FFFF  }
0xbb: {  	[dreg:$0x1] =	wrdreg $0xFFFFFFFF  }
0xbc: {  	[dreg:$0x0] =	wrdreg $0x60  }
0xbd: {  	[dreg:$0x2] =	wrdreg s24  }
0xbe: {  	[dreg:$0x3] =	wrdreg $0xA  }
0xbf: {  	_ =	task.clear_ibuf [dreg:s22], $0x4FFFF;
	_ =	strace $0x90000049  }
0xc0: {  	s29 =	simm.s32 $0xA;
	_ =	strace $0x8000004B  }
0xc1: {  	_ =	swait.ge [sflag:s29], $0x1  }
0xc2: {  	[sflag:s29] =	ssyncadd.s32 $0xFFFFFFFF  }
0xc3: {  	_ =	strace $0x9000004B  }
0xc4: {  	_ =	sfence  }
0xc5: {  	s30 =	sld [smem:$0x0];
	_ =	sdelay $0x2  }
0xc6: {  	s31 =	sshll.u32 s1, $0xD;
	s1 =	sshrl.u32 s1, $0x2  }
0xc7: {  	s4 =	sand.u32 $0x4000, s31;
	s1 =	sadd.s32 s1, s30  }
0xc8: {  	s0 =	sor.u32 s4, s0;
	s1 =	sshll.u32 s1, $0x11  }
0xc9: {  	s0 =	sor.u32 s1, s0  }
0xca: {  	s0 =	sadd.s32 $0x8F2B, s0  }
0xcb: {  	[sflag:s0] =	ssyncadd.remote.s32 $0x1  }
0xcc: {  	_ =	sfence.sel $0xFFFF  }
0xcd: {  	[dreg:$0x0] =	wrdreg $0xFFFFFFFF;
	(pc) =	sbr.abs _section_cstart, $3  }
0xce: {  	[dreg:$0x1] =	wrdreg $0xFFFFFFFF  }
0xcf: {  	_ =	task.clear_ibuf [dreg:s22], $0x2FFFF;
	_ =	strace $0x9FFFFFFF  }
0xd0: {  	(tm) =	ssettm $0x7FFFFFFF  }
0xd1: {  	_ =	shalt  }
tec
execute0_lowered:
.L_overlay_start_1:
0x0: {  	(tag) =	ssettag $0x1  }
0x1: {  	s4 =	rddreg [dreg:$0x0]  }
0x2: {  	s0 =	rddreg [dreg:$0x1];
	s1 =	simm.s32 $0x0  }
0x3: {  	s2 =	stileid.u32;
	s5 =	srdreg.scid;
	s13 =	simm.s32 $0x1  }
0x4: {  	s14 =	simm.s32 $0x100;
	s15 =	simm.s32 $0x2;
	s16 =	simm.s32 $0x180  }
0x5: {  	s17 =	simm.s32 $0x10;
	s18 =	simm.s32 $0x0;
	[smem:$0x7FF] =	sst s1  }
0x6: {  	s7 =	sadd.s32 $0x34C00, s4;
	s3 =	sadd.s32 $0x149A00, s4;
	s6 =	sshll.u32 s2, $0xD  }
0x7: {  	s8 =	sand.u32 $0x1, s5;
	s26 =	sshll.u32 s2, $0x1;
	s30 =	sshll.u32 s2, $0xA  }
0x8: {  	_ =	strace $0x8000004A;
	s9 =	sadd.s32 s6, s4;
	s5 =	sor.u32 s8, s26  }
0x9: {  	s28 =	ssub.s32 $0x2, s8;
	s12 =	sshll.u32 s8, $0x9;
	s8 =	sshll.u32 s8, $0xC  }
0xa: {  	s10 =	sshll.u32 s5, $0x7;
	s11 =	sshrl.u32 s28, $0x1;
	s5 =	sshll.u32 s5, $0x1  }
0xb: {  	s31 =	sor.u32 s12, s30;
	s8 =	sadd.s32 s8, s9;
	s9 =	simm.s32 $0x3  }
0xc: {  	s12 =	simm.s32 $0x2200;
	s10 =	sadd.s32 s10, s4;
	s6 =	ssub.s32 s28, s11  }
0xd: {  	s29 =	sadd.s32 s5, s7;
	s8 =	sadd.s32 $0x810400, s8;
	s11 =	simm.s32 $0x200  }
0xe: {  	s4 =	sadd.s32 $0x15000, s29;
	s5 =	sadd.s32 $0x26C00, s10;
	s10 =	sshrl.u32 s31, $0x3  }
0xf: {  	s6 =	smax.u32 s6, $0x1;
	s7 =	sadd.s32 s10, s7;
	s10 =	simm.s32 $0x80  }
.LBB2_1:
0x10: {  	[tilespmem:s1], [sflag:$0x3] =	stream.linear.gather [hbm4b:s7+s1], $0x200, $0x38;
	[tilespmem:$0x4200] =	vst v63  }
0x11: {  	_ =	swait.ge [sflag:s9], $0x200  }
0x12: {  	[sflag:s9] =	ssyncset.done $0x0  }
0x13: {  	[sflag:s9] =	ssyncadd.s32 $0xFFFFFE00  }
0x14: {  	[tilespmem:s11], [sflag:$0x1] =	stream.indirect.gather [hbm4b:s3+s10], $0x40, s1, s10, $0xb8;
	[tilespmem:$0x4200] =	vst v63  }
0x15: {  	_ = 	snop  }
0x16: {  	[tilespmem:s12], [sflag:$0x2] =	stream.indirect.gather [hbm4b:s3+s10], $0x40, s10, s10, $0xb8;
	[tilespmem:$0x4200] =	vst v63  }
0x17: {  	_ =	swait.ge [sflag:s13], $0x2000  }
0x18: {  	[sflag:s13] =	ssyncset.done $0x0  }
0x19: {  	s19 =	sadd.s32 $0x0, s8;
	[sflag:s13] =	ssyncadd.s32 $0xFFFFE000  }
0x1a: {  	[hbm4b:s19+s1] =	stream.linear.scatter [tilespmem:s11], [sflag:$0x3], $0x2000, $0x38;
	[tilespmem:$0x4200] =	vst v63  }
0x1b: {  	_ =	swait.ge [sflag:s9], $0x2000  }
0x1c: {  	[sflag:s9] =	ssyncset.done $0x0  }
0x1d: {  	[sflag:s9] =	ssyncadd.s32 $0xFFFFE000  }
0x1e: {  	[tilespmem:s11], [sflag:$0x1] =	stream.indirect.gather [hbm4b:s3+s10], $0x40, s14, s10, $0xb8;
	[tilespmem:$0x4200] =	vst v63  }
0x1f: {  	_ =	swait.ge [sflag:s15], $0x2000  }
0x20: {  	[sflag:s15] =	ssyncset.done $0x0  }
0x21: {  	s20 =	sadd.s32 $0x400, s19;
	[sflag:s15] =	ssyncadd.s32 $0xFFFFE000  }
0x22: {  	[hbm4b:s20+s1] =	stream.linear.scatter [tilespmem:s12], [sflag:$0x3], $0x2000, $0x38;
	[tilespmem:$0x4200] =	vst v63  }
0x23: {  	_ =	swait.ge [sflag:s9], $0x2000  }
0x24: {  	[sflag:s9] =	ssyncset.done $0x0  }
0x25: {  	[sflag:s9] =	ssyncadd.s32 $0xFFFFE000  }
0x26: {  	[tilespmem:s12], [sflag:$0x2] =	stream.indirect.gather [hbm4b:s3+s10], $0x40, s16, s10, $0xb8;
	[tilespmem:$0x4200] =	vst v63  }
0x27: {  	_ =	swait.ge [sflag:s13], $0x2000  }
0x28: {  	[sflag:s13] =	ssyncset.done $0x0  }
0x29: {  	s31 =	sadd.s32 $0x800, s19;
	[sflag:s13] =	ssyncadd.s32 $0xFFFFE000  }
0x2a: {  	[hbm4b:s31+s1] =	stream.linear.scatter [tilespmem:s11], [sflag:$0x3], $0x2000, $0x38;
	[tilespmem:$0x4200] =	vst v63  }
0x2b: {  	_ =	swait.ge [sflag:s9], $0x2000  }
0x2c: {  	[sflag:s9] =	ssyncset.done $0x0  }
0x2d: {  	[sflag:s9] =	ssyncadd.s32 $0xFFFFE000  }
0x2e: {  	_ =	swait.ge [sflag:s15], $0x2000  }
0x2f: {  	[sflag:s15] =	ssyncset.done $0x0  }
0x30: {  	s19 =	sadd.s32 $0xC00, s19;
	[sflag:s15] =	ssyncadd.s32 $0xFFFFE000  }
0x31: {  	[hbm4b:s19+s1] =	stream.linear.scatter [tilespmem:s12], [sflag:$0x3], $0x2000, $0x38;
	[tilespmem:$0x4200] =	vst v63  }
0x32: {  	_ =	swait.ge [sflag:s9], $0x2000  }
0x33: {  	s20 =	smov.u32 s7;
	s19 =	simm.s32 $0x20000;
	[sflag:s9] =	ssyncset.done $0x0  }
.LBB2_2:
0x34: {  	p0 =	sne.s32 s19, $0x520000;
	[sflag:s9] =	ssyncadd.s32 $0xFFFFE000;
	s20 =	sadd.s32 $0x800, s20  }
0x35: {  	[tilespmem:s1], [sflag:$0x3] =	stream.linear.gather [hbm4b:s20+s1], $0x200, $0x38;
	[tilespmem:$0x4200] =	vst v63  }
0x36: {  	s21 =	smov.u32 s19;
	s19 =	sadd.s32 $0x20000, s19;
	_ =	swait.ge [sflag:s9], $0x200  }
0x37: {  	[sflag:s9] =	ssyncset.done $0x0  }
0x38: {  	[sflag:s9] =	ssyncadd.s32 $0xFFFFFE00  }
0x39: {  	[tilespmem:s11], [sflag:$0x1] =	stream.indirect.gather [hbm4b:s3+s10], $0x40, s1, s10, $0xb8;
	[tilespmem:$0x4200] =	vst v63  }
0x3a: {  	_ = 	snop  }
0x3b: {  	[tilespmem:s12], [sflag:$0x2] =	stream.indirect.gather [hbm4b:s3+s10], $0x40, s10, s10, $0xb8;
	[tilespmem:$0x4200] =	vst v63  }
0x3c: {  	_ =	swait.ge [sflag:s13], $0x2000  }
0x3d: {  	[sflag:s13] =	ssyncset.done $0x0  }
0x3e: {  	s21 =	sadd.s32 s21, s8;
	[sflag:s13] =	ssyncadd.s32 $0xFFFFE000  }
0x3f: {  	[hbm4b:s21+s1] =	stream.linear.scatter [tilespmem:s11], [sflag:$0x3], $0x2000, $0x38;
	[tilespmem:$0x4200] =	vst v63  }
0x40: {  	_ =	swait.ge [sflag:s9], $0x2000  }
0x41: {  	[sflag:s9] =	ssyncset.done $0x0  }
0x42: {  	[sflag:s9] =	ssyncadd.s32 $0xFFFFE000  }
0x43: {  	[tilespmem:s11], [sflag:$0x1] =	stream.indirect.gather [hbm4b:s3+s10], $0x40, s14, s10, $0xb8;
	[tilespmem:$0x4200] =	vst v63  }
0x44: {  	_ =	swait.ge [sflag:s15], $0x2000  }
0x45: {  	[sflag:s15] =	ssyncset.done $0x0  }
0x46: {  	s22 =	sadd.s32 $0x400, s21;
	[sflag:s15] =	ssyncadd.s32 $0xFFFFE000  }
0x47: {  	[hbm4b:s22+s1] =	stream.linear.scatter [tilespmem:s12], [sflag:$0x3], $0x2000, $0x38;
	[tilespmem:$0x4200] =	vst v63  }
0x48: {  	_ =	swait.ge [sflag:s9], $0x2000  }
0x49: {  	[sflag:s9] =	ssyncset.done $0x0  }
0x4a: {  	[sflag:s9] =	ssyncadd.s32 $0xFFFFE000  }
0x4b: {  	[tilespmem:s12], [sflag:$0x2] =	stream.indirect.gather [hbm4b:s3+s10], $0x40, s16, s10, $0xb8;
	[tilespmem:$0x4200] =	vst v63  }
0x4c: {  	_ =	swait.ge [sflag:s13], $0x2000  }
0x4d: {  	[sflag:s13] =	ssyncset.done $0x0  }
0x4e: {  	s22 =	sadd.s32 $0x800, s21;
	[sflag:s13] =	ssyncadd.s32 $0xFFFFE000  }
0x4f: {  	[hbm4b:s22+s1] =	stream.linear.scatter [tilespmem:s11], [sflag:$0x3], $0x2000, $0x38;
	[tilespmem:$0x4200] =	vst v63  }
0x50: {  	_ =	swait.ge [sflag:s9], $0x2000  }
0x51: {  	[sflag:s9] =	ssyncset.done $0x0  }
0x52: {  	[sflag:s9] =	ssyncadd.s32 $0xFFFFE000  }
0x53: {  	_ =	swait.ge [sflag:s15], $0x2000  }
.Ltmp0:
0x54: {  	[sflag:s15] =	ssyncset.done $0x0;
	(pc) =	sbr.rel @p0 .LBB2_2-.Ltmp0, $4  }
0x55: {  	s21 =	sadd.s32 $0xC00, s21;
	[sflag:s15] =	ssyncadd.s32 $0xFFFFE000  }
0x56: {  	[hbm4b:s21+s1] =	stream.linear.scatter [tilespmem:s12], [sflag:$0x3], $0x2000, $0x38;
	[tilespmem:$0x4200] =	vst v63  }
0x57: {  	_ =	swait.ge [sflag:s9], $0x2000  }
0x58: {  	[sflag:s9] =	ssyncset.done $0x0  }
0x59: {  	[sflag:s9] =	ssyncadd.s32 $0xFFFFE000  }
0x5a: {  	[tilespmem:s1], [sflag:$0x3] =	stream.linear.gather [hbm4b:s4+s1], $0x10, $0x38;
	[tilespmem:$0x4200] =	vst v63  }
0x5b: {  	_ =	swait.ge [sflag:s9], $0x10  }
0x5c: {  	[sflag:s9] =	ssyncset.done $0x0  }
0x5d: {  	[sflag:s9] =	ssyncadd.s32 $0xFFFFFFF0  }
0x5e: {  	[tilespmem:s11], [sflag:$0x1] =	stream.indirect.gather [hbm4b:s3+s17], $0x40, s1, s17, $0xb8;
	[tilespmem:$0x4200] =	vst v63  }
0x5f: {  	s18 =	sadd.s32 $0x1, s18;
	_ =	swait.ge [sflag:s13], $0x400  }
0x60: {  	p0 =	sne.s32 s18, s6;
	[sflag:s13] =	ssyncset.done $0x0  }
.Ltmp1:
0x61: {  	[sflag:s13] =	ssyncadd.s32 $0xFFFFFC00;
	(pc) =	sbr.rel @p0 .LBB2_1-.Ltmp1, $4  }
0x62: {  	[hbm4b:s5+s1] =	stream.linear.scatter [tilespmem:s11], [sflag:$0x3], $0x400, $0x38;
	[tilespmem:$0x4200] =	vst v63  }
0x63: {  	_ =	swait.ge [sflag:s9], $0x400  }
0x64: {  	[sflag:s9] =	ssyncset.done $0x0  }
0x65: {  	[sflag:s9] =	ssyncadd.s32 $0xFFFFFC00  }
0x66: {  	_ =	sfence.sel $0x180000  }
0x67: {  	[bflag:$0x0] =	sbarrier.arrive $0xFFFF  }
0x68: {  	p0 =	sne.s32 s2, $0x0;
	_ =	strace $0x9000004A  }
0x69: {  	s0 =	sadd.s32 @!p0 $0x100000, s0;
	[bflag:$0x2] =	sbarrier.arrive $0xFFFF  }
0x6a: {  	[sflag:s0] =	ssyncadd.tile.s32 @!p0 $0x1;
	_ =	shalt  }
.Lfunc_end2:
_tile_overlayer_lowered:
.L_overlay_start_2:
0x6b: {  	(tag) =	ssettag $0x2  }
0x6c: {  	s0 =	rddreg [dreg:$0x0];
	s2 =	stileid.u32  }
0x6d: {  	s1 =	rddreg [dreg:$0x1];
	p0 =	sne.s32 s2, $0x0  }
0x6e: {  	s3 =	rddreg [dreg:$0x2];
	[bflag:$0x3] =	sbarrier.arrive $0xFFFF;
	s2 =	simm.s32 @!p0 $0x1C03  }
0x6f: {  	[timem:s3], [sflag:s2] =	dma.local @!p0 [hbm:s0], s1  }
0x70: {  	s0 =	simm.s32 @!p0 $0x3  }
0x71: {  	_ =	swait.ge @!p0 [sflag:s0], s1  }
0x72: {  	s1 =	ssub.s32 @!p0 $0x0, s1;
	[sflag:s0] =	ssyncset.done @!p0 $0x0  }
0x73: {  	[sflag:s0] =	ssyncadd.s32 @!p0 s1  }
0x74: {  	[bflag:$0x3] =	sbarrier.arrive $0xFFFF  }
0x75: {  	_ =	shalt  }

// kernel: kernel.24.cloned.1.call-start
scs
__scs_entry_jumppad:
0x0: {  	(pc) =	sbr.rel $0x88, $3  }
0x1: {  	(tag) =	ssettag $0x0;
	lr =	simm.s32 $0x1  }
0x2: {  	[smem:$0x3F95] =	sst lr;
	_ =	strace $0xD0000000  }
0x3: {  	_ = 	snop  }
0x4: {  	_ = 	snop  }
0x5: {  	_ = 	snop  }
0x6: {  	_ = 	snop  }
0x7: {  	_ = 	snop  }
__scs_overlays_trampoline_lowered:
0x8: {  	[smem:$0x3FA4] =	sst s0  }
0x9: {  	[smem:$0x3FA5] =	sst s1  }
0xa: {  	[smem:$0x3FA6] =	sst s2  }
0xb: {  	[smem:$0x3FA7] =	sst s3  }
0xc: {  	[smem:$0x3FA8] =	sst s4  }
0xd: {  	[smem:$0x3FA9] =	sst s5  }
0xe: {  	[smem:$0x3FAA] =	sst s6  }
0xf: {  	[smem:$0x3FAB] =	sst s7  }
0x10: {  	[smem:$0x3FAC] =	sst s8  }
0x11: {  	[smem:$0x3FAD] =	sst s9;
	s0 =	simm.s32 @!p0 $0x0  }
0x12: {  	s1 =	sld [smem:$0x3F93];
	s0 =	simm.s32 @p0 $0x1  }
0x13: {  	[smem:$0x3FAE] =	sst s0;
	s0 =	simm.s32 @!p1 $0x0  }
0x14: {  	s2 =	sld [smem:$0x3F92];
	s0 =	simm.s32 @p1 $0x1  }
0x15: {  	[smem:$0x3FAF] =	sst s0;
	s0 =	simm.s32 @!p2 $0x0  }
0x16: {  	s3 =	sld [smem:$0x3FDB];
	s0 =	simm.s32 @p2 $0x1  }
0x17: {  	s4 =	simm.s32 $0x1BF5;
	[smem:$0x3FB1] =	sst s0  }
0x18: {  	s0 =	sld [smem:$0x3F94];
	_ =	swait.ge [sflag:s4], $0x0  }
0x19: {  	s7 =	sld [smem:$0x3F95]  }
0x1a: {  	s8 =	sadd.s32 $0xFFFFE003, lr  }
0x1b: {  	s9 =	sadd.s32 $0xFFFFFEF7, lr;
	s5 =	simm.s32 $0xFFFFFFFF;
	p2 =	slt.u32 s8, $0xFFFFF086  }
0x1c: {  	p1 =	slt.u32 s9, $0xF7A;
	s5 =	simm.s32 @!p2 $0x0  }
0x1d: {  	s5 =	simm.s32 @p1 $0x1;
	p0 =	seq.s32 s7, s2  }
0x1e: {  	s7 =	smul.u32 @!p0 $0xF7A, s2;
	p2 =	seq.s32 @!p0 s5, $0x0  }
0x1f: {  	s9 =	smul.u32 $0xF7A, s1;
	s8 =	simm.s32 @!p0 $0x1BF5;
	p2 =	por !p2, p0  }
0x20: {  	[sflag:s8] =	ssyncset.s32 @!p0 $0xFFFFF086;
	s6 =	sadd.s32 @!p0 s3, s7;
	s7 =	simm.s32 @!p0 $0x108  }
0x21: {  	s3 =	sadd.s32 s3, s9;
	s6 =	sadd.s32 @!p0 $0x88, s6;
	s7 =	simm.s32 @p2 $0x1082  }
0x22: {  	[simem:s7], [sflag:s8] =	dma.local @!p0 [hbm:s6], $0xF7A  }
0x23: {  	s9 =	sor.u32 $0xD0000000, s2;
	s6 =	simm.s32 $0x108;
	_ =	swait.ge @!p0 [sflag:s8], $0x0  }
0x24: {  	s3 =	sadd.s32 $0x88, s3;
	s6 =	simm.s32 @!p1 $0x1082;
	[sflag:s4] =	ssyncset.s32 $0xFFFFF086  }
0x25: {  	[simem:s6], [sflag:s4] =	dma.local [hbm:s3], $0xF7A  }
0x26: {  	[smem:$0x3F95] =	sst s1;
	(tag) =	ssettag s2;
	_ =	strace s9  }
0x27: {  	s1 =	sld [smem:$0x3FA5]  }
0x28: {  	s2 =	sld [smem:$0x3FA6]  }
0x29: {  	s4 =	sld [smem:$0x3FA8]  }
0x2a: {  	p0 =	seq.s32 s5, $0x0;
	s5 =	sld [smem:$0x3FA9]  }
0x2b: {  	s6 =	sld [smem:$0x3FAA]  }
0x2c: {  	s7 =	sld [smem:$0x3FAB]  }
0x2d: {  	s3 =	simm.s32 $0x108;
	s8 =	sld [smem:$0x3FAC]  }
0x2e: {  	s3 =	simm.s32 @!p0 $0x1082;
	s9 =	sld [smem:$0x3FAD]  }
0x2f: {  	lr =	sadd.s32 s0, s3;
	s0 =	sld [smem:$0x3FA4]  }
0x30: {  	s3 =	sld [smem:$0x3FA7]  }
0x31: {  	[smem:$0x3FB0] =	sst s10  }
0x32: {  	s10 =	sld [smem:$0x3FAE];
	_ =	sdelay $0x3  }
0x33: {  	p0 =	seq.s32 s10, $0x1;
	s10 =	sld [smem:$0x3FB0];
	_ =	sdelay $0x3  }
0x34: {  	[smem:$0x3FB0] =	sst s10  }
0x35: {  	s10 =	sld [smem:$0x3FAF];
	_ =	sdelay $0x3  }
0x36: {  	p1 =	seq.s32 s10, $0x1;
	s10 =	sld [smem:$0x3FB0];
	_ =	sdelay $0x3  }
0x37: {  	[smem:$0x3FB0] =	sst s10  }
0x38: {  	s10 =	sld [smem:$0x3FB1]  }
0x39: {  	_ = 	snop;
	(pc) =	sbr.ind lr, $3  }
0x3a: {  	_ = 	snop  }
0x3b: {  	_ = 	snop  }
0x3c: {  	p2 =	seq.s32 s10, $0x1;
	s10 =	sld [smem:$0x3FB0]  }
0x3d: {  	_ =	shalt  }
0x3e: {  	_ =	shalt  }
0x3f: {  	_ =	shalt  }
0x40: {  	_ =	shalt  }
0x41: {  	_ =	shalt  }
0x42: {  	_ =	shalt  }
0x43: {  	_ =	shalt  }
0x44: {  	_ =	shalt  }
0x45: {  	_ =	shalt  }
0x46: {  	_ =	shalt  }
0x47: {  	_ =	shalt  }
0x48: {  	_ =	shalt  }
0x49: {  	_ =	shalt  }
0x4a: {  	_ =	shalt  }
0x4b: {  	_ =	shalt  }
0x4c: {  	_ =	shalt  }
0x4d: {  	_ =	shalt  }
0x4e: {  	_ =	shalt  }
0x4f: {  	_ =	shalt  }
0x50: {  	_ =	shalt  }
0x51: {  	_ =	shalt  }
0x52: {  	_ =	shalt  }
0x53: {  	_ =	shalt  }
0x54: {  	_ =	shalt  }
0x55: {  	_ =	shalt  }
0x56: {  	_ =	shalt  }
0x57: {  	_ =	shalt  }
0x58: {  	_ =	shalt  }
0x59: {  	_ =	shalt  }
0x5a: {  	_ =	shalt  }
0x5b: {  	_ =	shalt  }
0x5c: {  	_ =	shalt  }
0x5d: {  	_ =	shalt  }
0x5e: {  	_ =	shalt  }
0x5f: {  	_ =	shalt  }
0x60: {  	_ =	shalt  }
0x61: {  	_ =	shalt  }
0x62: {  	_ =	shalt  }
0x63: {  	_ =	shalt  }
0x64: {  	_ =	shalt  }
0x65: {  	_ =	shalt  }
0x66: {  	_ =	shalt  }
0x67: {  	_ =	shalt  }
0x68: {  	_ =	shalt  }
0x69: {  	_ =	shalt  }
0x6a: {  	_ =	shalt  }
0x6b: {  	_ =	shalt  }
0x6c: {  	_ =	shalt  }
0x6d: {  	_ =	shalt  }
0x6e: {  	_ =	shalt  }
0x6f: {  	_ =	shalt  }
0x70: {  	_ =	shalt  }
0x71: {  	_ =	shalt  }
0x72: {  	_ =	shalt  }
0x73: {  	_ =	shalt  }
0x74: {  	_ =	shalt  }
0x75: {  	_ =	shalt  }
0x76: {  	_ =	shalt  }
0x77: {  	_ =	shalt  }
0x78: {  	_ =	shalt  }
0x79: {  	_ =	shalt  }
0x7a: {  	_ =	shalt  }
0x7b: {  	_ =	shalt  }
0x7c: {  	_ =	shalt  }
0x7d: {  	_ =	shalt  }
0x7e: {  	_ =	shalt  }
0x7f: {  	_ =	shalt  }
0x80: {  	_ =	shalt  }
0x81: {  	_ =	shalt  }
0x82: {  	_ =	shalt  }
0x83: {  	_ =	shalt  }
0x84: {  	_ =	shalt  }
0x85: {  	_ =	shalt  }
0x86: {  	_ =	shalt  }
0x87: {  	_ =	shalt  }
.Lfunc_end0:
.L_simem_size_0:
called_computation.2_lowered:
.L_overlay_start_0:
0x88: {  	s2 =	sld [smem:$0x3FD9]  }
0x89: {  	s3 =	sld [smem:$0x3FFE];
	_ =	sdelay $0x1  }
0x8a: {  	s1 =	srdreg.scid  }
0x8b: {  	s0 =	sand.u32 $0x1, s1  }
0x8c: {  	s16 =	sshll.u32 s0, $0xA;
	s2 =	sadd.s32 s3, s2  }
0x8d: {  	s2 =	sadd.s32 s2, s16  }
0x8e: {  	[smem:$0x3FBC] =	sst s2  }
0x8f: {  	_ = 	snop  }
0x90: {  	(tm) =	ssettm $0x1  }
0x91: {  	s17 =	sld [smem:$0x3FFB];
	_ =	sdelay $0x3  }
0x92: {  	_ =	strace s17  }
0x93: {  	s2 =	sld [smem:$0x3FFC];
	_ =	sdelay $0x3  }
0x94: {  	_ =	strace s2  }
0x95: {  	s2 =	sld [smem:$0x3FFD];
	_ =	sdelay $0x3  }
0x96: {  	_ =	strace s2  }
0x97: {  	_ =	strace $0x8FFFFFFF  }
0x98: {  	s18 =	sld [smem:$0x3FDB];
	_ =	sdelay $0x1  }
0x99: {  	s19 =	simm.s32 $_scs_section_size  }
0x9a: {  	s4 =	simm.s32 $_size__tile_overlayer_lowered;
	s5 =	simm.s32 $_tile_overlayer_lowered  }
0x9b: {  	s22 =	simm.s32 $0x1BFF;
	s21 =	sshll.u32 s5, $0x1;
	s2 =	sadd.s32 s19, s18  }
0x9c: {  	s6 =	simm.s32 $0x0;
	s20 =	sshll.u32 s4, $0x1;
	s4 =	sadd.s32 s21, s2  }
0x9d: {  	[timem:s6], [sflag:s22] =	dma.local [hbm:s4], s20  }
0x9e: {  	_ =	swait.ge [sflag:s22], s20  }
0x9f: {  	s3 =	ssub.s32 $0x0, s20;
	[sflag:s22] =	ssyncset.done $0x0  }
0xa0: {  	[sflag:s22] =	ssyncadd.s32 s3;
	_ =	sdelay $0x1  }
0xa1: {  	s23 =	simm.s32 $0x1B8B  }
0xa2: {  	_ =	swait.ge [sflag:s23], $0x1  }
0xa3: {  	[sflag:s23] =	ssyncset.done $0x0  }
0xa4: {  	s25 =	simm.s32 $0x1B8E;
	s24 =	sld [smem:$0x3FFE];
	[sflag:s23] =	ssyncadd.s32 $0xFFFFFFFF  }
0xa5: {  	s26 =	simm.s32 $execute0_lowered;
	[smem:$0x3FD2] =	sst s25  }
0xa6: {  	s4 =	sshll.u32 s26, $0x1;
	_ =	strace $0x80000046;
	[dreg:$0x1] =	wrdreg $0xFFFFFFFF  }
0xa7: {  	s28 =	simm.s32 $_size_execute0_lowered;
	s2 =	sadd.s32 s2, s4;
	[dreg:$0x0] =	wrdreg $0x0  }
0xa8: {  	s4 =	sshll.u32 s28, $0x1;
	[dreg:$0x2] =	wrdreg s2  }
0xa9: {  	[dreg:$0x3] =	wrdreg s4  }
0xaa: {  	[dreg:$0x4] =	wrdreg $0xC0  }
0xab: {  	_ =	task [dreg:s6], $0x5FFFF  }
0xac: {  	[dreg:$0x1] =	wrdreg $0xFFFFFFFF  }
0xad: {  	[dreg:$0x0] =	wrdreg $0x60  }
0xae: {  	[dreg:$0x2] =	wrdreg s24  }
0xaf: {  	[dreg:$0x3] =	wrdreg $0xB  }
0xb0: {  	_ =	task.clear_ibuf [dreg:s6], $0x4FFFF;
	_ =	strace $0x90000046  }
0xb1: {  	s29 =	simm.s32 $0xB;
	_ =	strace $0x80000048  }
0xb2: {  	_ =	swait.ge [sflag:s29], $0x1  }
0xb3: {  	[sflag:s29] =	ssyncadd.s32 $0xFFFFFFFF  }
0xb4: {  	_ =	strace $0x90000048  }
0xb5: {  	_ =	sfence  }
0xb6: {  	s30 =	sld [smem:$0x0];
	_ =	sdelay $0x2  }
0xb7: {  	s31 =	sshll.u32 s1, $0xD;
	s1 =	sshrl.u32 s1, $0x2  }
0xb8: {  	s3 =	sand.u32 $0x4000, s31;
	s1 =	sadd.s32 s1, s30  }
0xb9: {  	s0 =	sor.u32 s3, s0;
	s1 =	sshll.u32 s1, $0x11  }
0xba: {  	s0 =	sor.u32 s1, s0  }
0xbb: {  	s0 =	sadd.s32 $0x8F2B, s0  }
0xbc: {  	[sflag:s0] =	ssyncadd.remote.s32 $0x1  }
0xbd: {  	_ =	sfence.sel $0xFFFF  }
0xbe: {  	[dreg:$0x0] =	wrdreg $0xFFFFFFFF;
	(pc) =	sbr.abs _section_cstart, $3  }
0xbf: {  	[dreg:$0x1] =	wrdreg $0xFFFFFFFF  }
0xc0: {  	_ =	task.clear_ibuf [dreg:s6], $0x2FFFF;
	_ =	strace $0x9FFFFFFF  }
0xc1: {  	(tm) =	ssettm $0x7FFFFFFF  }
tec
execute0_lowered:
.L_overlay_start_1:
0x0: {  	(tag) =	ssettag $0x1  }
0x1: {  	s4 =	rddreg [dreg:$0x0]  }
0x2: {  	s0 =	rddreg [dreg:$0x1];
	s1 =	simm.s32 $0x0  }
0x3: {  	s2 =	stileid.u32;
	s5 =	srdreg.scid;
	s13 =	simm.s32 $0x1  }
0x4: {  	s14 =	simm.s32 $0x100;
	s15 =	simm.s32 $0x2;
	s16 =	simm.s32 $0x180  }
0x5: {  	s17 =	simm.s32 $0x10;
	s18 =	simm.s32 $0x0;
	[smem:$0x7FF] =	sst s1  }
0x6: {  	s7 =	sadd.s32 $0x5EE00, s4;
	s3 =	sadd.s32 $0x149A00, s4;
	s6 =	sshll.u32 s2, $0xD  }
0x7: {  	s8 =	sand.u32 $0x1, s5;
	s26 =	sshll.u32 s2, $0x1;
	s30 =	sshll.u32 s2, $0xA  }
0x8: {  	_ =	strace $0x80000047;
	s9 =	sadd.s32 s6, s4;
	s5 =	sor.u32 s8, s26  }
0x9: {  	s28 =	ssub.s32 $0x2, s8;
	s12 =	sshll.u32 s8, $0x9;
	s8 =	sshll.u32 s8, $0xC  }
0xa: {  	s10 =	sshll.u32 s5, $0x7;
	s11 =	sshrl.u32 s28, $0x1;
	s5 =	sshll.u32 s5, $0x1  }
0xb: {  	s31 =	sor.u32 s12, s30;
	s8 =	sadd.s32 s8, s9;
	s9 =	simm.s32 $0x3  }
0xc: {  	s12 =	simm.s32 $0x2200;
	s10 =	sadd.s32 s10, s4;
	s6 =	ssub.s32 s28, s11  }
0xd: {  	s29 =	sadd.s32 s5, s7;
	s8 =	sadd.s32 $0x2D0400, s8;
	s11 =	simm.s32 $0x200  }
0xe: {  	s4 =	sadd.s32 $0x15000, s29;
	s5 =	sadd.s32 $0x25C00, s10;
	s10 =	sshrl.u32 s31, $0x3  }
0xf: {  	s6 =	smax.u32 s6, $0x1;
	s7 =	sadd.s32 s10, s7;
	s10 =	simm.s32 $0x80  }
.LBB2_1:
0x10: {  	[tilespmem:s1], [sflag:$0x3] =	stream.linear.gather [hbm4b:s7+s1], $0x200, $0x38;
	[tilespmem:$0x4200] =	vst v63  }
0x11: {  	_ =	swait.ge [sflag:s9], $0x200  }
0x12: {  	[sflag:s9] =	ssyncset.done $0x0  }
0x13: {  	[sflag:s9] =	ssyncadd.s32 $0xFFFFFE00  }
0x14: {  	[tilespmem:s11], [sflag:$0x1] =	stream.indirect.gather [hbm4b:s3+s10], $0x40, s1, s10, $0xb8;
	[tilespmem:$0x4200] =	vst v63  }
0x15: {  	_ = 	snop  }
0x16: {  	[tilespmem:s12], [sflag:$0x2] =	stream.indirect.gather [hbm4b:s3+s10], $0x40, s10, s10, $0xb8;
	[tilespmem:$0x4200] =	vst v63  }
0x17: {  	_ =	swait.ge [sflag:s13], $0x2000  }
0x18: {  	[sflag:s13] =	ssyncset.done $0x0  }
0x19: {  	s19 =	sadd.s32 $0x0, s8;
	[sflag:s13] =	ssyncadd.s32 $0xFFFFE000  }
0x1a: {  	[hbm4b:s19+s1] =	stream.linear.scatter [tilespmem:s11], [sflag:$0x3], $0x2000, $0x38;
	[tilespmem:$0x4200] =	vst v63  }
0x1b: {  	_ =	swait.ge [sflag:s9], $0x2000  }
0x1c: {  	[sflag:s9] =	ssyncset.done $0x0  }
0x1d: {  	[sflag:s9] =	ssyncadd.s32 $0xFFFFE000  }
0x1e: {  	[tilespmem:s11], [sflag:$0x1] =	stream.indirect.gather [hbm4b:s3+s10], $0x40, s14, s10, $0xb8;
	[tilespmem:$0x4200] =	vst v63  }
0x1f: {  	_ =	swait.ge [sflag:s15], $0x2000  }
0x20: {  	[sflag:s15] =	ssyncset.done $0x0  }
0x21: {  	s20 =	sadd.s32 $0x400, s19;
	[sflag:s15] =	ssyncadd.s32 $0xFFFFE000  }
0x22: {  	[hbm4b:s20+s1] =	stream.linear.scatter [tilespmem:s12], [sflag:$0x3], $0x2000, $0x38;
	[tilespmem:$0x4200] =	vst v63  }
0x23: {  	_ =	swait.ge [sflag:s9], $0x2000  }
0x24: {  	[sflag:s9] =	ssyncset.done $0x0  }
0x25: {  	[sflag:s9] =	ssyncadd.s32 $0xFFFFE000  }
0x26: {  	[tilespmem:s12], [sflag:$0x2] =	stream.indirect.gather [hbm4b:s3+s10], $0x40, s16, s10, $0xb8;
	[tilespmem:$0x4200] =	vst v63  }
0x27: {  	_ =	swait.ge [sflag:s13], $0x2000  }
0x28: {  	[sflag:s13] =	ssyncset.done $0x0  }
0x29: {  	s31 =	sadd.s32 $0x800, s19;
	[sflag:s13] =	ssyncadd.s32 $0xFFFFE000  }
0x2a: {  	[hbm4b:s31+s1] =	stream.linear.scatter [tilespmem:s11], [sflag:$0x3], $0x2000, $0x38;
	[tilespmem:$0x4200] =	vst v63  }
0x2b: {  	_ =	swait.ge [sflag:s9], $0x2000  }
0x2c: {  	[sflag:s9] =	ssyncset.done $0x0  }
0x2d: {  	[sflag:s9] =	ssyncadd.s32 $0xFFFFE000  }
0x2e: {  	_ =	swait.ge [sflag:s15], $0x2000  }
0x2f: {  	[sflag:s15] =	ssyncset.done $0x0  }
0x30: {  	s19 =	sadd.s32 $0xC00, s19;
	[sflag:s15] =	ssyncadd.s32 $0xFFFFE000  }
0x31: {  	[hbm4b:s19+s1] =	stream.linear.scatter [tilespmem:s12], [sflag:$0x3], $0x2000, $0x38;
	[tilespmem:$0x4200] =	vst v63  }
0x32: {  	_ =	swait.ge [sflag:s9], $0x2000  }
0x33: {  	s20 =	smov.u32 s7;
	s19 =	simm.s32 $0x20000;
	[sflag:s9] =	ssyncset.done $0x0  }
.LBB2_2:
0x34: {  	p0 =	sne.s32 s19, $0x520000;
	[sflag:s9] =	ssyncadd.s32 $0xFFFFE000;
	s20 =	sadd.s32 $0x800, s20  }
0x35: {  	[tilespmem:s1], [sflag:$0x3] =	stream.linear.gather [hbm4b:s20+s1], $0x200, $0x38;
	[tilespmem:$0x4200] =	vst v63  }
0x36: {  	s21 =	smov.u32 s19;
	s19 =	sadd.s32 $0x20000, s19;
	_ =	swait.ge [sflag:s9], $0x200  }
0x37: {  	[sflag:s9] =	ssyncset.done $0x0  }
0x38: {  	[sflag:s9] =	ssyncadd.s32 $0xFFFFFE00  }
0x39: {  	[tilespmem:s11], [sflag:$0x1] =	stream.indirect.gather [hbm4b:s3+s10], $0x40, s1, s10, $0xb8;
	[tilespmem:$0x4200] =	vst v63  }
0x3a: {  	_ = 	snop  }
0x3b: {  	[tilespmem:s12], [sflag:$0x2] =	stream.indirect.gather [hbm4b:s3+s10], $0x40, s10, s10, $0xb8;
	[tilespmem:$0x4200] =	vst v63  }
0x3c: {  	_ =	swait.ge [sflag:s13], $0x2000  }
0x3d: {  	[sflag:s13] =	ssyncset.done $0x0  }
0x3e: {  	s21 =	sadd.s32 s21, s8;
	[sflag:s13] =	ssyncadd.s32 $0xFFFFE000  }
0x3f: {  	[hbm4b:s21+s1] =	stream.linear.scatter [tilespmem:s11], [sflag:$0x3], $0x2000, $0x38;
	[tilespmem:$0x4200] =	vst v63  }
0x40: {  	_ =	swait.ge [sflag:s9], $0x2000  }
0x41: {  	[sflag:s9] =	ssyncset.done $0x0  }
0x42: {  	[sflag:s9] =	ssyncadd.s32 $0xFFFFE000  }
0x43: {  	[tilespmem:s11], [sflag:$0x1] =	stream.indirect.gather [hbm4b:s3+s10], $0x40, s14, s10, $0xb8;
	[tilespmem:$0x4200] =	vst v63  }
0x44: {  	_ =	swait.ge [sflag:s15], $0x2000  }
0x45: {  	[sflag:s15] =	ssyncset.done $0x0  }
0x46: {  	s22 =	sadd.s32 $0x400, s21;
	[sflag:s15] =	ssyncadd.s32 $0xFFFFE000  }
0x47: {  	[hbm4b:s22+s1] =	stream.linear.scatter [tilespmem:s12], [sflag:$0x3], $0x2000, $0x38;
	[tilespmem:$0x4200] =	vst v63  }
0x48: {  	_ =	swait.ge [sflag:s9], $0x2000  }
0x49: {  	[sflag:s9] =	ssyncset.done $0x0  }
0x4a: {  	[sflag:s9] =	ssyncadd.s32 $0xFFFFE000  }
0x4b: {  	[tilespmem:s12], [sflag:$0x2] =	stream.indirect.gather [hbm4b:s3+s10], $0x40, s16, s10, $0xb8;
	[tilespmem:$0x4200] =	vst v63  }
0x4c: {  	_ =	swait.ge [sflag:s13], $0x2000  }
0x4d: {  	[sflag:s13] =	ssyncset.done $0x0  }
0x4e: {  	s22 =	sadd.s32 $0x800, s21;
	[sflag:s13] =	ssyncadd.s32 $0xFFFFE000  }
0x4f: {  	[hbm4b:s22+s1] =	stream.linear.scatter [tilespmem:s11], [sflag:$0x3], $0x2000, $0x38;
	[tilespmem:$0x4200] =	vst v63  }
0x50: {  	_ =	swait.ge [sflag:s9], $0x2000  }
0x51: {  	[sflag:s9] =	ssyncset.done $0x0  }
0x52: {  	[sflag:s9] =	ssyncadd.s32 $0xFFFFE000  }
0x53: {  	_ =	swait.ge [sflag:s15], $0x2000  }
.Ltmp0:
0x54: {  	[sflag:s15] =	ssyncset.done $0x0;
	(pc) =	sbr.rel @p0 .LBB2_2-.Ltmp0, $4  }
0x55: {  	s21 =	sadd.s32 $0xC00, s21;
	[sflag:s15] =	ssyncadd.s32 $0xFFFFE000  }
0x56: {  	[hbm4b:s21+s1] =	stream.linear.scatter [tilespmem:s12], [sflag:$0x3], $0x2000, $0x38;
	[tilespmem:$0x4200] =	vst v63  }
0x57: {  	_ =	swait.ge [sflag:s9], $0x2000  }
0x58: {  	[sflag:s9] =	ssyncset.done $0x0  }
0x59: {  	[sflag:s9] =	ssyncadd.s32 $0xFFFFE000  }
0x5a: {  	[tilespmem:s1], [sflag:$0x3] =	stream.linear.gather [hbm4b:s4+s1], $0x10, $0x38;
	[tilespmem:$0x4200] =	vst v63  }
0x5b: {  	_ =	swait.ge [sflag:s9], $0x10  }
0x5c: {  	[sflag:s9] =	ssyncset.done $0x0  }
0x5d: {  	[sflag:s9] =	ssyncadd.s32 $0xFFFFFFF0  }
0x5e: {  	[tilespmem:s11], [sflag:$0x1] =	stream.indirect.gather [hbm4b:s3+s17], $0x40, s1, s17, $0xb8;
	[tilespmem:$0x4200] =	vst v63  }
0x5f: {  	s18 =	sadd.s32 $0x1, s18;
	_ =	swait.ge [sflag:s13], $0x400  }
0x60: {  	p0 =	sne.s32 s18, s6;
	[sflag:s13] =	ssyncset.done $0x0  }
.Ltmp1:
0x61: {  	[sflag:s13] =	ssyncadd.s32 $0xFFFFFC00;
	(pc) =	sbr.rel @p0 .LBB2_1-.Ltmp1, $4  }
0x62: {  	[hbm4b:s5+s1] =	stream.linear.scatter [tilespmem:s11], [sflag:$0x3], $0x400, $0x38;
	[tilespmem:$0x4200] =	vst v63  }
0x63: {  	_ =	swait.ge [sflag:s9], $0x400  }
0x64: {  	[sflag:s9] =	ssyncset.done $0x0  }
0x65: {  	[sflag:s9] =	ssyncadd.s32 $0xFFFFFC00  }
0x66: {  	_ =	sfence.sel $0x180000  }
0x67: {  	[bflag:$0x0] =	sbarrier.arrive $0xFFFF  }
0x68: {  	p0 =	sne.s32 s2, $0x0;
	_ =	strace $0x90000047  }
0x69: {  	s0 =	sadd.s32 @!p0 $0x100000, s0;
	[bflag:$0x2] =	sbarrier.arrive $0xFFFF  }
0x6a: {  	[sflag:s0] =	ssyncadd.tile.s32 @!p0 $0x1;
	_ =	shalt  }
.Lfunc_end2:
_tile_overlayer_lowered:
.L_overlay_start_2:
0x6b: {  	(tag) =	ssettag $0x2  }
0x6c: {  	s0 =	rddreg [dreg:$0x0];
	s2 =	stileid.u32  }
0x6d: {  	s1 =	rddreg [dreg:$0x1];
	p0 =	sne.s32 s2, $0x0  }
0x6e: {  	s3 =	rddreg [dreg:$0x2];
	[bflag:$0x3] =	sbarrier.arrive $0xFFFF;
	s2 =	simm.s32 @!p0 $0x1C03  }
0x6f: {  	[timem:s3], [sflag:s2] =	dma.local @!p0 [hbm:s0], s1  }
0x70: {  	s0 =	simm.s32 @!p0 $0x3  }
0x71: {  	_ =	swait.ge @!p0 [sflag:s0], s1  }
0x72: {  	s1 =	ssub.s32 @!p0 $0x0, s1;
	[sflag:s0] =	ssyncset.done @!p0 $0x0  }
0x73: {  	[sflag:s0] =	ssyncadd.s32 @!p0 s1  }
0x74: {  	[bflag:$0x3] =	sbarrier.arrive $0xFFFF  }
0x75: {  	_ =	shalt  }

// kernel: kernel.27.cloned.1.call-start
scs
__scs_entry_jumppad:
0x0: {  	(pc) =	sbr.rel $0x88, $3  }
0x1: {  	(tag) =	ssettag $0x0;
	lr =	simm.s32 $0x1  }
0x2: {  	[smem:$0x3F95] =	sst lr;
	_ =	strace $0xD0000000  }
0x3: {  	_ = 	snop  }
0x4: {  	_ = 	snop  }
0x5: {  	_ = 	snop  }
0x6: {  	_ = 	snop  }
0x7: {  	_ = 	snop  }
__scs_overlays_trampoline_lowered:
0x8: {  	[smem:$0x3FA4] =	sst s0  }
0x9: {  	[smem:$0x3FA5] =	sst s1  }
0xa: {  	[smem:$0x3FA6] =	sst s2  }
0xb: {  	[smem:$0x3FA7] =	sst s3  }
0xc: {  	[smem:$0x3FA8] =	sst s4  }
0xd: {  	[smem:$0x3FA9] =	sst s5  }
0xe: {  	[smem:$0x3FAA] =	sst s6  }
0xf: {  	[smem:$0x3FAB] =	sst s7  }
0x10: {  	[smem:$0x3FAC] =	sst s8  }
0x11: {  	[smem:$0x3FAD] =	sst s9;
	s0 =	simm.s32 @!p0 $0x0  }
0x12: {  	s1 =	sld [smem:$0x3F93];
	s0 =	simm.s32 @p0 $0x1  }
0x13: {  	[smem:$0x3FAE] =	sst s0;
	s0 =	simm.s32 @!p1 $0x0  }
0x14: {  	s2 =	sld [smem:$0x3F92];
	s0 =	simm.s32 @p1 $0x1  }
0x15: {  	[smem:$0x3FAF] =	sst s0;
	s0 =	simm.s32 @!p2 $0x0  }
0x16: {  	s3 =	sld [smem:$0x3FDB];
	s0 =	simm.s32 @p2 $0x1  }
0x17: {  	s4 =	simm.s32 $0x1BF5;
	[smem:$0x3FB1] =	sst s0  }
0x18: {  	s0 =	sld [smem:$0x3F94];
	_ =	swait.ge [sflag:s4], $0x0  }
0x19: {  	s7 =	sld [smem:$0x3F95]  }
0x1a: {  	s8 =	sadd.s32 $0xFFFFE003, lr  }
0x1b: {  	s9 =	sadd.s32 $0xFFFFFEF7, lr;
	s5 =	simm.s32 $0xFFFFFFFF;
	p2 =	slt.u32 s8, $0xFFFFF086  }
0x1c: {  	p1 =	slt.u32 s9, $0xF7A;
	s5 =	simm.s32 @!p2 $0x0  }
0x1d: {  	s5 =	simm.s32 @p1 $0x1;
	p0 =	seq.s32 s7, s2  }
0x1e: {  	s7 =	smul.u32 @!p0 $0xF7A, s2;
	p2 =	seq.s32 @!p0 s5, $0x0  }
0x1f: {  	s9 =	smul.u32 $0xF7A, s1;
	s8 =	simm.s32 @!p0 $0x1BF5;
	p2 =	por !p2, p0  }
0x20: {  	[sflag:s8] =	ssyncset.s32 @!p0 $0xFFFFF086;
	s6 =	sadd.s32 @!p0 s3, s7;
	s7 =	simm.s32 @!p0 $0x108  }
0x21: {  	s3 =	sadd.s32 s3, s9;
	s6 =	sadd.s32 @!p0 $0x88, s6;
	s7 =	simm.s32 @p2 $0x1082  }
0x22: {  	[simem:s7], [sflag:s8] =	dma.local @!p0 [hbm:s6], $0xF7A  }
0x23: {  	s9 =	sor.u32 $0xD0000000, s2;
	s6 =	simm.s32 $0x108;
	_ =	swait.ge @!p0 [sflag:s8], $0x0  }
0x24: {  	s3 =	sadd.s32 $0x88, s3;
	s6 =	simm.s32 @!p1 $0x1082;
	[sflag:s4] =	ssyncset.s32 $0xFFFFF086  }
0x25: {  	[simem:s6], [sflag:s4] =	dma.local [hbm:s3], $0xF7A  }
0x26: {  	[smem:$0x3F95] =	sst s1;
	(tag) =	ssettag s2;
	_ =	strace s9  }
0x27: {  	s1 =	sld [smem:$0x3FA5]  }
0x28: {  	s2 =	sld [smem:$0x3FA6]  }
0x29: {  	s4 =	sld [smem:$0x3FA8]  }
0x2a: {  	p0 =	seq.s32 s5, $0x0;
	s5 =	sld [smem:$0x3FA9]  }
0x2b: {  	s6 =	sld [smem:$0x3FAA]  }
0x2c: {  	s7 =	sld [smem:$0x3FAB]  }
0x2d: {  	s3 =	simm.s32 $0x108;
	s8 =	sld [smem:$0x3FAC]  }
0x2e: {  	s3 =	simm.s32 @!p0 $0x1082;
	s9 =	sld [smem:$0x3FAD]  }
0x2f: {  	lr =	sadd.s32 s0, s3;
	s0 =	sld [smem:$0x3FA4]  }
0x30: {  	s3 =	sld [smem:$0x3FA7]  }
0x31: {  	[smem:$0x3FB0] =	sst s10  }
0x32: {  	s10 =	sld [smem:$0x3FAE];
	_ =	sdelay $0x3  }
0x33: {  	p0 =	seq.s32 s10, $0x1;
	s10 =	sld [smem:$0x3FB0];
	_ =	sdelay $0x3  }
0x34: {  	[smem:$0x3FB0] =	sst s10  }
0x35: {  	s10 =	sld [smem:$0x3FAF];
	_ =	sdelay $0x3  }
0x36: {  	p1 =	seq.s32 s10, $0x1;
	s10 =	sld [smem:$0x3FB0];
	_ =	sdelay $0x3  }
0x37: {  	[smem:$0x3FB0] =	sst s10  }
0x38: {  	s10 =	sld [smem:$0x3FB1]  }
0x39: {  	_ = 	snop;
	(pc) =	sbr.ind lr, $3  }
0x3a: {  	_ = 	snop  }
0x3b: {  	_ = 	snop  }
0x3c: {  	p2 =	seq.s32 s10, $0x1;
	s10 =	sld [smem:$0x3FB0]  }
0x3d: {  	_ =	shalt  }
0x3e: {  	_ =	shalt  }
0x3f: {  	_ =	shalt  }
0x40: {  	_ =	shalt  }
0x41: {  	_ =	shalt  }
0x42: {  	_ =	shalt  }
0x43: {  	_ =	shalt  }
0x44: {  	_ =	shalt  }
0x45: {  	_ =	shalt  }
0x46: {  	_ =	shalt  }
0x47: {  	_ =	shalt  }
0x48: {  	_ =	shalt  }
0x49: {  	_ =	shalt  }
0x4a: {  	_ =	shalt  }
0x4b: {  	_ =	shalt  }
0x4c: {  	_ =	shalt  }
0x4d: {  	_ =	shalt  }
0x4e: {  	_ =	shalt  }
0x4f: {  	_ =	shalt  }
0x50: {  	_ =	shalt  }
0x51: {  	_ =	shalt  }
0x52: {  	_ =	shalt  }
0x53: {  	_ =	shalt  }
0x54: {  	_ =	shalt  }
0x55: {  	_ =	shalt  }
0x56: {  	_ =	shalt  }
0x57: {  	_ =	shalt  }
0x58: {  	_ =	shalt  }
0x59: {  	_ =	shalt  }
0x5a: {  	_ =	shalt  }
0x5b: {  	_ =	shalt  }
0x5c: {  	_ =	shalt  }
0x5d: {  	_ =	shalt  }
0x5e: {  	_ =	shalt  }
0x5f: {  	_ =	shalt  }
0x60: {  	_ =	shalt  }
0x61: {  	_ =	shalt  }
0x62: {  	_ =	shalt  }
0x63: {  	_ =	shalt  }
0x64: {  	_ =	shalt  }
0x65: {  	_ =	shalt  }
0x66: {  	_ =	shalt  }
0x67: {  	_ =	shalt  }
0x68: {  	_ =	shalt  }
0x69: {  	_ =	shalt  }
0x6a: {  	_ =	shalt  }
0x6b: {  	_ =	shalt  }
0x6c: {  	_ =	shalt  }
0x6d: {  	_ =	shalt  }
0x6e: {  	_ =	shalt  }
0x6f: {  	_ =	shalt  }
0x70: {  	_ =	shalt  }
0x71: {  	_ =	shalt  }
0x72: {  	_ =	shalt  }
0x73: {  	_ =	shalt  }
0x74: {  	_ =	shalt  }
0x75: {  	_ =	shalt  }
0x76: {  	_ =	shalt  }
0x77: {  	_ =	shalt  }
0x78: {  	_ =	shalt  }
0x79: {  	_ =	shalt  }
0x7a: {  	_ =	shalt  }
0x7b: {  	_ =	shalt  }
0x7c: {  	_ =	shalt  }
0x7d: {  	_ =	shalt  }
0x7e: {  	_ =	shalt  }
0x7f: {  	_ =	shalt  }
0x80: {  	_ =	shalt  }
0x81: {  	_ =	shalt  }
0x82: {  	_ =	shalt  }
0x83: {  	_ =	shalt  }
0x84: {  	_ =	shalt  }
0x85: {  	_ =	shalt  }
0x86: {  	_ =	shalt  }
0x87: {  	_ =	shalt  }
.Lfunc_end0:
.L_simem_size_0:
called_computation.3_lowered:
.L_overlay_start_0:
0x88: {  	s2 =	sld [smem:$0x3FD9]  }
0x89: {  	s3 =	sld [smem:$0x3FFE];
	_ =	sdelay $0x1  }
0x8a: {  	s1 =	srdreg.scid  }
0x8b: {  	s0 =	sand.u32 $0x1, s1  }
0x8c: {  	s17 =	sshll.u32 s0, $0xA;
	s2 =	sadd.s32 s3, s2  }
0x8d: {  	s2 =	sadd.s32 s2, s17  }
0x8e: {  	[smem:$0x3FBC] =	sst s2  }
0x8f: {  	_ = 	snop  }
0x90: {  	(tm) =	ssettm $0x1  }
0x91: {  	s18 =	sld [smem:$0x3FFB];
	_ =	sdelay $0x3  }
0x92: {  	_ =	strace s18  }
0x93: {  	s2 =	sld [smem:$0x3FFC];
	_ =	sdelay $0x3  }
0x94: {  	_ =	strace s2  }
0x95: {  	s2 =	sld [smem:$0x3FFD];
	_ =	sdelay $0x3  }
0x96: {  	_ =	strace s2  }
0x97: {  	_ =	strace $0x8FFFFFFF  }
0x98: {  	s19 =	sld [smem:$0x3FDB];
	_ =	sdelay $0x1  }
0x99: {  	s20 =	simm.s32 $_scs_section_size  }
0x9a: {  	s4 =	simm.s32 $_size__tile_overlayer_lowered;
	s5 =	simm.s32 $_tile_overlayer_lowered  }
0x9b: {  	s6 =	simm.s32 $0x1BFF;
	s21 =	sshll.u32 s5, $0x1;
	s3 =	sadd.s32 s20, s19  }
0x9c: {  	s22 =	simm.s32 $0x0;
	s4 =	sshll.u32 s4, $0x1;
	s5 =	sadd.s32 s21, s3  }
0x9d: {  	[timem:s22], [sflag:s6] =	dma.local [hbm:s5], s4  }
0x9e: {  	_ =	swait.ge [sflag:s6], s4  }
0x9f: {  	s4 =	ssub.s32 $0x0, s4;
	[sflag:s6] =	ssyncset.done $0x0  }
0xa0: {  	[sflag:s6] =	ssyncadd.s32 s4;
	_ =	sdelay $0x1  }
0xa1: {  	s23 =	simm.s32 $0x1B8B  }
0xa2: {  	_ =	swait.ge [sflag:s23], $0x1  }
0xa3: {  	[sflag:s23] =	ssyncset.done $0x0  }
0xa4: {  	[sflag:s23] =	ssyncadd.s32 $0xFFFFFFFF  }
0xa5: {  	s4 =	sld [smem:$0x0]  }
0xa6: {  	s5 =	sand.u32 $0xFFFFFFFE, s1  }
0xa7: {  	p0 =	sne.s32 s1, s5  }
0xa8: {  	s5 =	sshll.u32 @p0 s5, $0xE  }
0xa9: {  	s5 =	sadd.s32 @p0 $0x11B8D, s5;
	s6 =	sshll.u32 @p0 s4, $0x11  }
0xaa: {  	s5 =	sor.u32 @p0 s6, s5  }
0xab: {  	[sflag:s5] =	ssyncadd.remote.s32 @p0 $0x1;
	_ =	sdelay $0x1  }
0xac: {  	s5 =	simm.s32 @p0 $0x1B8D  }
0xad: {  	_ =	swait.eq @p0 [sflag:s5], $0x1  }
0xae: {  	[sflag:s5] =	ssyncadd.s32 @p0 $0xFFFFFFFF  }
0xaf: {  	s6 =	sshll.u32 @!p0 s1, $0xE  }
0xb0: {  	s6 =	sor.u32 @!p0 $0x4000, s6;
	s5 =	simm.s32 @!p0 $0x1B8D  }
0xb1: {  	s4 =	sshll.u32 @!p0 s4, $0x11;
	s6 =	sadd.s32 @!p0 $0x11B8D, s6;
	_ =	swait.eq @!p0 [sflag:s5], $0x1  }
0xb2: {  	s4 =	sor.u32 @!p0 s4, s6;
	[sflag:s5] =	ssyncadd.s32 @!p0 $0xFFFFFFFF  }
0xb3: {  	s25 =	simm.s32 $0x1B8E;
	s24 =	sld [smem:$0x3FFE];
	[sflag:s4] =	ssyncadd.remote.s32 @!p0 $0x1  }
0xb4: {  	s26 =	simm.s32 $execute0_lowered;
	[smem:$0x3FD2] =	sst s25  }
0xb5: {  	s5 =	sshll.u32 s26, $0x1;
	_ =	strace $0x8000004F;
	[dreg:$0x1] =	wrdreg $0xFFFFFFFF  }
0xb6: {  	s28 =	simm.s32 $_size_execute0_lowered;
	s3 =	sadd.s32 s3, s5;
	[dreg:$0x0] =	wrdreg $0x0  }
0xb7: {  	s5 =	sshll.u32 s28, $0x1;
	[dreg:$0x2] =	wrdreg s3  }
0xb8: {  	[dreg:$0x3] =	wrdreg s5  }
0xb9: {  	[dreg:$0x4] =	wrdreg $0xC0  }
0xba: {  	_ =	task [dreg:s22], $0x5FFFF  }
0xbb: {  	[dreg:$0x1] =	wrdreg $0xFFFFFFFF  }
0xbc: {  	[dreg:$0x0] =	wrdreg $0x60  }
0xbd: {  	[dreg:$0x2] =	wrdreg s24  }
0xbe: {  	[dreg:$0x3] =	wrdreg $0xC  }
0xbf: {  	_ =	task.clear_ibuf [dreg:s22], $0x4FFFF;
	_ =	strace $0x9000004F  }
0xc0: {  	s29 =	simm.s32 $0xC;
	_ =	strace $0x80000051  }
0xc1: {  	_ =	swait.ge [sflag:s29], $0x1  }
0xc2: {  	[sflag:s29] =	ssyncadd.s32 $0xFFFFFFFF  }
0xc3: {  	_ =	strace $0x90000051  }
0xc4: {  	_ =	sfence  }
0xc5: {  	s30 =	sld [smem:$0x0];
	_ =	sdelay $0x2  }
0xc6: {  	s31 =	sshll.u32 s1, $0xD;
	s1 =	sshrl.u32 s1, $0x2  }
0xc7: {  	s4 =	sand.u32 $0x4000, s31;
	s1 =	sadd.s32 s1, s30  }
0xc8: {  	s0 =	sor.u32 s4, s0;
	s1 =	sshll.u32 s1, $0x11  }
0xc9: {  	s0 =	sor.u32 s1, s0  }
0xca: {  	s0 =	sadd.s32 $0x8F2B, s0  }
0xcb: {  	[sflag:s0] =	ssyncadd.remote.s32 $0x1  }
0xcc: {  	_ =	sfence.sel $0xFFFF  }
0xcd: {  	[dreg:$0x0] =	wrdreg $0xFFFFFFFF;
	(pc) =	sbr.abs _section_cstart, $3  }
0xce: {  	[dreg:$0x1] =	wrdreg $0xFFFFFFFF  }
0xcf: {  	_ =	task.clear_ibuf [dreg:s22], $0x2FFFF;
	_ =	strace $0x9FFFFFFF  }
0xd0: {  	(tm) =	ssettm $0x7FFFFFFF  }
0xd1: {  	_ =	shalt  }
tec
execute0_lowered:
.L_overlay_start_1:
0x0: {  	(tag) =	ssettag $0x1  }
0x1: {  	s4 =	rddreg [dreg:$0x0]  }
0x2: {  	s0 =	rddreg [dreg:$0x1];
	s1 =	simm.s32 $0x0  }
0x3: {  	s2 =	stileid.u32;
	s5 =	srdreg.scid;
	s13 =	simm.s32 $0x1  }
0x4: {  	s14 =	simm.s32 $0x100;
	s15 =	simm.s32 $0x2;
	s16 =	simm.s32 $0x180  }
0x5: {  	s17 =	simm.s32 $0x10;
	s18 =	simm.s32 $0x0;
	[smem:$0x7FF] =	sst s1  }
0x6: {  	s7 =	sadd.s32 $0x83000, s4;
	s3 =	sadd.s32 $0x149A00, s4;
	s6 =	sshll.u32 s2, $0xD  }
0x7: {  	s8 =	sand.u32 $0x1, s5;
	s26 =	sshll.u32 s2, $0x1;
	s30 =	sshll.u32 s2, $0xA  }
0x8: {  	_ =	strace $0x80000050;
	s9 =	sadd.s32 s6, s4;
	s5 =	sor.u32 s8, s26  }
0x9: {  	s28 =	ssub.s32 $0x2, s8;
	s12 =	sshll.u32 s8, $0x9;
	s8 =	sshll.u32 s8, $0xC  }
0xa: {  	s10 =	sshll.u32 s5, $0x7;
	s11 =	sshrl.u32 s28, $0x1;
	s5 =	sshll.u32 s5, $0x1  }
0xb: {  	s31 =	sor.u32 s12, s30;
	s8 =	sadd.s32 s8, s9;
	s9 =	simm.s32 $0x3  }
0xc: {  	s12 =	simm.s32 $0x2200;
	s10 =	sadd.s32 s10, s4;
	s6 =	ssub.s32 s28, s11  }
0xd: {  	s29 =	sadd.s32 s5, s7;
	s8 =	sadd.s32 $0x1290400, s8;
	s11 =	simm.s32 $0x200  }
0xe: {  	s4 =	sadd.s32 $0x15000, s29;
	s5 =	sadd.s32 $0x28C00, s10;
	s10 =	sshrl.u32 s31, $0x3  }
0xf: {  	s6 =	smax.u32 s6, $0x1;
	s7 =	sadd.s32 s10, s7;
	s10 =	simm.s32 $0x80  }
.LBB2_1:
0x10: {  	[tilespmem:s1], [sflag:$0x3] =	stream.linear.gather [hbm4b:s7+s1], $0x200, $0x38;
	[tilespmem:$0x4200] =	vst v63  }
0x11: {  	_ =	swait.ge [sflag:s9], $0x200  }
0x12: {  	[sflag:s9] =	ssyncset.done $0x0  }
0x13: {  	[sflag:s9] =	ssyncadd.s32 $0xFFFFFE00  }
0x14: {  	[tilespmem:s11], [sflag:$0x1] =	stream.indirect.gather [hbm4b:s3+s10], $0x40, s1, s10, $0xb8;
	[tilespmem:$0x4200] =	vst v63  }
0x15: {  	_ = 	snop  }
0x16: {  	[tilespmem:s12], [sflag:$0x2] =	stream.indirect.gather [hbm4b:s3+s10], $0x40, s10, s10, $0xb8;
	[tilespmem:$0x4200] =	vst v63  }
0x17: {  	_ =	swait.ge [sflag:s13], $0x2000  }
0x18: {  	[sflag:s13] =	ssyncset.done $0x0  }
0x19: {  	s19 =	sadd.s32 $0x0, s8;
	[sflag:s13] =	ssyncadd.s32 $0xFFFFE000  }
0x1a: {  	[hbm4b:s19+s1] =	stream.linear.scatter [tilespmem:s11], [sflag:$0x3], $0x2000, $0x38;
	[tilespmem:$0x4200] =	vst v63  }
0x1b: {  	_ =	swait.ge [sflag:s9], $0x2000  }
0x1c: {  	[sflag:s9] =	ssyncset.done $0x0  }
0x1d: {  	[sflag:s9] =	ssyncadd.s32 $0xFFFFE000  }
0x1e: {  	[tilespmem:s11], [sflag:$0x1] =	stream.indirect.gather [hbm4b:s3+s10], $0x40, s14, s10, $0xb8;
	[tilespmem:$0x4200] =	vst v63  }
0x1f: {  	_ =	swait.ge [sflag:s15], $0x2000  }
0x20: {  	[sflag:s15] =	ssyncset.done $0x0  }
0x21: {  	s20 =	sadd.s32 $0x400, s19;
	[sflag:s15] =	ssyncadd.s32 $0xFFFFE000  }
0x22: {  	[hbm4b:s20+s1] =	stream.linear.scatter [tilespmem:s12], [sflag:$0x3], $0x2000, $0x38;
	[tilespmem:$0x4200] =	vst v63  }
0x23: {  	_ =	swait.ge [sflag:s9], $0x2000  }
0x24: {  	[sflag:s9] =	ssyncset.done $0x0  }
0x25: {  	[sflag:s9] =	ssyncadd.s32 $0xFFFFE000  }
0x26: {  	[tilespmem:s12], [sflag:$0x2] =	stream.indirect.gather [hbm4b:s3+s10], $0x40, s16, s10, $0xb8;
	[tilespmem:$0x4200] =	vst v63  }
0x27: {  	_ =	swait.ge [sflag:s13], $0x2000  }
0x28: {  	[sflag:s13] =	ssyncset.done $0x0  }
0x29: {  	s31 =	sadd.s32 $0x800, s19;
	[sflag:s13] =	ssyncadd.s32 $0xFFFFE000  }
0x2a: {  	[hbm4b:s31+s1] =	stream.linear.scatter [tilespmem:s11], [sflag:$0x3], $0x2000, $0x38;
	[tilespmem:$0x4200] =	vst v63  }
0x2b: {  	_ =	swait.ge [sflag:s9], $0x2000  }
0x2c: {  	[sflag:s9] =	ssyncset.done $0x0  }
0x2d: {  	[sflag:s9] =	ssyncadd.s32 $0xFFFFE000  }
0x2e: {  	_ =	swait.ge [sflag:s15], $0x2000  }
0x2f: {  	[sflag:s15] =	ssyncset.done $0x0  }
0x30: {  	s19 =	sadd.s32 $0xC00, s19;
	[sflag:s15] =	ssyncadd.s32 $0xFFFFE000  }
0x31: {  	[hbm4b:s19+s1] =	stream.linear.scatter [tilespmem:s12], [sflag:$0x3], $0x2000, $0x38;
	[tilespmem:$0x4200] =	vst v63  }
0x32: {  	_ =	swait.ge [sflag:s9], $0x2000  }
0x33: {  	s20 =	smov.u32 s7;
	s19 =	simm.s32 $0x20000;
	[sflag:s9] =	ssyncset.done $0x0  }
.LBB2_2:
0x34: {  	p0 =	sne.s32 s19, $0x520000;
	[sflag:s9] =	ssyncadd.s32 $0xFFFFE000;
	s20 =	sadd.s32 $0x800, s20  }
0x35: {  	[tilespmem:s1], [sflag:$0x3] =	stream.linear.gather [hbm4b:s20+s1], $0x200, $0x38;
	[tilespmem:$0x4200] =	vst v63  }
0x36: {  	s21 =	smov.u32 s19;
	s19 =	sadd.s32 $0x20000, s19;
	_ =	swait.ge [sflag:s9], $0x200  }
0x37: {  	[sflag:s9] =	ssyncset.done $0x0  }
0x38: {  	[sflag:s9] =	ssyncadd.s32 $0xFFFFFE00  }
0x39: {  	[tilespmem:s11], [sflag:$0x1] =	stream.indirect.gather [hbm4b:s3+s10], $0x40, s1, s10, $0xb8;
	[tilespmem:$0x4200] =	vst v63  }
0x3a: {  	_ = 	snop  }
0x3b: {  	[tilespmem:s12], [sflag:$0x2] =	stream.indirect.gather [hbm4b:s3+s10], $0x40, s10, s10, $0xb8;
	[tilespmem:$0x4200] =	vst v63  }
0x3c: {  	_ =	swait.ge [sflag:s13], $0x2000  }
0x3d: {  	[sflag:s13] =	ssyncset.done $0x0  }
0x3e: {  	s21 =	sadd.s32 s21, s8;
	[sflag:s13] =	ssyncadd.s32 $0xFFFFE000  }
0x3f: {  	[hbm4b:s21+s1] =	stream.linear.scatter [tilespmem:s11], [sflag:$0x3], $0x2000, $0x38;
	[tilespmem:$0x4200] =	vst v63  }
0x40: {  	_ =	swait.ge [sflag:s9], $0x2000  }
0x41: {  	[sflag:s9] =	ssyncset.done $0x0  }
0x42: {  	[sflag:s9] =	ssyncadd.s32 $0xFFFFE000  }
0x43: {  	[tilespmem:s11], [sflag:$0x1] =	stream.indirect.gather [hbm4b:s3+s10], $0x40, s14, s10, $0xb8;
	[tilespmem:$0x4200] =	vst v63  }
0x44: {  	_ =	swait.ge [sflag:s15], $0x2000  }
0x45: {  	[sflag:s15] =	ssyncset.done $0x0  }
0x46: {  	s22 =	sadd.s32 $0x400, s21;
	[sflag:s15] =	ssyncadd.s32 $0xFFFFE000  }
0x47: {  	[hbm4b:s22+s1] =	stream.linear.scatter [tilespmem:s12], [sflag:$0x3], $0x2000, $0x38;
	[tilespmem:$0x4200] =	vst v63  }
0x48: {  	_ =	swait.ge [sflag:s9], $0x2000  }
0x49: {  	[sflag:s9] =	ssyncset.done $0x0  }
0x4a: {  	[sflag:s9] =	ssyncadd.s32 $0xFFFFE000  }
0x4b: {  	[tilespmem:s12], [sflag:$0x2] =	stream.indirect.gather [hbm4b:s3+s10], $0x40, s16, s10, $0xb8;
	[tilespmem:$0x4200] =	vst v63  }
0x4c: {  	_ =	swait.ge [sflag:s13], $0x2000  }
0x4d: {  	[sflag:s13] =	ssyncset.done $0x0  }
0x4e: {  	s22 =	sadd.s32 $0x800, s21;
	[sflag:s13] =	ssyncadd.s32 $0xFFFFE000  }
0x4f: {  	[hbm4b:s22+s1] =	stream.linear.scatter [tilespmem:s11], [sflag:$0x3], $0x2000, $0x38;
	[tilespmem:$0x4200] =	vst v63  }
0x50: {  	_ =	swait.ge [sflag:s9], $0x2000  }
0x51: {  	[sflag:s9] =	ssyncset.done $0x0  }
0x52: {  	[sflag:s9] =	ssyncadd.s32 $0xFFFFE000  }
0x53: {  	_ =	swait.ge [sflag:s15], $0x2000  }
.Ltmp0:
0x54: {  	[sflag:s15] =	ssyncset.done $0x0;
	(pc) =	sbr.rel @p0 .LBB2_2-.Ltmp0, $4  }
0x55: {  	s21 =	sadd.s32 $0xC00, s21;
	[sflag:s15] =	ssyncadd.s32 $0xFFFFE000  }
0x56: {  	[hbm4b:s21+s1] =	stream.linear.scatter [tilespmem:s12], [sflag:$0x3], $0x2000, $0x38;
	[tilespmem:$0x4200] =	vst v63  }
0x57: {  	_ =	swait.ge [sflag:s9], $0x2000  }
0x58: {  	[sflag:s9] =	ssyncset.done $0x0  }
0x59: {  	[sflag:s9] =	ssyncadd.s32 $0xFFFFE000  }
0x5a: {  	[tilespmem:s1], [sflag:$0x3] =	stream.linear.gather [hbm4b:s4+s1], $0x10, $0x38;
	[tilespmem:$0x4200] =	vst v63  }
0x5b: {  	_ =	swait.ge [sflag:s9], $0x10  }
0x5c: {  	[sflag:s9] =	ssyncset.done $0x0  }
0x5d: {  	[sflag:s9] =	ssyncadd.s32 $0xFFFFFFF0  }
0x5e: {  	[tilespmem:s11], [sflag:$0x1] =	stream.indirect.gather [hbm4b:s3+s17], $0x40, s1, s17, $0xb8;
	[tilespmem:$0x4200] =	vst v63  }
0x5f: {  	s18 =	sadd.s32 $0x1, s18;
	_ =	swait.ge [sflag:s13], $0x400  }
0x60: {  	p0 =	sne.s32 s18, s6;
	[sflag:s13] =	ssyncset.done $0x0  }
.Ltmp1:
0x61: {  	[sflag:s13] =	ssyncadd.s32 $0xFFFFFC00;
	(pc) =	sbr.rel @p0 .LBB2_1-.Ltmp1, $4  }
0x62: {  	[hbm4b:s5+s1] =	stream.linear.scatter [tilespmem:s11], [sflag:$0x3], $0x400, $0x38;
	[tilespmem:$0x4200] =	vst v63  }
0x63: {  	_ =	swait.ge [sflag:s9], $0x400  }
0x64: {  	[sflag:s9] =	ssyncset.done $0x0  }
0x65: {  	[sflag:s9] =	ssyncadd.s32 $0xFFFFFC00  }
0x66: {  	_ =	sfence.sel $0x180000  }
0x67: {  	[bflag:$0x0] =	sbarrier.arrive $0xFFFF  }
0x68: {  	p0 =	sne.s32 s2, $0x0;
	_ =	strace $0x90000050  }
0x69: {  	s0 =	sadd.s32 @!p0 $0x100000, s0;
	[bflag:$0x2] =	sbarrier.arrive $0xFFFF  }
0x6a: {  	[sflag:s0] =	ssyncadd.tile.s32 @!p0 $0x1;
	_ =	shalt  }
.Lfunc_end2:
_tile_overlayer_lowered:
.L_overlay_start_2:
0x6b: {  	(tag) =	ssettag $0x2  }
0x6c: {  	s0 =	rddreg [dreg:$0x0];
	s2 =	stileid.u32  }
0x6d: {  	s1 =	rddreg [dreg:$0x1];
	p0 =	sne.s32 s2, $0x0  }
0x6e: {  	s3 =	rddreg [dreg:$0x2];
	[bflag:$0x3] =	sbarrier.arrive $0xFFFF;
	s2 =	simm.s32 @!p0 $0x1C03  }
0x6f: {  	[timem:s3], [sflag:s2] =	dma.local @!p0 [hbm:s0], s1  }
0x70: {  	s0 =	simm.s32 @!p0 $0x3  }
0x71: {  	_ =	swait.ge @!p0 [sflag:s0], s1  }
0x72: {  	s1 =	ssub.s32 @!p0 $0x0, s1;
	[sflag:s0] =	ssyncset.done @!p0 $0x0  }
0x73: {  	[sflag:s0] =	ssyncadd.s32 @!p0 s1  }
0x74: {  	[bflag:$0x3] =	sbarrier.arrive $0xFFFF  }
0x75: {  	_ =	shalt  }

// kernel: kernel.30.cloned.1.call-start
scs
__scs_entry_jumppad:
0x0: {  	(pc) =	sbr.rel $0x88, $3  }
0x1: {  	(tag) =	ssettag $0x0;
	lr =	simm.s32 $0x1  }
0x2: {  	[smem:$0x3F95] =	sst lr;
	_ =	strace $0xD0000000  }
0x3: {  	_ = 	snop  }
0x4: {  	_ = 	snop  }
0x5: {  	_ = 	snop  }
0x6: {  	_ = 	snop  }
0x7: {  	_ = 	snop  }
__scs_overlays_trampoline_lowered:
0x8: {  	[smem:$0x3FA4] =	sst s0  }
0x9: {  	[smem:$0x3FA5] =	sst s1  }
0xa: {  	[smem:$0x3FA6] =	sst s2  }
0xb: {  	[smem:$0x3FA7] =	sst s3  }
0xc: {  	[smem:$0x3FA8] =	sst s4  }
0xd: {  	[smem:$0x3FA9] =	sst s5  }
0xe: {  	[smem:$0x3FAA] =	sst s6  }
0xf: {  	[smem:$0x3FAB] =	sst s7  }
0x10: {  	[smem:$0x3FAC] =	sst s8  }
0x11: {  	[smem:$0x3FAD] =	sst s9;
	s0 =	simm.s32 @!p0 $0x0  }
0x12: {  	s1 =	sld [smem:$0x3F93];
	s0 =	simm.s32 @p0 $0x1  }
0x13: {  	[smem:$0x3FAE] =	sst s0;
	s0 =	simm.s32 @!p1 $0x0  }
0x14: {  	s2 =	sld [smem:$0x3F92];
	s0 =	simm.s32 @p1 $0x1  }
0x15: {  	[smem:$0x3FAF] =	sst s0;
	s0 =	simm.s32 @!p2 $0x0  }
0x16: {  	s3 =	sld [smem:$0x3FDB];
	s0 =	simm.s32 @p2 $0x1  }
0x17: {  	s4 =	simm.s32 $0x1BF5;
	[smem:$0x3FB1] =	sst s0  }
0x18: {  	s0 =	sld [smem:$0x3F94];
	_ =	swait.ge [sflag:s4], $0x0  }
0x19: {  	s7 =	sld [smem:$0x3F95]  }
0x1a: {  	s8 =	sadd.s32 $0xFFFFE003, lr  }
0x1b: {  	s9 =	sadd.s32 $0xFFFFFEF7, lr;
	s5 =	simm.s32 $0xFFFFFFFF;
	p2 =	slt.u32 s8, $0xFFFFF086  }
0x1c: {  	p1 =	slt.u32 s9, $0xF7A;
	s5 =	simm.s32 @!p2 $0x0  }
0x1d: {  	s5 =	simm.s32 @p1 $0x1;
	p0 =	seq.s32 s7, s2  }
0x1e: {  	s7 =	smul.u32 @!p0 $0xF7A, s2;
	p2 =	seq.s32 @!p0 s5, $0x0  }
0x1f: {  	s9 =	smul.u32 $0xF7A, s1;
	s8 =	simm.s32 @!p0 $0x1BF5;
	p2 =	por !p2, p0  }
0x20: {  	[sflag:s8] =	ssyncset.s32 @!p0 $0xFFFFF086;
	s6 =	sadd.s32 @!p0 s3, s7;
	s7 =	simm.s32 @!p0 $0x108  }
0x21: {  	s3 =	sadd.s32 s3, s9;
	s6 =	sadd.s32 @!p0 $0x88, s6;
	s7 =	simm.s32 @p2 $0x1082  }
0x22: {  	[simem:s7], [sflag:s8] =	dma.local @!p0 [hbm:s6], $0xF7A  }
0x23: {  	s9 =	sor.u32 $0xD0000000, s2;
	s6 =	simm.s32 $0x108;
	_ =	swait.ge @!p0 [sflag:s8], $0x0  }
0x24: {  	s3 =	sadd.s32 $0x88, s3;
	s6 =	simm.s32 @!p1 $0x1082;
	[sflag:s4] =	ssyncset.s32 $0xFFFFF086  }
0x25: {  	[simem:s6], [sflag:s4] =	dma.local [hbm:s3], $0xF7A  }
0x26: {  	[smem:$0x3F95] =	sst s1;
	(tag) =	ssettag s2;
	_ =	strace s9  }
0x27: {  	s1 =	sld [smem:$0x3FA5]  }
0x28: {  	s2 =	sld [smem:$0x3FA6]  }
0x29: {  	s4 =	sld [smem:$0x3FA8]  }
0x2a: {  	p0 =	seq.s32 s5, $0x0;
	s5 =	sld [smem:$0x3FA9]  }
0x2b: {  	s6 =	sld [smem:$0x3FAA]  }
0x2c: {  	s7 =	sld [smem:$0x3FAB]  }
0x2d: {  	s3 =	simm.s32 $0x108;
	s8 =	sld [smem:$0x3FAC]  }
0x2e: {  	s3 =	simm.s32 @!p0 $0x1082;
	s9 =	sld [smem:$0x3FAD]  }
0x2f: {  	lr =	sadd.s32 s0, s3;
	s0 =	sld [smem:$0x3FA4]  }
0x30: {  	s3 =	sld [smem:$0x3FA7]  }
0x31: {  	[smem:$0x3FB0] =	sst s10  }
0x32: {  	s10 =	sld [smem:$0x3FAE];
	_ =	sdelay $0x3  }
0x33: {  	p0 =	seq.s32 s10, $0x1;
	s10 =	sld [smem:$0x3FB0];
	_ =	sdelay $0x3  }
0x34: {  	[smem:$0x3FB0] =	sst s10  }
0x35: {  	s10 =	sld [smem:$0x3FAF];
	_ =	sdelay $0x3  }
0x36: {  	p1 =	seq.s32 s10, $0x1;
	s10 =	sld [smem:$0x3FB0];
	_ =	sdelay $0x3  }
0x37: {  	[smem:$0x3FB0] =	sst s10  }
0x38: {  	s10 =	sld [smem:$0x3FB1]  }
0x39: {  	_ = 	snop;
	(pc) =	sbr.ind lr, $3  }
0x3a: {  	_ = 	snop  }
0x3b: {  	_ = 	snop  }
0x3c: {  	p2 =	seq.s32 s10, $0x1;
	s10 =	sld [smem:$0x3FB0]  }
0x3d: {  	_ =	shalt  }
0x3e: {  	_ =	shalt  }
0x3f: {  	_ =	shalt  }
0x40: {  	_ =	shalt  }
0x41: {  	_ =	shalt  }
0x42: {  	_ =	shalt  }
0x43: {  	_ =	shalt  }
0x44: {  	_ =	shalt  }
0x45: {  	_ =	shalt  }
0x46: {  	_ =	shalt  }
0x47: {  	_ =	shalt  }
0x48: {  	_ =	shalt  }
0x49: {  	_ =	shalt  }
0x4a: {  	_ =	shalt  }
0x4b: {  	_ =	shalt  }
0x4c: {  	_ =	shalt  }
0x4d: {  	_ =	shalt  }
0x4e: {  	_ =	shalt  }
0x4f: {  	_ =	shalt  }
0x50: {  	_ =	shalt  }
0x51: {  	_ =	shalt  }
0x52: {  	_ =	shalt  }
0x53: {  	_ =	shalt  }
0x54: {  	_ =	shalt  }
0x55: {  	_ =	shalt  }
0x56: {  	_ =	shalt  }
0x57: {  	_ =	shalt  }
0x58: {  	_ =	shalt  }
0x59: {  	_ =	shalt  }
0x5a: {  	_ =	shalt  }
0x5b: {  	_ =	shalt  }
0x5c: {  	_ =	shalt  }
0x5d: {  	_ =	shalt  }
0x5e: {  	_ =	shalt  }
0x5f: {  	_ =	shalt  }
0x60: {  	_ =	shalt  }
0x61: {  	_ =	shalt  }
0x62: {  	_ =	shalt  }
0x63: {  	_ =	shalt  }
0x64: {  	_ =	shalt  }
0x65: {  	_ =	shalt  }
0x66: {  	_ =	shalt  }
0x67: {  	_ =	shalt  }
0x68: {  	_ =	shalt  }
0x69: {  	_ =	shalt  }
0x6a: {  	_ =	shalt  }
0x6b: {  	_ =	shalt  }
0x6c: {  	_ =	shalt  }
0x6d: {  	_ =	shalt  }
0x6e: {  	_ =	shalt  }
0x6f: {  	_ =	shalt  }
0x70: {  	_ =	shalt  }
0x71: {  	_ =	shalt  }
0x72: {  	_ =	shalt  }
0x73: {  	_ =	shalt  }
0x74: {  	_ =	shalt  }
0x75: {  	_ =	shalt  }
0x76: {  	_ =	shalt  }
0x77: {  	_ =	shalt  }
0x78: {  	_ =	shalt  }
0x79: {  	_ =	shalt  }
0x7a: {  	_ =	shalt  }
0x7b: {  	_ =	shalt  }
0x7c: {  	_ =	shalt  }
0x7d: {  	_ =	shalt  }
0x7e: {  	_ =	shalt  }
0x7f: {  	_ =	shalt  }
0x80: {  	_ =	shalt  }
0x81: {  	_ =	shalt  }
0x82: {  	_ =	shalt  }
0x83: {  	_ =	shalt  }
0x84: {  	_ =	shalt  }
0x85: {  	_ =	shalt  }
0x86: {  	_ =	shalt  }
0x87: {  	_ =	shalt  }
.Lfunc_end0:
.L_simem_size_0:
called_computation.4_lowered:
.L_overlay_start_0:
0x88: {  	s2 =	sld [smem:$0x3FD9]  }
0x89: {  	s3 =	sld [smem:$0x3FFE];
	_ =	sdelay $0x1  }
0x8a: {  	s1 =	srdreg.scid  }
0x8b: {  	s0 =	sand.u32 $0x1, s1  }
0x8c: {  	s17 =	sshll.u32 s0, $0xA;
	s2 =	sadd.s32 s3, s2  }
0x8d: {  	s2 =	sadd.s32 s2, s17  }
0x8e: {  	[smem:$0x3FBC] =	sst s2  }
0x8f: {  	_ = 	snop  }
0x90: {  	(tm) =	ssettm $0x1  }
0x91: {  	s18 =	sld [smem:$0x3FFB];
	_ =	sdelay $0x3  }
0x92: {  	_ =	strace s18  }
0x93: {  	s2 =	sld [smem:$0x3FFC];
	_ =	sdelay $0x3  }
0x94: {  	_ =	strace s2  }
0x95: {  	s2 =	sld [smem:$0x3FFD];
	_ =	sdelay $0x3  }
0x96: {  	_ =	strace s2  }
0x97: {  	_ =	strace $0x8FFFFFFF  }
0x98: {  	s19 =	sld [smem:$0x3FDB];
	_ =	sdelay $0x1  }
0x99: {  	s20 =	simm.s32 $_scs_section_size  }
0x9a: {  	s4 =	simm.s32 $_size__tile_overlayer_lowered;
	s5 =	simm.s32 $_tile_overlayer_lowered  }
0x9b: {  	s6 =	simm.s32 $0x1BFF;
	s21 =	sshll.u32 s5, $0x1;
	s3 =	sadd.s32 s20, s19  }
0x9c: {  	s22 =	simm.s32 $0x0;
	s4 =	sshll.u32 s4, $0x1;
	s5 =	sadd.s32 s21, s3  }
0x9d: {  	[timem:s22], [sflag:s6] =	dma.local [hbm:s5], s4  }
0x9e: {  	_ =	swait.ge [sflag:s6], s4  }
0x9f: {  	s4 =	ssub.s32 $0x0, s4;
	[sflag:s6] =	ssyncset.done $0x0  }
0xa0: {  	[sflag:s6] =	ssyncadd.s32 s4;
	_ =	sdelay $0x1  }
0xa1: {  	s23 =	simm.s32 $0x1B8B  }
0xa2: {  	_ =	swait.ge [sflag:s23], $0x1  }
0xa3: {  	[sflag:s23] =	ssyncset.done $0x0  }
0xa4: {  	[sflag:s23] =	ssyncadd.s32 $0xFFFFFFFF  }
0xa5: {  	s4 =	sld [smem:$0x0]  }
0xa6: {  	s5 =	sand.u32 $0xFFFFFFFE, s1  }
0xa7: {  	p0 =	sne.s32 s1, s5  }
0xa8: {  	s5 =	sshll.u32 @p0 s5, $0xE  }
0xa9: {  	s5 =	sadd.s32 @p0 $0x11B8D, s5;
	s6 =	sshll.u32 @p0 s4, $0x11  }
0xaa: {  	s5 =	sor.u32 @p0 s6, s5  }
0xab: {  	[sflag:s5] =	ssyncadd.remote.s32 @p0 $0x1;
	_ =	sdelay $0x1  }
0xac: {  	s5 =	simm.s32 @p0 $0x1B8D  }
0xad: {  	_ =	swait.eq @p0 [sflag:s5], $0x1  }
0xae: {  	[sflag:s5] =	ssyncadd.s32 @p0 $0xFFFFFFFF  }
0xaf: {  	s6 =	sshll.u32 @!p0 s1, $0xE  }
0xb0: {  	s6 =	sor.u32 @!p0 $0x4000, s6;
	s5 =	simm.s32 @!p0 $0x1B8D  }
0xb1: {  	s4 =	sshll.u32 @!p0 s4, $0x11;
	s6 =	sadd.s32 @!p0 $0x11B8D, s6;
	_ =	swait.eq @!p0 [sflag:s5], $0x1  }
0xb2: {  	s4 =	sor.u32 @!p0 s4, s6;
	[sflag:s5] =	ssyncadd.s32 @!p0 $0xFFFFFFFF  }
0xb3: {  	s25 =	simm.s32 $0x1B8E;
	s24 =	sld [smem:$0x3FFE];
	[sflag:s4] =	ssyncadd.remote.s32 @!p0 $0x1  }
0xb4: {  	s26 =	simm.s32 $execute0_lowered;
	[smem:$0x3FD2] =	sst s25  }
0xb5: {  	s5 =	sshll.u32 s26, $0x1;
	_ =	strace $0x80000052;
	[dreg:$0x1] =	wrdreg $0xFFFFFFFF  }
0xb6: {  	s28 =	simm.s32 $_size_execute0_lowered;
	s3 =	sadd.s32 s3, s5;
	[dreg:$0x0] =	wrdreg $0x0  }
0xb7: {  	s5 =	sshll.u32 s28, $0x1;
	[dreg:$0x2] =	wrdreg s3  }
0xb8: {  	[dreg:$0x3] =	wrdreg s5  }
0xb9: {  	[dreg:$0x4] =	wrdreg $0xC0  }
0xba: {  	_ =	task [dreg:s22], $0x5FFFF  }
0xbb: {  	[dreg:$0x1] =	wrdreg $0xFFFFFFFF  }
0xbc: {  	[dreg:$0x0] =	wrdreg $0x60  }
0xbd: {  	[dreg:$0x2] =	wrdreg s24  }
0xbe: {  	[dreg:$0x3] =	wrdreg $0xD  }
0xbf: {  	_ =	task.clear_ibuf [dreg:s22], $0x4FFFF;
	_ =	strace $0x90000052  }
0xc0: {  	s29 =	simm.s32 $0xD;
	_ =	strace $0x80000054  }
0xc1: {  	_ =	swait.ge [sflag:s29], $0x1  }
0xc2: {  	[sflag:s29] =	ssyncadd.s32 $0xFFFFFFFF  }
0xc3: {  	_ =	strace $0x90000054  }
0xc4: {  	_ =	sfence  }
0xc5: {  	s30 =	sld [smem:$0x0];
	_ =	sdelay $0x2  }
0xc6: {  	s31 =	sshll.u32 s1, $0xD;
	s1 =	sshrl.u32 s1, $0x2  }
0xc7: {  	s4 =	sand.u32 $0x4000, s31;
	s1 =	sadd.s32 s1, s30  }
0xc8: {  	s0 =	sor.u32 s4, s0;
	s1 =	sshll.u32 s1, $0x11  }
0xc9: {  	s0 =	sor.u32 s1, s0  }
0xca: {  	s0 =	sadd.s32 $0x8F2B, s0  }
0xcb: {  	[sflag:s0] =	ssyncadd.remote.s32 $0x1  }
0xcc: {  	_ =	sfence.sel $0xFFFF  }
0xcd: {  	[dreg:$0x0] =	wrdreg $0xFFFFFFFF;
	(pc) =	sbr.abs _section_cstart, $3  }
0xce: {  	[dreg:$0x1] =	wrdreg $0xFFFFFFFF  }
0xcf: {  	_ =	task.clear_ibuf [dreg:s22], $0x2FFFF;
	_ =	strace $0x9FFFFFFF  }
0xd0: {  	(tm) =	ssettm $0x7FFFFFFF  }
0xd1: {  	_ =	shalt  }
tec
execute0_lowered:
.L_overlay_start_1:
0x0: {  	(tag) =	ssettag $0x1  }
0x1: {  	s4 =	rddreg [dreg:$0x0]  }
0x2: {  	s0 =	rddreg [dreg:$0x1];
	s1 =	simm.s32 $0x0  }
0x3: {  	s2 =	stileid.u32;
	s5 =	srdreg.scid;
	s13 =	simm.s32 $0x1  }
0x4: {  	s14 =	simm.s32 $0x100;
	s15 =	simm.s32 $0x2;
	s16 =	simm.s32 $0x180  }
0x5: {  	s17 =	simm.s32 $0x10;
	s18 =	simm.s32 $0x0;
	[smem:$0x7FF] =	sst s1  }
0x6: {  	s7 =	sadd.s32 $0xAD200, s4;
	s3 =	sadd.s32 $0x149A00, s4;
	s6 =	sshll.u32 s2, $0xD  }
0x7: {  	s8 =	sand.u32 $0x1, s5;
	s26 =	sshll.u32 s2, $0x1;
	s30 =	sshll.u32 s2, $0xA  }
0x8: {  	_ =	strace $0x80000053;
	s9 =	sadd.s32 s6, s4;
	s5 =	sor.u32 s8, s26  }
0x9: {  	s28 =	ssub.s32 $0x2, s8;
	s12 =	sshll.u32 s8, $0x9;
	s8 =	sshll.u32 s8, $0xC  }
0xa: {  	s10 =	sshll.u32 s5, $0x7;
	s11 =	sshrl.u32 s28, $0x1;
	s5 =	sshll.u32 s5, $0x1  }
0xb: {  	s31 =	sor.u32 s12, s30;
	s8 =	sadd.s32 s8, s9;
	s9 =	simm.s32 $0x3  }
0xc: {  	s12 =	simm.s32 $0x2200;
	s10 =	sadd.s32 s10, s4;
	s6 =	ssub.s32 s28, s11  }
0xd: {  	s29 =	sadd.s32 s5, s7;
	s8 =	sadd.s32 $0x17D0400, s8;
	s11 =	simm.s32 $0x200  }
0xe: {  	s4 =	sadd.s32 $0x15000, s29;
	s5 =	sadd.s32 $0x29C00, s10;
	s10 =	sshrl.u32 s31, $0x3  }
0xf: {  	s6 =	smax.u32 s6, $0x1;
	s7 =	sadd.s32 s10, s7;
	s10 =	simm.s32 $0x80  }
.LBB2_1:
0x10: {  	[tilespmem:s1], [sflag:$0x3] =	stream.linear.gather [hbm4b:s7+s1], $0x200, $0x38;
	[tilespmem:$0x4200] =	vst v63  }
0x11: {  	_ =	swait.ge [sflag:s9], $0x200  }
0x12: {  	[sflag:s9] =	ssyncset.done $0x0  }
0x13: {  	[sflag:s9] =	ssyncadd.s32 $0xFFFFFE00  }
0x14: {  	[tilespmem:s11], [sflag:$0x1] =	stream.indirect.gather [hbm4b:s3+s10], $0x40, s1, s10, $0xb8;
	[tilespmem:$0x4200] =	vst v63  }
0x15: {  	_ = 	snop  }
0x16: {  	[tilespmem:s12], [sflag:$0x2] =	stream.indirect.gather [hbm4b:s3+s10], $0x40, s10, s10, $0xb8;
	[tilespmem:$0x4200] =	vst v63  }
0x17: {  	_ =	swait.ge [sflag:s13], $0x2000  }
0x18: {  	[sflag:s13] =	ssyncset.done $0x0  }
0x19: {  	s19 =	sadd.s32 $0x0, s8;
	[sflag:s13] =	ssyncadd.s32 $0xFFFFE000  }
0x1a: {  	[hbm4b:s19+s1] =	stream.linear.scatter [tilespmem:s11], [sflag:$0x3], $0x2000, $0x38;
	[tilespmem:$0x4200] =	vst v63  }
0x1b: {  	_ =	swait.ge [sflag:s9], $0x2000  }
0x1c: {  	[sflag:s9] =	ssyncset.done $0x0  }
0x1d: {  	[sflag:s9] =	ssyncadd.s32 $0xFFFFE000  }
0x1e: {  	[tilespmem:s11], [sflag:$0x1] =	stream.indirect.gather [hbm4b:s3+s10], $0x40, s14, s10, $0xb8;
	[tilespmem:$0x4200] =	vst v63  }
0x1f: {  	_ =	swait.ge [sflag:s15], $0x2000  }
0x20: {  	[sflag:s15] =	ssyncset.done $0x0  }
0x21: {  	s20 =	sadd.s32 $0x400, s19;
	[sflag:s15] =	ssyncadd.s32 $0xFFFFE000  }
0x22: {  	[hbm4b:s20+s1] =	stream.linear.scatter [tilespmem:s12], [sflag:$0x3], $0x2000, $0x38;
	[tilespmem:$0x4200] =	vst v63  }
0x23: {  	_ =	swait.ge [sflag:s9], $0x2000  }
0x24: {  	[sflag:s9] =	ssyncset.done $0x0  }
0x25: {  	[sflag:s9] =	ssyncadd.s32 $0xFFFFE000  }
0x26: {  	[tilespmem:s12], [sflag:$0x2] =	stream.indirect.gather [hbm4b:s3+s10], $0x40, s16, s10, $0xb8;
	[tilespmem:$0x4200] =	vst v63  }
0x27: {  	_ =	swait.ge [sflag:s13], $0x2000  }
0x28: {  	[sflag:s13] =	ssyncset.done $0x0  }
0x29: {  	s31 =	sadd.s32 $0x800, s19;
	[sflag:s13] =	ssyncadd.s32 $0xFFFFE000  }
0x2a: {  	[hbm4b:s31+s1] =	stream.linear.scatter [tilespmem:s11], [sflag:$0x3], $0x2000, $0x38;
	[tilespmem:$0x4200] =	vst v63  }
0x2b: {  	_ =	swait.ge [sflag:s9], $0x2000  }
0x2c: {  	[sflag:s9] =	ssyncset.done $0x0  }
0x2d: {  	[sflag:s9] =	ssyncadd.s32 $0xFFFFE000  }
0x2e: {  	_ =	swait.ge [sflag:s15], $0x2000  }
0x2f: {  	[sflag:s15] =	ssyncset.done $0x0  }
0x30: {  	s19 =	sadd.s32 $0xC00, s19;
	[sflag:s15] =	ssyncadd.s32 $0xFFFFE000  }
0x31: {  	[hbm4b:s19+s1] =	stream.linear.scatter [tilespmem:s12], [sflag:$0x3], $0x2000, $0x38;
	[tilespmem:$0x4200] =	vst v63  }
0x32: {  	_ =	swait.ge [sflag:s9], $0x2000  }
0x33: {  	s20 =	smov.u32 s7;
	s19 =	simm.s32 $0x20000;
	[sflag:s9] =	ssyncset.done $0x0  }
.LBB2_2:
0x34: {  	p0 =	sne.s32 s19, $0x520000;
	[sflag:s9] =	ssyncadd.s32 $0xFFFFE000;
	s20 =	sadd.s32 $0x800, s20  }
0x35: {  	[tilespmem:s1], [sflag:$0x3] =	stream.linear.gather [hbm4b:s20+s1], $0x200, $0x38;
	[tilespmem:$0x4200] =	vst v63  }
0x36: {  	s21 =	smov.u32 s19;
	s19 =	sadd.s32 $0x20000, s19;
	_ =	swait.ge [sflag:s9], $0x200  }
0x37: {  	[sflag:s9] =	ssyncset.done $0x0  }
0x38: {  	[sflag:s9] =	ssyncadd.s32 $0xFFFFFE00  }
0x39: {  	[tilespmem:s11], [sflag:$0x1] =	stream.indirect.gather [hbm4b:s3+s10], $0x40, s1, s10, $0xb8;
	[tilespmem:$0x4200] =	vst v63  }
0x3a: {  	_ = 	snop  }
0x3b: {  	[tilespmem:s12], [sflag:$0x2] =	stream.indirect.gather [hbm4b:s3+s10], $0x40, s10, s10, $0xb8;
	[tilespmem:$0x4200] =	vst v63  }
0x3c: {  	_ =	swait.ge [sflag:s13], $0x2000  }
0x3d: {  	[sflag:s13] =	ssyncset.done $0x0  }
0x3e: {  	s21 =	sadd.s32 s21, s8;
	[sflag:s13] =	ssyncadd.s32 $0xFFFFE000  }
0x3f: {  	[hbm4b:s21+s1] =	stream.linear.scatter [tilespmem:s11], [sflag:$0x3], $0x2000, $0x38;
	[tilespmem:$0x4200] =	vst v63  }
0x40: {  	_ =	swait.ge [sflag:s9], $0x2000  }
0x41: {  	[sflag:s9] =	ssyncset.done $0x0  }
0x42: {  	[sflag:s9] =	ssyncadd.s32 $0xFFFFE000  }
0x43: {  	[tilespmem:s11], [sflag:$0x1] =	stream.indirect.gather [hbm4b:s3+s10], $0x40, s14, s10, $0xb8;
	[tilespmem:$0x4200] =	vst v63  }
0x44: {  	_ =	swait.ge [sflag:s15], $0x2000  }
0x45: {  	[sflag:s15] =	ssyncset.done $0x0  }
0x46: {  	s22 =	sadd.s32 $0x400, s21;
	[sflag:s15] =	ssyncadd.s32 $0xFFFFE000  }
0x47: {  	[hbm4b:s22+s1] =	stream.linear.scatter [tilespmem:s12], [sflag:$0x3], $0x2000, $0x38;
	[tilespmem:$0x4200] =	vst v63  }
0x48: {  	_ =	swait.ge [sflag:s9], $0x2000  }
0x49: {  	[sflag:s9] =	ssyncset.done $0x0  }
0x4a: {  	[sflag:s9] =	ssyncadd.s32 $0xFFFFE000  }
0x4b: {  	[tilespmem:s12], [sflag:$0x2] =	stream.indirect.gather [hbm4b:s3+s10], $0x40, s16, s10, $0xb8;
	[tilespmem:$0x4200] =	vst v63  }
0x4c: {  	_ =	swait.ge [sflag:s13], $0x2000  }
0x4d: {  	[sflag:s13] =	ssyncset.done $0x0  }
0x4e: {  	s22 =	sadd.s32 $0x800, s21;
	[sflag:s13] =	ssyncadd.s32 $0xFFFFE000  }
0x4f: {  	[hbm4b:s22+s1] =	stream.linear.scatter [tilespmem:s11], [sflag:$0x3], $0x2000, $0x38;
	[tilespmem:$0x4200] =	vst v63  }
0x50: {  	_ =	swait.ge [sflag:s9], $0x2000  }
0x51: {  	[sflag:s9] =	ssyncset.done $0x0  }
0x52: {  	[sflag:s9] =	ssyncadd.s32 $0xFFFFE000  }
0x53: {  	_ =	swait.ge [sflag:s15], $0x2000  }
.Ltmp0:
0x54: {  	[sflag:s15] =	ssyncset.done $0x0;
	(pc) =	sbr.rel @p0 .LBB2_2-.Ltmp0, $4  }
0x55: {  	s21 =	sadd.s32 $0xC00, s21;
	[sflag:s15] =	ssyncadd.s32 $0xFFFFE000  }
0x56: {  	[hbm4b:s21+s1] =	stream.linear.scatter [tilespmem:s12], [sflag:$0x3], $0x2000, $0x38;
	[tilespmem:$0x4200] =	vst v63  }
0x57: {  	_ =	swait.ge [sflag:s9], $0x2000  }
0x58: {  	[sflag:s9] =	ssyncset.done $0x0  }
0x59: {  	[sflag:s9] =	ssyncadd.s32 $0xFFFFE000  }
0x5a: {  	[tilespmem:s1], [sflag:$0x3] =	stream.linear.gather [hbm4b:s4+s1], $0x10, $0x38;
	[tilespmem:$0x4200] =	vst v63  }
0x5b: {  	_ =	swait.ge [sflag:s9], $0x10  }
0x5c: {  	[sflag:s9] =	ssyncset.done $0x0  }
0x5d: {  	[sflag:s9] =	ssyncadd.s32 $0xFFFFFFF0  }
0x5e: {  	[tilespmem:s11], [sflag:$0x1] =	stream.indirect.gather [hbm4b:s3+s17], $0x40, s1, s17, $0xb8;
	[tilespmem:$0x4200] =	vst v63  }
0x5f: {  	s18 =	sadd.s32 $0x1, s18;
	_ =	swait.ge [sflag:s13], $0x400  }
0x60: {  	p0 =	sne.s32 s18, s6;
	[sflag:s13] =	ssyncset.done $0x0  }
.Ltmp1:
0x61: {  	[sflag:s13] =	ssyncadd.s32 $0xFFFFFC00;
	(pc) =	sbr.rel @p0 .LBB2_1-.Ltmp1, $4  }
0x62: {  	[hbm4b:s5+s1] =	stream.linear.scatter [tilespmem:s11], [sflag:$0x3], $0x400, $0x38;
	[tilespmem:$0x4200] =	vst v63  }
0x63: {  	_ =	swait.ge [sflag:s9], $0x400  }
0x64: {  	[sflag:s9] =	ssyncset.done $0x0  }
0x65: {  	[sflag:s9] =	ssyncadd.s32 $0xFFFFFC00  }
0x66: {  	_ =	sfence.sel $0x180000  }
0x67: {  	[bflag:$0x0] =	sbarrier.arrive $0xFFFF  }
0x68: {  	p0 =	sne.s32 s2, $0x0;
	_ =	strace $0x90000053  }
0x69: {  	s0 =	sadd.s32 @!p0 $0x100000, s0;
	[bflag:$0x2] =	sbarrier.arrive $0xFFFF  }
0x6a: {  	[sflag:s0] =	ssyncadd.tile.s32 @!p0 $0x1;
	_ =	shalt  }
.Lfunc_end2:
_tile_overlayer_lowered:
.L_overlay_start_2:
0x6b: {  	(tag) =	ssettag $0x2  }
0x6c: {  	s0 =	rddreg [dreg:$0x0];
	s2 =	stileid.u32  }
0x6d: {  	s1 =	rddreg [dreg:$0x1];
	p0 =	sne.s32 s2, $0x0  }
0x6e: {  	s3 =	rddreg [dreg:$0x2];
	[bflag:$0x3] =	sbarrier.arrive $0xFFFF;
	s2 =	simm.s32 @!p0 $0x1C03  }
0x6f: {  	[timem:s3], [sflag:s2] =	dma.local @!p0 [hbm:s0], s1  }
0x70: {  	s0 =	simm.s32 @!p0 $0x3  }
0x71: {  	_ =	swait.ge @!p0 [sflag:s0], s1  }
0x72: {  	s1 =	ssub.s32 @!p0 $0x0, s1;
	[sflag:s0] =	ssyncset.done @!p0 $0x0  }
0x73: {  	[sflag:s0] =	ssyncadd.s32 @!p0 s1  }
0x74: {  	[bflag:$0x3] =	sbarrier.arrive $0xFFFF  }
0x75: {  	_ =	shalt  }

// kernel: kernel.33.cloned.1.call-start
scs
__scs_entry_jumppad:
0x0: {  	(pc) =	sbr.rel $0x88, $3  }
0x1: {  	(tag) =	ssettag $0x0;
	lr =	simm.s32 $0x1  }
0x2: {  	[smem:$0x3F95] =	sst lr;
	_ =	strace $0xD0000000  }
0x3: {  	_ = 	snop  }
0x4: {  	_ = 	snop  }
0x5: {  	_ = 	snop  }
0x6: {  	_ = 	snop  }
0x7: {  	_ = 	snop  }
__scs_overlays_trampoline_lowered:
0x8: {  	[smem:$0x3FA4] =	sst s0  }
0x9: {  	[smem:$0x3FA5] =	sst s1  }
0xa: {  	[smem:$0x3FA6] =	sst s2  }
0xb: {  	[smem:$0x3FA7] =	sst s3  }
0xc: {  	[smem:$0x3FA8] =	sst s4  }
0xd: {  	[smem:$0x3FA9] =	sst s5  }
0xe: {  	[smem:$0x3FAA] =	sst s6  }
0xf: {  	[smem:$0x3FAB] =	sst s7  }
0x10: {  	[smem:$0x3FAC] =	sst s8  }
0x11: {  	[smem:$0x3FAD] =	sst s9;
	s0 =	simm.s32 @!p0 $0x0  }
0x12: {  	s1 =	sld [smem:$0x3F93];
	s0 =	simm.s32 @p0 $0x1  }
0x13: {  	[smem:$0x3FAE] =	sst s0;
	s0 =	simm.s32 @!p1 $0x0  }
0x14: {  	s2 =	sld [smem:$0x3F92];
	s0 =	simm.s32 @p1 $0x1  }
0x15: {  	[smem:$0x3FAF] =	sst s0;
	s0 =	simm.s32 @!p2 $0x0  }
0x16: {  	s3 =	sld [smem:$0x3FDB];
	s0 =	simm.s32 @p2 $0x1  }
0x17: {  	s4 =	simm.s32 $0x1BF5;
	[smem:$0x3FB1] =	sst s0  }
0x18: {  	s0 =	sld [smem:$0x3F94];
	_ =	swait.ge [sflag:s4], $0x0  }
0x19: {  	s7 =	sld [smem:$0x3F95]  }
0x1a: {  	s8 =	sadd.s32 $0xFFFFE003, lr  }
0x1b: {  	s9 =	sadd.s32 $0xFFFFFEF7, lr;
	s5 =	simm.s32 $0xFFFFFFFF;
	p2 =	slt.u32 s8, $0xFFFFF086  }
0x1c: {  	p1 =	slt.u32 s9, $0xF7A;
	s5 =	simm.s32 @!p2 $0x0  }
0x1d: {  	s5 =	simm.s32 @p1 $0x1;
	p0 =	seq.s32 s7, s2  }
0x1e: {  	s7 =	smul.u32 @!p0 $0xF7A, s2;
	p2 =	seq.s32 @!p0 s5, $0x0  }
0x1f: {  	s9 =	smul.u32 $0xF7A, s1;
	s8 =	simm.s32 @!p0 $0x1BF5;
	p2 =	por !p2, p0  }
0x20: {  	[sflag:s8] =	ssyncset.s32 @!p0 $0xFFFFF086;
	s6 =	sadd.s32 @!p0 s3, s7;
	s7 =	simm.s32 @!p0 $0x108  }
0x21: {  	s3 =	sadd.s32 s3, s9;
	s6 =	sadd.s32 @!p0 $0x88, s6;
	s7 =	simm.s32 @p2 $0x1082  }
0x22: {  	[simem:s7], [sflag:s8] =	dma.local @!p0 [hbm:s6], $0xF7A  }
0x23: {  	s9 =	sor.u32 $0xD0000000, s2;
	s6 =	simm.s32 $0x108;
	_ =	swait.ge @!p0 [sflag:s8], $0x0  }
0x24: {  	s3 =	sadd.s32 $0x88, s3;
	s6 =	simm.s32 @!p1 $0x1082;
	[sflag:s4] =	ssyncset.s32 $0xFFFFF086  }
0x25: {  	[simem:s6], [sflag:s4] =	dma.local [hbm:s3], $0xF7A  }
0x26: {  	[smem:$0x3F95] =	sst s1;
	(tag) =	ssettag s2;
	_ =	strace s9  }
0x27: {  	s1 =	sld [smem:$0x3FA5]  }
0x28: {  	s2 =	sld [smem:$0x3FA6]  }
0x29: {  	s4 =	sld [smem:$0x3FA8]  }
0x2a: {  	p0 =	seq.s32 s5, $0x0;
	s5 =	sld [smem:$0x3FA9]  }
0x2b: {  	s6 =	sld [smem:$0x3FAA]  }
0x2c: {  	s7 =	sld [smem:$0x3FAB]  }
0x2d: {  	s3 =	simm.s32 $0x108;
	s8 =	sld [smem:$0x3FAC]  }
0x2e: {  	s3 =	simm.s32 @!p0 $0x1082;
	s9 =	sld [smem:$0x3FAD]  }
0x2f: {  	lr =	sadd.s32 s0, s3;
	s0 =	sld [smem:$0x3FA4]  }
0x30: {  	s3 =	sld [smem:$0x3FA7]  }
0x31: {  	[smem:$0x3FB0] =	sst s10  }
0x32: {  	s10 =	sld [smem:$0x3FAE];
	_ =	sdelay $0x3  }
0x33: {  	p0 =	seq.s32 s10, $0x1;
	s10 =	sld [smem:$0x3FB0];
	_ =	sdelay $0x3  }
0x34: {  	[smem:$0x3FB0] =	sst s10  }
0x35: {  	s10 =	sld [smem:$0x3FAF];
	_ =	sdelay $0x3  }
0x36: {  	p1 =	seq.s32 s10, $0x1;
	s10 =	sld [smem:$0x3FB0];
	_ =	sdelay $0x3  }
0x37: {  	[smem:$0x3FB0] =	sst s10  }
0x38: {  	s10 =	sld [smem:$0x3FB1]  }
0x39: {  	_ = 	snop;
	(pc) =	sbr.ind lr, $3  }
0x3a: {  	_ = 	snop  }
0x3b: {  	_ = 	snop  }
0x3c: {  	p2 =	seq.s32 s10, $0x1;
	s10 =	sld [smem:$0x3FB0]  }
0x3d: {  	_ =	shalt  }
0x3e: {  	_ =	shalt  }
0x3f: {  	_ =	shalt  }
0x40: {  	_ =	shalt  }
0x41: {  	_ =	shalt  }
0x42: {  	_ =	shalt  }
0x43: {  	_ =	shalt  }
0x44: {  	_ =	shalt  }
0x45: {  	_ =	shalt  }
0x46: {  	_ =	shalt  }
0x47: {  	_ =	shalt  }
0x48: {  	_ =	shalt  }
0x49: {  	_ =	shalt  }
0x4a: {  	_ =	shalt  }
0x4b: {  	_ =	shalt  }
0x4c: {  	_ =	shalt  }
0x4d: {  	_ =	shalt  }
0x4e: {  	_ =	shalt  }
0x4f: {  	_ =	shalt  }
0x50: {  	_ =	shalt  }
0x51: {  	_ =	shalt  }
0x52: {  	_ =	shalt  }
0x53: {  	_ =	shalt  }
0x54: {  	_ =	shalt  }
0x55: {  	_ =	shalt  }
0x56: {  	_ =	shalt  }
0x57: {  	_ =	shalt  }
0x58: {  	_ =	shalt  }
0x59: {  	_ =	shalt  }
0x5a: {  	_ =	shalt  }
0x5b: {  	_ =	shalt  }
0x5c: {  	_ =	shalt  }
0x5d: {  	_ =	shalt  }
0x5e: {  	_ =	shalt  }
0x5f: {  	_ =	shalt  }
0x60: {  	_ =	shalt  }
0x61: {  	_ =	shalt  }
0x62: {  	_ =	shalt  }
0x63: {  	_ =	shalt  }
0x64: {  	_ =	shalt  }
0x65: {  	_ =	shalt  }
0x66: {  	_ =	shalt  }
0x67: {  	_ =	shalt  }
0x68: {  	_ =	shalt  }
0x69: {  	_ =	shalt  }
0x6a: {  	_ =	shalt  }
0x6b: {  	_ =	shalt  }
0x6c: {  	_ =	shalt  }
0x6d: {  	_ =	shalt  }
0x6e: {  	_ =	shalt  }
0x6f: {  	_ =	shalt  }
0x70: {  	_ =	shalt  }
0x71: {  	_ =	shalt  }
0x72: {  	_ =	shalt  }
0x73: {  	_ =	shalt  }
0x74: {  	_ =	shalt  }
0x75: {  	_ =	shalt  }
0x76: {  	_ =	shalt  }
0x77: {  	_ =	shalt  }
0x78: {  	_ =	shalt  }
0x79: {  	_ =	shalt  }
0x7a: {  	_ =	shalt  }
0x7b: {  	_ =	shalt  }
0x7c: {  	_ =	shalt  }
0x7d: {  	_ =	shalt  }
0x7e: {  	_ =	shalt  }
0x7f: {  	_ =	shalt  }
0x80: {  	_ =	shalt  }
0x81: {  	_ =	shalt  }
0x82: {  	_ =	shalt  }
0x83: {  	_ =	shalt  }
0x84: {  	_ =	shalt  }
0x85: {  	_ =	shalt  }
0x86: {  	_ =	shalt  }
0x87: {  	_ =	shalt  }
.Lfunc_end0:
.L_simem_size_0:
called_computation.5_lowered:
.L_overlay_start_0:
0x88: {  	s2 =	sld [smem:$0x3FD9]  }
0x89: {  	s3 =	sld [smem:$0x3FFE];
	_ =	sdelay $0x1  }
0x8a: {  	s1 =	srdreg.scid  }
0x8b: {  	s0 =	sand.u32 $0x1, s1  }
0x8c: {  	s17 =	sshll.u32 s0, $0xA;
	s2 =	sadd.s32 s3, s2  }
0x8d: {  	s2 =	sadd.s32 s2, s17  }
0x8e: {  	[smem:$0x3FBC] =	sst s2  }
0x8f: {  	_ = 	snop  }
0x90: {  	(tm) =	ssettm $0x1  }
0x91: {  	s18 =	sld [smem:$0x3FFB];
	_ =	sdelay $0x3  }
0x92: {  	_ =	strace s18  }
0x93: {  	s2 =	sld [smem:$0x3FFC];
	_ =	sdelay $0x3  }
0x94: {  	_ =	strace s2  }
0x95: {  	s2 =	sld [smem:$0x3FFD];
	_ =	sdelay $0x3  }
0x96: {  	_ =	strace s2  }
0x97: {  	_ =	strace $0x8FFFFFFF  }
0x98: {  	s19 =	sld [smem:$0x3FDB];
	_ =	sdelay $0x1  }
0x99: {  	s20 =	simm.s32 $_scs_section_size  }
0x9a: {  	s4 =	simm.s32 $_size__tile_overlayer_lowered;
	s5 =	simm.s32 $_tile_overlayer_lowered  }
0x9b: {  	s6 =	simm.s32 $0x1BFF;
	s21 =	sshll.u32 s5, $0x1;
	s3 =	sadd.s32 s20, s19  }
0x9c: {  	s22 =	simm.s32 $0x0;
	s4 =	sshll.u32 s4, $0x1;
	s5 =	sadd.s32 s21, s3  }
0x9d: {  	[timem:s22], [sflag:s6] =	dma.local [hbm:s5], s4  }
0x9e: {  	_ =	swait.ge [sflag:s6], s4  }
0x9f: {  	s4 =	ssub.s32 $0x0, s4;
	[sflag:s6] =	ssyncset.done $0x0  }
0xa0: {  	[sflag:s6] =	ssyncadd.s32 s4;
	_ =	sdelay $0x1  }
0xa1: {  	s23 =	simm.s32 $0x1B8B  }
0xa2: {  	_ =	swait.ge [sflag:s23], $0x1  }
0xa3: {  	[sflag:s23] =	ssyncset.done $0x0  }
0xa4: {  	[sflag:s23] =	ssyncadd.s32 $0xFFFFFFFF  }
0xa5: {  	s4 =	sld [smem:$0x0]  }
0xa6: {  	s5 =	sand.u32 $0xFFFFFFFE, s1  }
0xa7: {  	p0 =	sne.s32 s1, s5  }
0xa8: {  	s5 =	sshll.u32 @p0 s5, $0xE  }
0xa9: {  	s5 =	sadd.s32 @p0 $0x11B8D, s5;
	s6 =	sshll.u32 @p0 s4, $0x11  }
0xaa: {  	s5 =	sor.u32 @p0 s6, s5  }
0xab: {  	[sflag:s5] =	ssyncadd.remote.s32 @p0 $0x1;
	_ =	sdelay $0x1  }
0xac: {  	s5 =	simm.s32 @p0 $0x1B8D  }
0xad: {  	_ =	swait.eq @p0 [sflag:s5], $0x1  }
0xae: {  	[sflag:s5] =	ssyncadd.s32 @p0 $0xFFFFFFFF  }
0xaf: {  	s6 =	sshll.u32 @!p0 s1, $0xE  }
0xb0: {  	s6 =	sor.u32 @!p0 $0x4000, s6;
	s5 =	simm.s32 @!p0 $0x1B8D  }
0xb1: {  	s4 =	sshll.u32 @!p0 s4, $0x11;
	s6 =	sadd.s32 @!p0 $0x11B8D, s6;
	_ =	swait.eq @!p0 [sflag:s5], $0x1  }
0xb2: {  	s4 =	sor.u32 @!p0 s4, s6;
	[sflag:s5] =	ssyncadd.s32 @!p0 $0xFFFFFFFF  }
0xb3: {  	s25 =	simm.s32 $0x1B8E;
	s24 =	sld [smem:$0x3FFE];
	[sflag:s4] =	ssyncadd.remote.s32 @!p0 $0x1  }
0xb4: {  	s26 =	simm.s32 $execute0_lowered;
	[smem:$0x3FD2] =	sst s25  }
0xb5: {  	s5 =	sshll.u32 s26, $0x1;
	_ =	strace $0x80000055;
	[dreg:$0x1] =	wrdreg $0xFFFFFFFF  }
0xb6: {  	s28 =	simm.s32 $_size_execute0_lowered;
	s3 =	sadd.s32 s3, s5;
	[dreg:$0x0] =	wrdreg $0x0  }
0xb7: {  	s5 =	sshll.u32 s28, $0x1;
	[dreg:$0x2] =	wrdreg s3  }
0xb8: {  	[dreg:$0x3] =	wrdreg s5  }
0xb9: {  	[dreg:$0x4] =	wrdreg $0xC0  }
0xba: {  	_ =	task [dreg:s22], $0x5FFFF  }
0xbb: {  	[dreg:$0x1] =	wrdreg $0xFFFFFFFF  }
0xbc: {  	[dreg:$0x0] =	wrdreg $0x60  }
0xbd: {  	[dreg:$0x2] =	wrdreg s24  }
0xbe: {  	[dreg:$0x3] =	wrdreg $0xE  }
0xbf: {  	_ =	task.clear_ibuf [dreg:s22], $0x4FFFF;
	_ =	strace $0x90000055  }
0xc0: {  	s29 =	simm.s32 $0xE;
	_ =	strace $0x80000057  }
0xc1: {  	_ =	swait.ge [sflag:s29], $0x1  }
0xc2: {  	[sflag:s29] =	ssyncadd.s32 $0xFFFFFFFF  }
0xc3: {  	_ =	strace $0x90000057  }
0xc4: {  	_ =	sfence  }
0xc5: {  	s30 =	sld [smem:$0x0];
	_ =	sdelay $0x2  }
0xc6: {  	s31 =	sshll.u32 s1, $0xD;
	s1 =	sshrl.u32 s1, $0x2  }
0xc7: {  	s4 =	sand.u32 $0x4000, s31;
	s1 =	sadd.s32 s1, s30  }
0xc8: {  	s0 =	sor.u32 s4, s0;
	s1 =	sshll.u32 s1, $0x11  }
0xc9: {  	s0 =	sor.u32 s1, s0  }
0xca: {  	s0 =	sadd.s32 $0x8F2B, s0  }
0xcb: {  	[sflag:s0] =	ssyncadd.remote.s32 $0x1  }
0xcc: {  	_ =	sfence.sel $0xFFFF  }
0xcd: {  	[dreg:$0x0] =	wrdreg $0xFFFFFFFF;
	(pc) =	sbr.abs _section_cstart, $3  }
0xce: {  	[dreg:$0x1] =	wrdreg $0xFFFFFFFF  }
0xcf: {  	_ =	task.clear_ibuf [dreg:s22], $0x2FFFF;
	_ =	strace $0x9FFFFFFF  }
0xd0: {  	(tm) =	ssettm $0x7FFFFFFF  }
0xd1: {  	_ =	shalt  }
tec
execute0_lowered:
.L_overlay_start_1:
0x0: {  	(tag) =	ssettag $0x1  }
0x1: {  	s4 =	rddreg [dreg:$0x0]  }
0x2: {  	s0 =	rddreg [dreg:$0x1];
	s1 =	simm.s32 $0x0  }
0x3: {  	s2 =	stileid.u32;
	s5 =	srdreg.scid;
	s13 =	simm.s32 $0x1  }
0x4: {  	s14 =	simm.s32 $0x100;
	s15 =	simm.s32 $0x2;
	s16 =	simm.s32 $0x180  }
0x5: {  	s17 =	simm.s32 $0x10;
	s18 =	simm.s32 $0x0;
	[smem:$0x7FF] =	sst s1  }
0x6: {  	s7 =	sadd.s32 $0xD1400, s4;
	s3 =	sadd.s32 $0x149A00, s4;
	s6 =	sshll.u32 s2, $0xD  }
0x7: {  	s8 =	sand.u32 $0x1, s5;
	s26 =	sshll.u32 s2, $0x1;
	s30 =	sshll.u32 s2, $0xA  }
0x8: {  	_ =	strace $0x80000056;
	s9 =	sadd.s32 s6, s4;
	s5 =	sor.u32 s8, s26  }
0x9: {  	s28 =	ssub.s32 $0x2, s8;
	s12 =	sshll.u32 s8, $0x9;
	s8 =	sshll.u32 s8, $0xC  }
0xa: {  	s10 =	sshll.u32 s5, $0x7;
	s11 =	sshrl.u32 s28, $0x1;
	s5 =	sshll.u32 s5, $0x1  }
0xb: {  	s31 =	sor.u32 s12, s30;
	s8 =	sadd.s32 s8, s9;
	s9 =	simm.s32 $0x3  }
0xc: {  	s12 =	simm.s32 $0x2200;
	s10 =	sadd.s32 s10, s4;
	s6 =	ssub.s32 s28, s11  }
0xd: {  	s29 =	sadd.s32 s5, s7;
	s8 =	sadd.s32 $0x1D10400, s8;
	s11 =	simm.s32 $0x200  }
0xe: {  	s4 =	sadd.s32 $0x15000, s29;
	s5 =	sadd.s32 $0x2AC00, s10;
	s10 =	sshrl.u32 s31, $0x3  }
0xf: {  	s6 =	smax.u32 s6, $0x1;
	s7 =	sadd.s32 s10, s7;
	s10 =	simm.s32 $0x80  }
.LBB2_1:
0x10: {  	[tilespmem:s1], [sflag:$0x3] =	stream.linear.gather [hbm4b:s7+s1], $0x200, $0x38;
	[tilespmem:$0x4200] =	vst v63  }
0x11: {  	_ =	swait.ge [sflag:s9], $0x200  }
0x12: {  	[sflag:s9] =	ssyncset.done $0x0  }
0x13: {  	[sflag:s9] =	ssyncadd.s32 $0xFFFFFE00  }
0x14: {  	[tilespmem:s11], [sflag:$0x1] =	stream.indirect.gather [hbm4b:s3+s10], $0x40, s1, s10, $0xb8;
	[tilespmem:$0x4200] =	vst v63  }
0x15: {  	_ = 	snop  }
0x16: {  	[tilespmem:s12], [sflag:$0x2] =	stream.indirect.gather [hbm4b:s3+s10], $0x40, s10, s10, $0xb8;
	[tilespmem:$0x4200] =	vst v63  }
0x17: {  	_ =	swait.ge [sflag:s13], $0x2000  }
0x18: {  	[sflag:s13] =	ssyncset.done $0x0  }
0x19: {  	s19 =	sadd.s32 $0x0, s8;
	[sflag:s13] =	ssyncadd.s32 $0xFFFFE000  }
0x1a: {  	[hbm4b:s19+s1] =	stream.linear.scatter [tilespmem:s11], [sflag:$0x3], $0x2000, $0x38;
	[tilespmem:$0x4200] =	vst v63  }
0x1b: {  	_ =	swait.ge [sflag:s9], $0x2000  }
0x1c: {  	[sflag:s9] =	ssyncset.done $0x0  }
0x1d: {  	[sflag:s9] =	ssyncadd.s32 $0xFFFFE000  }
0x1e: {  	[tilespmem:s11], [sflag:$0x1] =	stream.indirect.gather [hbm4b:s3+s10], $0x40, s14, s10, $0xb8;
	[tilespmem:$0x4200] =	vst v63  }
0x1f: {  	_ =	swait.ge [sflag:s15], $0x2000  }
0x20: {  	[sflag:s15] =	ssyncset.done $0x0  }
0x21: {  	s20 =	sadd.s32 $0x400, s19;
	[sflag:s15] =	ssyncadd.s32 $0xFFFFE000  }
0x22: {  	[hbm4b:s20+s1] =	stream.linear.scatter [tilespmem:s12], [sflag:$0x3], $0x2000, $0x38;
	[tilespmem:$0x4200] =	vst v63  }
0x23: {  	_ =	swait.ge [sflag:s9], $0x2000  }
0x24: {  	[sflag:s9] =	ssyncset.done $0x0  }
0x25: {  	[sflag:s9] =	ssyncadd.s32 $0xFFFFE000  }
0x26: {  	[tilespmem:s12], [sflag:$0x2] =	stream.indirect.gather [hbm4b:s3+s10], $0x40, s16, s10, $0xb8;
	[tilespmem:$0x4200] =	vst v63  }
0x27: {  	_ =	swait.ge [sflag:s13], $0x2000  }
0x28: {  	[sflag:s13] =	ssyncset.done $0x0  }
0x29: {  	s31 =	sadd.s32 $0x800, s19;
	[sflag:s13] =	ssyncadd.s32 $0xFFFFE000  }
0x2a: {  	[hbm4b:s31+s1] =	stream.linear.scatter [tilespmem:s11], [sflag:$0x3], $0x2000, $0x38;
	[tilespmem:$0x4200] =	vst v63  }
0x2b: {  	_ =	swait.ge [sflag:s9], $0x2000  }
0x2c: {  	[sflag:s9] =	ssyncset.done $0x0  }
0x2d: {  	[sflag:s9] =	ssyncadd.s32 $0xFFFFE000  }
0x2e: {  	_ =	swait.ge [sflag:s15], $0x2000  }
0x2f: {  	[sflag:s15] =	ssyncset.done $0x0  }
0x30: {  	s19 =	sadd.s32 $0xC00, s19;
	[sflag:s15] =	ssyncadd.s32 $0xFFFFE000  }
0x31: {  	[hbm4b:s19+s1] =	stream.linear.scatter [tilespmem:s12], [sflag:$0x3], $0x2000, $0x38;
	[tilespmem:$0x4200] =	vst v63  }
0x32: {  	_ =	swait.ge [sflag:s9], $0x2000  }
0x33: {  	s20 =	smov.u32 s7;
	s19 =	simm.s32 $0x20000;
	[sflag:s9] =	ssyncset.done $0x0  }
.LBB2_2:
0x34: {  	p0 =	sne.s32 s19, $0x520000;
	[sflag:s9] =	ssyncadd.s32 $0xFFFFE000;
	s20 =	sadd.s32 $0x800, s20  }
0x35: {  	[tilespmem:s1], [sflag:$0x3] =	stream.linear.gather [hbm4b:s20+s1], $0x200, $0x38;
	[tilespmem:$0x4200] =	vst v63  }
0x36: {  	s21 =	smov.u32 s19;
	s19 =	sadd.s32 $0x20000, s19;
	_ =	swait.ge [sflag:s9], $0x200  }
0x37: {  	[sflag:s9] =	ssyncset.done $0x0  }
0x38: {  	[sflag:s9] =	ssyncadd.s32 $0xFFFFFE00  }
0x39: {  	[tilespmem:s11], [sflag:$0x1] =	stream.indirect.gather [hbm4b:s3+s10], $0x40, s1, s10, $0xb8;
	[tilespmem:$0x4200] =	vst v63  }
0x3a: {  	_ = 	snop  }
0x3b: {  	[tilespmem:s12], [sflag:$0x2] =	stream.indirect.gather [hbm4b:s3+s10], $0x40, s10, s10, $0xb8;
	[tilespmem:$0x4200] =	vst v63  }
0x3c: {  	_ =	swait.ge [sflag:s13], $0x2000  }
0x3d: {  	[sflag:s13] =	ssyncset.done $0x0  }
0x3e: {  	s21 =	sadd.s32 s21, s8;
	[sflag:s13] =	ssyncadd.s32 $0xFFFFE000  }
0x3f: {  	[hbm4b:s21+s1] =	stream.linear.scatter [tilespmem:s11], [sflag:$0x3], $0x2000, $0x38;
	[tilespmem:$0x4200] =	vst v63  }
0x40: {  	_ =	swait.ge [sflag:s9], $0x2000  }
0x41: {  	[sflag:s9] =	ssyncset.done $0x0  }
0x42: {  	[sflag:s9] =	ssyncadd.s32 $0xFFFFE000  }
0x43: {  	[tilespmem:s11], [sflag:$0x1] =	stream.indirect.gather [hbm4b:s3+s10], $0x40, s14, s10, $0xb8;
	[tilespmem:$0x4200] =	vst v63  }
0x44: {  	_ =	swait.ge [sflag:s15], $0x2000  }
0x45: {  	[sflag:s15] =	ssyncset.done $0x0  }
0x46: {  	s22 =	sadd.s32 $0x400, s21;
	[sflag:s15] =	ssyncadd.s32 $0xFFFFE000  }
0x47: {  	[hbm4b:s22+s1] =	stream.linear.scatter [tilespmem:s12], [sflag:$0x3], $0x2000, $0x38;
	[tilespmem:$0x4200] =	vst v63  }
0x48: {  	_ =	swait.ge [sflag:s9], $0x2000  }
0x49: {  	[sflag:s9] =	ssyncset.done $0x0  }
0x4a: {  	[sflag:s9] =	ssyncadd.s32 $0xFFFFE000  }
0x4b: {  	[tilespmem:s12], [sflag:$0x2] =	stream.indirect.gather [hbm4b:s3+s10], $0x40, s16, s10, $0xb8;
	[tilespmem:$0x4200] =	vst v63  }
0x4c: {  	_ =	swait.ge [sflag:s13], $0x2000  }
0x4d: {  	[sflag:s13] =	ssyncset.done $0x0  }
0x4e: {  	s22 =	sadd.s32 $0x800, s21;
	[sflag:s13] =	ssyncadd.s32 $0xFFFFE000  }
0x4f: {  	[hbm4b:s22+s1] =	stream.linear.scatter [tilespmem:s11], [sflag:$0x3], $0x2000, $0x38;
	[tilespmem:$0x4200] =	vst v63  }
0x50: {  	_ =	swait.ge [sflag:s9], $0x2000  }
0x51: {  	[sflag:s9] =	ssyncset.done $0x0  }
0x52: {  	[sflag:s9] =	ssyncadd.s32 $0xFFFFE000  }
0x53: {  	_ =	swait.ge [sflag:s15], $0x2000  }
.Ltmp0:
0x54: {  	[sflag:s15] =	ssyncset.done $0x0;
	(pc) =	sbr.rel @p0 .LBB2_2-.Ltmp0, $4  }
0x55: {  	s21 =	sadd.s32 $0xC00, s21;
	[sflag:s15] =	ssyncadd.s32 $0xFFFFE000  }
0x56: {  	[hbm4b:s21+s1] =	stream.linear.scatter [tilespmem:s12], [sflag:$0x3], $0x2000, $0x38;
	[tilespmem:$0x4200] =	vst v63  }
0x57: {  	_ =	swait.ge [sflag:s9], $0x2000  }
0x58: {  	[sflag:s9] =	ssyncset.done $0x0  }
0x59: {  	[sflag:s9] =	ssyncadd.s32 $0xFFFFE000  }
0x5a: {  	[tilespmem:s1], [sflag:$0x3] =	stream.linear.gather [hbm4b:s4+s1], $0x10, $0x38;
	[tilespmem:$0x4200] =	vst v63  }
0x5b: {  	_ =	swait.ge [sflag:s9], $0x10  }
0x5c: {  	[sflag:s9] =	ssyncset.done $0x0  }
0x5d: {  	[sflag:s9] =	ssyncadd.s32 $0xFFFFFFF0  }
0x5e: {  	[tilespmem:s11], [sflag:$0x1] =	stream.indirect.gather [hbm4b:s3+s17], $0x40, s1, s17, $0xb8;
	[tilespmem:$0x4200] =	vst v63  }
0x5f: {  	s18 =	sadd.s32 $0x1, s18;
	_ =	swait.ge [sflag:s13], $0x400  }
0x60: {  	p0 =	sne.s32 s18, s6;
	[sflag:s13] =	ssyncset.done $0x0  }
.Ltmp1:
0x61: {  	[sflag:s13] =	ssyncadd.s32 $0xFFFFFC00;
	(pc) =	sbr.rel @p0 .LBB2_1-.Ltmp1, $4  }
0x62: {  	[hbm4b:s5+s1] =	stream.linear.scatter [tilespmem:s11], [sflag:$0x3], $0x400, $0x38;
	[tilespmem:$0x4200] =	vst v63  }
0x63: {  	_ =	swait.ge [sflag:s9], $0x400  }
0x64: {  	[sflag:s9] =	ssyncset.done $0x0  }
0x65: {  	[sflag:s9] =	ssyncadd.s32 $0xFFFFFC00  }
0x66: {  	_ =	sfence.sel $0x180000  }
0x67: {  	[bflag:$0x0] =	sbarrier.arrive $0xFFFF  }
0x68: {  	p0 =	sne.s32 s2, $0x0;
	_ =	strace $0x90000056  }
0x69: {  	s0 =	sadd.s32 @!p0 $0x100000, s0;
	[bflag:$0x2] =	sbarrier.arrive $0xFFFF  }
0x6a: {  	[sflag:s0] =	ssyncadd.tile.s32 @!p0 $0x1;
	_ =	shalt  }
.Lfunc_end2:
_tile_overlayer_lowered:
.L_overlay_start_2:
0x6b: {  	(tag) =	ssettag $0x2  }
0x6c: {  	s0 =	rddreg [dreg:$0x0];
	s2 =	stileid.u32  }
0x6d: {  	s1 =	rddreg [dreg:$0x1];
	p0 =	sne.s32 s2, $0x0  }
0x6e: {  	s3 =	rddreg [dreg:$0x2];
	[bflag:$0x3] =	sbarrier.arrive $0xFFFF;
	s2 =	simm.s32 @!p0 $0x1C03  }
0x6f: {  	[timem:s3], [sflag:s2] =	dma.local @!p0 [hbm:s0], s1  }
0x70: {  	s0 =	simm.s32 @!p0 $0x3  }
0x71: {  	_ =	swait.ge @!p0 [sflag:s0], s1  }
0x72: {  	s1 =	ssub.s32 @!p0 $0x0, s1;
	[sflag:s0] =	ssyncset.done @!p0 $0x0  }
0x73: {  	[sflag:s0] =	ssyncadd.s32 @!p0 s1  }
0x74: {  	[bflag:$0x3] =	sbarrier.arrive $0xFFFF  }
0x75: {  	_ =	shalt  }

// kernel: kernel.36.cloned.1.call-start
scs
__scs_entry_jumppad:
0x0: {  	(pc) =	sbr.rel $0x88, $3  }
0x1: {  	(tag) =	ssettag $0x0;
	lr =	simm.s32 $0x1  }
0x2: {  	[smem:$0x3F95] =	sst lr;
	_ =	strace $0xD0000000  }
0x3: {  	_ = 	snop  }
0x4: {  	_ = 	snop  }
0x5: {  	_ = 	snop  }
0x6: {  	_ = 	snop  }
0x7: {  	_ = 	snop  }
__scs_overlays_trampoline_lowered:
0x8: {  	[smem:$0x3FA4] =	sst s0  }
0x9: {  	[smem:$0x3FA5] =	sst s1  }
0xa: {  	[smem:$0x3FA6] =	sst s2  }
0xb: {  	[smem:$0x3FA7] =	sst s3  }
0xc: {  	[smem:$0x3FA8] =	sst s4  }
0xd: {  	[smem:$0x3FA9] =	sst s5  }
0xe: {  	[smem:$0x3FAA] =	sst s6  }
0xf: {  	[smem:$0x3FAB] =	sst s7  }
0x10: {  	[smem:$0x3FAC] =	sst s8  }
0x11: {  	[smem:$0x3FAD] =	sst s9;
	s0 =	simm.s32 @!p0 $0x0  }
0x12: {  	s1 =	sld [smem:$0x3F93];
	s0 =	simm.s32 @p0 $0x1  }
0x13: {  	[smem:$0x3FAE] =	sst s0;
	s0 =	simm.s32 @!p1 $0x0  }
0x14: {  	s2 =	sld [smem:$0x3F92];
	s0 =	simm.s32 @p1 $0x1  }
0x15: {  	[smem:$0x3FAF] =	sst s0;
	s0 =	simm.s32 @!p2 $0x0  }
0x16: {  	s3 =	sld [smem:$0x3FDB];
	s0 =	simm.s32 @p2 $0x1  }
0x17: {  	s4 =	simm.s32 $0x1BF5;
	[smem:$0x3FB1] =	sst s0  }
0x18: {  	s0 =	sld [smem:$0x3F94];
	_ =	swait.ge [sflag:s4], $0x0  }
0x19: {  	s7 =	sld [smem:$0x3F95]  }
0x1a: {  	s8 =	sadd.s32 $0xFFFFE003, lr  }
0x1b: {  	s9 =	sadd.s32 $0xFFFFFEF7, lr;
	s5 =	simm.s32 $0xFFFFFFFF;
	p2 =	slt.u32 s8, $0xFFFFF086  }
0x1c: {  	p1 =	slt.u32 s9, $0xF7A;
	s5 =	simm.s32 @!p2 $0x0  }
0x1d: {  	s5 =	simm.s32 @p1 $0x1;
	p0 =	seq.s32 s7, s2  }
0x1e: {  	s7 =	smul.u32 @!p0 $0xF7A, s2;
	p2 =	seq.s32 @!p0 s5, $0x0  }
0x1f: {  	s9 =	smul.u32 $0xF7A, s1;
	s8 =	simm.s32 @!p0 $0x1BF5;
	p2 =	por !p2, p0  }
0x20: {  	[sflag:s8] =	ssyncset.s32 @!p0 $0xFFFFF086;
	s6 =	sadd.s32 @!p0 s3, s7;
	s7 =	simm.s32 @!p0 $0x108  }
0x21: {  	s3 =	sadd.s32 s3, s9;
	s6 =	sadd.s32 @!p0 $0x88, s6;
	s7 =	simm.s32 @p2 $0x1082  }
0x22: {  	[simem:s7], [sflag:s8] =	dma.local @!p0 [hbm:s6], $0xF7A  }
0x23: {  	s9 =	sor.u32 $0xD0000000, s2;
	s6 =	simm.s32 $0x108;
	_ =	swait.ge @!p0 [sflag:s8], $0x0  }
0x24: {  	s3 =	sadd.s32 $0x88, s3;
	s6 =	simm.s32 @!p1 $0x1082;
	[sflag:s4] =	ssyncset.s32 $0xFFFFF086  }
0x25: {  	[simem:s6], [sflag:s4] =	dma.local [hbm:s3], $0xF7A  }
0x26: {  	[smem:$0x3F95] =	sst s1;
	(tag) =	ssettag s2;
	_ =	strace s9  }
0x27: {  	s1 =	sld [smem:$0x3FA5]  }
0x28: {  	s2 =	sld [smem:$0x3FA6]  }
0x29: {  	s4 =	sld [smem:$0x3FA8]  }
0x2a: {  	p0 =	seq.s32 s5, $0x0;
	s5 =	sld [smem:$0x3FA9]  }
0x2b: {  	s6 =	sld [smem:$0x3FAA]  }
0x2c: {  	s7 =	sld [smem:$0x3FAB]  }
0x2d: {  	s3 =	simm.s32 $0x108;
	s8 =	sld [smem:$0x3FAC]  }
0x2e: {  	s3 =	simm.s32 @!p0 $0x1082;
	s9 =	sld [smem:$0x3FAD]  }
0x2f: {  	lr =	sadd.s32 s0, s3;
	s0 =	sld [smem:$0x3FA4]  }
0x30: {  	s3 =	sld [smem:$0x3FA7]  }
0x31: {  	[smem:$0x3FB0] =	sst s10  }
0x32: {  	s10 =	sld [smem:$0x3FAE];
	_ =	sdelay $0x3  }
0x33: {  	p0 =	seq.s32 s10, $0x1;
	s10 =	sld [smem:$0x3FB0];
	_ =	sdelay $0x3  }
0x34: {  	[smem:$0x3FB0] =	sst s10  }
0x35: {  	s10 =	sld [smem:$0x3FAF];
	_ =	sdelay $0x3  }
0x36: {  	p1 =	seq.s32 s10, $0x1;
	s10 =	sld [smem:$0x3FB0];
	_ =	sdelay $0x3  }
0x37: {  	[smem:$0x3FB0] =	sst s10  }
0x38: {  	s10 =	sld [smem:$0x3FB1]  }
0x39: {  	_ = 	snop;
	(pc) =	sbr.ind lr, $3  }
0x3a: {  	_ = 	snop  }
0x3b: {  	_ = 	snop  }
0x3c: {  	p2 =	seq.s32 s10, $0x1;
	s10 =	sld [smem:$0x3FB0]  }
0x3d: {  	_ =	shalt  }
0x3e: {  	_ =	shalt  }
0x3f: {  	_ =	shalt  }
0x40: {  	_ =	shalt  }
0x41: {  	_ =	shalt  }
0x42: {  	_ =	shalt  }
0x43: {  	_ =	shalt  }
0x44: {  	_ =	shalt  }
0x45: {  	_ =	shalt  }
0x46: {  	_ =	shalt  }
0x47: {  	_ =	shalt  }
0x48: {  	_ =	shalt  }
0x49: {  	_ =	shalt  }
0x4a: {  	_ =	shalt  }
0x4b: {  	_ =	shalt  }
0x4c: {  	_ =	shalt  }
0x4d: {  	_ =	shalt  }
0x4e: {  	_ =	shalt  }
0x4f: {  	_ =	shalt  }
0x50: {  	_ =	shalt  }
0x51: {  	_ =	shalt  }
0x52: {  	_ =	shalt  }
0x53: {  	_ =	shalt  }
0x54: {  	_ =	shalt  }
0x55: {  	_ =	shalt  }
0x56: {  	_ =	shalt  }
0x57: {  	_ =	shalt  }
0x58: {  	_ =	shalt  }
0x59: {  	_ =	shalt  }
0x5a: {  	_ =	shalt  }
0x5b: {  	_ =	shalt  }
0x5c: {  	_ =	shalt  }
0x5d: {  	_ =	shalt  }
0x5e: {  	_ =	shalt  }
0x5f: {  	_ =	shalt  }
0x60: {  	_ =	shalt  }
0x61: {  	_ =	shalt  }
0x62: {  	_ =	shalt  }
0x63: {  	_ =	shalt  }
0x64: {  	_ =	shalt  }
0x65: {  	_ =	shalt  }
0x66: {  	_ =	shalt  }
0x67: {  	_ =	shalt  }
0x68: {  	_ =	shalt  }
0x69: {  	_ =	shalt  }
0x6a: {  	_ =	shalt  }
0x6b: {  	_ =	shalt  }
0x6c: {  	_ =	shalt  }
0x6d: {  	_ =	shalt  }
0x6e: {  	_ =	shalt  }
0x6f: {  	_ =	shalt  }
0x70: {  	_ =	shalt  }
0x71: {  	_ =	shalt  }
0x72: {  	_ =	shalt  }
0x73: {  	_ =	shalt  }
0x74: {  	_ =	shalt  }
0x75: {  	_ =	shalt  }
0x76: {  	_ =	shalt  }
0x77: {  	_ =	shalt  }
0x78: {  	_ =	shalt  }
0x79: {  	_ =	shalt  }
0x7a: {  	_ =	shalt  }
0x7b: {  	_ =	shalt  }
0x7c: {  	_ =	shalt  }
0x7d: {  	_ =	shalt  }
0x7e: {  	_ =	shalt  }
0x7f: {  	_ =	shalt  }
0x80: {  	_ =	shalt  }
0x81: {  	_ =	shalt  }
0x82: {  	_ =	shalt  }
0x83: {  	_ =	shalt  }
0x84: {  	_ =	shalt  }
0x85: {  	_ =	shalt  }
0x86: {  	_ =	shalt  }
0x87: {  	_ =	shalt  }
.Lfunc_end0:
.L_simem_size_0:
called_computation.6_lowered:
.L_overlay_start_0:
0x88: {  	s2 =	sld [smem:$0x3FD9]  }
0x89: {  	s3 =	sld [smem:$0x3FFE];
	_ =	sdelay $0x1  }
0x8a: {  	s1 =	srdreg.scid  }
0x8b: {  	s0 =	sand.u32 $0x1, s1  }
0x8c: {  	s17 =	sshll.u32 s0, $0xA;
	s2 =	sadd.s32 s3, s2  }
0x8d: {  	s2 =	sadd.s32 s2, s17  }
0x8e: {  	[smem:$0x3FBC] =	sst s2  }
0x8f: {  	_ = 	snop  }
0x90: {  	(tm) =	ssettm $0x1  }
0x91: {  	s18 =	sld [smem:$0x3FFB];
	_ =	sdelay $0x3  }
0x92: {  	_ =	strace s18  }
0x93: {  	s2 =	sld [smem:$0x3FFC];
	_ =	sdelay $0x3  }
0x94: {  	_ =	strace s2  }
0x95: {  	s2 =	sld [smem:$0x3FFD];
	_ =	sdelay $0x3  }
0x96: {  	_ =	strace s2  }
0x97: {  	_ =	strace $0x8FFFFFFF  }
0x98: {  	s19 =	sld [smem:$0x3FDB];
	_ =	sdelay $0x1  }
0x99: {  	s20 =	simm.s32 $_scs_section_size  }
0x9a: {  	s4 =	simm.s32 $_size__tile_overlayer_lowered;
	s5 =	simm.s32 $_tile_overlayer_lowered  }
0x9b: {  	s6 =	simm.s32 $0x1BFF;
	s21 =	sshll.u32 s5, $0x1;
	s3 =	sadd.s32 s20, s19  }
0x9c: {  	s22 =	simm.s32 $0x0;
	s4 =	sshll.u32 s4, $0x1;
	s5 =	sadd.s32 s21, s3  }
0x9d: {  	[timem:s22], [sflag:s6] =	dma.local [hbm:s5], s4  }
0x9e: {  	_ =	swait.ge [sflag:s6], s4  }
0x9f: {  	s4 =	ssub.s32 $0x0, s4;
	[sflag:s6] =	ssyncset.done $0x0  }
0xa0: {  	[sflag:s6] =	ssyncadd.s32 s4;
	_ =	sdelay $0x1  }
0xa1: {  	s23 =	simm.s32 $0x1B8B  }
0xa2: {  	_ =	swait.ge [sflag:s23], $0x1  }
0xa3: {  	[sflag:s23] =	ssyncset.done $0x0  }
0xa4: {  	[sflag:s23] =	ssyncadd.s32 $0xFFFFFFFF  }
0xa5: {  	s4 =	sld [smem:$0x0]  }
0xa6: {  	s5 =	sand.u32 $0xFFFFFFFE, s1  }
0xa7: {  	p0 =	sne.s32 s1, s5  }
0xa8: {  	s5 =	sshll.u32 @p0 s5, $0xE  }
0xa9: {  	s5 =	sadd.s32 @p0 $0x11B8D, s5;
	s6 =	sshll.u32 @p0 s4, $0x11  }
0xaa: {  	s5 =	sor.u32 @p0 s6, s5  }
0xab: {  	[sflag:s5] =	ssyncadd.remote.s32 @p0 $0x1;
	_ =	sdelay $0x1  }
0xac: {  	s5 =	simm.s32 @p0 $0x1B8D  }
0xad: {  	_ =	swait.eq @p0 [sflag:s5], $0x1  }
0xae: {  	[sflag:s5] =	ssyncadd.s32 @p0 $0xFFFFFFFF  }
0xaf: {  	s6 =	sshll.u32 @!p0 s1, $0xE  }
0xb0: {  	s6 =	sor.u32 @!p0 $0x4000, s6;
	s5 =	simm.s32 @!p0 $0x1B8D  }
0xb1: {  	s4 =	sshll.u32 @!p0 s4, $0x11;
	s6 =	sadd.s32 @!p0 $0x11B8D, s6;
	_ =	swait.eq @!p0 [sflag:s5], $0x1  }
0xb2: {  	s4 =	sor.u32 @!p0 s4, s6;
	[sflag:s5] =	ssyncadd.s32 @!p0 $0xFFFFFFFF  }
0xb3: {  	s25 =	simm.s32 $0x1B8E;
	s24 =	sld [smem:$0x3FFE];
	[sflag:s4] =	ssyncadd.remote.s32 @!p0 $0x1  }
0xb4: {  	s26 =	simm.s32 $execute0_lowered;
	[smem:$0x3FD2] =	sst s25  }
0xb5: {  	s5 =	sshll.u32 s26, $0x1;
	_ =	strace $0x80000058;
	[dreg:$0x1] =	wrdreg $0xFFFFFFFF  }
0xb6: {  	s28 =	simm.s32 $_size_execute0_lowered;
	s3 =	sadd.s32 s3, s5;
	[dreg:$0x0] =	wrdreg $0x0  }
0xb7: {  	s5 =	sshll.u32 s28, $0x1;
	[dreg:$0x2] =	wrdreg s3  }
0xb8: {  	[dreg:$0x3] =	wrdreg s5  }
0xb9: {  	[dreg:$0x4] =	wrdreg $0xC0  }
0xba: {  	_ =	task [dreg:s22], $0x5FFFF  }
0xbb: {  	[dreg:$0x1] =	wrdreg $0xFFFFFFFF  }
0xbc: {  	[dreg:$0x0] =	wrdreg $0x60  }
0xbd: {  	[dreg:$0x2] =	wrdreg s24  }
0xbe: {  	[dreg:$0x3] =	wrdreg $0xF  }
0xbf: {  	_ =	task.clear_ibuf [dreg:s22], $0x4FFFF;
	_ =	strace $0x90000058  }
0xc0: {  	s29 =	simm.s32 $0xF;
	_ =	strace $0x8000005A  }
0xc1: {  	_ =	swait.ge [sflag:s29], $0x1  }
0xc2: {  	[sflag:s29] =	ssyncadd.s32 $0xFFFFFFFF  }
0xc3: {  	_ =	strace $0x9000005A  }
0xc4: {  	_ =	sfence  }
0xc5: {  	s30 =	sld [smem:$0x0];
	_ =	sdelay $0x2  }
0xc6: {  	s31 =	sshll.u32 s1, $0xD;
	s1 =	sshrl.u32 s1, $0x2  }
0xc7: {  	s4 =	sand.u32 $0x4000, s31;
	s1 =	sadd.s32 s1, s30  }
0xc8: {  	s0 =	sor.u32 s4, s0;
	s1 =	sshll.u32 s1, $0x11  }
0xc9: {  	s0 =	sor.u32 s1, s0  }
0xca: {  	s0 =	sadd.s32 $0x8F2B, s0  }
0xcb: {  	[sflag:s0] =	ssyncadd.remote.s32 $0x1  }
0xcc: {  	_ =	sfence.sel $0xFFFF  }
0xcd: {  	[dreg:$0x0] =	wrdreg $0xFFFFFFFF;
	(pc) =	sbr.abs _section_cstart, $3  }
0xce: {  	[dreg:$0x1] =	wrdreg $0xFFFFFFFF  }
0xcf: {  	_ =	task.clear_ibuf [dreg:s22], $0x2FFFF;
	_ =	strace $0x9FFFFFFF  }
0xd0: {  	(tm) =	ssettm $0x7FFFFFFF  }
0xd1: {  	_ =	shalt  }
tec
execute0_lowered:
.L_overlay_start_1:
0x0: {  	(tag) =	ssettag $0x1  }
0x1: {  	s4 =	rddreg [dreg:$0x0]  }
0x2: {  	s0 =	rddreg [dreg:$0x1];
	s1 =	simm.s32 $0x0  }
0x3: {  	s2 =	stileid.u32;
	s5 =	srdreg.scid;
	s13 =	simm.s32 $0x1  }
0x4: {  	s14 =	simm.s32 $0x100;
	s15 =	simm.s32 $0x2;
	s16 =	simm.s32 $0x180  }
0x5: {  	s17 =	simm.s32 $0x10;
	s18 =	simm.s32 $0x0;
	s7 =	sadd.s32 $0x11F800, s4  }
0x6: {  	[smem:$0x7FF] =	sst s1;
	s3 =	sadd.s32 $0x149A00, s4;
	s6 =	sshll.u32 s2, $0xD  }
0x7: {  	s8 =	sand.u32 $0x1, s5;
	s26 =	sshll.u32 s2, $0x1;
	s30 =	sshll.u32 s2, $0xA  }
0x8: {  	_ =	strace $0x80000059;
	s9 =	sadd.s32 s6, s4;
	s5 =	sor.u32 s8, s26  }
0x9: {  	s28 =	ssub.s32 $0x2, s8;
	s12 =	sshll.u32 s8, $0x9;
	s8 =	sshll.u32 s8, $0xC  }
0xa: {  	s10 =	sshll.u32 s5, $0x7;
	s11 =	sshrl.u32 s28, $0x1;
	s5 =	sshll.u32 s5, $0x1  }
0xb: {  	s31 =	sor.u32 s12, s30;
	s8 =	sadd.s32 s8, s9;
	s9 =	simm.s32 $0x3  }
0xc: {  	s12 =	simm.s32 $0x2200;
	s10 =	sadd.s32 s10, s4;
	s6 =	ssub.s32 s28, s11  }
0xd: {  	s29 =	sadd.s32 s5, s7;
	s8 =	sadd.s32 $0x2250400, s8;
	s11 =	simm.s32 $0x200  }
0xe: {  	s4 =	sadd.s32 $0x15000, s29;
	s5 =	sadd.s32 $0x2BC00, s10;
	s10 =	sshrl.u32 s31, $0x3  }
0xf: {  	s6 =	smax.u32 s6, $0x1;
	s7 =	sadd.s32 s10, s7;
	s10 =	simm.s32 $0x80  }
.LBB2_1:
0x10: {  	[tilespmem:s1], [sflag:$0x3] =	stream.linear.gather [hbm4b:s7+s1], $0x200, $0x38;
	[tilespmem:$0x4200] =	vst v63  }
0x11: {  	_ =	swait.ge [sflag:s9], $0x200  }
0x12: {  	[sflag:s9] =	ssyncset.done $0x0  }
0x13: {  	[sflag:s9] =	ssyncadd.s32 $0xFFFFFE00  }
0x14: {  	[tilespmem:s11], [sflag:$0x1] =	stream.indirect.gather [hbm4b:s3+s10], $0x40, s1, s10, $0xb8;
	[tilespmem:$0x4200] =	vst v63  }
0x15: {  	_ = 	snop  }
0x16: {  	[tilespmem:s12], [sflag:$0x2] =	stream.indirect.gather [hbm4b:s3+s10], $0x40, s10, s10, $0xb8;
	[tilespmem:$0x4200] =	vst v63  }
0x17: {  	_ =	swait.ge [sflag:s13], $0x2000  }
0x18: {  	[sflag:s13] =	ssyncset.done $0x0  }
0x19: {  	s19 =	sadd.s32 $0x0, s8;
	[sflag:s13] =	ssyncadd.s32 $0xFFFFE000  }
0x1a: {  	[hbm4b:s19+s1] =	stream.linear.scatter [tilespmem:s11], [sflag:$0x3], $0x2000, $0x38;
	[tilespmem:$0x4200] =	vst v63  }
0x1b: {  	_ =	swait.ge [sflag:s9], $0x2000  }
0x1c: {  	[sflag:s9] =	ssyncset.done $0x0  }
0x1d: {  	[sflag:s9] =	ssyncadd.s32 $0xFFFFE000  }
0x1e: {  	[tilespmem:s11], [sflag:$0x1] =	stream.indirect.gather [hbm4b:s3+s10], $0x40, s14, s10, $0xb8;
	[tilespmem:$0x4200] =	vst v63  }
0x1f: {  	_ =	swait.ge [sflag:s15], $0x2000  }
0x20: {  	[sflag:s15] =	ssyncset.done $0x0  }
0x21: {  	s20 =	sadd.s32 $0x400, s19;
	[sflag:s15] =	ssyncadd.s32 $0xFFFFE000  }
0x22: {  	[hbm4b:s20+s1] =	stream.linear.scatter [tilespmem:s12], [sflag:$0x3], $0x2000, $0x38;
	[tilespmem:$0x4200] =	vst v63  }
0x23: {  	_ =	swait.ge [sflag:s9], $0x2000  }
0x24: {  	[sflag:s9] =	ssyncset.done $0x0  }
0x25: {  	[sflag:s9] =	ssyncadd.s32 $0xFFFFE000  }
0x26: {  	[tilespmem:s12], [sflag:$0x2] =	stream.indirect.gather [hbm4b:s3+s10], $0x40, s16, s10, $0xb8;
	[tilespmem:$0x4200] =	vst v63  }
0x27: {  	_ =	swait.ge [sflag:s13], $0x2000  }
0x28: {  	[sflag:s13] =	ssyncset.done $0x0  }
0x29: {  	s31 =	sadd.s32 $0x800, s19;
	[sflag:s13] =	ssyncadd.s32 $0xFFFFE000  }
0x2a: {  	[hbm4b:s31+s1] =	stream.linear.scatter [tilespmem:s11], [sflag:$0x3], $0x2000, $0x38;
	[tilespmem:$0x4200] =	vst v63  }
0x2b: {  	_ =	swait.ge [sflag:s9], $0x2000  }
0x2c: {  	[sflag:s9] =	ssyncset.done $0x0  }
0x2d: {  	[sflag:s9] =	ssyncadd.s32 $0xFFFFE000  }
0x2e: {  	_ =	swait.ge [sflag:s15], $0x2000  }
0x2f: {  	[sflag:s15] =	ssyncset.done $0x0  }
0x30: {  	s19 =	sadd.s32 $0xC00, s19;
	[sflag:s15] =	ssyncadd.s32 $0xFFFFE000  }
0x31: {  	[hbm4b:s19+s1] =	stream.linear.scatter [tilespmem:s12], [sflag:$0x3], $0x2000, $0x38;
	[tilespmem:$0x4200] =	vst v63  }
0x32: {  	_ =	swait.ge [sflag:s9], $0x2000  }
0x33: {  	s20 =	smov.u32 s7;
	s19 =	simm.s32 $0x20000;
	[sflag:s9] =	ssyncset.done $0x0  }
.LBB2_2:
0x34: {  	p0 =	sne.s32 s19, $0x520000;
	[sflag:s9] =	ssyncadd.s32 $0xFFFFE000;
	s20 =	sadd.s32 $0x800, s20  }
0x35: {  	[tilespmem:s1], [sflag:$0x3] =	stream.linear.gather [hbm4b:s20+s1], $0x200, $0x38;
	[tilespmem:$0x4200] =	vst v63  }
0x36: {  	s21 =	smov.u32 s19;
	s19 =	sadd.s32 $0x20000, s19;
	_ =	swait.ge [sflag:s9], $0x200  }
0x37: {  	[sflag:s9] =	ssyncset.done $0x0  }
0x38: {  	[sflag:s9] =	ssyncadd.s32 $0xFFFFFE00  }
0x39: {  	[tilespmem:s11], [sflag:$0x1] =	stream.indirect.gather [hbm4b:s3+s10], $0x40, s1, s10, $0xb8;
	[tilespmem:$0x4200] =	vst v63  }
0x3a: {  	_ = 	snop  }
0x3b: {  	[tilespmem:s12], [sflag:$0x2] =	stream.indirect.gather [hbm4b:s3+s10], $0x40, s10, s10, $0xb8;
	[tilespmem:$0x4200] =	vst v63  }
0x3c: {  	_ =	swait.ge [sflag:s13], $0x2000  }
0x3d: {  	[sflag:s13] =	ssyncset.done $0x0  }
0x3e: {  	s21 =	sadd.s32 s21, s8;
	[sflag:s13] =	ssyncadd.s32 $0xFFFFE000  }
0x3f: {  	[hbm4b:s21+s1] =	stream.linear.scatter [tilespmem:s11], [sflag:$0x3], $0x2000, $0x38;
	[tilespmem:$0x4200] =	vst v63  }
0x40: {  	_ =	swait.ge [sflag:s9], $0x2000  }
0x41: {  	[sflag:s9] =	ssyncset.done $0x0  }
0x42: {  	[sflag:s9] =	ssyncadd.s32 $0xFFFFE000  }
0x43: {  	[tilespmem:s11], [sflag:$0x1] =	stream.indirect.gather [hbm4b:s3+s10], $0x40, s14, s10, $0xb8;
	[tilespmem:$0x4200] =	vst v63  }
0x44: {  	_ =	swait.ge [sflag:s15], $0x2000  }
0x45: {  	[sflag:s15] =	ssyncset.done $0x0  }
0x46: {  	s22 =	sadd.s32 $0x400, s21;
	[sflag:s15] =	ssyncadd.s32 $0xFFFFE000  }
0x47: {  	[hbm4b:s22+s1] =	stream.linear.scatter [tilespmem:s12], [sflag:$0x3], $0x2000, $0x38;
	[tilespmem:$0x4200] =	vst v63  }
0x48: {  	_ =	swait.ge [sflag:s9], $0x2000  }
0x49: {  	[sflag:s9] =	ssyncset.done $0x0  }
0x4a: {  	[sflag:s9] =	ssyncadd.s32 $0xFFFFE000  }
0x4b: {  	[tilespmem:s12], [sflag:$0x2] =	stream.indirect.gather [hbm4b:s3+s10], $0x40, s16, s10, $0xb8;
	[tilespmem:$0x4200] =	vst v63  }
0x4c: {  	_ =	swait.ge [sflag:s13], $0x2000  }
0x4d: {  	[sflag:s13] =	ssyncset.done $0x0  }
0x4e: {  	s22 =	sadd.s32 $0x800, s21;
	[sflag:s13] =	ssyncadd.s32 $0xFFFFE000  }
0x4f: {  	[hbm4b:s22+s1] =	stream.linear.scatter [tilespmem:s11], [sflag:$0x3], $0x2000, $0x38;
	[tilespmem:$0x4200] =	vst v63  }
0x50: {  	_ =	swait.ge [sflag:s9], $0x2000  }
0x51: {  	[sflag:s9] =	ssyncset.done $0x0  }
0x52: {  	[sflag:s9] =	ssyncadd.s32 $0xFFFFE000  }
0x53: {  	_ =	swait.ge [sflag:s15], $0x2000  }
.Ltmp0:
0x54: {  	[sflag:s15] =	ssyncset.done $0x0;
	(pc) =	sbr.rel @p0 .LBB2_2-.Ltmp0, $4  }
0x55: {  	s21 =	sadd.s32 $0xC00, s21;
	[sflag:s15] =	ssyncadd.s32 $0xFFFFE000  }
0x56: {  	[hbm4b:s21+s1] =	stream.linear.scatter [tilespmem:s12], [sflag:$0x3], $0x2000, $0x38;
	[tilespmem:$0x4200] =	vst v63  }
0x57: {  	_ =	swait.ge [sflag:s9], $0x2000  }
0x58: {  	[sflag:s9] =	ssyncset.done $0x0  }
0x59: {  	[sflag:s9] =	ssyncadd.s32 $0xFFFFE000  }
0x5a: {  	[tilespmem:s1], [sflag:$0x3] =	stream.linear.gather [hbm4b:s4+s1], $0x10, $0x38;
	[tilespmem:$0x4200] =	vst v63  }
0x5b: {  	_ =	swait.ge [sflag:s9], $0x10  }
0x5c: {  	[sflag:s9] =	ssyncset.done $0x0  }
0x5d: {  	[sflag:s9] =	ssyncadd.s32 $0xFFFFFFF0  }
0x5e: {  	[tilespmem:s11], [sflag:$0x1] =	stream.indirect.gather [hbm4b:s3+s17], $0x40, s1, s17, $0xb8;
	[tilespmem:$0x4200] =	vst v63  }
0x5f: {  	s18 =	sadd.s32 $0x1, s18;
	_ =	swait.ge [sflag:s13], $0x400  }
0x60: {  	p0 =	sne.s32 s18, s6;
	[sflag:s13] =	ssyncset.done $0x0  }
.Ltmp1:
0x61: {  	[sflag:s13] =	ssyncadd.s32 $0xFFFFFC00;
	(pc) =	sbr.rel @p0 .LBB2_1-.Ltmp1, $4  }
0x62: {  	[hbm4b:s5+s1] =	stream.linear.scatter [tilespmem:s11], [sflag:$0x3], $0x400, $0x38;
	[tilespmem:$0x4200] =	vst v63  }
0x63: {  	_ =	swait.ge [sflag:s9], $0x400  }
0x64: {  	[sflag:s9] =	ssyncset.done $0x0  }
0x65: {  	[sflag:s9] =	ssyncadd.s32 $0xFFFFFC00  }
0x66: {  	_ =	sfence.sel $0x180000  }
0x67: {  	[bflag:$0x0] =	sbarrier.arrive $0xFFFF  }
0x68: {  	p0 =	sne.s32 s2, $0x0;
	_ =	strace $0x90000059  }
0x69: {  	s0 =	sadd.s32 @!p0 $0x100000, s0;
	[bflag:$0x2] =	sbarrier.arrive $0xFFFF  }
0x6a: {  	[sflag:s0] =	ssyncadd.tile.s32 @!p0 $0x1;
	_ =	shalt  }
.Lfunc_end2:
_tile_overlayer_lowered:
.L_overlay_start_2:
0x6b: {  	(tag) =	ssettag $0x2  }
0x6c: {  	s0 =	rddreg [dreg:$0x0];
	s2 =	stileid.u32  }
0x6d: {  	s1 =	rddreg [dreg:$0x1];
	p0 =	sne.s32 s2, $0x0  }
0x6e: {  	s3 =	rddreg [dreg:$0x2];
	[bflag:$0x3] =	sbarrier.arrive $0xFFFF;
	s2 =	simm.s32 @!p0 $0x1C03  }
0x6f: {  	[timem:s3], [sflag:s2] =	dma.local @!p0 [hbm:s0], s1  }
0x70: {  	s0 =	simm.s32 @!p0 $0x3  }
0x71: {  	_ =	swait.ge @!p0 [sflag:s0], s1  }
0x72: {  	s1 =	ssub.s32 @!p0 $0x0, s1;
	[sflag:s0] =	ssyncset.done @!p0 $0x0  }
0x73: {  	[sflag:s0] =	ssyncadd.s32 @!p0 s1  }
0x74: {  	[bflag:$0x3] =	sbarrier.arrive $0xFFFF  }
0x75: {  	_ =	shalt  }

// kernel: kernel.39.cloned.1.call-start
scs
__scs_entry_jumppad:
0x0: {  	(pc) =	sbr.rel $0x88, $3  }
0x1: {  	(tag) =	ssettag $0x0;
	lr =	simm.s32 $0x1  }
0x2: {  	[smem:$0x3F95] =	sst lr;
	_ =	strace $0xD0000000  }
0x3: {  	_ = 	snop  }
0x4: {  	_ = 	snop  }
0x5: {  	_ = 	snop  }
0x6: {  	_ = 	snop  }
0x7: {  	_ = 	snop  }
__scs_overlays_trampoline_lowered:
0x8: {  	[smem:$0x3FA4] =	sst s0  }
0x9: {  	[smem:$0x3FA5] =	sst s1  }
0xa: {  	[smem:$0x3FA6] =	sst s2  }
0xb: {  	[smem:$0x3FA7] =	sst s3  }
0xc: {  	[smem:$0x3FA8] =	sst s4  }
0xd: {  	[smem:$0x3FA9] =	sst s5  }
0xe: {  	[smem:$0x3FAA] =	sst s6  }
0xf: {  	[smem:$0x3FAB] =	sst s7  }
0x10: {  	[smem:$0x3FAC] =	sst s8  }
0x11: {  	[smem:$0x3FAD] =	sst s9;
	s0 =	simm.s32 @!p0 $0x0  }
0x12: {  	s1 =	sld [smem:$0x3F93];
	s0 =	simm.s32 @p0 $0x1  }
0x13: {  	[smem:$0x3FAE] =	sst s0;
	s0 =	simm.s32 @!p1 $0x0  }
0x14: {  	s2 =	sld [smem:$0x3F92];
	s0 =	simm.s32 @p1 $0x1  }
0x15: {  	[smem:$0x3FAF] =	sst s0;
	s0 =	simm.s32 @!p2 $0x0  }
0x16: {  	s3 =	sld [smem:$0x3FDB];
	s0 =	simm.s32 @p2 $0x1  }
0x17: {  	s4 =	simm.s32 $0x1BF5;
	[smem:$0x3FB1] =	sst s0  }
0x18: {  	s0 =	sld [smem:$0x3F94];
	_ =	swait.ge [sflag:s4], $0x0  }
0x19: {  	s7 =	sld [smem:$0x3F95]  }
0x1a: {  	s8 =	sadd.s32 $0xFFFFE003, lr  }
0x1b: {  	s9 =	sadd.s32 $0xFFFFFEF7, lr;
	s5 =	simm.s32 $0xFFFFFFFF;
	p2 =	slt.u32 s8, $0xFFFFF086  }
0x1c: {  	p1 =	slt.u32 s9, $0xF7A;
	s5 =	simm.s32 @!p2 $0x0  }
0x1d: {  	s5 =	simm.s32 @p1 $0x1;
	p0 =	seq.s32 s7, s2  }
0x1e: {  	s7 =	smul.u32 @!p0 $0xF7A, s2;
	p2 =	seq.s32 @!p0 s5, $0x0  }
0x1f: {  	s9 =	smul.u32 $0xF7A, s1;
	s8 =	simm.s32 @!p0 $0x1BF5;
	p2 =	por !p2, p0  }
0x20: {  	[sflag:s8] =	ssyncset.s32 @!p0 $0xFFFFF086;
	s6 =	sadd.s32 @!p0 s3, s7;
	s7 =	simm.s32 @!p0 $0x108  }
0x21: {  	s3 =	sadd.s32 s3, s9;
	s6 =	sadd.s32 @!p0 $0x88, s6;
	s7 =	simm.s32 @p2 $0x1082  }
0x22: {  	[simem:s7], [sflag:s8] =	dma.local @!p0 [hbm:s6], $0xF7A  }
0x23: {  	s9 =	sor.u32 $0xD0000000, s2;
	s6 =	simm.s32 $0x108;
	_ =	swait.ge @!p0 [sflag:s8], $0x0  }
0x24: {  	s3 =	sadd.s32 $0x88, s3;
	s6 =	simm.s32 @!p1 $0x1082;
	[sflag:s4] =	ssyncset.s32 $0xFFFFF086  }
0x25: {  	[simem:s6], [sflag:s4] =	dma.local [hbm:s3], $0xF7A  }
0x26: {  	[smem:$0x3F95] =	sst s1;
	(tag) =	ssettag s2;
	_ =	strace s9  }
0x27: {  	s1 =	sld [smem:$0x3FA5]  }
0x28: {  	s2 =	sld [smem:$0x3FA6]  }
0x29: {  	s4 =	sld [smem:$0x3FA8]  }
0x2a: {  	p0 =	seq.s32 s5, $0x0;
	s5 =	sld [smem:$0x3FA9]  }
0x2b: {  	s6 =	sld [smem:$0x3FAA]  }
0x2c: {  	s7 =	sld [smem:$0x3FAB]  }
0x2d: {  	s3 =	simm.s32 $0x108;
	s8 =	sld [smem:$0x3FAC]  }
0x2e: {  	s3 =	simm.s32 @!p0 $0x1082;
	s9 =	sld [smem:$0x3FAD]  }
0x2f: {  	lr =	sadd.s32 s0, s3;
	s0 =	sld [smem:$0x3FA4]  }
0x30: {  	s3 =	sld [smem:$0x3FA7]  }
0x31: {  	[smem:$0x3FB0] =	sst s10  }
0x32: {  	s10 =	sld [smem:$0x3FAE];
	_ =	sdelay $0x3  }
0x33: {  	p0 =	seq.s32 s10, $0x1;
	s10 =	sld [smem:$0x3FB0];
	_ =	sdelay $0x3  }
0x34: {  	[smem:$0x3FB0] =	sst s10  }
0x35: {  	s10 =	sld [smem:$0x3FAF];
	_ =	sdelay $0x3  }
0x36: {  	p1 =	seq.s32 s10, $0x1;
	s10 =	sld [smem:$0x3FB0];
	_ =	sdelay $0x3  }
0x37: {  	[smem:$0x3FB0] =	sst s10  }
0x38: {  	s10 =	sld [smem:$0x3FB1]  }
0x39: {  	_ = 	snop;
	(pc) =	sbr.ind lr, $3  }
0x3a: {  	_ = 	snop  }
0x3b: {  	_ = 	snop  }
0x3c: {  	p2 =	seq.s32 s10, $0x1;
	s10 =	sld [smem:$0x3FB0]  }
0x3d: {  	_ =	shalt  }
0x3e: {  	_ =	shalt  }
0x3f: {  	_ =	shalt  }
0x40: {  	_ =	shalt  }
0x41: {  	_ =	shalt  }
0x42: {  	_ =	shalt  }
0x43: {  	_ =	shalt  }
0x44: {  	_ =	shalt  }
0x45: {  	_ =	shalt  }
0x46: {  	_ =	shalt  }
0x47: {  	_ =	shalt  }
0x48: {  	_ =	shalt  }
0x49: {  	_ =	shalt  }
0x4a: {  	_ =	shalt  }
0x4b: {  	_ =	shalt  }
0x4c: {  	_ =	shalt  }
0x4d: {  	_ =	shalt  }
0x4e: {  	_ =	shalt  }
0x4f: {  	_ =	shalt  }
0x50: {  	_ =	shalt  }
0x51: {  	_ =	shalt  }
0x52: {  	_ =	shalt  }
0x53: {  	_ =	shalt  }
0x54: {  	_ =	shalt  }
0x55: {  	_ =	shalt  }
0x56: {  	_ =	shalt  }
0x57: {  	_ =	shalt  }
0x58: {  	_ =	shalt  }
0x59: {  	_ =	shalt  }
0x5a: {  	_ =	shalt  }
0x5b: {  	_ =	shalt  }
0x5c: {  	_ =	shalt  }
0x5d: {  	_ =	shalt  }
0x5e: {  	_ =	shalt  }
0x5f: {  	_ =	shalt  }
0x60: {  	_ =	shalt  }
0x61: {  	_ =	shalt  }
0x62: {  	_ =	shalt  }
0x63: {  	_ =	shalt  }
0x64: {  	_ =	shalt  }
0x65: {  	_ =	shalt  }
0x66: {  	_ =	shalt  }
0x67: {  	_ =	shalt  }
0x68: {  	_ =	shalt  }
0x69: {  	_ =	shalt  }
0x6a: {  	_ =	shalt  }
0x6b: {  	_ =	shalt  }
0x6c: {  	_ =	shalt  }
0x6d: {  	_ =	shalt  }
0x6e: {  	_ =	shalt  }
0x6f: {  	_ =	shalt  }
0x70: {  	_ =	shalt  }
0x71: {  	_ =	shalt  }
0x72: {  	_ =	shalt  }
0x73: {  	_ =	shalt  }
0x74: {  	_ =	shalt  }
0x75: {  	_ =	shalt  }
0x76: {  	_ =	shalt  }
0x77: {  	_ =	shalt  }
0x78: {  	_ =	shalt  }
0x79: {  	_ =	shalt  }
0x7a: {  	_ =	shalt  }
0x7b: {  	_ =	shalt  }
0x7c: {  	_ =	shalt  }
0x7d: {  	_ =	shalt  }
0x7e: {  	_ =	shalt  }
0x7f: {  	_ =	shalt  }
0x80: {  	_ =	shalt  }
0x81: {  	_ =	shalt  }
0x82: {  	_ =	shalt  }
0x83: {  	_ =	shalt  }
0x84: {  	_ =	shalt  }
0x85: {  	_ =	shalt  }
0x86: {  	_ =	shalt  }
0x87: {  	_ =	shalt  }
.Lfunc_end0:
.L_simem_size_0:
called_computation.7_lowered:
.L_overlay_start_0:
0x88: {  	s2 =	sld [smem:$0x3FD9]  }
0x89: {  	s3 =	sld [smem:$0x3FFE];
	_ =	sdelay $0x1  }
0x8a: {  	s1 =	srdreg.scid  }
0x8b: {  	s0 =	sand.u32 $0x1, s1  }
0x8c: {  	s17 =	sshll.u32 s0, $0xA;
	s2 =	sadd.s32 s3, s2  }
0x8d: {  	s2 =	sadd.s32 s2, s17  }
0x8e: {  	[smem:$0x3FBC] =	sst s2  }
0x8f: {  	_ = 	snop  }
0x90: {  	(tm) =	ssettm $0x1  }
0x91: {  	s18 =	sld [smem:$0x3FFB];
	_ =	sdelay $0x3  }
0x92: {  	_ =	strace s18  }
0x93: {  	s2 =	sld [smem:$0x3FFC];
	_ =	sdelay $0x3  }
0x94: {  	_ =	strace s2  }
0x95: {  	s2 =	sld [smem:$0x3FFD];
	_ =	sdelay $0x3  }
0x96: {  	_ =	strace s2  }
0x97: {  	_ =	strace $0x8FFFFFFF  }
0x98: {  	s19 =	sld [smem:$0x3FDB];
	_ =	sdelay $0x1  }
0x99: {  	s20 =	simm.s32 $_scs_section_size  }
0x9a: {  	s4 =	simm.s32 $_size__tile_overlayer_lowered;
	s5 =	simm.s32 $_tile_overlayer_lowered  }
0x9b: {  	s6 =	simm.s32 $0x1BFF;
	s21 =	sshll.u32 s5, $0x1;
	s3 =	sadd.s32 s20, s19  }
0x9c: {  	s22 =	simm.s32 $0x0;
	s4 =	sshll.u32 s4, $0x1;
	s5 =	sadd.s32 s21, s3  }
0x9d: {  	[timem:s22], [sflag:s6] =	dma.local [hbm:s5], s4  }
0x9e: {  	_ =	swait.ge [sflag:s6], s4  }
0x9f: {  	s4 =	ssub.s32 $0x0, s4;
	[sflag:s6] =	ssyncset.done $0x0  }
0xa0: {  	[sflag:s6] =	ssyncadd.s32 s4;
	_ =	sdelay $0x1  }
0xa1: {  	s23 =	simm.s32 $0x1B8B  }
0xa2: {  	_ =	swait.ge [sflag:s23], $0x1  }
0xa3: {  	[sflag:s23] =	ssyncset.done $0x0  }
0xa4: {  	[sflag:s23] =	ssyncadd.s32 $0xFFFFFFFF  }
0xa5: {  	s4 =	sld [smem:$0x0]  }
0xa6: {  	s5 =	sand.u32 $0xFFFFFFFE, s1  }
0xa7: {  	p0 =	sne.s32 s1, s5  }
0xa8: {  	s5 =	sshll.u32 @p0 s5, $0xE  }
0xa9: {  	s5 =	sadd.s32 @p0 $0x11B8D, s5;
	s6 =	sshll.u32 @p0 s4, $0x11  }
0xaa: {  	s5 =	sor.u32 @p0 s6, s5  }
0xab: {  	[sflag:s5] =	ssyncadd.remote.s32 @p0 $0x1;
	_ =	sdelay $0x1  }
0xac: {  	s5 =	simm.s32 @p0 $0x1B8D  }
0xad: {  	_ =	swait.eq @p0 [sflag:s5], $0x1  }
0xae: {  	[sflag:s5] =	ssyncadd.s32 @p0 $0xFFFFFFFF  }
0xaf: {  	s6 =	sshll.u32 @!p0 s1, $0xE  }
0xb0: {  	s6 =	sor.u32 @!p0 $0x4000, s6;
	s5 =	simm.s32 @!p0 $0x1B8D  }
0xb1: {  	s4 =	sshll.u32 @!p0 s4, $0x11;
	s6 =	sadd.s32 @!p0 $0x11B8D, s6;
	_ =	swait.eq @!p0 [sflag:s5], $0x1  }
0xb2: {  	s4 =	sor.u32 @!p0 s4, s6;
	[sflag:s5] =	ssyncadd.s32 @!p0 $0xFFFFFFFF  }
0xb3: {  	s25 =	simm.s32 $0x1B8E;
	s24 =	sld [smem:$0x3FFE];
	[sflag:s4] =	ssyncadd.remote.s32 @!p0 $0x1  }
0xb4: {  	s26 =	simm.s32 $execute0_lowered;
	[smem:$0x3FD2] =	sst s25  }
0xb5: {  	s5 =	sshll.u32 s26, $0x1;
	_ =	strace $0x8000005B;
	[dreg:$0x1] =	wrdreg $0xFFFFFFFF  }
0xb6: {  	s28 =	simm.s32 $_size_execute0_lowered;
	s3 =	sadd.s32 s3, s5;
	[dreg:$0x0] =	wrdreg $0x0  }
0xb7: {  	s5 =	sshll.u32 s28, $0x1;
	[dreg:$0x2] =	wrdreg s3  }
0xb8: {  	[dreg:$0x3] =	wrdreg s5  }
0xb9: {  	[dreg:$0x4] =	wrdreg $0xC0  }
0xba: {  	_ =	task [dreg:s22], $0x5FFFF  }
0xbb: {  	[dreg:$0x1] =	wrdreg $0xFFFFFFFF  }
0xbc: {  	[dreg:$0x0] =	wrdreg $0x60  }
0xbd: {  	[dreg:$0x2] =	wrdreg s24  }
0xbe: {  	[dreg:$0x3] =	wrdreg $0x10  }
0xbf: {  	_ =	task.clear_ibuf [dreg:s22], $0x4FFFF;
	_ =	strace $0x9000005B  }
0xc0: {  	s29 =	simm.s32 $0x10;
	_ =	strace $0x8000005D  }
0xc1: {  	_ =	swait.ge [sflag:s29], $0x1  }
0xc2: {  	[sflag:s29] =	ssyncadd.s32 $0xFFFFFFFF  }
0xc3: {  	_ =	strace $0x9000005D  }
0xc4: {  	_ =	sfence  }
0xc5: {  	s30 =	sld [smem:$0x0];
	_ =	sdelay $0x2  }
0xc6: {  	s31 =	sshll.u32 s1, $0xD;
	s1 =	sshrl.u32 s1, $0x2  }
0xc7: {  	s4 =	sand.u32 $0x4000, s31;
	s1 =	sadd.s32 s1, s30  }
0xc8: {  	s0 =	sor.u32 s4, s0;
	s1 =	sshll.u32 s1, $0x11  }
0xc9: {  	s0 =	sor.u32 s1, s0  }
0xca: {  	s0 =	sadd.s32 $0x8F2B, s0  }
0xcb: {  	[sflag:s0] =	ssyncadd.remote.s32 $0x1  }
0xcc: {  	_ =	sfence.sel $0xFFFF  }
0xcd: {  	[dreg:$0x0] =	wrdreg $0xFFFFFFFF;
	(pc) =	sbr.abs _section_cstart, $3  }
0xce: {  	[dreg:$0x1] =	wrdreg $0xFFFFFFFF  }
0xcf: {  	_ =	task.clear_ibuf [dreg:s22], $0x2FFFF;
	_ =	strace $0x9FFFFFFF  }
0xd0: {  	(tm) =	ssettm $0x7FFFFFFF  }
0xd1: {  	_ =	shalt  }
tec
execute0_lowered:
.L_overlay_start_1:
0x0: {  	(tag) =	ssettag $0x1  }
0x1: {  	s4 =	rddreg [dreg:$0x0]  }
0x2: {  	s0 =	rddreg [dreg:$0x1];
	s1 =	simm.s32 $0x0  }
0x3: {  	s2 =	stileid.u32;
	s5 =	srdreg.scid;
	s13 =	simm.s32 $0x1  }
0x4: {  	s14 =	simm.s32 $0x100;
	s15 =	simm.s32 $0x2;
	s16 =	simm.s32 $0x180  }
0x5: {  	s17 =	simm.s32 $0x10;
	s18 =	simm.s32 $0x0;
	[smem:$0x7FF] =	sst s1  }
0x6: {  	s7 =	sadd.s32 $0xFB600, s4;
	s3 =	sadd.s32 $0x149A00, s4;
	s6 =	sshll.u32 s2, $0xD  }
0x7: {  	s8 =	sand.u32 $0x1, s5;
	s26 =	sshll.u32 s2, $0x1;
	s30 =	sshll.u32 s2, $0xA  }
0x8: {  	_ =	strace $0x8000005C;
	s9 =	sadd.s32 s6, s4;
	s5 =	sor.u32 s8, s26  }
0x9: {  	s28 =	ssub.s32 $0x2, s8;
	s12 =	sshll.u32 s8, $0x9;
	s8 =	sshll.u32 s8, $0xC  }
0xa: {  	s10 =	sshll.u32 s5, $0x7;
	s11 =	sshrl.u32 s28, $0x1;
	s5 =	sshll.u32 s5, $0x1  }
0xb: {  	s31 =	sor.u32 s12, s30;
	s8 =	sadd.s32 s8, s9;
	s9 =	simm.s32 $0x3  }
0xc: {  	s12 =	simm.s32 $0x2200;
	s10 =	sadd.s32 s10, s4;
	s6 =	ssub.s32 s28, s11  }
0xd: {  	s29 =	sadd.s32 s5, s7;
	s8 =	sadd.s32 $0x2790400, s8;
	s11 =	simm.s32 $0x200  }
0xe: {  	s4 =	sadd.s32 $0x15000, s29;
	s5 =	sadd.s32 $0x2CC00, s10;
	s10 =	sshrl.u32 s31, $0x3  }
0xf: {  	s6 =	smax.u32 s6, $0x1;
	s7 =	sadd.s32 s10, s7;
	s10 =	simm.s32 $0x80  }
.LBB2_1:
0x10: {  	[tilespmem:s1], [sflag:$0x3] =	stream.linear.gather [hbm4b:s7+s1], $0x200, $0x38;
	[tilespmem:$0x4200] =	vst v63  }
0x11: {  	_ =	swait.ge [sflag:s9], $0x200  }
0x12: {  	[sflag:s9] =	ssyncset.done $0x0  }
0x13: {  	[sflag:s9] =	ssyncadd.s32 $0xFFFFFE00  }
0x14: {  	[tilespmem:s11], [sflag:$0x1] =	stream.indirect.gather [hbm4b:s3+s10], $0x40, s1, s10, $0xb8;
	[tilespmem:$0x4200] =	vst v63  }
0x15: {  	_ = 	snop  }
0x16: {  	[tilespmem:s12], [sflag:$0x2] =	stream.indirect.gather [hbm4b:s3+s10], $0x40, s10, s10, $0xb8;
	[tilespmem:$0x4200] =	vst v63  }
0x17: {  	_ =	swait.ge [sflag:s13], $0x2000  }
0x18: {  	[sflag:s13] =	ssyncset.done $0x0  }
0x19: {  	s19 =	sadd.s32 $0x0, s8;
	[sflag:s13] =	ssyncadd.s32 $0xFFFFE000  }
0x1a: {  	[hbm4b:s19+s1] =	stream.linear.scatter [tilespmem:s11], [sflag:$0x3], $0x2000, $0x38;
	[tilespmem:$0x4200] =	vst v63  }
0x1b: {  	_ =	swait.ge [sflag:s9], $0x2000  }
0x1c: {  	[sflag:s9] =	ssyncset.done $0x0  }
0x1d: {  	[sflag:s9] =	ssyncadd.s32 $0xFFFFE000  }
0x1e: {  	[tilespmem:s11], [sflag:$0x1] =	stream.indirect.gather [hbm4b:s3+s10], $0x40, s14, s10, $0xb8;
	[tilespmem:$0x4200] =	vst v63  }
0x1f: {  	_ =	swait.ge [sflag:s15], $0x2000  }
0x20: {  	[sflag:s15] =	ssyncset.done $0x0  }
0x21: {  	s20 =	sadd.s32 $0x400, s19;
	[sflag:s15] =	ssyncadd.s32 $0xFFFFE000  }
0x22: {  	[hbm4b:s20+s1] =	stream.linear.scatter [tilespmem:s12], [sflag:$0x3], $0x2000, $0x38;
	[tilespmem:$0x4200] =	vst v63  }
0x23: {  	_ =	swait.ge [sflag:s9], $0x2000  }
0x24: {  	[sflag:s9] =	ssyncset.done $0x0  }
0x25: {  	[sflag:s9] =	ssyncadd.s32 $0xFFFFE000  }
0x26: {  	[tilespmem:s12], [sflag:$0x2] =	stream.indirect.gather [hbm4b:s3+s10], $0x40, s16, s10, $0xb8;
	[tilespmem:$0x4200] =	vst v63  }
0x27: {  	_ =	swait.ge [sflag:s13], $0x2000  }
0x28: {  	[sflag:s13] =	ssyncset.done $0x0  }
0x29: {  	s31 =	sadd.s32 $0x800, s19;
	[sflag:s13] =	ssyncadd.s32 $0xFFFFE000  }
0x2a: {  	[hbm4b:s31+s1] =	stream.linear.scatter [tilespmem:s11], [sflag:$0x3], $0x2000, $0x38;
	[tilespmem:$0x4200] =	vst v63  }
0x2b: {  	_ =	swait.ge [sflag:s9], $0x2000  }
0x2c: {  	[sflag:s9] =	ssyncset.done $0x0  }
0x2d: {  	[sflag:s9] =	ssyncadd.s32 $0xFFFFE000  }
0x2e: {  	_ =	swait.ge [sflag:s15], $0x2000  }
0x2f: {  	[sflag:s15] =	ssyncset.done $0x0  }
0x30: {  	s19 =	sadd.s32 $0xC00, s19;
	[sflag:s15] =	ssyncadd.s32 $0xFFFFE000  }
0x31: {  	[hbm4b:s19+s1] =	stream.linear.scatter [tilespmem:s12], [sflag:$0x3], $0x2000, $0x38;
	[tilespmem:$0x4200] =	vst v63  }
0x32: {  	_ =	swait.ge [sflag:s9], $0x2000  }
0x33: {  	s20 =	smov.u32 s7;
	s19 =	simm.s32 $0x20000;
	[sflag:s9] =	ssyncset.done $0x0  }
.LBB2_2:
0x34: {  	p0 =	sne.s32 s19, $0x520000;
	[sflag:s9] =	ssyncadd.s32 $0xFFFFE000;
	s20 =	sadd.s32 $0x800, s20  }
0x35: {  	[tilespmem:s1], [sflag:$0x3] =	stream.linear.gather [hbm4b:s20+s1], $0x200, $0x38;
	[tilespmem:$0x4200] =	vst v63  }
0x36: {  	s21 =	smov.u32 s19;
	s19 =	sadd.s32 $0x20000, s19;
	_ =	swait.ge [sflag:s9], $0x200  }
0x37: {  	[sflag:s9] =	ssyncset.done $0x0  }
0x38: {  	[sflag:s9] =	ssyncadd.s32 $0xFFFFFE00  }
0x39: {  	[tilespmem:s11], [sflag:$0x1] =	stream.indirect.gather [hbm4b:s3+s10], $0x40, s1, s10, $0xb8;
	[tilespmem:$0x4200] =	vst v63  }
0x3a: {  	_ = 	snop  }
0x3b: {  	[tilespmem:s12], [sflag:$0x2] =	stream.indirect.gather [hbm4b:s3+s10], $0x40, s10, s10, $0xb8;
	[tilespmem:$0x4200] =	vst v63  }
0x3c: {  	_ =	swait.ge [sflag:s13], $0x2000  }
0x3d: {  	[sflag:s13] =	ssyncset.done $0x0  }
0x3e: {  	s21 =	sadd.s32 s21, s8;
	[sflag:s13] =	ssyncadd.s32 $0xFFFFE000  }
0x3f: {  	[hbm4b:s21+s1] =	stream.linear.scatter [tilespmem:s11], [sflag:$0x3], $0x2000, $0x38;
	[tilespmem:$0x4200] =	vst v63  }
0x40: {  	_ =	swait.ge [sflag:s9], $0x2000  }
0x41: {  	[sflag:s9] =	ssyncset.done $0x0  }
0x42: {  	[sflag:s9] =	ssyncadd.s32 $0xFFFFE000  }
0x43: {  	[tilespmem:s11], [sflag:$0x1] =	stream.indirect.gather [hbm4b:s3+s10], $0x40, s14, s10, $0xb8;
	[tilespmem:$0x4200] =	vst v63  }
0x44: {  	_ =	swait.ge [sflag:s15], $0x2000  }
0x45: {  	[sflag:s15] =	ssyncset.done $0x0  }
0x46: {  	s22 =	sadd.s32 $0x400, s21;
	[sflag:s15] =	ssyncadd.s32 $0xFFFFE000  }
0x47: {  	[hbm4b:s22+s1] =	stream.linear.scatter [tilespmem:s12], [sflag:$0x3], $0x2000, $0x38;
	[tilespmem:$0x4200] =	vst v63  }
0x48: {  	_ =	swait.ge [sflag:s9], $0x2000  }
0x49: {  	[sflag:s9] =	ssyncset.done $0x0  }
0x4a: {  	[sflag:s9] =	ssyncadd.s32 $0xFFFFE000  }
0x4b: {  	[tilespmem:s12], [sflag:$0x2] =	stream.indirect.gather [hbm4b:s3+s10], $0x40, s16, s10, $0xb8;
	[tilespmem:$0x4200] =	vst v63  }
0x4c: {  	_ =	swait.ge [sflag:s13], $0x2000  }
0x4d: {  	[sflag:s13] =	ssyncset.done $0x0  }
0x4e: {  	s22 =	sadd.s32 $0x800, s21;
	[sflag:s13] =	ssyncadd.s32 $0xFFFFE000  }
0x4f: {  	[hbm4b:s22+s1] =	stream.linear.scatter [tilespmem:s11], [sflag:$0x3], $0x2000, $0x38;
	[tilespmem:$0x4200] =	vst v63  }
0x50: {  	_ =	swait.ge [sflag:s9], $0x2000  }
0x51: {  	[sflag:s9] =	ssyncset.done $0x0  }
0x52: {  	[sflag:s9] =	ssyncadd.s32 $0xFFFFE000  }
0x53: {  	_ =	swait.ge [sflag:s15], $0x2000  }
.Ltmp0:
0x54: {  	[sflag:s15] =	ssyncset.done $0x0;
	(pc) =	sbr.rel @p0 .LBB2_2-.Ltmp0, $4  }
0x55: {  	s21 =	sadd.s32 $0xC00, s21;
	[sflag:s15] =	ssyncadd.s32 $0xFFFFE000  }
0x56: {  	[hbm4b:s21+s1] =	stream.linear.scatter [tilespmem:s12], [sflag:$0x3], $0x2000, $0x38;
	[tilespmem:$0x4200] =	vst v63  }
0x57: {  	_ =	swait.ge [sflag:s9], $0x2000  }
0x58: {  	[sflag:s9] =	ssyncset.done $0x0  }
0x59: {  	[sflag:s9] =	ssyncadd.s32 $0xFFFFE000  }
0x5a: {  	[tilespmem:s1], [sflag:$0x3] =	stream.linear.gather [hbm4b:s4+s1], $0x10, $0x38;
	[tilespmem:$0x4200] =	vst v63  }
0x5b: {  	_ =	swait.ge [sflag:s9], $0x10  }
0x5c: {  	[sflag:s9] =	ssyncset.done $0x0  }
0x5d: {  	[sflag:s9] =	ssyncadd.s32 $0xFFFFFFF0  }
0x5e: {  	[tilespmem:s11], [sflag:$0x1] =	stream.indirect.gather [hbm4b:s3+s17], $0x40, s1, s17, $0xb8;
	[tilespmem:$0x4200] =	vst v63  }
0x5f: {  	s18 =	sadd.s32 $0x1, s18;
	_ =	swait.ge [sflag:s13], $0x400  }
0x60: {  	p0 =	sne.s32 s18, s6;
	[sflag:s13] =	ssyncset.done $0x0  }
.Ltmp1:
0x61: {  	[sflag:s13] =	ssyncadd.s32 $0xFFFFFC00;
	(pc) =	sbr.rel @p0 .LBB2_1-.Ltmp1, $4  }
0x62: {  	[hbm4b:s5+s1] =	stream.linear.scatter [tilespmem:s11], [sflag:$0x3], $0x400, $0x38;
	[tilespmem:$0x4200] =	vst v63  }
0x63: {  	_ =	swait.ge [sflag:s9], $0x400  }
0x64: {  	[sflag:s9] =	ssyncset.done $0x0  }
0x65: {  	[sflag:s9] =	ssyncadd.s32 $0xFFFFFC00  }
0x66: {  	_ =	sfence.sel $0x180000  }
0x67: {  	[bflag:$0x0] =	sbarrier.arrive $0xFFFF  }
0x68: {  	p0 =	sne.s32 s2, $0x0;
	_ =	strace $0x9000005C  }
0x69: {  	s0 =	sadd.s32 @!p0 $0x100000, s0;
	[bflag:$0x2] =	sbarrier.arrive $0xFFFF  }
0x6a: {  	[sflag:s0] =	ssyncadd.tile.s32 @!p0 $0x1;
	_ =	shalt  }
.Lfunc_end2:
_tile_overlayer_lowered:
.L_overlay_start_2:
0x6b: {  	(tag) =	ssettag $0x2  }
0x6c: {  	s0 =	rddreg [dreg:$0x0];
	s2 =	stileid.u32  }
0x6d: {  	s1 =	rddreg [dreg:$0x1];
	p0 =	sne.s32 s2, $0x0  }
0x6e: {  	s3 =	rddreg [dreg:$0x2];
	[bflag:$0x3] =	sbarrier.arrive $0xFFFF;
	s2 =	simm.s32 @!p0 $0x1C03  }
0x6f: {  	[timem:s3], [sflag:s2] =	dma.local @!p0 [hbm:s0], s1  }
0x70: {  	s0 =	simm.s32 @!p0 $0x3  }
0x71: {  	_ =	swait.ge @!p0 [sflag:s0], s1  }
0x72: {  	s1 =	ssub.s32 @!p0 $0x0, s1;
	[sflag:s0] =	ssyncset.done @!p0 $0x0  }
0x73: {  	[sflag:s0] =	ssyncadd.s32 @!p0 s1  }
0x74: {  	[bflag:$0x3] =	sbarrier.arrive $0xFFFF  }
0x75: {  	_ =	shalt  }

</sc_bundles>
